<compile_context>
chip_gen: v7x
topology: tpu7x:2x2x1
jax: 0.10.2.dev20260603
libtpu: 0.0.44.dev20260713+nightly
codegen_flags: <defaults>
</compile_context>

<pallas_src>
import functools

import jax
import jax.numpy as jnp
from jax import lax
from jax.experimental import pallas as pl
from jax.experimental.pallas import tpu as pltpu
from jax.experimental.pallas import tpu_sc as plsc

N = 10000
E = 320000
D = 128

NUM_CORES = 2
NUM_TILES = 16
NUM_WORKERS = NUM_CORES * NUM_TILES
E_PER_TILE = E // NUM_WORKERS
CHUNK = 80
N_CHUNKS = E_PER_TILE // CHUNK
NP = 10240
ROWS_PER_TILE = NP // NUM_TILES


def _sc_aggregate(h, src, dst, ew, zeros):
    mesh = plsc.VectorSubcoreMesh(core_axis_name="c", subcore_axis_name="s")

    @functools.partial(
        pl.kernel,
        mesh=mesh,
        out_type=jax.ShapeDtypeStruct((2 * NP, D), jnp.float32),
        scratch_types=[
            pltpu.VMEM((CHUNK,), jnp.int32),
            pltpu.VMEM((CHUNK,), jnp.int32),
            pltpu.VMEM((CHUNK,), jnp.float32),
            pltpu.VMEM((CHUNK, D), jnp.float32),
            pltpu.VMEM_SHARED((NP, D), jnp.float32),
            pltpu.SemaphoreType.DMA,
        ],
    )
    def k(h_hbm, src_hbm, dst_hbm, w_hbm, z_hbm, out_hbm,
          src_v, dst_v, w_v, rows_v, acc_sh, sem):
        cid = lax.axis_index("c")
        sid = lax.axis_index("s")

        pltpu.sync_copy(z_hbm.at[pl.ds(sid * ROWS_PER_TILE, ROWS_PER_TILE)],
                        acc_sh.at[pl.ds(sid * ROWS_PER_TILE, ROWS_PER_TILE)])
        plsc.subcore_barrier()

        wid = sid * NUM_CORES + cid
        base = wid * E_PER_TILE

        def chunk_body(i, carry):
            off = base + i * CHUNK
            pltpu.sync_copy(src_hbm.at[pl.ds(off, CHUNK)], src_v)
            pltpu.sync_copy(dst_hbm.at[pl.ds(off, CHUNK)], dst_v)
            pltpu.sync_copy(w_hbm.at[pl.ds(off, CHUNK)], w_v)
            pltpu.async_copy(h_hbm.at[src_v], rows_v, sem).wait()

            def group_body(g, c2):
                wg = w_v[pl.ds(g * 16, 16)]
                for j in range(16):
                    w16 = jnp.full((16,), wg[j], jnp.float32)
                    r = g * 16 + j
                    for kk in range(D // 16):
                        sl = pl.ds(kk * 16, 16)
                        rows_v[r, sl] = rows_v[r, sl] * w16
                return c2
            lax.fori_loop(0, CHUNK // 16, group_body, 0)

            pltpu.sync_copy(rows_v, acc_sh.at[dst_v], add=True)
            return carry

        lax.fori_loop(0, N_CHUNKS, chunk_body, 0)
        plsc.subcore_barrier()

        pltpu.sync_copy(
            acc_sh.at[pl.ds(sid * ROWS_PER_TILE, ROWS_PER_TILE)],
            out_hbm.at[pl.ds(cid * NP + sid * ROWS_PER_TILE, ROWS_PER_TILE)])

    return k(h, src, dst, ew, zeros)


def _ln_block(x, w, b):
    m = jnp.mean(x, axis=-1, keepdims=True)
    xc = x - m
    v = jnp.mean(xc * xc, axis=-1, keepdims=True)
    return xc * lax.rsqrt(v + 1e-5) * w + b


ROW_BLK = 1000


def _tc_layer0_body(a_ref, p0_ref, p1_ref, h_ref, wrel_ref, wroot_ref,
                    brel_ref, lnw_ref, lnb_ref, o_ref):
    aggr = p0_ref[...] + p1_ref[...]
    x = (jnp.dot(aggr, wrel_ref[...], preferred_element_type=jnp.float32)
         + jnp.dot(h_ref[...], wroot_ref[...], preferred_element_type=jnp.float32)
         + brel_ref[...])
    y = _ln_block(x, lnw_ref[...], lnb_ref[...])
    a = a_ref[0]
    o_ref[...] = jnp.where(y >= 0, y, a * y)


def _tc_layer1_head_body(a_ref, p0_ref, p1_ref, h_ref, wrel_ref, wroot_ref,
                         brel_ref, lnw_ref, lnb_ref, wc1_ref, bc1_ref,
                         lnwc_ref, lnbc_ref, wc2_ref, bc2_ref, o_ref):
    aggr = p0_ref[...] + p1_ref[...]
    x = (jnp.dot(aggr, wrel_ref[...], preferred_element_type=jnp.float32)
         + jnp.dot(h_ref[...], wroot_ref[...], preferred_element_type=jnp.float32)
         + brel_ref[...])
    y = _ln_block(x, lnw_ref[...], lnb_ref[...])
    a = a_ref[0]
    h2 = jnp.where(y >= 0, y, a * y)
    h3 = jnp.maximum(
        jnp.dot(h2, wc1_ref[...], preferred_element_type=jnp.float32)
        + bc1_ref[...], 0.0)
    h4 = _ln_block(h3, lnwc_ref[...], lnbc_ref[...])
    o_ref[...] = (jnp.dot(h4, wc2_ref[...], preferred_element_type=jnp.float32)
                  + bc2_ref[...])


def _row_spec():
    return pl.BlockSpec((ROW_BLK, D), lambda i: (i, 0))


def _full_spec():
    return pl.BlockSpec((D, D), lambda i: (0, 0))


def _vec_spec():
    return pl.BlockSpec((1, D), lambda i: (0, 0))


def _tc_layer0(p0, p1, h, wrel, wroot, brel, lnw, lnb, a):
    grid = (N // ROW_BLK,)
    return pl.pallas_call(
        _tc_layer0_body,
        grid=grid,
        in_specs=[
            pl.BlockSpec(memory_space=pltpu.SMEM),
            _row_spec(), _row_spec(), _row_spec(),
            _full_spec(), _full_spec(),
            _vec_spec(), _vec_spec(), _vec_spec(),
        ],
        out_specs=_row_spec(),
        out_shape=jax.ShapeDtypeStruct((N, D), jnp.float32),
    )(a.reshape(1), p0, p1, h, wrel, wroot,
      brel.reshape(1, D), lnw.reshape(1, D), lnb.reshape(1, D))


def _tc_layer1_head(p0, p1, h, wrel, wroot, brel, lnw, lnb, a,
                    wc1, bc1, lnwc, lnbc, wc2p, bc2p):
    grid = (N // ROW_BLK,)
    return pl.pallas_call(
        _tc_layer1_head_body,
        grid=grid,
        in_specs=[
            pl.BlockSpec(memory_space=pltpu.SMEM),
            _row_spec(), _row_spec(), _row_spec(),
            _full_spec(), _full_spec(),
            _vec_spec(), _vec_spec(), _vec_spec(),
            _full_spec(), _vec_spec(), _vec_spec(), _vec_spec(),
            _full_spec(), _vec_spec(),
        ],
        out_specs=_row_spec(),
        out_shape=jax.ShapeDtypeStruct((N, D), jnp.float32),
    )(a.reshape(1), p0, p1, h, wrel, wroot,
      brel.reshape(1, D), lnw.reshape(1, D), lnb.reshape(1, D),
      wc1, bc1.reshape(1, D), lnwc.reshape(1, D), lnbc.reshape(1, D),
      wc2p, bc2p.reshape(1, D))


def kernel(features, edge_index, edgenet_input, W_rel0, b_rel0, W_root0,
           ln_w0, ln_b0, prelu_a0, W_rel1, b_rel1, W_root1, ln_w1, ln_b1,
           prelu_a1, W_c1, b_c1, ln_wc, ln_bc, W_c2, b_c2):
    src = edge_index[0]
    dst = edge_index[1]
    ew = edgenet_input.reshape(-1)
    zeros = jnp.zeros((NP, D), jnp.float32)

    parts0 = _sc_aggregate(features, src, dst, ew, zeros)
    h1 = _tc_layer0(parts0[:N], parts0[NP:NP + N], features,
                    W_rel0, W_root0, b_rel0, ln_w0, ln_b0,
                    jnp.asarray(prelu_a0, jnp.float32))

    parts1 = _sc_aggregate(h1, src, dst, ew, zeros)
    wc2p = jnp.pad(W_c2, ((0, 0), (0, D - W_c2.shape[1])))
    bc2p = jnp.pad(b_c2, (0, D - b_c2.shape[0]))
    out = _tc_layer1_head(parts1[:N], parts1[NP:NP + N], h1,
                          W_rel1, W_root1, b_rel1, ln_w1, ln_b1,
                          jnp.asarray(prelu_a1, jnp.float32),
                          W_c1, b_c1, ln_wc, ln_bc, wc2p, bc2p)
    return out[:, :2]

# --- scband reference (transcript-rebuilt; emitter-appended) ---
"""Pipeline reference for scband-gnnmodel-40965398069501 (READ-ONLY COPY).

The authoritative reference and input builder live on the scoring server;
editing this copy changes nothing except your own understanding.
"""

import jax, jax.numpy as jnp
import numpy as np

N = 10000
E = 320000
D = 128
H0 = 128
H1 = 128
CLS_H = 128
NC = 2

def _ln(x, w, b, eps=1e-5):
    m = jnp.mean(x, axis=-1, keepdims=True)
    v = jnp.var(x, axis=-1, keepdims=True)
    return (x - m) / jnp.sqrt(v + eps) * w + b

def _prelu(x, a):
    return jnp.where(x >= 0, x, a * x)

def setup_inputs(seed: int = 0):
    key = jax.random.key(seed)
    ks = jax.random.split(key, 16)
    def kaiming(k, shape):
        return jax.random.normal(k, shape, dtype=jnp.float32) * np.sqrt(2.0 / shape[0])
    inp = {}
    inp["features"] = jax.random.normal(ks[0], (N, D), dtype=jnp.float32)
    inp["edge_index"] = jax.random.randint(ks[1], (2, E), 0, N, dtype=jnp.int32)
    inp["edgenet_input"] = jax.random.uniform(ks[2], (E, 1), dtype=jnp.float32)
    inp["W_rel0"] = kaiming(ks[3], (D, H0)); inp["b_rel0"] = jnp.zeros((H0,), jnp.float32); inp["W_root0"] = kaiming(ks[4], (D, H0))
    inp["ln_w0"] = jnp.ones((H0,), jnp.float32); inp["ln_b0"] = jnp.zeros((H0,), jnp.float32); inp["prelu_a0"] = jnp.float32(0.25)
    inp["W_rel1"] = kaiming(ks[5], (H0, H1)); inp["b_rel1"] = jnp.zeros((H1,), jnp.float32); inp["W_root1"] = kaiming(ks[6], (H0, H1))
    inp["ln_w1"] = jnp.ones((H1,), jnp.float32); inp["ln_b1"] = jnp.zeros((H1,), jnp.float32); inp["prelu_a1"] = jnp.float32(0.25)
    inp["W_c1"] = kaiming(ks[7], (H1, CLS_H)); inp["b_c1"] = jnp.zeros((CLS_H,), jnp.float32)
    inp["ln_wc"] = jnp.ones((CLS_H,), jnp.float32); inp["ln_bc"] = jnp.zeros((CLS_H,), jnp.float32)
    inp["W_c2"] = kaiming(ks[8], (CLS_H, NC)); inp["b_c2"] = jnp.zeros((NC,), jnp.float32)
    return inp

def reference(features, edge_index, edgenet_input, W_rel0, b_rel0, W_root0, ln_w0, ln_b0, prelu_a0, W_rel1, b_rel1, W_root1, ln_w1, ln_b1, prelu_a1, W_c1, b_c1, ln_wc, ln_bc, W_c2, b_c2):
    # eval mode: dropout_edge and feature dropout are identity
    src = edge_index[0]
    dst = edge_index[1]
    ew = edgenet_input.reshape(-1, 1)
    h = features
    # layer 0: GraphConv(aggr='add'): lin_rel(scatter_add(w_e * x_src -> dst)) + lin_root(x)
    msg = h[src] * ew
    aggr = jax.ops.segment_sum(msg, dst, num_segments=N)
    h = aggr @ W_rel0 + b_rel0 + h @ W_root0
    h = _prelu(_ln(h, ln_w0, ln_b0), prelu_a0)
    # layer 1
    msg = h[src] * ew
    aggr = jax.ops.segment_sum(msg, dst, num_segments=N)
    h = aggr @ W_rel1 + b_rel1 + h @ W_root1
    h = _prelu(_ln(h, ln_w1, ln_b1), prelu_a1)
    # classifier head: Linear -> ReLU -> (Dropout eval=id) -> LayerNorm -> Linear
    h = jax.nn.relu(h @ W_c1 + b_c1)
    h = _ln(h, ln_wc, ln_bc)
    logits = h @ W_c2 + b_c2
    return logits

if __name__ == "__main__":
    import jax
    _d = setup_inputs()
    print(jax.jit(kernel)(*tuple(_d.values())))

</pallas_src>

<mosaic_0001>
#map = affine_map<(d0, d1) -> (0, 0)>
#map1 = affine_map<(d0, d1) -> (0)>
module attributes {stable_mosaic.version = 14 : i64} {
  func.func @k(%arg0: i32, %arg1: i32, %arg2: memref<10000x128xf32, #tpu.memory_space<hbm>>, %arg3: memref<320000xi32, #tpu.memory_space<hbm>>, %arg4: memref<320000xi32, #tpu.memory_space<hbm>>, %arg5: memref<320000xf32, #tpu.memory_space<hbm>>, %arg6: memref<10240x128xf32, #tpu.memory_space<hbm>>, %arg7: memref<20480x128xf32, #tpu.memory_space<hbm>>, %arg8: memref<80xi32, #tpu.memory_space<vmem>>, %arg9: memref<80xi32, #tpu.memory_space<vmem>>, %arg10: memref<80xf32, #tpu.memory_space<vmem>>, %arg11: memref<80x128xf32, #tpu.memory_space<vmem>>, %arg12: memref<10240x128xf32, #tpu.memory_space<vmem_shared>>, %arg13: memref<!tpu.dma_semaphore, #tpu.memory_space<semaphore_mem>>) attributes {dimension_semantics = [#tpu.dimension_semantics<core_parallel>, #tpu.dimension_semantics<subcore_parallel>], iteration_bounds = array<i64: 2, 16>, scalar_prefetch = 0 : i64, scratch_operands = 6 : i64, tpu.core_type = #tpu.core_type<sc_vector_subcore>, window_params = [{transform_indices = #map}, {transform_indices = #map1}, {transform_indices = #map1}, {transform_indices = #map1}, {transform_indices = #map}, {transform_indices = #map}]} {
    %mul3A = arith.constant 640 : i32
    %mul3A_0 = arith.muli %arg1, %mul3A : i32
    %mul3A_1 = arith.constant 640 : i32
    %mul3A_2 = arith.muli %arg1, %mul3A_1 : i32
    "tpu.region"() ({
      %run_scoped3A = tpu.sem_alloc : memref<!tpu.dma_semaphore, #tpu.memory_space<semaphore_mem>>
      %dma_start3A = arith.constant 0 : i32
      %dma_start3A_20 = tpu.memref_slice %arg12[%mul3A_2, %dma_start3A] : memref<10240x128xf32, #tpu.memory_space<vmem_shared>> -> memref<640x128xf32, #tpu.memory_space<vmem_shared>>
      %dma_start3A_21 = arith.constant 0 : i32
      %dma_start3A_22 = tpu.memref_slice %arg6[%mul3A_0, %dma_start3A_21] : memref<10240x128xf32, #tpu.memory_space<hbm>> -> memref<640x128xf32, #tpu.memory_space<hbm>>
      tpu.enqueue_dma source(%dma_start3A_22 : memref<640x128xf32, #tpu.memory_space<hbm>>) target(%dma_start3A_20 : memref<640x128xf32, #tpu.memory_space<vmem_shared>>) target_semaphore(%run_scoped3A : memref<!tpu.dma_semaphore, #tpu.memory_space<semaphore_mem>>)
      %dma_wait3A = arith.constant 0 : i32
      %dma_wait3A_23 = tpu.memref_slice %arg12[%mul3A_2, %dma_wait3A] : memref<10240x128xf32, #tpu.memory_space<vmem_shared>> -> memref<640x128xf32, #tpu.memory_space<vmem_shared>>
      %dma_wait3A_24 = arith.constant 0 : i32
      %dma_wait3A_25 = tpu.memref_slice %arg6[%mul3A_0, %dma_wait3A_24] : memref<10240x128xf32, #tpu.memory_space<hbm>> -> memref<640x128xf32, #tpu.memory_space<hbm>>
      tpu.wait_dma2 semaphore(%run_scoped3A : memref<!tpu.dma_semaphore, #tpu.memory_space<semaphore_mem>>) src(%dma_wait3A_25 : memref<640x128xf32, #tpu.memory_space<hbm>>) dst(%dma_wait3A_23 : memref<640x128xf32, #tpu.memory_space<vmem_shared>>)
      tpu.yield
    }) : () -> ()
    %barrier3A = arith.constant 0 : index
    tpu.barrier barrier_id(%barrier3A)
    %mul3A_3 = arith.constant 2 : i32
    %mul3A_4 = arith.muli %arg1, %mul3A_3 : i32
    %add3A = arith.addi %mul3A_4, %arg0 : i32
    %mul3A_5 = arith.constant 10000 : i32
    %mul3A_6 = arith.muli %add3A, %mul3A_5 : i32
    %scan3A = arith.constant 0 : i32
    %scan3A_7 = arith.constant 0 : i32
    %scan3A_8 = arith.constant 125 : i32
    %scan3A_9 = arith.addi %scan3A_7, %scan3A_8 : i32
    %scan3A_10 = arith.constant 1 : i32
    scf.for %scan3A_20 = %scan3A_7 to %scan3A_9 step %scan3A_10  : i32 {
      %mul3A_21 = arith.constant 80 : i32
      %mul3A_22 = arith.muli %scan3A_20, %mul3A_21 : i32
      %add3A_23 = arith.addi %mul3A_6, %mul3A_22 : i32
      "tpu.region"() ({
        %run_scoped3A = tpu.sem_alloc : memref<!tpu.dma_semaphore, #tpu.memory_space<semaphore_mem>>
        %dma_start3A_34 = tpu.memref_slice %arg3[%add3A_23] : memref<320000xi32, #tpu.memory_space<hbm>> -> memref<80xi32, #tpu.memory_space<hbm>>
        %dma_start3A_35 = tpu.memref_slice %arg3[%add3A_23] : memref<320000xi32, #tpu.memory_space<hbm>> -> memref<80xi32, #tpu.memory_space<hbm>>
        tpu.enqueue_dma source(%dma_start3A_35 : memref<80xi32, #tpu.memory_space<hbm>>) target(%arg8 : memref<80xi32, #tpu.memory_space<vmem>>) target_semaphore(%run_scoped3A : memref<!tpu.dma_semaphore, #tpu.memory_space<semaphore_mem>>)
        %dma_wait3A_36 = tpu.memref_slice %arg3[%add3A_23] : memref<320000xi32, #tpu.memory_space<hbm>> -> memref<80xi32, #tpu.memory_space<hbm>>
        %dma_wait3A_37 = tpu.memref_slice %arg3[%add3A_23] : memref<320000xi32, #tpu.memory_space<hbm>> -> memref<80xi32, #tpu.memory_space<hbm>>
        tpu.wait_dma2 semaphore(%run_scoped3A : memref<!tpu.dma_semaphore, #tpu.memory_space<semaphore_mem>>) src(%dma_wait3A_37 : memref<80xi32, #tpu.memory_space<hbm>>) dst(%arg8 : memref<80xi32, #tpu.memory_space<vmem>>)
        tpu.yield
      }) : () -> ()
      "tpu.region"() ({
        %run_scoped3A = tpu.sem_alloc : memref<!tpu.dma_semaphore, #tpu.memory_space<semaphore_mem>>
        %dma_start3A_34 = tpu.memref_slice %arg4[%add3A_23] : memref<320000xi32, #tpu.memory_space<hbm>> -> memref<80xi32, #tpu.memory_space<hbm>>
        %dma_start3A_35 = tpu.memref_slice %arg4[%add3A_23] : memref<320000xi32, #tpu.memory_space<hbm>> -> memref<80xi32, #tpu.memory_space<hbm>>
        tpu.enqueue_dma source(%dma_start3A_35 : memref<80xi32, #tpu.memory_space<hbm>>) target(%arg9 : memref<80xi32, #tpu.memory_space<vmem>>) target_semaphore(%run_scoped3A : memref<!tpu.dma_semaphore, #tpu.memory_space<semaphore_mem>>)
        %dma_wait3A_36 = tpu.memref_slice %arg4[%add3A_23] : memref<320000xi32, #tpu.memory_space<hbm>> -> memref<80xi32, #tpu.memory_space<hbm>>
        %dma_wait3A_37 = tpu.memref_slice %arg4[%add3A_23] : memref<320000xi32, #tpu.memory_space<hbm>> -> memref<80xi32, #tpu.memory_space<hbm>>
        tpu.wait_dma2 semaphore(%run_scoped3A : memref<!tpu.dma_semaphore, #tpu.memory_space<semaphore_mem>>) src(%dma_wait3A_37 : memref<80xi32, #tpu.memory_space<hbm>>) dst(%arg9 : memref<80xi32, #tpu.memory_space<vmem>>)
        tpu.yield
      }) : () -> ()
      "tpu.region"() ({
        %run_scoped3A = tpu.sem_alloc : memref<!tpu.dma_semaphore, #tpu.memory_space<semaphore_mem>>
        %dma_start3A_34 = tpu.memref_slice %arg5[%add3A_23] : memref<320000xf32, #tpu.memory_space<hbm>> -> memref<80xf32, #tpu.memory_space<hbm>>
        %dma_start3A_35 = tpu.memref_slice %arg5[%add3A_23] : memref<320000xf32, #tpu.memory_space<hbm>> -> memref<80xf32, #tpu.memory_space<hbm>>
        tpu.enqueue_dma source(%dma_start3A_35 : memref<80xf32, #tpu.memory_space<hbm>>) target(%arg10 : memref<80xf32, #tpu.memory_space<vmem>>) target_semaphore(%run_scoped3A : memref<!tpu.dma_semaphore, #tpu.memory_space<semaphore_mem>>)
        %dma_wait3A_36 = tpu.memref_slice %arg5[%add3A_23] : memref<320000xf32, #tpu.memory_space<hbm>> -> memref<80xf32, #tpu.memory_space<hbm>>
        %dma_wait3A_37 = tpu.memref_slice %arg5[%add3A_23] : memref<320000xf32, #tpu.memory_space<hbm>> -> memref<80xf32, #tpu.memory_space<hbm>>
        tpu.wait_dma2 semaphore(%run_scoped3A : memref<!tpu.dma_semaphore, #tpu.memory_space<semaphore_mem>>) src(%dma_wait3A_37 : memref<80xf32, #tpu.memory_space<hbm>>) dst(%arg10 : memref<80xf32, #tpu.memory_space<vmem>>)
        tpu.yield
      }) : () -> ()
      %dma_start3A = arith.constant 0 : i32
      %dma_start3A_24 = arith.constant 0 : i32
      %dma_start3A_25 = tpu.memref_slice %arg2[%dma_start3A, %dma_start3A_24] : memref<10000x128xf32, #tpu.memory_space<hbm>> -> memref<10000x128xf32, #tpu.memory_space<hbm>>
      tpu.enqueue_indirect_dma source(%dma_start3A_25 : memref<10000x128xf32, #tpu.memory_space<hbm>>) target(%arg11 : memref<80x128xf32, #tpu.memory_space<vmem>>) offsets(%arg8 : memref<80xi32, #tpu.memory_space<vmem>>) semaphore(%arg13 : memref<!tpu.dma_semaphore, #tpu.memory_space<semaphore_mem>>)
      %dma_wait3A = arith.constant 0 : i32
      %dma_wait3A_26 = arith.constant 0 : i32
      %dma_wait3A_27 = tpu.memref_slice %arg2[%dma_wait3A, %dma_wait3A_26] : memref<10000x128xf32, #tpu.memory_space<hbm>> -> memref<10000x128xf32, #tpu.memory_space<hbm>>
      tpu.wait_indirect_dma semaphore(%arg13 : memref<!tpu.dma_semaphore, #tpu.memory_space<semaphore_mem>>) src(%dma_wait3A_27 : memref<10000x128xf32, #tpu.memory_space<hbm>>) dst(%arg11 : memref<80x128xf32, #tpu.memory_space<vmem>>)
      %scan3A_28 = arith.constant 0 : i32
      %scan3A_29 = arith.constant 0 : i32
      %scan3A_30 = arith.constant 5 : i32
      %scan3A_31 = arith.addi %scan3A_29, %scan3A_30 : i32
      %scan3A_32 = arith.constant 1 : i32
      scf.for %scan3A_34 = %scan3A_29 to %scan3A_31 step %scan3A_32  : i32 {
        %mul3A_35 = arith.constant 16 : i32
        %mul3A_36 = arith.muli %scan3A_34, %mul3A_35 : i32
        %get3A = arith.index_cast %mul3A_36 : i32 to index
        %get3A_37 = tpu.vector_load %arg10[%get3A] {strides = array<i32>} : memref<80xf32, #tpu.memory_space<vmem>>, vector<16xf32>,
        %get3A_38 = vector.shape_cast %get3A_37 : vector<16xf32> to vector<16xf32>
        %slice3A = vector.extract_strided_slice %get3A_38 {offsets = [0], sizes = [1], strides = [1]} : vector<16xf32> to vector<1xf32>
        %squeeze3A = vector.extract %slice3A[0] : f32 from vector<1xf32>
        %broadcast_in_dim3A = vector.broadcast %squeeze3A : f32 to vector<16xf32>
        %mul3A_39 = arith.constant 16 : i32
        %mul3A_40 = arith.muli %scan3A_34, %mul3A_39 : i32
        %add3A_41 = arith.constant 0 : i32
        %add3A_42 = arith.addi %mul3A_40, %add3A_41 : i32
        %get3A_43 = arith.index_cast %add3A_42 : i32 to index
        %get3A_44 = arith.constant 0 : index
        %get3A_45 = tpu.vector_load %arg11[%get3A_43, %get3A_44] {strides = array<i32>} : memref<80x128xf32, #tpu.memory_space<vmem>>, vector<1x16xf32>,
        %get3A_46 = vector.shape_cast %get3A_45 : vector<1x16xf32> to vector<16xf32>
        %mul3A_47 = arith.mulf %get3A_46, %broadcast_in_dim3A : vector<16xf32>
        %swap3A = arith.index_cast %add3A_42 : i32 to index
        %swap3A_48 = arith.constant 0 : index
        %swap3A_49 = tpu.vector_load %arg11[%swap3A, %swap3A_48] {strides = array<i32>} : memref<80x128xf32, #tpu.memory_space<vmem>>, vector<1x16xf32>,
        %swap3A_50 = vector.shape_cast %swap3A_49 : vector<1x16xf32> to vector<16xf32>
        %swap3A_51 = vector.shape_cast %mul3A_47 : vector<16xf32> to vector<1x16xf32>
        tpu.vector_store %arg11[%swap3A, %swap3A_48], %swap3A_51 {strides = array<i32>} : memref<80x128xf32, #tpu.memory_space<vmem>>, vector<1x16xf32>,
        %get3A_52 = arith.index_cast %add3A_42 : i32 to index
        %get3A_53 = arith.constant 16 : index
        %get3A_54 = tpu.vector_load %arg11[%get3A_52, %get3A_53] {strides = array<i32>} : memref<80x128xf32, #tpu.memory_space<vmem>>, vector<1x16xf32>,
        %get3A_55 = vector.shape_cast %get3A_54 : vector<1x16xf32> to vector<16xf32>
        %mul3A_56 = arith.mulf %get3A_55, %broadcast_in_dim3A : vector<16xf32>
        %swap3A_57 = arith.index_cast %add3A_42 : i32 to index
        %swap3A_58 = arith.constant 16 : index
        %swap3A_59 = tpu.vector_load %arg11[%swap3A_57, %swap3A_58] {strides = array<i32>} : memref<80x128xf32, #tpu.memory_space<vmem>>, vector<1x16xf32>,
        %swap3A_60 = vector.shape_cast %swap3A_59 : vector<1x16xf32> to vector<16xf32>
        %swap3A_61 = vector.shape_cast %mul3A_56 : vector<16xf32> to vector<1x16xf32>
        tpu.vector_store %arg11[%swap3A_57, %swap3A_58], %swap3A_61 {strides = array<i32>} : memref<80x128xf32, #tpu.memory_space<vmem>>, vector<1x16xf32>,
        %get3A_62 = arith.index_cast %add3A_42 : i32 to index
        %get3A_63 = arith.constant 32 : index
        %get3A_64 = tpu.vector_load %arg11[%get3A_62, %get3A_63] {strides = array<i32>} : memref<80x128xf32, #tpu.memory_space<vmem>>, vector<1x16xf32>,
        %get3A_65 = vector.shape_cast %get3A_64 : vector<1x16xf32> to vector<16xf32>
        %mul3A_66 = arith.mulf %get3A_65, %broadcast_in_dim3A : vector<16xf32>
        %swap3A_67 = arith.index_cast %add3A_42 : i32 to index
        %swap3A_68 = arith.constant 32 : index
        %swap3A_69 = tpu.vector_load %arg11[%swap3A_67, %swap3A_68] {strides = array<i32>} : memref<80x128xf32, #tpu.memory_space<vmem>>, vector<1x16xf32>,
        %swap3A_70 = vector.shape_cast %swap3A_69 : vector<1x16xf32> to vector<16xf32>
        %swap3A_71 = vector.shape_cast %mul3A_66 : vector<16xf32> to vector<1x16xf32>
        tpu.vector_store %arg11[%swap3A_67, %swap3A_68], %swap3A_71 {strides = array<i32>} : memref<80x128xf32, #tpu.memory_space<vmem>>, vector<1x16xf32>,
        %get3A_72 = arith.index_cast %add3A_42 : i32 to index
        %get3A_73 = arith.constant 48 : index
        %get3A_74 = tpu.vector_load %arg11[%get3A_72, %get3A_73] {strides = array<i32>} : memref<80x128xf32, #tpu.memory_space<vmem>>, vector<1x16xf32>,
        %get3A_75 = vector.shape_cast %get3A_74 : vector<1x16xf32> to vector<16xf32>
        %mul3A_76 = arith.mulf %get3A_75, %broadcast_in_dim3A : vector<16xf32>
        %swap3A_77 = arith.index_cast %add3A_42 : i32 to index
        %swap3A_78 = arith.constant 48 : index
        %swap3A_79 = tpu.vector_load %arg11[%swap3A_77, %swap3A_78] {strides = array<i32>} : memref<80x128xf32, #tpu.memory_space<vmem>>, vector<1x16xf32>,
        %swap3A_80 = vector.shape_cast %swap3A_79 : vector<1x16xf32> to vector<16xf32>
        %swap3A_81 = vector.shape_cast %mul3A_76 : vector<16xf32> to vector<1x16xf32>
        tpu.vector_store %arg11[%swap3A_77, %swap3A_78], %swap3A_81 {strides = array<i32>} : memref<80x128xf32, #tpu.memory_space<vmem>>, vector<1x16xf32>,
        %get3A_82 = arith.index_cast %add3A_42 : i32 to index
        %get3A_83 = arith.constant 64 : index
        %get3A_84 = tpu.vector_load %arg11[%get3A_82, %get3A_83] {strides = array<i32>} : memref<80x128xf32, #tpu.memory_space<vmem>>, vector<1x16xf32>,
        %get3A_85 = vector.shape_cast %get3A_84 : vector<1x16xf32> to vector<16xf32>
        %mul3A_86 = arith.mulf %get3A_85, %broadcast_in_dim3A : vector<16xf32>
        %swap3A_87 = arith.index_cast %add3A_42 : i32 to index
        %swap3A_88 = arith.constant 64 : index
        %swap3A_89 = tpu.vector_load %arg11[%swap3A_87, %swap3A_88] {strides = array<i32>} : memref<80x128xf32, #tpu.memory_space<vmem>>, vector<1x16xf32>,
        %swap3A_90 = vector.shape_cast %swap3A_89 : vector<1x16xf32> to vector<16xf32>
        %swap3A_91 = vector.shape_cast %mul3A_86 : vector<16xf32> to vector<1x16xf32>
        tpu.vector_store %arg11[%swap3A_87, %swap3A_88], %swap3A_91 {strides = array<i32>} : memref<80x128xf32, #tpu.memory_space<vmem>>, vector<1x16xf32>,
        %get3A_92 = arith.index_cast %add3A_42 : i32 to index
        %get3A_93 = arith.constant 80 : index
        %get3A_94 = tpu.vector_load %arg11[%get3A_92, %get3A_93] {strides = array<i32>} : memref<80x128xf32, #tpu.memory_space<vmem>>, vector<1x16xf32>,
        %get3A_95 = vector.shape_cast %get3A_94 : vector<1x16xf32> to vector<16xf32>
        %mul3A_96 = arith.mulf %get3A_95, %broadcast_in_dim3A : vector<16xf32>
        %swap3A_97 = arith.index_cast %add3A_42 : i32 to index
        %swap3A_98 = arith.constant 80 : index
        %swap3A_99 = tpu.vector_load %arg11[%swap3A_97, %swap3A_98] {strides = array<i32>} : memref<80x128xf32, #tpu.memory_space<vmem>>, vector<1x16xf32>,
        %swap3A_100 = vector.shape_cast %swap3A_99 : vector<1x16xf32> to vector<16xf32>
        %swap3A_101 = vector.shape_cast %mul3A_96 : vector<16xf32> to vector<1x16xf32>
        tpu.vector_store %arg11[%swap3A_97, %swap3A_98], %swap3A_101 {strides = array<i32>} : memref<80x128xf32, #tpu.memory_space<vmem>>, vector<1x16xf32>,
        %get3A_102 = arith.index_cast %add3A_42 : i32 to index
        %get3A_103 = arith.constant 96 : index
        %get3A_104 = tpu.vector_load %arg11[%get3A_102, %get3A_103] {strides = array<i32>} : memref<80x128xf32, #tpu.memory_space<vmem>>, vector<1x16xf32>,
        %get3A_105 = vector.shape_cast %get3A_104 : vector<1x16xf32> to vector<16xf32>
        %mul3A_106 = arith.mulf %get3A_105, %broadcast_in_dim3A : vector<16xf32>
        %swap3A_107 = arith.index_cast %add3A_42 : i32 to index
        %swap3A_108 = arith.constant 96 : index
        %swap3A_109 = tpu.vector_load %arg11[%swap3A_107, %swap3A_108] {strides = array<i32>} : memref<80x128xf32, #tpu.memory_space<vmem>>, vector<1x16xf32>,
        %swap3A_110 = vector.shape_cast %swap3A_109 : vector<1x16xf32> to vector<16xf32>
        %swap3A_111 = vector.shape_cast %mul3A_106 : vector<16xf32> to vector<1x16xf32>
        tpu.vector_store %arg11[%swap3A_107, %swap3A_108], %swap3A_111 {strides = array<i32>} : memref<80x128xf32, #tpu.memory_space<vmem>>, vector<1x16xf32>,
        %get3A_112 = arith.index_cast %add3A_42 : i32 to index
        %get3A_113 = arith.constant 112 : index
        %get3A_114 = tpu.vector_load %arg11[%get3A_112, %get3A_113] {strides = array<i32>} : memref<80x128xf32, #tpu.memory_space<vmem>>, vector<1x16xf32>,
        %get3A_115 = vector.shape_cast %get3A_114 : vector<1x16xf32> to vector<16xf32>
        %mul3A_116 = arith.mulf %get3A_115, %broadcast_in_dim3A : vector<16xf32>
        %swap3A_117 = arith.index_cast %add3A_42 : i32 to index
        %swap3A_118 = arith.constant 112 : index
        %swap3A_119 = tpu.vector_load %arg11[%swap3A_117, %swap3A_118] {strides = array<i32>} : memref<80x128xf32, #tpu.memory_space<vmem>>, vector<1x16xf32>,
        %swap3A_120 = vector.shape_cast %swap3A_119 : vector<1x16xf32> to vector<16xf32>
        %swap3A_121 = vector.shape_cast %mul3A_116 : vector<16xf32> to vector<1x16xf32>
        tpu.vector_store %arg11[%swap3A_117, %swap3A_118], %swap3A_121 {strides = array<i32>} : memref<80x128xf32, #tpu.memory_space<vmem>>, vector<1x16xf32>,
        %slice3A_122 = vector.extract_strided_slice %get3A_38 {offsets = [1], sizes = [1], strides = [1]} : vector<16xf32> to vector<1xf32>
        %squeeze3A_123 = vector.extract %slice3A_122[0] : f32 from vector<1xf32>
        %broadcast_in_dim3A_124 = vector.broadcast %squeeze3A_123 : f32 to vector<16xf32>
        %mul3A_125 = arith.constant 16 : i32
        %mul3A_126 = arith.muli %scan3A_34, %mul3A_125 : i32
        %add3A_127 = arith.constant 1 : i32
        %add3A_128 = arith.addi %mul3A_126, %add3A_127 : i32
        %get3A_129 = arith.index_cast %add3A_128 : i32 to index
        %get3A_130 = arith.constant 0 : index
        %get3A_131 = tpu.vector_load %arg11[%get3A_129, %get3A_130] {strides = array<i32>} : memref<80x128xf32, #tpu.memory_space<vmem>>, vector<1x16xf32>,
        %get3A_132 = vector.shape_cast %get3A_131 : vector<1x16xf32> to vector<16xf32>
        %mul3A_133 = arith.mulf %get3A_132, %broadcast_in_dim3A_124 : vector<16xf32>
        %swap3A_134 = arith.index_cast %add3A_128 : i32 to index
        %swap3A_135 = arith.constant 0 : index
        %swap3A_136 = tpu.vector_load %arg11[%swap3A_134, %swap3A_135] {strides = array<i32>} : memref<80x128xf32, #tpu.memory_space<vmem>>, vector<1x16xf32>,
        %swap3A_137 = vector.shape_cast %swap3A_136 : vector<1x16xf32> to vector<16xf32>
        %swap3A_138 = vector.shape_cast %mul3A_133 : vector<16xf32> to vector<1x16xf32>
        tpu.vector_store %arg11[%swap3A_134, %swap3A_135], %swap3A_138 {strides = array<i32>} : memref<80x128xf32, #tpu.memory_space<vmem>>, vector<1x16xf32>,
        %get3A_139 = arith.index_cast %add3A_128 : i32 to index
        %get3A_140 = arith.constant 16 : index
        %get3A_141 = tpu.vector_load %arg11[%get3A_139, %get3A_140] {strides = array<i32>} : memref<80x128xf32, #tpu.memory_space<vmem>>, vector<1x16xf32>,
        %get3A_142 = vector.shape_cast %get3A_141 : vector<1x16xf32> to vector<16xf32>
        %mul3A_143 = arith.mulf %get3A_142, %broadcast_in_dim3A_124 : vector<16xf32>
        %swap3A_144 = arith.index_cast %add3A_128 : i32 to index
        %swap3A_145 = arith.constant 16 : index
        %swap3A_146 = tpu.vector_load %arg11[%swap3A_144, %swap3A_145] {strides = array<i32>} : memref<80x128xf32, #tpu.memory_space<vmem>>, vector<1x16xf32>,
        %swap3A_147 = vector.shape_cast %swap3A_146 : vector<1x16xf32> to vector<16xf32>
        %swap3A_148 = vector.shape_cast %mul3A_143 : vector<16xf32> to vector<1x16xf32>
        tpu.vector_store %arg11[%swap3A_144, %swap3A_145], %swap3A_148 {strides = array<i32>} : memref<80x128xf32, #tpu.memory_space<vmem>>, vector<1x16xf32>,
        %get3A_149 = arith.index_cast %add3A_128 : i32 to index
        %get3A_150 = arith.constant 32 : index
        %get3A_151 = tpu.vector_load %arg11[%get3A_149, %get3A_150] {strides = array<i32>} : memref<80x128xf32, #tpu.memory_space<vmem>>, vector<1x16xf32>,
        %get3A_152 = vector.shape_cast %get3A_151 : vector<1x16xf32> to vector<16xf32>
        %mul3A_153 = arith.mulf %get3A_152, %broadcast_in_dim3A_124 : vector<16xf32>
        %swap3A_154 = arith.index_cast %add3A_128 : i32 to index
        %swap3A_155 = arith.constant 32 : index
        %swap3A_156 = tpu.vector_load %arg11[%swap3A_154, %swap3A_155] {strides = array<i32>} : memref<80x128xf32, #tpu.memory_space<vmem>>, vector<1x16xf32>,
        %swap3A_157 = vector.shape_cast %swap3A_156 : vector<1x16xf32> to vector<16xf32>
        %swap3A_158 = vector.shape_cast %mul3A_153 : vector<16xf32> to vector<1x16xf32>
        tpu.vector_store %arg11[%swap3A_154, %swap3A_155], %swap3A_158 {strides = array<i32>} : memref<80x128xf32, #tpu.memory_space<vmem>>, vector<1x16xf32>,
        %get3A_159 = arith.index_cast %add3A_128 : i32 to index
        %get3A_160 = arith.constant 48 : index
        %get3A_161 = tpu.vector_load %arg11[%get3A_159, %get3A_160] {strides = array<i32>} : memref<80x128xf32, #tpu.memory_space<vmem>>, vector<1x16xf32>,
        %get3A_162 = vector.shape_cast %get3A_161 : vector<1x16xf32> to vector<16xf32>
        %mul3A_163 = arith.mulf %get3A_162, %broadcast_in_dim3A_124 : vector<16xf32>
        %swap3A_164 = arith.index_cast %add3A_128 : i32 to index
        %swap3A_165 = arith.constant 48 : index
        %swap3A_166 = tpu.vector_load %arg11[%swap3A_164, %swap3A_165] {strides = array<i32>} : memref<80x128xf32, #tpu.memory_space<vmem>>, vector<1x16xf32>,
        %swap3A_167 = vector.shape_cast %swap3A_166 : vector<1x16xf32> to vector<16xf32>
        %swap3A_168 = vector.shape_cast %mul3A_163 : vector<16xf32> to vector<1x16xf32>
        tpu.vector_store %arg11[%swap3A_164, %swap3A_165], %swap3A_168 {strides = array<i32>} : memref<80x128xf32, #tpu.memory_space<vmem>>, vector<1x16xf32>,
        %get3A_169 = arith.index_cast %add3A_128 : i32 to index
        %get3A_170 = arith.constant 64 : index
        %get3A_171 = tpu.vector_load %arg11[%get3A_169, %get3A_170] {strides = array<i32>} : memref<80x128xf32, #tpu.memory_space<vmem>>, vector<1x16xf32>,
        %get3A_172 = vector.shape_cast %get3A_171 : vector<1x16xf32> to vector<16xf32>
        %mul3A_173 = arith.mulf %get3A_172, %broadcast_in_dim3A_124 : vector<16xf32>
        %swap3A_174 = arith.index_cast %add3A_128 : i32 to index
        %swap3A_175 = arith.constant 64 : index
        %swap3A_176 = tpu.vector_load %arg11[%swap3A_174, %swap3A_175] {strides = array<i32>} : memref<80x128xf32, #tpu.memory_space<vmem>>, vector<1x16xf32>,
        %swap3A_177 = vector.shape_cast %swap3A_176 : vector<1x16xf32> to vector<16xf32>
        %swap3A_178 = vector.shape_cast %mul3A_173 : vector<16xf32> to vector<1x16xf32>
        tpu.vector_store %arg11[%swap3A_174, %swap3A_175], %swap3A_178 {strides = array<i32>} : memref<80x128xf32, #tpu.memory_space<vmem>>, vector<1x16xf32>,
        %get3A_179 = arith.index_cast %add3A_128 : i32 to index
        %get3A_180 = arith.constant 80 : index
        %get3A_181 = tpu.vector_load %arg11[%get3A_179, %get3A_180] {strides = array<i32>} : memref<80x128xf32, #tpu.memory_space<vmem>>, vector<1x16xf32>,
        %get3A_182 = vector.shape_cast %get3A_181 : vector<1x16xf32> to vector<16xf32>
        %mul3A_183 = arith.mulf %get3A_182, %broadcast_in_dim3A_124 : vector<16xf32>
        %swap3A_184 = arith.index_cast %add3A_128 : i32 to index
        %swap3A_185 = arith.constant 80 : index
        %swap3A_186 = tpu.vector_load %arg11[%swap3A_184, %swap3A_185] {strides = array<i32>} : memref<80x128xf32, #tpu.memory_space<vmem>>, vector<1x16xf32>,
        %swap3A_187 = vector.shape_cast %swap3A_186 : vector<1x16xf32> to vector<16xf32>
        %swap3A_188 = vector.shape_cast %mul3A_183 : vector<16xf32> to vector<1x16xf32>
        tpu.vector_store %arg11[%swap3A_184, %swap3A_185], %swap3A_188 {strides = array<i32>} : memref<80x128xf32, #tpu.memory_space<vmem>>, vector<1x16xf32>,
        %get3A_189 = arith.index_cast %add3A_128 : i32 to index
        %get3A_190 = arith.constant 96 : index
        %get3A_191 = tpu.vector_load %arg11[%get3A_189, %get3A_190] {strides = array<i32>} : memref<80x128xf32, #tpu.memory_space<vmem>>, vector<1x16xf32>,
        %get3A_192 = vector.shape_cast %get3A_191 : vector<1x16xf32> to vector<16xf32>
        %mul3A_193 = arith.mulf %get3A_192, %broadcast_in_dim3A_124 : vector<16xf32>
        %swap3A_194 = arith.index_cast %add3A_128 : i32 to index
        %swap3A_195 = arith.constant 96 : index
        %swap3A_196 = tpu.vector_load %arg11[%swap3A_194, %swap3A_195] {strides = array<i32>} : memref<80x128xf32, #tpu.memory_space<vmem>>, vector<1x16xf32>,
        %swap3A_197 = vector.shape_cast %swap3A_196 : vector<1x16xf32> to vector<16xf32>
        %swap3A_198 = vector.shape_cast %mul3A_193 : vector<16xf32> to vector<1x16xf32>
        tpu.vector_store %arg11[%swap3A_194, %swap3A_195], %swap3A_198 {strides = array<i32>} : memref<80x128xf32, #tpu.memory_space<vmem>>, vector<1x16xf32>,
        %get3A_199 = arith.index_cast %add3A_128 : i32 to index
        %get3A_200 = arith.constant 112 : index
        %get3A_201 = tpu.vector_load %arg11[%get3A_199, %get3A_200] {strides = array<i32>} : memref<80x128xf32, #tpu.memory_space<vmem>>, vector<1x16xf32>,
        %get3A_202 = vector.shape_cast %get3A_201 : vector<1x16xf32> to vector<16xf32>
        %mul3A_203 = arith.mulf %get3A_202, %broadcast_in_dim3A_124 : vector<16xf32>
        %swap3A_204 = arith.index_cast %add3A_128 : i32 to index
        %swap3A_205 = arith.constant 112 : index
        %swap3A_206 = tpu.vector_load %arg11[%swap3A_204, %swap3A_205] {strides = array<i32>} : memref<80x128xf32, #tpu.memory_space<vmem>>, vector<1x16xf32>,
        %swap3A_207 = vector.shape_cast %swap3A_206 : vector<1x16xf32> to vector<16xf32>
        %swap3A_208 = vector.shape_cast %mul3A_203 : vector<16xf32> to vector<1x16xf32>
        tpu.vector_store %arg11[%swap3A_204, %swap3A_205], %swap3A_208 {strides = array<i32>} : memref<80x128xf32, #tpu.memory_space<vmem>>, vector<1x16xf32>,
        %slice3A_209 = vector.extract_strided_slice %get3A_38 {offsets = [2], sizes = [1], strides = [1]} : vector<16xf32> to vector<1xf32>
        %squeeze3A_210 = vector.extract %slice3A_209[0] : f32 from vector<1xf32>
        %broadcast_in_dim3A_211 = vector.broadcast %squeeze3A_210 : f32 to vector<16xf32>
        %mul3A_212 = arith.constant 16 : i32
        %mul3A_213 = arith.muli %scan3A_34, %mul3A_212 : i32
        %add3A_214 = arith.constant 2 : i32
        %add3A_215 = arith.addi %mul3A_213, %add3A_214 : i32
        %get3A_216 = arith.index_cast %add3A_215 : i32 to index
        %get3A_217 = arith.constant 0 : index
        %get3A_218 = tpu.vector_load %arg11[%get3A_216, %get3A_217] {strides = array<i32>} : memref<80x128xf32, #tpu.memory_space<vmem>>, vector<1x16xf32>,
        %get3A_219 = vector.shape_cast %get3A_218 : vector<1x16xf32> to vector<16xf32>
        %mul3A_220 = arith.mulf %get3A_219, %broadcast_in_dim3A_211 : vector<16xf32>
        %swap3A_221 = arith.index_cast %add3A_215 : i32 to index
        %swap3A_222 = arith.constant 0 : index
        %swap3A_223 = tpu.vector_load %arg11[%swap3A_221, %swap3A_222] {strides = array<i32>} : memref<80x128xf32, #tpu.memory_space<vmem>>, vector<1x16xf32>,
        %swap3A_224 = vector.shape_cast %swap3A_223 : vector<1x16xf32> to vector<16xf32>
        %swap3A_225 = vector.shape_cast %mul3A_220 : vector<16xf32> to vector<1x16xf32>
        tpu.vector_store %arg11[%swap3A_221, %swap3A_222], %swap3A_225 {strides = array<i32>} : memref<80x128xf32, #tpu.memory_space<vmem>>, vector<1x16xf32>,
        %get3A_226 = arith.index_cast %add3A_215 : i32 to index
        %get3A_227 = arith.constant 16 : index
        %get3A_228 = tpu.vector_load %arg11[%get3A_226, %get3A_227] {strides = array<i32>} : memref<80x128xf32, #tpu.memory_space<vmem>>, vector<1x16xf32>,
        %get3A_229 = vector.shape_cast %get3A_228 : vector<1x16xf32> to vector<16xf32>
        %mul3A_230 = arith.mulf %get3A_229, %broadcast_in_dim3A_211 : vector<16xf32>
        %swap3A_231 = arith.index_cast %add3A_215 : i32 to index
        %swap3A_232 = arith.constant 16 : index
        %swap3A_233 = tpu.vector_load %arg11[%swap3A_231, %swap3A_232] {strides = array<i32>} : memref<80x128xf32, #tpu.memory_space<vmem>>, vector<1x16xf32>,
        %swap3A_234 = vector.shape_cast %swap3A_233 : vector<1x16xf32> to vector<16xf32>
        %swap3A_235 = vector.shape_cast %mul3A_230 : vector<16xf32> to vector<1x16xf32>
        tpu.vector_store %arg11[%swap3A_231, %swap3A_232], %swap3A_235 {strides = array<i32>} : memref<80x128xf32, #tpu.memory_space<vmem>>, vector<1x16xf32>,
        %get3A_236 = arith.index_cast %add3A_215 : i32 to index
        %get3A_237 = arith.constant 32 : index
        %get3A_238 = tpu.vector_load %arg11[%get3A_236, %get3A_237] {strides = array<i32>} : memref<80x128xf32, #tpu.memory_space<vmem>>, vector<1x16xf32>,
        %get3A_239 = vector.shape_cast %get3A_238 : vector<1x16xf32> to vector<16xf32>
        %mul3A_240 = arith.mulf %get3A_239, %broadcast_in_dim3A_211 : vector<16xf32>
        %swap3A_241 = arith.index_cast %add3A_215 : i32 to index
        %swap3A_242 = arith.constant 32 : index
        %swap3A_243 = tpu.vector_load %arg11[%swap3A_241, %swap3A_242] {strides = array<i32>} : memref<80x128xf32, #tpu.memory_space<vmem>>, vector<1x16xf32>,
        %swap3A_244 = vector.shape_cast %swap3A_243 : vector<1x16xf32> to vector<16xf32>
        %swap3A_245 = vector.shape_cast %mul3A_240 : vector<16xf32> to vector<1x16xf32>
        tpu.vector_store %arg11[%swap3A_241, %swap3A_242], %swap3A_245 {strides = array<i32>} : memref<80x128xf32, #tpu.memory_space<vmem>>, vector<1x16xf32>,
        %get3A_246 = arith.index_cast %add3A_215 : i32 to index
        %get3A_247 = arith.constant 48 : index
        %get3A_248 = tpu.vector_load %arg11[%get3A_246, %get3A_247] {strides = array<i32>} : memref<80x128xf32, #tpu.memory_space<vmem>>, vector<1x16xf32>,
        %get3A_249 = vector.shape_cast %get3A_248 : vector<1x16xf32> to vector<16xf32>
        %mul3A_250 = arith.mulf %get3A_249, %broadcast_in_dim3A_211 : vector<16xf32>
        %swap3A_251 = arith.index_cast %add3A_215 : i32 to index
        %swap3A_252 = arith.constant 48 : index
        %swap3A_253 = tpu.vector_load %arg11[%swap3A_251, %swap3A_252] {strides = array<i32>} : memref<80x128xf32, #tpu.memory_space<vmem>>, vector<1x16xf32>,
        %swap3A_254 = vector.shape_cast %swap3A_253 : vector<1x16xf32> to vector<16xf32>
        %swap3A_255 = vector.shape_cast %mul3A_250 : vector<16xf32> to vector<1x16xf32>
        tpu.vector_store %arg11[%swap3A_251, %swap3A_252], %swap3A_255 {strides = array<i32>} : memref<80x128xf32, #tpu.memory_space<vmem>>, vector<1x16xf32>,
        %get3A_256 = arith.index_cast %add3A_215 : i32 to index
        %get3A_257 = arith.constant 64 : index
        %get3A_258 = tpu.vector_load %arg11[%get3A_256, %get3A_257] {strides = array<i32>} : memref<80x128xf32, #tpu.memory_space<vmem>>, vector<1x16xf32>,
        %get3A_259 = vector.shape_cast %get3A_258 : vector<1x16xf32> to vector<16xf32>
        %mul3A_260 = arith.mulf %get3A_259, %broadcast_in_dim3A_211 : vector<16xf32>
        %swap3A_261 = arith.index_cast %add3A_215 : i32 to index
        %swap3A_262 = arith.constant 64 : index
        %swap3A_263 = tpu.vector_load %arg11[%swap3A_261, %swap3A_262] {strides = array<i32>} : memref<80x128xf32, #tpu.memory_space<vmem>>, vector<1x16xf32>,
        %swap3A_264 = vector.shape_cast %swap3A_263 : vector<1x16xf32> to vector<16xf32>
        %swap3A_265 = vector.shape_cast %mul3A_260 : vector<16xf32> to vector<1x16xf32>
        tpu.vector_store %arg11[%swap3A_261, %swap3A_262], %swap3A_265 {strides = array<i32>} : memref<80x128xf32, #tpu.memory_space<vmem>>, vector<1x16xf32>,
        %get3A_266 = arith.index_cast %add3A_215 : i32 to index
        %get3A_267 = arith.constant 80 : index
        %get3A_268 = tpu.vector_load %arg11[%get3A_266, %get3A_267] {strides = array<i32>} : memref<80x128xf32, #tpu.memory_space<vmem>>, vector<1x16xf32>,
        %get3A_269 = vector.shape_cast %get3A_268 : vector<1x16xf32> to vector<16xf32>
        %mul3A_270 = arith.mulf %get3A_269, %broadcast_in_dim3A_211 : vector<16xf32>
        %swap3A_271 = arith.index_cast %add3A_215 : i32 to index
        %swap3A_272 = arith.constant 80 : index
        %swap3A_273 = tpu.vector_load %arg11[%swap3A_271, %swap3A_272] {strides = array<i32>} : memref<80x128xf32, #tpu.memory_space<vmem>>, vector<1x16xf32>,
        %swap3A_274 = vector.shape_cast %swap3A_273 : vector<1x16xf32> to vector<16xf32>
        %swap3A_275 = vector.shape_cast %mul3A_270 : vector<16xf32> to vector<1x16xf32>
        tpu.vector_store %arg11[%swap3A_271, %swap3A_272], %swap3A_275 {strides = array<i32>} : memref<80x128xf32, #tpu.memory_space<vmem>>, vector<1x16xf32>,
        %get3A_276 = arith.index_cast %add3A_215 : i32 to index
        %get3A_277 = arith.constant 96 : index
        %get3A_278 = tpu.vector_load %arg11[%get3A_276, %get3A_277] {strides = array<i32>} : memref<80x128xf32, #tpu.memory_space<vmem>>, vector<1x16xf32>,
        %get3A_279 = vector.shape_cast %get3A_278 : vector<1x16xf32> to vector<16xf32>
        %mul3A_280 = arith.mulf %get3A_279, %broadcast_in_dim3A_211 : vector<16xf32>
        %swap3A_281 = arith.index_cast %add3A_215 : i32 to index
        %swap3A_282 = arith.constant 96 : index
        %swap3A_283 = tpu.vector_load %arg11[%swap3A_281, %swap3A_282] {strides = array<i32>} : memref<80x128xf32, #tpu.memory_space<vmem>>, vector<1x16xf32>,
        %swap3A_284 = vector.shape_cast %swap3A_283 : vector<1x16xf32> to vector<16xf32>
        %swap3A_285 = vector.shape_cast %mul3A_280 : vector<16xf32> to vector<1x16xf32>
        tpu.vector_store %arg11[%swap3A_281, %swap3A_282], %swap3A_285 {strides = array<i32>} : memref<80x128xf32, #tpu.memory_space<vmem>>, vector<1x16xf32>,
        %get3A_286 = arith.index_cast %add3A_215 : i32 to index
        %get3A_287 = arith.constant 112 : index
        %get3A_288 = tpu.vector_load %arg11[%get3A_286, %get3A_287] {strides = array<i32>} : memref<80x128xf32, #tpu.memory_space<vmem>>, vector<1x16xf32>,
        %get3A_289 = vector.shape_cast %get3A_288 : vector<1x16xf32> to vector<16xf32>
        %mul3A_290 = arith.mulf %get3A_289, %broadcast_in_dim3A_211 : vector<16xf32>
        %swap3A_291 = arith.index_cast %add3A_215 : i32 to index
        %swap3A_292 = arith.constant 112 : index
        %swap3A_293 = tpu.vector_load %arg11[%swap3A_291, %swap3A_292] {strides = array<i32>} : memref<80x128xf32, #tpu.memory_space<vmem>>, vector<1x16xf32>,
        %swap3A_294 = vector.shape_cast %swap3A_293 : vector<1x16xf32> to vector<16xf32>
        %swap3A_295 = vector.shape_cast %mul3A_290 : vector<16xf32> to vector<1x16xf32>
        tpu.vector_store %arg11[%swap3A_291, %swap3A_292], %swap3A_295 {strides = array<i32>} : memref<80x128xf32, #tpu.memory_space<vmem>>, vector<1x16xf32>,
        %slice3A_296 = vector.extract_strided_slice %get3A_38 {offsets = [3], sizes = [1], strides = [1]} : vector<16xf32> to vector<1xf32>
        %squeeze3A_297 = vector.extract %slice3A_296[0] : f32 from vector<1xf32>
        %broadcast_in_dim3A_298 = vector.broadcast %squeeze3A_297 : f32 to vector<16xf32>
        %mul3A_299 = arith.constant 16 : i32
        %mul3A_300 = arith.muli %scan3A_34, %mul3A_299 : i32
        %add3A_301 = arith.constant 3 : i32
        %add3A_302 = arith.addi %mul3A_300, %add3A_301 : i32
        %get3A_303 = arith.index_cast %add3A_302 : i32 to index
        %get3A_304 = arith.constant 0 : index
        %get3A_305 = tpu.vector_load %arg11[%get3A_303, %get3A_304] {strides = array<i32>} : memref<80x128xf32, #tpu.memory_space<vmem>>, vector<1x16xf32>,
        %get3A_306 = vector.shape_cast %get3A_305 : vector<1x16xf32> to vector<16xf32>
        %mul3A_307 = arith.mulf %get3A_306, %broadcast_in_dim3A_298 : vector<16xf32>
        %swap3A_308 = arith.index_cast %add3A_302 : i32 to index
        %swap3A_309 = arith.constant 0 : index
        %swap3A_310 = tpu.vector_load %arg11[%swap3A_308, %swap3A_309] {strides = array<i32>} : memref<80x128xf32, #tpu.memory_space<vmem>>, vector<1x16xf32>,
        %swap3A_311 = vector.shape_cast %swap3A_310 : vector<1x16xf32> to vector<16xf32>
        %swap3A_312 = vector.shape_cast %mul3A_307 : vector<16xf32> to vector<1x16xf32>
        tpu.vector_store %arg11[%swap3A_308, %swap3A_309], %swap3A_312 {strides = array<i32>} : memref<80x128xf32, #tpu.memory_space<vmem>>, vector<1x16xf32>,
        %get3A_313 = arith.index_cast %add3A_302 : i32 to index
        %get3A_314 = arith.constant 16 : index
        %get3A_315 = tpu.vector_load %arg11[%get3A_313, %get3A_314] {strides = array<i32>} : memref<80x128xf32, #tpu.memory_space<vmem>>, vector<1x16xf32>,
        %get3A_316 = vector.shape_cast %get3A_315 : vector<1x16xf32> to vector<16xf32>
        %mul3A_317 = arith.mulf %get3A_316, %broadcast_in_dim3A_298 : vector<16xf32>
        %swap3A_318 = arith.index_cast %add3A_302 : i32 to index
        %swap3A_319 = arith.constant 16 : index
        %swap3A_320 = tpu.vector_load %arg11[%swap3A_318, %swap3A_319] {strides = array<i32>} : memref<80x128xf32, #tpu.memory_space<vmem>>, vector<1x16xf32>,
        %swap3A_321 = vector.shape_cast %swap3A_320 : vector<1x16xf32> to vector<16xf32>
        %swap3A_322 = vector.shape_cast %mul3A_317 : vector<16xf32> to vector<1x16xf32>
        tpu.vector_store %arg11[%swap3A_318, %swap3A_319], %swap3A_322 {strides = array<i32>} : memref<80x128xf32, #tpu.memory_space<vmem>>, vector<1x16xf32>,
        %get3A_323 = arith.index_cast %add3A_302 : i32 to index
        %get3A_324 = arith.constant 32 : index
        %get3A_325 = tpu.vector_load %arg11[%get3A_323, %get3A_324] {strides = array<i32>} : memref<80x128xf32, #tpu.memory_space<vmem>>, vector<1x16xf32>,
        %get3A_326 = vector.shape_cast %get3A_325 : vector<1x16xf32> to vector<16xf32>
        %mul3A_327 = arith.mulf %get3A_326, %broadcast_in_dim3A_298 : vector<16xf32>
        %swap3A_328 = arith.index_cast %add3A_302 : i32 to index
        %swap3A_329 = arith.constant 32 : index
        %swap3A_330 = tpu.vector_load %arg11[%swap3A_328, %swap3A_329] {strides = array<i32>} : memref<80x128xf32, #tpu.memory_space<vmem>>, vector<1x16xf32>,
        %swap3A_331 = vector.shape_cast %swap3A_330 : vector<1x16xf32> to vector<16xf32>
        %swap3A_332 = vector.shape_cast %mul3A_327 : vector<16xf32> to vector<1x16xf32>
        tpu.vector_store %arg11[%swap3A_328, %swap3A_329], %swap3A_332 {strides = array<i32>} : memref<80x128xf32, #tpu.memory_space<vmem>>, vector<1x16xf32>,
        %get3A_333 = arith.index_cast %add3A_302 : i32 to index
        %get3A_334 = arith.constant 48 : index
        %get3A_335 = tpu.vector_load %arg11[%get3A_333, %get3A_334] {strides = array<i32>} : memref<80x128xf32, #tpu.memory_space<vmem>>, vector<1x16xf32>,
        %get3A_336 = vector.shape_cast %get3A_335 : vector<1x16xf32> to vector<16xf32>
        %mul3A_337 = arith.mulf %get3A_336, %broadcast_in_dim3A_298 : vector<16xf32>
        %swap3A_338 = arith.index_cast %add3A_302 : i32 to index
        %swap3A_339 = arith.constant 48 : index
        %swap3A_340 = tpu.vector_load %arg11[%swap3A_338, %swap3A_339] {strides = array<i32>} : memref<80x128xf32, #tpu.memory_space<vmem>>, vector<1x16xf32>,
        %swap3A_341 = vector.shape_cast %swap3A_340 : vector<1x16xf32> to vector<16xf32>
        %swap3A_342 = vector.shape_cast %mul3A_337 : vector<16xf32> to vector<1x16xf32>
        tpu.vector_store %arg11[%swap3A_338, %swap3A_339], %swap3A_342 {strides = array<i32>} : memref<80x128xf32, #tpu.memory_space<vmem>>, vector<1x16xf32>,
        %get3A_343 = arith.index_cast %add3A_302 : i32 to index
        %get3A_344 = arith.constant 64 : index
        %get3A_345 = tpu.vector_load %arg11[%get3A_343, %get3A_344] {strides = array<i32>} : memref<80x128xf32, #tpu.memory_space<vmem>>, vector<1x16xf32>,
        %get3A_346 = vector.shape_cast %get3A_345 : vector<1x16xf32> to vector<16xf32>
        %mul3A_347 = arith.mulf %get3A_346, %broadcast_in_dim3A_298 : vector<16xf32>
        %swap3A_348 = arith.index_cast %add3A_302 : i32 to index
        %swap3A_349 = arith.constant 64 : index
        %swap3A_350 = tpu.vector_load %arg11[%swap3A_348, %swap3A_349] {strides = array<i32>} : memref<80x128xf32, #tpu.memory_space<vmem>>, vector<1x16xf32>,
        %swap3A_351 = vector.shape_cast %swap3A_350 : vector<1x16xf32> to vector<16xf32>
        %swap3A_352 = vector.shape_cast %mul3A_347 : vector<16xf32> to vector<1x16xf32>
        tpu.vector_store %arg11[%swap3A_348, %swap3A_349], %swap3A_352 {strides = array<i32>} : memref<80x128xf32, #tpu.memory_space<vmem>>, vector<1x16xf32>,
        %get3A_353 = arith.index_cast %add3A_302 : i32 to index
        %get3A_354 = arith.constant 80 : index
        %get3A_355 = tpu.vector_load %arg11[%get3A_353, %get3A_354] {strides = array<i32>} : memref<80x128xf32, #tpu.memory_space<vmem>>, vector<1x16xf32>,
        %get3A_356 = vector.shape_cast %get3A_355 : vector<1x16xf32> to vector<16xf32>
        %mul3A_357 = arith.mulf %get3A_356, %broadcast_in_dim3A_298 : vector<16xf32>
        %swap3A_358 = arith.index_cast %add3A_302 : i32 to index
        %swap3A_359 = arith.constant 80 : index
        %swap3A_360 = tpu.vector_load %arg11[%swap3A_358, %swap3A_359] {strides = array<i32>} : memref<80x128xf32, #tpu.memory_space<vmem>>, vector<1x16xf32>,
        %swap3A_361 = vector.shape_cast %swap3A_360 : vector<1x16xf32> to vector<16xf32>
        %swap3A_362 = vector.shape_cast %mul3A_357 : vector<16xf32> to vector<1x16xf32>
        tpu.vector_store %arg11[%swap3A_358, %swap3A_359], %swap3A_362 {strides = array<i32>} : memref<80x128xf32, #tpu.memory_space<vmem>>, vector<1x16xf32>,
        %get3A_363 = arith.index_cast %add3A_302 : i32 to index
        %get3A_364 = arith.constant 96 : index
        %get3A_365 = tpu.vector_load %arg11[%get3A_363, %get3A_364] {strides = array<i32>} : memref<80x128xf32, #tpu.memory_space<vmem>>, vector<1x16xf32>,
        %get3A_366 = vector.shape_cast %get3A_365 : vector<1x16xf32> to vector<16xf32>
        %mul3A_367 = arith.mulf %get3A_366, %broadcast_in_dim3A_298 : vector<16xf32>
        %swap3A_368 = arith.index_cast %add3A_302 : i32 to index
        %swap3A_369 = arith.constant 96 : index
        %swap3A_370 = tpu.vector_load %arg11[%swap3A_368, %swap3A_369] {strides = array<i32>} : memref<80x128xf32, #tpu.memory_space<vmem>>, vector<1x16xf32>,
        %swap3A_371 = vector.shape_cast %swap3A_370 : vector<1x16xf32> to vector<16xf32>
        %swap3A_372 = vector.shape_cast %mul3A_367 : vector<16xf32> to vector<1x16xf32>
        tpu.vector_store %arg11[%swap3A_368, %swap3A_369], %swap3A_372 {strides = array<i32>} : memref<80x128xf32, #tpu.memory_space<vmem>>, vector<1x16xf32>,
        %get3A_373 = arith.index_cast %add3A_302 : i32 to index
        %get3A_374 = arith.constant 112 : index
        %get3A_375 = tpu.vector_load %arg11[%get3A_373, %get3A_374] {strides = array<i32>} : memref<80x128xf32, #tpu.memory_space<vmem>>, vector<1x16xf32>,
        %get3A_376 = vector.shape_cast %get3A_375 : vector<1x16xf32> to vector<16xf32>
        %mul3A_377 = arith.mulf %get3A_376, %broadcast_in_dim3A_298 : vector<16xf32>
        %swap3A_378 = arith.index_cast %add3A_302 : i32 to index
        %swap3A_379 = arith.constant 112 : index
        %swap3A_380 = tpu.vector_load %arg11[%swap3A_378, %swap3A_379] {strides = array<i32>} : memref<80x128xf32, #tpu.memory_space<vmem>>, vector<1x16xf32>,
        %swap3A_381 = vector.shape_cast %swap3A_380 : vector<1x16xf32> to vector<16xf32>
        %swap3A_382 = vector.shape_cast %mul3A_377 : vector<16xf32> to vector<1x16xf32>
        tpu.vector_store %arg11[%swap3A_378, %swap3A_379], %swap3A_382 {strides = array<i32>} : memref<80x128xf32, #tpu.memory_space<vmem>>, vector<1x16xf32>,
        %slice3A_383 = vector.extract_strided_slice %get3A_38 {offsets = [4], sizes = [1], strides = [1]} : vector<16xf32> to vector<1xf32>
        %squeeze3A_384 = vector.extract %slice3A_383[0] : f32 from vector<1xf32>
        %broadcast_in_dim3A_385 = vector.broadcast %squeeze3A_384 : f32 to vector<16xf32>
        %mul3A_386 = arith.constant 16 : i32
        %mul3A_387 = arith.muli %scan3A_34, %mul3A_386 : i32
        %add3A_388 = arith.constant 4 : i32
        %add3A_389 = arith.addi %mul3A_387, %add3A_388 : i32
        %get3A_390 = arith.index_cast %add3A_389 : i32 to index
        %get3A_391 = arith.constant 0 : index
        %get3A_392 = tpu.vector_load %arg11[%get3A_390, %get3A_391] {strides = array<i32>} : memref<80x128xf32, #tpu.memory_space<vmem>>, vector<1x16xf32>,
        %get3A_393 = vector.shape_cast %get3A_392 : vector<1x16xf32> to vector<16xf32>
        %mul3A_394 = arith.mulf %get3A_393, %broadcast_in_dim3A_385 : vector<16xf32>
        %swap3A_395 = arith.index_cast %add3A_389 : i32 to index
        %swap3A_396 = arith.constant 0 : index
        %swap3A_397 = tpu.vector_load %arg11[%swap3A_395, %swap3A_396] {strides = array<i32>} : memref<80x128xf32, #tpu.memory_space<vmem>>, vector<1x16xf32>,
        %swap3A_398 = vector.shape_cast %swap3A_397 : vector<1x16xf32> to vector<16xf32>
        %swap3A_399 = vector.shape_cast %mul3A_394 : vector<16xf32> to vector<1x16xf32>
        tpu.vector_store %arg11[%swap3A_395, %swap3A_396], %swap3A_399 {strides = array<i32>} : memref<80x128xf32, #tpu.memory_space<vmem>>, vector<1x16xf32>,
        %get3A_400 = arith.index_cast %add3A_389 : i32 to index
        %get3A_401 = arith.constant 16 : index
        %get3A_402 = tpu.vector_load %arg11[%get3A_400, %get3A_401] {strides = array<i32>} : memref<80x128xf32, #tpu.memory_space<vmem>>, vector<1x16xf32>,
        %get3A_403 = vector.shape_cast %get3A_402 : vector<1x16xf32> to vector<16xf32>
        %mul3A_404 = arith.mulf %get3A_403, %broadcast_in_dim3A_385 : vector<16xf32>
        %swap3A_405 = arith.index_cast %add3A_389 : i32 to index
        %swap3A_406 = arith.constant 16 : index
        %swap3A_407 = tpu.vector_load %arg11[%swap3A_405, %swap3A_406] {strides = array<i32>} : memref<80x128xf32, #tpu.memory_space<vmem>>, vector<1x16xf32>,
        %swap3A_408 = vector.shape_cast %swap3A_407 : vector<1x16xf32> to vector<16xf32>
        %swap3A_409 = vector.shape_cast %mul3A_404 : vector<16xf32> to vector<1x16xf32>
        tpu.vector_store %arg11[%swap3A_405, %swap3A_406], %swap3A_409 {strides = array<i32>} : memref<80x128xf32, #tpu.memory_space<vmem>>, vector<1x16xf32>,
        %get3A_410 = arith.index_cast %add3A_389 : i32 to index
        %get3A_411 = arith.constant 32 : index
        %get3A_412 = tpu.vector_load %arg11[%get3A_410, %get3A_411] {strides = array<i32>} : memref<80x128xf32, #tpu.memory_space<vmem>>, vector<1x16xf32>,
        %get3A_413 = vector.shape_cast %get3A_412 : vector<1x16xf32> to vector<16xf32>
        %mul3A_414 = arith.mulf %get3A_413, %broadcast_in_dim3A_385 : vector<16xf32>
        %swap3A_415 = arith.index_cast %add3A_389 : i32 to index
        %swap3A_416 = arith.constant 32 : index
        %swap3A_417 = tpu.vector_load %arg11[%swap3A_415, %swap3A_416] {strides = array<i32>} : memref<80x128xf32, #tpu.memory_space<vmem>>, vector<1x16xf32>,
        %swap3A_418 = vector.shape_cast %swap3A_417 : vector<1x16xf32> to vector<16xf32>
        %swap3A_419 = vector.shape_cast %mul3A_414 : vector<16xf32> to vector<1x16xf32>
        tpu.vector_store %arg11[%swap3A_415, %swap3A_416], %swap3A_419 {strides = array<i32>} : memref<80x128xf32, #tpu.memory_space<vmem>>, vector<1x16xf32>,
        %get3A_420 = arith.index_cast %add3A_389 : i32 to index
        %get3A_421 = arith.constant 48 : index
        %get3A_422 = tpu.vector_load %arg11[%get3A_420, %get3A_421] {strides = array<i32>} : memref<80x128xf32, #tpu.memory_space<vmem>>, vector<1x16xf32>,
        %get3A_423 = vector.shape_cast %get3A_422 : vector<1x16xf32> to vector<16xf32>
        %mul3A_424 = arith.mulf %get3A_423, %broadcast_in_dim3A_385 : vector<16xf32>
        %swap3A_425 = arith.index_cast %add3A_389 : i32 to index
        %swap3A_426 = arith.constant 48 : index
        %swap3A_427 = tpu.vector_load %arg11[%swap3A_425, %swap3A_426] {strides = array<i32>} : memref<80x128xf32, #tpu.memory_space<vmem>>, vector<1x16xf32>,
        %swap3A_428 = vector.shape_cast %swap3A_427 : vector<1x16xf32> to vector<16xf32>
        %swap3A_429 = vector.shape_cast %mul3A_424 : vector<16xf32> to vector<1x16xf32>
        tpu.vector_store %arg11[%swap3A_425, %swap3A_426], %swap3A_429 {strides = array<i32>} : memref<80x128xf32, #tpu.memory_space<vmem>>, vector<1x16xf32>,
        %get3A_430 = arith.index_cast %add3A_389 : i32 to index
        %get3A_431 = arith.constant 64 : index
        %get3A_432 = tpu.vector_load %arg11[%get3A_430, %get3A_431] {strides = array<i32>} : memref<80x128xf32, #tpu.memory_space<vmem>>, vector<1x16xf32>,
        %get3A_433 = vector.shape_cast %get3A_432 : vector<1x16xf32> to vector<16xf32>
        %mul3A_434 = arith.mulf %get3A_433, %broadcast_in_dim3A_385 : vector<16xf32>
        %swap3A_435 = arith.index_cast %add3A_389 : i32 to index
        %swap3A_436 = arith.constant 64 : index
        %swap3A_437 = tpu.vector_load %arg11[%swap3A_435, %swap3A_436] {strides = array<i32>} : memref<80x128xf32, #tpu.memory_space<vmem>>, vector<1x16xf32>,
        %swap3A_438 = vector.shape_cast %swap3A_437 : vector<1x16xf32> to vector<16xf32>
        %swap3A_439 = vector.shape_cast %mul3A_434 : vector<16xf32> to vector<1x16xf32>
        tpu.vector_store %arg11[%swap3A_435, %swap3A_436], %swap3A_439 {strides = array<i32>} : memref<80x128xf32, #tpu.memory_space<vmem>>, vector<1x16xf32>,
        %get3A_440 = arith.index_cast %add3A_389 : i32 to index
        %get3A_441 = arith.constant 80 : index
        %get3A_442 = tpu.vector_load %arg11[%get3A_440, %get3A_441] {strides = array<i32>} : memref<80x128xf32, #tpu.memory_space<vmem>>, vector<1x16xf32>,
        %get3A_443 = vector.shape_cast %get3A_442 : vector<1x16xf32> to vector<16xf32>
        %mul3A_444 = arith.mulf %get3A_443, %broadcast_in_dim3A_385 : vector<16xf32>
        %swap3A_445 = arith.index_cast %add3A_389 : i32 to index
        %swap3A_446 = arith.constant 80 : index
        %swap3A_447 = tpu.vector_load %arg11[%swap3A_445, %swap3A_446] {strides = array<i32>} : memref<80x128xf32, #tpu.memory_space<vmem>>, vector<1x16xf32>,
        %swap3A_448 = vector.shape_cast %swap3A_447 : vector<1x16xf32> to vector<16xf32>
        %swap3A_449 = vector.shape_cast %mul3A_444 : vector<16xf32> to vector<1x16xf32>
        tpu.vector_store %arg11[%swap3A_445, %swap3A_446], %swap3A_449 {strides = array<i32>} : memref<80x128xf32, #tpu.memory_space<vmem>>, vector<1x16xf32>,
        %get3A_450 = arith.index_cast %add3A_389 : i32 to index
        %get3A_451 = arith.constant 96 : index
        %get3A_452 = tpu.vector_load %arg11[%get3A_450, %get3A_451] {strides = array<i32>} : memref<80x128xf32, #tpu.memory_space<vmem>>, vector<1x16xf32>,
        %get3A_453 = vector.shape_cast %get3A_452 : vector<1x16xf32> to vector<16xf32>
        %mul3A_454 = arith.mulf %get3A_453, %broadcast_in_dim3A_385 : vector<16xf32>
        %swap3A_455 = arith.index_cast %add3A_389 : i32 to index
        %swap3A_456 = arith.constant 96 : index
        %swap3A_457 = tpu.vector_load %arg11[%swap3A_455, %swap3A_456] {strides = array<i32>} : memref<80x128xf32, #tpu.memory_space<vmem>>, vector<1x16xf32>,
        %swap3A_458 = vector.shape_cast %swap3A_457 : vector<1x16xf32> to vector<16xf32>
        %swap3A_459 = vector.shape_cast %mul3A_454 : vector<16xf32> to vector<1x16xf32>
        tpu.vector_store %arg11[%swap3A_455, %swap3A_456], %swap3A_459 {strides = array<i32>} : memref<80x128xf32, #tpu.memory_space<vmem>>, vector<1x16xf32>,
        %get3A_460 = arith.index_cast %add3A_389 : i32 to index
        %get3A_461 = arith.constant 112 : index
        %get3A_462 = tpu.vector_load %arg11[%get3A_460, %get3A_461] {strides = array<i32>} : memref<80x128xf32, #tpu.memory_space<vmem>>, vector<1x16xf32>,
        %get3A_463 = vector.shape_cast %get3A_462 : vector<1x16xf32> to vector<16xf32>
        %mul3A_464 = arith.mulf %get3A_463, %broadcast_in_dim3A_385 : vector<16xf32>
        %swap3A_465 = arith.index_cast %add3A_389 : i32 to index
        %swap3A_466 = arith.constant 112 : index
        %swap3A_467 = tpu.vector_load %arg11[%swap3A_465, %swap3A_466] {strides = array<i32>} : memref<80x128xf32, #tpu.memory_space<vmem>>, vector<1x16xf32>,
        %swap3A_468 = vector.shape_cast %swap3A_467 : vector<1x16xf32> to vector<16xf32>
        %swap3A_469 = vector.shape_cast %mul3A_464 : vector<16xf32> to vector<1x16xf32>
        tpu.vector_store %arg11[%swap3A_465, %swap3A_466], %swap3A_469 {strides = array<i32>} : memref<80x128xf32, #tpu.memory_space<vmem>>, vector<1x16xf32>,
        %slice3A_470 = vector.extract_strided_slice %get3A_38 {offsets = [5], sizes = [1], strides = [1]} : vector<16xf32> to vector<1xf32>
        %squeeze3A_471 = vector.extract %slice3A_470[0] : f32 from vector<1xf32>
        %broadcast_in_dim3A_472 = vector.broadcast %squeeze3A_471 : f32 to vector<16xf32>
        %mul3A_473 = arith.constant 16 : i32
        %mul3A_474 = arith.muli %scan3A_34, %mul3A_473 : i32
        %add3A_475 = arith.constant 5 : i32
        %add3A_476 = arith.addi %mul3A_474, %add3A_475 : i32
        %get3A_477 = arith.index_cast %add3A_476 : i32 to index
        %get3A_478 = arith.constant 0 : index
        %get3A_479 = tpu.vector_load %arg11[%get3A_477, %get3A_478] {strides = array<i32>} : memref<80x128xf32, #tpu.memory_space<vmem>>, vector<1x16xf32>,
        %get3A_480 = vector.shape_cast %get3A_479 : vector<1x16xf32> to vector<16xf32>
        %mul3A_481 = arith.mulf %get3A_480, %broadcast_in_dim3A_472 : vector<16xf32>
        %swap3A_482 = arith.index_cast %add3A_476 : i32 to index
        %swap3A_483 = arith.constant 0 : index
        %swap3A_484 = tpu.vector_load %arg11[%swap3A_482, %swap3A_483] {strides = array<i32>} : memref<80x128xf32, #tpu.memory_space<vmem>>, vector<1x16xf32>,
        %swap3A_485 = vector.shape_cast %swap3A_484 : vector<1x16xf32> to vector<16xf32>
        %swap3A_486 = vector.shape_cast %mul3A_481 : vector<16xf32> to vector<1x16xf32>
        tpu.vector_store %arg11[%swap3A_482, %swap3A_483], %swap3A_486 {strides = array<i32>} : memref<80x128xf32, #tpu.memory_space<vmem>>, vector<1x16xf32>,
        %get3A_487 = arith.index_cast %add3A_476 : i32 to index
        %get3A_488 = arith.constant 16 : index
        %get3A_489 = tpu.vector_load %arg11[%get3A_487, %get3A_488] {strides = array<i32>} : memref<80x128xf32, #tpu.memory_space<vmem>>, vector<1x16xf32>,
        %get3A_490 = vector.shape_cast %get3A_489 : vector<1x16xf32> to vector<16xf32>
        %mul3A_491 = arith.mulf %get3A_490, %broadcast_in_dim3A_472 : vector<16xf32>
        %swap3A_492 = arith.index_cast %add3A_476 : i32 to index
        %swap3A_493 = arith.constant 16 : index
        %swap3A_494 = tpu.vector_load %arg11[%swap3A_492, %swap3A_493] {strides = array<i32>} : memref<80x128xf32, #tpu.memory_space<vmem>>, vector<1x16xf32>,
        %swap3A_495 = vector.shape_cast %swap3A_494 : vector<1x16xf32> to vector<16xf32>
        %swap3A_496 = vector.shape_cast %mul3A_491 : vector<16xf32> to vector<1x16xf32>
        tpu.vector_store %arg11[%swap3A_492, %swap3A_493], %swap3A_496 {strides = array<i32>} : memref<80x128xf32, #tpu.memory_space<vmem>>, vector<1x16xf32>,
        %get3A_497 = arith.index_cast %add3A_476 : i32 to index
        %get3A_498 = arith.constant 32 : index
        %get3A_499 = tpu.vector_load %arg11[%get3A_497, %get3A_498] {strides = array<i32>} : memref<80x128xf32, #tpu.memory_space<vmem>>, vector<1x16xf32>,
        %get3A_500 = vector.shape_cast %get3A_499 : vector<1x16xf32> to vector<16xf32>
        %mul3A_501 = arith.mulf %get3A_500, %broadcast_in_dim3A_472 : vector<16xf32>
        %swap3A_502 = arith.index_cast %add3A_476 : i32 to index
        %swap3A_503 = arith.constant 32 : index
        %swap3A_504 = tpu.vector_load %arg11[%swap3A_502, %swap3A_503] {strides = array<i32>} : memref<80x128xf32, #tpu.memory_space<vmem>>, vector<1x16xf32>,
        %swap3A_505 = vector.shape_cast %swap3A_504 : vector<1x16xf32> to vector<16xf32>
        %swap3A_506 = vector.shape_cast %mul3A_501 : vector<16xf32> to vector<1x16xf32>
        tpu.vector_store %arg11[%swap3A_502, %swap3A_503], %swap3A_506 {strides = array<i32>} : memref<80x128xf32, #tpu.memory_space<vmem>>, vector<1x16xf32>,
        %get3A_507 = arith.index_cast %add3A_476 : i32 to index
        %get3A_508 = arith.constant 48 : index
        %get3A_509 = tpu.vector_load %arg11[%get3A_507, %get3A_508] {strides = array<i32>} : memref<80x128xf32, #tpu.memory_space<vmem>>, vector<1x16xf32>,
        %get3A_510 = vector.shape_cast %get3A_509 : vector<1x16xf32> to vector<16xf32>
        %mul3A_511 = arith.mulf %get3A_510, %broadcast_in_dim3A_472 : vector<16xf32>
        %swap3A_512 = arith.index_cast %add3A_476 : i32 to index
        %swap3A_513 = arith.constant 48 : index
        %swap3A_514 = tpu.vector_load %arg11[%swap3A_512, %swap3A_513] {strides = array<i32>} : memref<80x128xf32, #tpu.memory_space<vmem>>, vector<1x16xf32>,
        %swap3A_515 = vector.shape_cast %swap3A_514 : vector<1x16xf32> to vector<16xf32>
        %swap3A_516 = vector.shape_cast %mul3A_511 : vector<16xf32> to vector<1x16xf32>
        tpu.vector_store %arg11[%swap3A_512, %swap3A_513], %swap3A_516 {strides = array<i32>} : memref<80x128xf32, #tpu.memory_space<vmem>>, vector<1x16xf32>,
        %get3A_517 = arith.index_cast %add3A_476 : i32 to index
        %get3A_518 = arith.constant 64 : index
        %get3A_519 = tpu.vector_load %arg11[%get3A_517, %get3A_518] {strides = array<i32>} : memref<80x128xf32, #tpu.memory_space<vmem>>, vector<1x16xf32>,
        %get3A_520 = vector.shape_cast %get3A_519 : vector<1x16xf32> to vector<16xf32>
        %mul3A_521 = arith.mulf %get3A_520, %broadcast_in_dim3A_472 : vector<16xf32>
        %swap3A_522 = arith.index_cast %add3A_476 : i32 to index
        %swap3A_523 = arith.constant 64 : index
        %swap3A_524 = tpu.vector_load %arg11[%swap3A_522, %swap3A_523] {strides = array<i32>} : memref<80x128xf32, #tpu.memory_space<vmem>>, vector<1x16xf32>,
        %swap3A_525 = vector.shape_cast %swap3A_524 : vector<1x16xf32> to vector<16xf32>
        %swap3A_526 = vector.shape_cast %mul3A_521 : vector<16xf32> to vector<1x16xf32>
        tpu.vector_store %arg11[%swap3A_522, %swap3A_523], %swap3A_526 {strides = array<i32>} : memref<80x128xf32, #tpu.memory_space<vmem>>, vector<1x16xf32>,
        %get3A_527 = arith.index_cast %add3A_476 : i32 to index
        %get3A_528 = arith.constant 80 : index
        %get3A_529 = tpu.vector_load %arg11[%get3A_527, %get3A_528] {strides = array<i32>} : memref<80x128xf32, #tpu.memory_space<vmem>>, vector<1x16xf32>,
        %get3A_530 = vector.shape_cast %get3A_529 : vector<1x16xf32> to vector<16xf32>
        %mul3A_531 = arith.mulf %get3A_530, %broadcast_in_dim3A_472 : vector<16xf32>
        %swap3A_532 = arith.index_cast %add3A_476 : i32 to index
        %swap3A_533 = arith.constant 80 : index
        %swap3A_534 = tpu.vector_load %arg11[%swap3A_532, %swap3A_533] {strides = array<i32>} : memref<80x128xf32, #tpu.memory_space<vmem>>, vector<1x16xf32>,
        %swap3A_535 = vector.shape_cast %swap3A_534 : vector<1x16xf32> to vector<16xf32>
        %swap3A_536 = vector.shape_cast %mul3A_531 : vector<16xf32> to vector<1x16xf32>
        tpu.vector_store %arg11[%swap3A_532, %swap3A_533], %swap3A_536 {strides = array<i32>} : memref<80x128xf32, #tpu.memory_space<vmem>>, vector<1x16xf32>,
        %get3A_537 = arith.index_cast %add3A_476 : i32 to index
        %get3A_538 = arith.constant 96 : index
        %get3A_539 = tpu.vector_load %arg11[%get3A_537, %get3A_538] {strides = array<i32>} : memref<80x128xf32, #tpu.memory_space<vmem>>, vector<1x16xf32>,
        %get3A_540 = vector.shape_cast %get3A_539 : vector<1x16xf32> to vector<16xf32>
        %mul3A_541 = arith.mulf %get3A_540, %broadcast_in_dim3A_472 : vector<16xf32>
        %swap3A_542 = arith.index_cast %add3A_476 : i32 to index
        %swap3A_543 = arith.constant 96 : index
        %swap3A_544 = tpu.vector_load %arg11[%swap3A_542, %swap3A_543] {strides = array<i32>} : memref<80x128xf32, #tpu.memory_space<vmem>>, vector<1x16xf32>,
        %swap3A_545 = vector.shape_cast %swap3A_544 : vector<1x16xf32> to vector<16xf32>
        %swap3A_546 = vector.shape_cast %mul3A_541 : vector<16xf32> to vector<1x16xf32>
        tpu.vector_store %arg11[%swap3A_542, %swap3A_543], %swap3A_546 {strides = array<i32>} : memref<80x128xf32, #tpu.memory_space<vmem>>, vector<1x16xf32>,
        %get3A_547 = arith.index_cast %add3A_476 : i32 to index
        %get3A_548 = arith.constant 112 : index
        %get3A_549 = tpu.vector_load %arg11[%get3A_547, %get3A_548] {strides = array<i32>} : memref<80x128xf32, #tpu.memory_space<vmem>>, vector<1x16xf32>,
        %get3A_550 = vector.shape_cast %get3A_549 : vector<1x16xf32> to vector<16xf32>
        %mul3A_551 = arith.mulf %get3A_550, %broadcast_in_dim3A_472 : vector<16xf32>
        %swap3A_552 = arith.index_cast %add3A_476 : i32 to index
        %swap3A_553 = arith.constant 112 : index
        %swap3A_554 = tpu.vector_load %arg11[%swap3A_552, %swap3A_553] {strides = array<i32>} : memref<80x128xf32, #tpu.memory_space<vmem>>, vector<1x16xf32>,
        %swap3A_555 = vector.shape_cast %swap3A_554 : vector<1x16xf32> to vector<16xf32>
        %swap3A_556 = vector.shape_cast %mul3A_551 : vector<16xf32> to vector<1x16xf32>
        tpu.vector_store %arg11[%swap3A_552, %swap3A_553], %swap3A_556 {strides = array<i32>} : memref<80x128xf32, #tpu.memory_space<vmem>>, vector<1x16xf32>,
        %slice3A_557 = vector.extract_strided_slice %get3A_38 {offsets = [6], sizes = [1], strides = [1]} : vector<16xf32> to vector<1xf32>
        %squeeze3A_558 = vector.extract %slice3A_557[0] : f32 from vector<1xf32>
        %broadcast_in_dim3A_559 = vector.broadcast %squeeze3A_558 : f32 to vector<16xf32>
        %mul3A_560 = arith.constant 16 : i32
        %mul3A_561 = arith.muli %scan3A_34, %mul3A_560 : i32
        %add3A_562 = arith.constant 6 : i32
        %add3A_563 = arith.addi %mul3A_561, %add3A_562 : i32
        %get3A_564 = arith.index_cast %add3A_563 : i32 to index
        %get3A_565 = arith.constant 0 : index
        %get3A_566 = tpu.vector_load %arg11[%get3A_564, %get3A_565] {strides = array<i32>} : memref<80x128xf32, #tpu.memory_space<vmem>>, vector<1x16xf32>,
        %get3A_567 = vector.shape_cast %get3A_566 : vector<1x16xf32> to vector<16xf32>
        %mul3A_568 = arith.mulf %get3A_567, %broadcast_in_dim3A_559 : vector<16xf32>
        %swap3A_569 = arith.index_cast %add3A_563 : i32 to index
        %swap3A_570 = arith.constant 0 : index
        %swap3A_571 = tpu.vector_load %arg11[%swap3A_569, %swap3A_570] {strides = array<i32>} : memref<80x128xf32, #tpu.memory_space<vmem>>, vector<1x16xf32>,
        %swap3A_572 = vector.shape_cast %swap3A_571 : vector<1x16xf32> to vector<16xf32>
        %swap3A_573 = vector.shape_cast %mul3A_568 : vector<16xf32> to vector<1x16xf32>
        tpu.vector_store %arg11[%swap3A_569, %swap3A_570], %swap3A_573 {strides = array<i32>} : memref<80x128xf32, #tpu.memory_space<vmem>>, vector<1x16xf32>,
        %get3A_574 = arith.index_cast %add3A_563 : i32 to index
        %get3A_575 = arith.constant 16 : index
        %get3A_576 = tpu.vector_load %arg11[%get3A_574, %get3A_575] {strides = array<i32>} : memref<80x128xf32, #tpu.memory_space<vmem>>, vector<1x16xf32>,
        %get3A_577 = vector.shape_cast %get3A_576 : vector<1x16xf32> to vector<16xf32>
        %mul3A_578 = arith.mulf %get3A_577, %broadcast_in_dim3A_559 : vector<16xf32>
        %swap3A_579 = arith.index_cast %add3A_563 : i32 to index
        %swap3A_580 = arith.constant 16 : index
        %swap3A_581 = tpu.vector_load %arg11[%swap3A_579, %swap3A_580] {strides = array<i32>} : memref<80x128xf32, #tpu.memory_space<vmem>>, vector<1x16xf32>,
        %swap3A_582 = vector.shape_cast %swap3A_581 : vector<1x16xf32> to vector<16xf32>
        %swap3A_583 = vector.shape_cast %mul3A_578 : vector<16xf32> to vector<1x16xf32>
        tpu.vector_store %arg11[%swap3A_579, %swap3A_580], %swap3A_583 {strides = array<i32>} : memref<80x128xf32, #tpu.memory_space<vmem>>, vector<1x16xf32>,
        %get3A_584 = arith.index_cast %add3A_563 : i32 to index
        %get3A_585 = arith.constant 32 : index
        %get3A_586 = tpu.vector_load %arg11[%get3A_584, %get3A_585] {strides = array<i32>} : memref<80x128xf32, #tpu.memory_space<vmem>>, vector<1x16xf32>,
        %get3A_587 = vector.shape_cast %get3A_586 : vector<1x16xf32> to vector<16xf32>
        %mul3A_588 = arith.mulf %get3A_587, %broadcast_in_dim3A_559 : vector<16xf32>
        %swap3A_589 = arith.index_cast %add3A_563 : i32 to index
        %swap3A_590 = arith.constant 32 : index
        %swap3A_591 = tpu.vector_load %arg11[%swap3A_589, %swap3A_590] {strides = array<i32>} : memref<80x128xf32, #tpu.memory_space<vmem>>, vector<1x16xf32>,
        %swap3A_592 = vector.shape_cast %swap3A_591 : vector<1x16xf32> to vector<16xf32>
        %swap3A_593 = vector.shape_cast %mul3A_588 : vector<16xf32> to vector<1x16xf32>
        tpu.vector_store %arg11[%swap3A_589, %swap3A_590], %swap3A_593 {strides = array<i32>} : memref<80x128xf32, #tpu.memory_space<vmem>>, vector<1x16xf32>,
        %get3A_594 = arith.index_cast %add3A_563 : i32 to index
        %get3A_595 = arith.constant 48 : index
        %get3A_596 = tpu.vector_load %arg11[%get3A_594, %get3A_595] {strides = array<i32>} : memref<80x128xf32, #tpu.memory_space<vmem>>, vector<1x16xf32>,
        %get3A_597 = vector.shape_cast %get3A_596 : vector<1x16xf32> to vector<16xf32>
        %mul3A_598 = arith.mulf %get3A_597, %broadcast_in_dim3A_559 : vector<16xf32>
        %swap3A_599 = arith.index_cast %add3A_563 : i32 to index
        %swap3A_600 = arith.constant 48 : index
        %swap3A_601 = tpu.vector_load %arg11[%swap3A_599, %swap3A_600] {strides = array<i32>} : memref<80x128xf32, #tpu.memory_space<vmem>>, vector<1x16xf32>,
        %swap3A_602 = vector.shape_cast %swap3A_601 : vector<1x16xf32> to vector<16xf32>
        %swap3A_603 = vector.shape_cast %mul3A_598 : vector<16xf32> to vector<1x16xf32>
        tpu.vector_store %arg11[%swap3A_599, %swap3A_600], %swap3A_603 {strides = array<i32>} : memref<80x128xf32, #tpu.memory_space<vmem>>, vector<1x16xf32>,
        %get3A_604 = arith.index_cast %add3A_563 : i32 to index
        %get3A_605 = arith.constant 64 : index
        %get3A_606 = tpu.vector_load %arg11[%get3A_604, %get3A_605] {strides = array<i32>} : memref<80x128xf32, #tpu.memory_space<vmem>>, vector<1x16xf32>,
        %get3A_607 = vector.shape_cast %get3A_606 : vector<1x16xf32> to vector<16xf32>
        %mul3A_608 = arith.mulf %get3A_607, %broadcast_in_dim3A_559 : vector<16xf32>
        %swap3A_609 = arith.index_cast %add3A_563 : i32 to index
        %swap3A_610 = arith.constant 64 : index
        %swap3A_611 = tpu.vector_load %arg11[%swap3A_609, %swap3A_610] {strides = array<i32>} : memref<80x128xf32, #tpu.memory_space<vmem>>, vector<1x16xf32>,
        %swap3A_612 = vector.shape_cast %swap3A_611 : vector<1x16xf32> to vector<16xf32>
        %swap3A_613 = vector.shape_cast %mul3A_608 : vector<16xf32> to vector<1x16xf32>
        tpu.vector_store %arg11[%swap3A_609, %swap3A_610], %swap3A_613 {strides = array<i32>} : memref<80x128xf32, #tpu.memory_space<vmem>>, vector<1x16xf32>,
        %get3A_614 = arith.index_cast %add3A_563 : i32 to index
        %get3A_615 = arith.constant 80 : index
        %get3A_616 = tpu.vector_load %arg11[%get3A_614, %get3A_615] {strides = array<i32>} : memref<80x128xf32, #tpu.memory_space<vmem>>, vector<1x16xf32>,
        %get3A_617 = vector.shape_cast %get3A_616 : vector<1x16xf32> to vector<16xf32>
        %mul3A_618 = arith.mulf %get3A_617, %broadcast_in_dim3A_559 : vector<16xf32>
        %swap3A_619 = arith.index_cast %add3A_563 : i32 to index
        %swap3A_620 = arith.constant 80 : index
        %swap3A_621 = tpu.vector_load %arg11[%swap3A_619, %swap3A_620] {strides = array<i32>} : memref<80x128xf32, #tpu.memory_space<vmem>>, vector<1x16xf32>,
        %swap3A_622 = vector.shape_cast %swap3A_621 : vector<1x16xf32> to vector<16xf32>
        %swap3A_623 = vector.shape_cast %mul3A_618 : vector<16xf32> to vector<1x16xf32>
        tpu.vector_store %arg11[%swap3A_619, %swap3A_620], %swap3A_623 {strides = array<i32>} : memref<80x128xf32, #tpu.memory_space<vmem>>, vector<1x16xf32>,
        %get3A_624 = arith.index_cast %add3A_563 : i32 to index
        %get3A_625 = arith.constant 96 : index
        %get3A_626 = tpu.vector_load %arg11[%get3A_624, %get3A_625] {strides = array<i32>} : memref<80x128xf32, #tpu.memory_space<vmem>>, vector<1x16xf32>,
        %get3A_627 = vector.shape_cast %get3A_626 : vector<1x16xf32> to vector<16xf32>
        %mul3A_628 = arith.mulf %get3A_627, %broadcast_in_dim3A_559 : vector<16xf32>
        %swap3A_629 = arith.index_cast %add3A_563 : i32 to index
        %swap3A_630 = arith.constant 96 : index
        %swap3A_631 = tpu.vector_load %arg11[%swap3A_629, %swap3A_630] {strides = array<i32>} : memref<80x128xf32, #tpu.memory_space<vmem>>, vector<1x16xf32>,
        %swap3A_632 = vector.shape_cast %swap3A_631 : vector<1x16xf32> to vector<16xf32>
        %swap3A_633 = vector.shape_cast %mul3A_628 : vector<16xf32> to vector<1x16xf32>
        tpu.vector_store %arg11[%swap3A_629, %swap3A_630], %swap3A_633 {strides = array<i32>} : memref<80x128xf32, #tpu.memory_space<vmem>>, vector<1x16xf32>,
        %get3A_634 = arith.index_cast %add3A_563 : i32 to index
        %get3A_635 = arith.constant 112 : index
        %get3A_636 = tpu.vector_load %arg11[%get3A_634, %get3A_635] {strides = array<i32>} : memref<80x128xf32, #tpu.memory_space<vmem>>, vector<1x16xf32>,
        %get3A_637 = vector.shape_cast %get3A_636 : vector<1x16xf32> to vector<16xf32>
        %mul3A_638 = arith.mulf %get3A_637, %broadcast_in_dim3A_559 : vector<16xf32>
        %swap3A_639 = arith.index_cast %add3A_563 : i32 to index
        %swap3A_640 = arith.constant 112 : index
        %swap3A_641 = tpu.vector_load %arg11[%swap3A_639, %swap3A_640] {strides = array<i32>} : memref<80x128xf32, #tpu.memory_space<vmem>>, vector<1x16xf32>,
        %swap3A_642 = vector.shape_cast %swap3A_641 : vector<1x16xf32> to vector<16xf32>
        %swap3A_643 = vector.shape_cast %mul3A_638 : vector<16xf32> to vector<1x16xf32>
        tpu.vector_store %arg11[%swap3A_639, %swap3A_640], %swap3A_643 {strides = array<i32>} : memref<80x128xf32, #tpu.memory_space<vmem>>, vector<1x16xf32>,
        %slice3A_644 = vector.extract_strided_slice %get3A_38 {offsets = [7], sizes = [1], strides = [1]} : vector<16xf32> to vector<1xf32>
        %squeeze3A_645 = vector.extract %slice3A_644[0] : f32 from vector<1xf32>
        %broadcast_in_dim3A_646 = vector.broadcast %squeeze3A_645 : f32 to vector<16xf32>
        %mul3A_647 = arith.constant 16 : i32
        %mul3A_648 = arith.muli %scan3A_34, %mul3A_647 : i32
        %add3A_649 = arith.constant 7 : i32
        %add3A_650 = arith.addi %mul3A_648, %add3A_649 : i32
        %get3A_651 = arith.index_cast %add3A_650 : i32 to index
        %get3A_652 = arith.constant 0 : index
        %get3A_653 = tpu.vector_load %arg11[%get3A_651, %get3A_652] {strides = array<i32>} : memref<80x128xf32, #tpu.memory_space<vmem>>, vector<1x16xf32>,
        %get3A_654 = vector.shape_cast %get3A_653 : vector<1x16xf32> to vector<16xf32>
        %mul3A_655 = arith.mulf %get3A_654, %broadcast_in_dim3A_646 : vector<16xf32>
        %swap3A_656 = arith.index_cast %add3A_650 : i32 to index
        %swap3A_657 = arith.constant 0 : index
        %swap3A_658 = tpu.vector_load %arg11[%swap3A_656, %swap3A_657] {strides = array<i32>} : memref<80x128xf32, #tpu.memory_space<vmem>>, vector<1x16xf32>,
        %swap3A_659 = vector.shape_cast %swap3A_658 : vector<1x16xf32> to vector<16xf32>
        %swap3A_660 = vector.shape_cast %mul3A_655 : vector<16xf32> to vector<1x16xf32>
        tpu.vector_store %arg11[%swap3A_656, %swap3A_657], %swap3A_660 {strides = array<i32>} : memref<80x128xf32, #tpu.memory_space<vmem>>, vector<1x16xf32>,
        %get3A_661 = arith.index_cast %add3A_650 : i32 to index
        %get3A_662 = arith.constant 16 : index
        %get3A_663 = tpu.vector_load %arg11[%get3A_661, %get3A_662] {strides = array<i32>} : memref<80x128xf32, #tpu.memory_space<vmem>>, vector<1x16xf32>,
        %get3A_664 = vector.shape_cast %get3A_663 : vector<1x16xf32> to vector<16xf32>
        %mul3A_665 = arith.mulf %get3A_664, %broadcast_in_dim3A_646 : vector<16xf32>
        %swap3A_666 = arith.index_cast %add3A_650 : i32 to index
        %swap3A_667 = arith.constant 16 : index
        %swap3A_668 = tpu.vector_load %arg11[%swap3A_666, %swap3A_667] {strides = array<i32>} : memref<80x128xf32, #tpu.memory_space<vmem>>, vector<1x16xf32>,
        %swap3A_669 = vector.shape_cast %swap3A_668 : vector<1x16xf32> to vector<16xf32>
        %swap3A_670 = vector.shape_cast %mul3A_665 : vector<16xf32> to vector<1x16xf32>
        tpu.vector_store %arg11[%swap3A_666, %swap3A_667], %swap3A_670 {strides = array<i32>} : memref<80x128xf32, #tpu.memory_space<vmem>>, vector<1x16xf32>,
        %get3A_671 = arith.index_cast %add3A_650 : i32 to index
        %get3A_672 = arith.constant 32 : index
        %get3A_673 = tpu.vector_load %arg11[%get3A_671, %get3A_672] {strides = array<i32>} : memref<80x128xf32, #tpu.memory_space<vmem>>, vector<1x16xf32>,
        %get3A_674 = vector.shape_cast %get3A_673 : vector<1x16xf32> to vector<16xf32>
        %mul3A_675 = arith.mulf %get3A_674, %broadcast_in_dim3A_646 : vector<16xf32>
        %swap3A_676 = arith.index_cast %add3A_650 : i32 to index
        %swap3A_677 = arith.constant 32 : index
        %swap3A_678 = tpu.vector_load %arg11[%swap3A_676, %swap3A_677] {strides = array<i32>} : memref<80x128xf32, #tpu.memory_space<vmem>>, vector<1x16xf32>,
        %swap3A_679 = vector.shape_cast %swap3A_678 : vector<1x16xf32> to vector<16xf32>
        %swap3A_680 = vector.shape_cast %mul3A_675 : vector<16xf32> to vector<1x16xf32>
        tpu.vector_store %arg11[%swap3A_676, %swap3A_677], %swap3A_680 {strides = array<i32>} : memref<80x128xf32, #tpu.memory_space<vmem>>, vector<1x16xf32>,
        %get3A_681 = arith.index_cast %add3A_650 : i32 to index
        %get3A_682 = arith.constant 48 : index
        %get3A_683 = tpu.vector_load %arg11[%get3A_681, %get3A_682] {strides = array<i32>} : memref<80x128xf32, #tpu.memory_space<vmem>>, vector<1x16xf32>,
        %get3A_684 = vector.shape_cast %get3A_683 : vector<1x16xf32> to vector<16xf32>
        %mul3A_685 = arith.mulf %get3A_684, %broadcast_in_dim3A_646 : vector<16xf32>
        %swap3A_686 = arith.index_cast %add3A_650 : i32 to index
        %swap3A_687 = arith.constant 48 : index
        %swap3A_688 = tpu.vector_load %arg11[%swap3A_686, %swap3A_687] {strides = array<i32>} : memref<80x128xf32, #tpu.memory_space<vmem>>, vector<1x16xf32>,
        %swap3A_689 = vector.shape_cast %swap3A_688 : vector<1x16xf32> to vector<16xf32>
        %swap3A_690 = vector.shape_cast %mul3A_685 : vector<16xf32> to vector<1x16xf32>
        tpu.vector_store %arg11[%swap3A_686, %swap3A_687], %swap3A_690 {strides = array<i32>} : memref<80x128xf32, #tpu.memory_space<vmem>>, vector<1x16xf32>,
        %get3A_691 = arith.index_cast %add3A_650 : i32 to index
        %get3A_692 = arith.constant 64 : index
        %get3A_693 = tpu.vector_load %arg11[%get3A_691, %get3A_692] {strides = array<i32>} : memref<80x128xf32, #tpu.memory_space<vmem>>, vector<1x16xf32>,
        %get3A_694 = vector.shape_cast %get3A_693 : vector<1x16xf32> to vector<16xf32>
        %mul3A_695 = arith.mulf %get3A_694, %broadcast_in_dim3A_646 : vector<16xf32>
        %swap3A_696 = arith.index_cast %add3A_650 : i32 to index
        %swap3A_697 = arith.constant 64 : index
        %swap3A_698 = tpu.vector_load %arg11[%swap3A_696, %swap3A_697] {strides = array<i32>} : memref<80x128xf32, #tpu.memory_space<vmem>>, vector<1x16xf32>,
        %swap3A_699 = vector.shape_cast %swap3A_698 : vector<1x16xf32> to vector<16xf32>
        %swap3A_700 = vector.shape_cast %mul3A_695 : vector<16xf32> to vector<1x16xf32>
        tpu.vector_store %arg11[%swap3A_696, %swap3A_697], %swap3A_700 {strides = array<i32>} : memref<80x128xf32, #tpu.memory_space<vmem>>, vector<1x16xf32>,
        %get3A_701 = arith.index_cast %add3A_650 : i32 to index
        %get3A_702 = arith.constant 80 : index
        %get3A_703 = tpu.vector_load %arg11[%get3A_701, %get3A_702] {strides = array<i32>} : memref<80x128xf32, #tpu.memory_space<vmem>>, vector<1x16xf32>,
        %get3A_704 = vector.shape_cast %get3A_703 : vector<1x16xf32> to vector<16xf32>
        %mul3A_705 = arith.mulf %get3A_704, %broadcast_in_dim3A_646 : vector<16xf32>
        %swap3A_706 = arith.index_cast %add3A_650 : i32 to index
        %swap3A_707 = arith.constant 80 : index
        %swap3A_708 = tpu.vector_load %arg11[%swap3A_706, %swap3A_707] {strides = array<i32>} : memref<80x128xf32, #tpu.memory_space<vmem>>, vector<1x16xf32>,
        %swap3A_709 = vector.shape_cast %swap3A_708 : vector<1x16xf32> to vector<16xf32>
        %swap3A_710 = vector.shape_cast %mul3A_705 : vector<16xf32> to vector<1x16xf32>
        tpu.vector_store %arg11[%swap3A_706, %swap3A_707], %swap3A_710 {strides = array<i32>} : memref<80x128xf32, #tpu.memory_space<vmem>>, vector<1x16xf32>,
        %get3A_711 = arith.index_cast %add3A_650 : i32 to index
        %get3A_712 = arith.constant 96 : index
        %get3A_713 = tpu.vector_load %arg11[%get3A_711, %get3A_712] {strides = array<i32>} : memref<80x128xf32, #tpu.memory_space<vmem>>, vector<1x16xf32>,
        %get3A_714 = vector.shape_cast %get3A_713 : vector<1x16xf32> to vector<16xf32>
        %mul3A_715 = arith.mulf %get3A_714, %broadcast_in_dim3A_646 : vector<16xf32>
        %swap3A_716 = arith.index_cast %add3A_650 : i32 to index
        %swap3A_717 = arith.constant 96 : index
        %swap3A_718 = tpu.vector_load %arg11[%swap3A_716, %swap3A_717] {strides = array<i32>} : memref<80x128xf32, #tpu.memory_space<vmem>>, vector<1x16xf32>,
        %swap3A_719 = vector.shape_cast %swap3A_718 : vector<1x16xf32> to vector<16xf32>
        %swap3A_720 = vector.shape_cast %mul3A_715 : vector<16xf32> to vector<1x16xf32>
        tpu.vector_store %arg11[%swap3A_716, %swap3A_717], %swap3A_720 {strides = array<i32>} : memref<80x128xf32, #tpu.memory_space<vmem>>, vector<1x16xf32>,
        %get3A_721 = arith.index_cast %add3A_650 : i32 to index
        %get3A_722 = arith.constant 112 : index
        %get3A_723 = tpu.vector_load %arg11[%get3A_721, %get3A_722] {strides = array<i32>} : memref<80x128xf32, #tpu.memory_space<vmem>>, vector<1x16xf32>,
        %get3A_724 = vector.shape_cast %get3A_723 : vector<1x16xf32> to vector<16xf32>
        %mul3A_725 = arith.mulf %get3A_724, %broadcast_in_dim3A_646 : vector<16xf32>
        %swap3A_726 = arith.index_cast %add3A_650 : i32 to index
        %swap3A_727 = arith.constant 112 : index
        %swap3A_728 = tpu.vector_load %arg11[%swap3A_726, %swap3A_727] {strides = array<i32>} : memref<80x128xf32, #tpu.memory_space<vmem>>, vector<1x16xf32>,
        %swap3A_729 = vector.shape_cast %swap3A_728 : vector<1x16xf32> to vector<16xf32>
        %swap3A_730 = vector.shape_cast %mul3A_725 : vector<16xf32> to vector<1x16xf32>
        tpu.vector_store %arg11[%swap3A_726, %swap3A_727], %swap3A_730 {strides = array<i32>} : memref<80x128xf32, #tpu.memory_space<vmem>>, vector<1x16xf32>,
        %slice3A_731 = vector.extract_strided_slice %get3A_38 {offsets = [8], sizes = [1], strides = [1]} : vector<16xf32> to vector<1xf32>
        %squeeze3A_732 = vector.extract %slice3A_731[0] : f32 from vector<1xf32>
        %broadcast_in_dim3A_733 = vector.broadcast %squeeze3A_732 : f32 to vector<16xf32>
        %mul3A_734 = arith.constant 16 : i32
        %mul3A_735 = arith.muli %scan3A_34, %mul3A_734 : i32
        %add3A_736 = arith.constant 8 : i32
        %add3A_737 = arith.addi %mul3A_735, %add3A_736 : i32
        %get3A_738 = arith.index_cast %add3A_737 : i32 to index
        %get3A_739 = arith.constant 0 : index
        %get3A_740 = tpu.vector_load %arg11[%get3A_738, %get3A_739] {strides = array<i32>} : memref<80x128xf32, #tpu.memory_space<vmem>>, vector<1x16xf32>,
        %get3A_741 = vector.shape_cast %get3A_740 : vector<1x16xf32> to vector<16xf32>
        %mul3A_742 = arith.mulf %get3A_741, %broadcast_in_dim3A_733 : vector<16xf32>
        %swap3A_743 = arith.index_cast %add3A_737 : i32 to index
        %swap3A_744 = arith.constant 0 : index
        %swap3A_745 = tpu.vector_load %arg11[%swap3A_743, %swap3A_744] {strides = array<i32>} : memref<80x128xf32, #tpu.memory_space<vmem>>, vector<1x16xf32>,
        %swap3A_746 = vector.shape_cast %swap3A_745 : vector<1x16xf32> to vector<16xf32>
        %swap3A_747 = vector.shape_cast %mul3A_742 : vector<16xf32> to vector<1x16xf32>
        tpu.vector_store %arg11[%swap3A_743, %swap3A_744], %swap3A_747 {strides = array<i32>} : memref<80x128xf32, #tpu.memory_space<vmem>>, vector<1x16xf32>,
        %get3A_748 = arith.index_cast %add3A_737 : i32 to index
        %get3A_749 = arith.constant 16 : index
        %get3A_750 = tpu.vector_load %arg11[%get3A_748, %get3A_749] {strides = array<i32>} : memref<80x128xf32, #tpu.memory_space<vmem>>, vector<1x16xf32>,
        %get3A_751 = vector.shape_cast %get3A_750 : vector<1x16xf32> to vector<16xf32>
        %mul3A_752 = arith.mulf %get3A_751, %broadcast_in_dim3A_733 : vector<16xf32>
        %swap3A_753 = arith.index_cast %add3A_737 : i32 to index
        %swap3A_754 = arith.constant 16 : index
        %swap3A_755 = tpu.vector_load %arg11[%swap3A_753, %swap3A_754] {strides = array<i32>} : memref<80x128xf32, #tpu.memory_space<vmem>>, vector<1x16xf32>,
        %swap3A_756 = vector.shape_cast %swap3A_755 : vector<1x16xf32> to vector<16xf32>
        %swap3A_757 = vector.shape_cast %mul3A_752 : vector<16xf32> to vector<1x16xf32>
        tpu.vector_store %arg11[%swap3A_753, %swap3A_754], %swap3A_757 {strides = array<i32>} : memref<80x128xf32, #tpu.memory_space<vmem>>, vector<1x16xf32>,
        %get3A_758 = arith.index_cast %add3A_737 : i32 to index
        %get3A_759 = arith.constant 32 : index
        %get3A_760 = tpu.vector_load %arg11[%get3A_758, %get3A_759] {strides = array<i32>} : memref<80x128xf32, #tpu.memory_space<vmem>>, vector<1x16xf32>,
        %get3A_761 = vector.shape_cast %get3A_760 : vector<1x16xf32> to vector<16xf32>
        %mul3A_762 = arith.mulf %get3A_761, %broadcast_in_dim3A_733 : vector<16xf32>
        %swap3A_763 = arith.index_cast %add3A_737 : i32 to index
        %swap3A_764 = arith.constant 32 : index
        %swap3A_765 = tpu.vector_load %arg11[%swap3A_763, %swap3A_764] {strides = array<i32>} : memref<80x128xf32, #tpu.memory_space<vmem>>, vector<1x16xf32>,
        %swap3A_766 = vector.shape_cast %swap3A_765 : vector<1x16xf32> to vector<16xf32>
        %swap3A_767 = vector.shape_cast %mul3A_762 : vector<16xf32> to vector<1x16xf32>
        tpu.vector_store %arg11[%swap3A_763, %swap3A_764], %swap3A_767 {strides = array<i32>} : memref<80x128xf32, #tpu.memory_space<vmem>>, vector<1x16xf32>,
        %get3A_768 = arith.index_cast %add3A_737 : i32 to index
        %get3A_769 = arith.constant 48 : index
        %get3A_770 = tpu.vector_load %arg11[%get3A_768, %get3A_769] {strides = array<i32>} : memref<80x128xf32, #tpu.memory_space<vmem>>, vector<1x16xf32>,
        %get3A_771 = vector.shape_cast %get3A_770 : vector<1x16xf32> to vector<16xf32>
        %mul3A_772 = arith.mulf %get3A_771, %broadcast_in_dim3A_733 : vector<16xf32>
        %swap3A_773 = arith.index_cast %add3A_737 : i32 to index
        %swap3A_774 = arith.constant 48 : index
        %swap3A_775 = tpu.vector_load %arg11[%swap3A_773, %swap3A_774] {strides = array<i32>} : memref<80x128xf32, #tpu.memory_space<vmem>>, vector<1x16xf32>,
        %swap3A_776 = vector.shape_cast %swap3A_775 : vector<1x16xf32> to vector<16xf32>
        %swap3A_777 = vector.shape_cast %mul3A_772 : vector<16xf32> to vector<1x16xf32>
        tpu.vector_store %arg11[%swap3A_773, %swap3A_774], %swap3A_777 {strides = array<i32>} : memref<80x128xf32, #tpu.memory_space<vmem>>, vector<1x16xf32>,
        %get3A_778 = arith.index_cast %add3A_737 : i32 to index
        %get3A_779 = arith.constant 64 : index
        %get3A_780 = tpu.vector_load %arg11[%get3A_778, %get3A_779] {strides = array<i32>} : memref<80x128xf32, #tpu.memory_space<vmem>>, vector<1x16xf32>,
        %get3A_781 = vector.shape_cast %get3A_780 : vector<1x16xf32> to vector<16xf32>
        %mul3A_782 = arith.mulf %get3A_781, %broadcast_in_dim3A_733 : vector<16xf32>
        %swap3A_783 = arith.index_cast %add3A_737 : i32 to index
        %swap3A_784 = arith.constant 64 : index
        %swap3A_785 = tpu.vector_load %arg11[%swap3A_783, %swap3A_784] {strides = array<i32>} : memref<80x128xf32, #tpu.memory_space<vmem>>, vector<1x16xf32>,
        %swap3A_786 = vector.shape_cast %swap3A_785 : vector<1x16xf32> to vector<16xf32>
        %swap3A_787 = vector.shape_cast %mul3A_782 : vector<16xf32> to vector<1x16xf32>
        tpu.vector_store %arg11[%swap3A_783, %swap3A_784], %swap3A_787 {strides = array<i32>} : memref<80x128xf32, #tpu.memory_space<vmem>>, vector<1x16xf32>,
        %get3A_788 = arith.index_cast %add3A_737 : i32 to index
        %get3A_789 = arith.constant 80 : index
        %get3A_790 = tpu.vector_load %arg11[%get3A_788, %get3A_789] {strides = array<i32>} : memref<80x128xf32, #tpu.memory_space<vmem>>, vector<1x16xf32>,
        %get3A_791 = vector.shape_cast %get3A_790 : vector<1x16xf32> to vector<16xf32>
        %mul3A_792 = arith.mulf %get3A_791, %broadcast_in_dim3A_733 : vector<16xf32>
        %swap3A_793 = arith.index_cast %add3A_737 : i32 to index
        %swap3A_794 = arith.constant 80 : index
        %swap3A_795 = tpu.vector_load %arg11[%swap3A_793, %swap3A_794] {strides = array<i32>} : memref<80x128xf32, #tpu.memory_space<vmem>>, vector<1x16xf32>,
        %swap3A_796 = vector.shape_cast %swap3A_795 : vector<1x16xf32> to vector<16xf32>
        %swap3A_797 = vector.shape_cast %mul3A_792 : vector<16xf32> to vector<1x16xf32>
        tpu.vector_store %arg11[%swap3A_793, %swap3A_794], %swap3A_797 {strides = array<i32>} : memref<80x128xf32, #tpu.memory_space<vmem>>, vector<1x16xf32>,
        %get3A_798 = arith.index_cast %add3A_737 : i32 to index
        %get3A_799 = arith.constant 96 : index
        %get3A_800 = tpu.vector_load %arg11[%get3A_798, %get3A_799] {strides = array<i32>} : memref<80x128xf32, #tpu.memory_space<vmem>>, vector<1x16xf32>,
        %get3A_801 = vector.shape_cast %get3A_800 : vector<1x16xf32> to vector<16xf32>
        %mul3A_802 = arith.mulf %get3A_801, %broadcast_in_dim3A_733 : vector<16xf32>
        %swap3A_803 = arith.index_cast %add3A_737 : i32 to index
        %swap3A_804 = arith.constant 96 : index
        %swap3A_805 = tpu.vector_load %arg11[%swap3A_803, %swap3A_804] {strides = array<i32>} : memref<80x128xf32, #tpu.memory_space<vmem>>, vector<1x16xf32>,
        %swap3A_806 = vector.shape_cast %swap3A_805 : vector<1x16xf32> to vector<16xf32>
        %swap3A_807 = vector.shape_cast %mul3A_802 : vector<16xf32> to vector<1x16xf32>
        tpu.vector_store %arg11[%swap3A_803, %swap3A_804], %swap3A_807 {strides = array<i32>} : memref<80x128xf32, #tpu.memory_space<vmem>>, vector<1x16xf32>,
        %get3A_808 = arith.index_cast %add3A_737 : i32 to index
        %get3A_809 = arith.constant 112 : index
        %get3A_810 = tpu.vector_load %arg11[%get3A_808, %get3A_809] {strides = array<i32>} : memref<80x128xf32, #tpu.memory_space<vmem>>, vector<1x16xf32>,
        %get3A_811 = vector.shape_cast %get3A_810 : vector<1x16xf32> to vector<16xf32>
        %mul3A_812 = arith.mulf %get3A_811, %broadcast_in_dim3A_733 : vector<16xf32>
        %swap3A_813 = arith.index_cast %add3A_737 : i32 to index
        %swap3A_814 = arith.constant 112 : index
        %swap3A_815 = tpu.vector_load %arg11[%swap3A_813, %swap3A_814] {strides = array<i32>} : memref<80x128xf32, #tpu.memory_space<vmem>>, vector<1x16xf32>,
        %swap3A_816 = vector.shape_cast %swap3A_815 : vector<1x16xf32> to vector<16xf32>
        %swap3A_817 = vector.shape_cast %mul3A_812 : vector<16xf32> to vector<1x16xf32>
        tpu.vector_store %arg11[%swap3A_813, %swap3A_814], %swap3A_817 {strides = array<i32>} : memref<80x128xf32, #tpu.memory_space<vmem>>, vector<1x16xf32>,
        %slice3A_818 = vector.extract_strided_slice %get3A_38 {offsets = [9], sizes = [1], strides = [1]} : vector<16xf32> to vector<1xf32>
        %squeeze3A_819 = vector.extract %slice3A_818[0] : f32 from vector<1xf32>
        %broadcast_in_dim3A_820 = vector.broadcast %squeeze3A_819 : f32 to vector<16xf32>
        %mul3A_821 = arith.constant 16 : i32
        %mul3A_822 = arith.muli %scan3A_34, %mul3A_821 : i32
        %add3A_823 = arith.constant 9 : i32
        %add3A_824 = arith.addi %mul3A_822, %add3A_823 : i32
        %get3A_825 = arith.index_cast %add3A_824 : i32 to index
        %get3A_826 = arith.constant 0 : index
        %get3A_827 = tpu.vector_load %arg11[%get3A_825, %get3A_826] {strides = array<i32>} : memref<80x128xf32, #tpu.memory_space<vmem>>, vector<1x16xf32>,
        %get3A_828 = vector.shape_cast %get3A_827 : vector<1x16xf32> to vector<16xf32>
        %mul3A_829 = arith.mulf %get3A_828, %broadcast_in_dim3A_820 : vector<16xf32>
        %swap3A_830 = arith.index_cast %add3A_824 : i32 to index
        %swap3A_831 = arith.constant 0 : index
        %swap3A_832 = tpu.vector_load %arg11[%swap3A_830, %swap3A_831] {strides = array<i32>} : memref<80x128xf32, #tpu.memory_space<vmem>>, vector<1x16xf32>,
        %swap3A_833 = vector.shape_cast %swap3A_832 : vector<1x16xf32> to vector<16xf32>
        %swap3A_834 = vector.shape_cast %mul3A_829 : vector<16xf32> to vector<1x16xf32>
        tpu.vector_store %arg11[%swap3A_830, %swap3A_831], %swap3A_834 {strides = array<i32>} : memref<80x128xf32, #tpu.memory_space<vmem>>, vector<1x16xf32>,
        %get3A_835 = arith.index_cast %add3A_824 : i32 to index
        %get3A_836 = arith.constant 16 : index
        %get3A_837 = tpu.vector_load %arg11[%get3A_835, %get3A_836] {strides = array<i32>} : memref<80x128xf32, #tpu.memory_space<vmem>>, vector<1x16xf32>,
        %get3A_838 = vector.shape_cast %get3A_837 : vector<1x16xf32> to vector<16xf32>
        %mul3A_839 = arith.mulf %get3A_838, %broadcast_in_dim3A_820 : vector<16xf32>
        %swap3A_840 = arith.index_cast %add3A_824 : i32 to index
        %swap3A_841 = arith.constant 16 : index
        %swap3A_842 = tpu.vector_load %arg11[%swap3A_840, %swap3A_841] {strides = array<i32>} : memref<80x128xf32, #tpu.memory_space<vmem>>, vector<1x16xf32>,
        %swap3A_843 = vector.shape_cast %swap3A_842 : vector<1x16xf32> to vector<16xf32>
        %swap3A_844 = vector.shape_cast %mul3A_839 : vector<16xf32> to vector<1x16xf32>
        tpu.vector_store %arg11[%swap3A_840, %swap3A_841], %swap3A_844 {strides = array<i32>} : memref<80x128xf32, #tpu.memory_space<vmem>>, vector<1x16xf32>,
        %get3A_845 = arith.index_cast %add3A_824 : i32 to index
        %get3A_846 = arith.constant 32 : index
        %get3A_847 = tpu.vector_load %arg11[%get3A_845, %get3A_846] {strides = array<i32>} : memref<80x128xf32, #tpu.memory_space<vmem>>, vector<1x16xf32>,
        %get3A_848 = vector.shape_cast %get3A_847 : vector<1x16xf32> to vector<16xf32>
        %mul3A_849 = arith.mulf %get3A_848, %broadcast_in_dim3A_820 : vector<16xf32>
        %swap3A_850 = arith.index_cast %add3A_824 : i32 to index
        %swap3A_851 = arith.constant 32 : index
        %swap3A_852 = tpu.vector_load %arg11[%swap3A_850, %swap3A_851] {strides = array<i32>} : memref<80x128xf32, #tpu.memory_space<vmem>>, vector<1x16xf32>,
        %swap3A_853 = vector.shape_cast %swap3A_852 : vector<1x16xf32> to vector<16xf32>
        %swap3A_854 = vector.shape_cast %mul3A_849 : vector<16xf32> to vector<1x16xf32>
        tpu.vector_store %arg11[%swap3A_850, %swap3A_851], %swap3A_854 {strides = array<i32>} : memref<80x128xf32, #tpu.memory_space<vmem>>, vector<1x16xf32>,
        %get3A_855 = arith.index_cast %add3A_824 : i32 to index
        %get3A_856 = arith.constant 48 : index
        %get3A_857 = tpu.vector_load %arg11[%get3A_855, %get3A_856] {strides = array<i32>} : memref<80x128xf32, #tpu.memory_space<vmem>>, vector<1x16xf32>,
        %get3A_858 = vector.shape_cast %get3A_857 : vector<1x16xf32> to vector<16xf32>
        %mul3A_859 = arith.mulf %get3A_858, %broadcast_in_dim3A_820 : vector<16xf32>
        %swap3A_860 = arith.index_cast %add3A_824 : i32 to index
        %swap3A_861 = arith.constant 48 : index
        %swap3A_862 = tpu.vector_load %arg11[%swap3A_860, %swap3A_861] {strides = array<i32>} : memref<80x128xf32, #tpu.memory_space<vmem>>, vector<1x16xf32>,
        %swap3A_863 = vector.shape_cast %swap3A_862 : vector<1x16xf32> to vector<16xf32>
        %swap3A_864 = vector.shape_cast %mul3A_859 : vector<16xf32> to vector<1x16xf32>
        tpu.vector_store %arg11[%swap3A_860, %swap3A_861], %swap3A_864 {strides = array<i32>} : memref<80x128xf32, #tpu.memory_space<vmem>>, vector<1x16xf32>,
        %get3A_865 = arith.index_cast %add3A_824 : i32 to index
        %get3A_866 = arith.constant 64 : index
        %get3A_867 = tpu.vector_load %arg11[%get3A_865, %get3A_866] {strides = array<i32>} : memref<80x128xf32, #tpu.memory_space<vmem>>, vector<1x16xf32>,
        %get3A_868 = vector.shape_cast %get3A_867 : vector<1x16xf32> to vector<16xf32>
        %mul3A_869 = arith.mulf %get3A_868, %broadcast_in_dim3A_820 : vector<16xf32>
        %swap3A_870 = arith.index_cast %add3A_824 : i32 to index
        %swap3A_871 = arith.constant 64 : index
        %swap3A_872 = tpu.vector_load %arg11[%swap3A_870, %swap3A_871] {strides = array<i32>} : memref<80x128xf32, #tpu.memory_space<vmem>>, vector<1x16xf32>,
        %swap3A_873 = vector.shape_cast %swap3A_872 : vector<1x16xf32> to vector<16xf32>
        %swap3A_874 = vector.shape_cast %mul3A_869 : vector<16xf32> to vector<1x16xf32>
        tpu.vector_store %arg11[%swap3A_870, %swap3A_871], %swap3A_874 {strides = array<i32>} : memref<80x128xf32, #tpu.memory_space<vmem>>, vector<1x16xf32>,
        %get3A_875 = arith.index_cast %add3A_824 : i32 to index
        %get3A_876 = arith.constant 80 : index
        %get3A_877 = tpu.vector_load %arg11[%get3A_875, %get3A_876] {strides = array<i32>} : memref<80x128xf32, #tpu.memory_space<vmem>>, vector<1x16xf32>,
        %get3A_878 = vector.shape_cast %get3A_877 : vector<1x16xf32> to vector<16xf32>
        %mul3A_879 = arith.mulf %get3A_878, %broadcast_in_dim3A_820 : vector<16xf32>
        %swap3A_880 = arith.index_cast %add3A_824 : i32 to index
        %swap3A_881 = arith.constant 80 : index
        %swap3A_882 = tpu.vector_load %arg11[%swap3A_880, %swap3A_881] {strides = array<i32>} : memref<80x128xf32, #tpu.memory_space<vmem>>, vector<1x16xf32>,
        %swap3A_883 = vector.shape_cast %swap3A_882 : vector<1x16xf32> to vector<16xf32>
        %swap3A_884 = vector.shape_cast %mul3A_879 : vector<16xf32> to vector<1x16xf32>
        tpu.vector_store %arg11[%swap3A_880, %swap3A_881], %swap3A_884 {strides = array<i32>} : memref<80x128xf32, #tpu.memory_space<vmem>>, vector<1x16xf32>,
        %get3A_885 = arith.index_cast %add3A_824 : i32 to index
        %get3A_886 = arith.constant 96 : index
        %get3A_887 = tpu.vector_load %arg11[%get3A_885, %get3A_886] {strides = array<i32>} : memref<80x128xf32, #tpu.memory_space<vmem>>, vector<1x16xf32>,
        %get3A_888 = vector.shape_cast %get3A_887 : vector<1x16xf32> to vector<16xf32>
        %mul3A_889 = arith.mulf %get3A_888, %broadcast_in_dim3A_820 : vector<16xf32>
        %swap3A_890 = arith.index_cast %add3A_824 : i32 to index
        %swap3A_891 = arith.constant 96 : index
        %swap3A_892 = tpu.vector_load %arg11[%swap3A_890, %swap3A_891] {strides = array<i32>} : memref<80x128xf32, #tpu.memory_space<vmem>>, vector<1x16xf32>,
        %swap3A_893 = vector.shape_cast %swap3A_892 : vector<1x16xf32> to vector<16xf32>
        %swap3A_894 = vector.shape_cast %mul3A_889 : vector<16xf32> to vector<1x16xf32>
        tpu.vector_store %arg11[%swap3A_890, %swap3A_891], %swap3A_894 {strides = array<i32>} : memref<80x128xf32, #tpu.memory_space<vmem>>, vector<1x16xf32>,
        %get3A_895 = arith.index_cast %add3A_824 : i32 to index
        %get3A_896 = arith.constant 112 : index
        %get3A_897 = tpu.vector_load %arg11[%get3A_895, %get3A_896] {strides = array<i32>} : memref<80x128xf32, #tpu.memory_space<vmem>>, vector<1x16xf32>,
        %get3A_898 = vector.shape_cast %get3A_897 : vector<1x16xf32> to vector<16xf32>
        %mul3A_899 = arith.mulf %get3A_898, %broadcast_in_dim3A_820 : vector<16xf32>
        %swap3A_900 = arith.index_cast %add3A_824 : i32 to index
        %swap3A_901 = arith.constant 112 : index
        %swap3A_902 = tpu.vector_load %arg11[%swap3A_900, %swap3A_901] {strides = array<i32>} : memref<80x128xf32, #tpu.memory_space<vmem>>, vector<1x16xf32>,
        %swap3A_903 = vector.shape_cast %swap3A_902 : vector<1x16xf32> to vector<16xf32>
        %swap3A_904 = vector.shape_cast %mul3A_899 : vector<16xf32> to vector<1x16xf32>
        tpu.vector_store %arg11[%swap3A_900, %swap3A_901], %swap3A_904 {strides = array<i32>} : memref<80x128xf32, #tpu.memory_space<vmem>>, vector<1x16xf32>,
        %slice3A_905 = vector.extract_strided_slice %get3A_38 {offsets = [10], sizes = [1], strides = [1]} : vector<16xf32> to vector<1xf32>
        %squeeze3A_906 = vector.extract %slice3A_905[0] : f32 from vector<1xf32>
        %broadcast_in_dim3A_907 = vector.broadcast %squeeze3A_906 : f32 to vector<16xf32>
        %mul3A_908 = arith.constant 16 : i32
        %mul3A_909 = arith.muli %scan3A_34, %mul3A_908 : i32
        %add3A_910 = arith.constant 10 : i32
        %add3A_911 = arith.addi %mul3A_909, %add3A_910 : i32
        %get3A_912 = arith.index_cast %add3A_911 : i32 to index
        %get3A_913 = arith.constant 0 : index
        %get3A_914 = tpu.vector_load %arg11[%get3A_912, %get3A_913] {strides = array<i32>} : memref<80x128xf32, #tpu.memory_space<vmem>>, vector<1x16xf32>,
        %get3A_915 = vector.shape_cast %get3A_914 : vector<1x16xf32> to vector<16xf32>
        %mul3A_916 = arith.mulf %get3A_915, %broadcast_in_dim3A_907 : vector<16xf32>
        %swap3A_917 = arith.index_cast %add3A_911 : i32 to index
        %swap3A_918 = arith.constant 0 : index
        %swap3A_919 = tpu.vector_load %arg11[%swap3A_917, %swap3A_918] {strides = array<i32>} : memref<80x128xf32, #tpu.memory_space<vmem>>, vector<1x16xf32>,
        %swap3A_920 = vector.shape_cast %swap3A_919 : vector<1x16xf32> to vector<16xf32>
        %swap3A_921 = vector.shape_cast %mul3A_916 : vector<16xf32> to vector<1x16xf32>
        tpu.vector_store %arg11[%swap3A_917, %swap3A_918], %swap3A_921 {strides = array<i32>} : memref<80x128xf32, #tpu.memory_space<vmem>>, vector<1x16xf32>,
        %get3A_922 = arith.index_cast %add3A_911 : i32 to index
        %get3A_923 = arith.constant 16 : index
        %get3A_924 = tpu.vector_load %arg11[%get3A_922, %get3A_923] {strides = array<i32>} : memref<80x128xf32, #tpu.memory_space<vmem>>, vector<1x16xf32>,
        %get3A_925 = vector.shape_cast %get3A_924 : vector<1x16xf32> to vector<16xf32>
        %mul3A_926 = arith.mulf %get3A_925, %broadcast_in_dim3A_907 : vector<16xf32>
        %swap3A_927 = arith.index_cast %add3A_911 : i32 to index
        %swap3A_928 = arith.constant 16 : index
        %swap3A_929 = tpu.vector_load %arg11[%swap3A_927, %swap3A_928] {strides = array<i32>} : memref<80x128xf32, #tpu.memory_space<vmem>>, vector<1x16xf32>,
        %swap3A_930 = vector.shape_cast %swap3A_929 : vector<1x16xf32> to vector<16xf32>
        %swap3A_931 = vector.shape_cast %mul3A_926 : vector<16xf32> to vector<1x16xf32>
        tpu.vector_store %arg11[%swap3A_927, %swap3A_928], %swap3A_931 {strides = array<i32>} : memref<80x128xf32, #tpu.memory_space<vmem>>, vector<1x16xf32>,
        %get3A_932 = arith.index_cast %add3A_911 : i32 to index
        %get3A_933 = arith.constant 32 : index
        %get3A_934 = tpu.vector_load %arg11[%get3A_932, %get3A_933] {strides = array<i32>} : memref<80x128xf32, #tpu.memory_space<vmem>>, vector<1x16xf32>,
        %get3A_935 = vector.shape_cast %get3A_934 : vector<1x16xf32> to vector<16xf32>
        %mul3A_936 = arith.mulf %get3A_935, %broadcast_in_dim3A_907 : vector<16xf32>
        %swap3A_937 = arith.index_cast %add3A_911 : i32 to index
        %swap3A_938 = arith.constant 32 : index
        %swap3A_939 = tpu.vector_load %arg11[%swap3A_937, %swap3A_938] {strides = array<i32>} : memref<80x128xf32, #tpu.memory_space<vmem>>, vector<1x16xf32>,
        %swap3A_940 = vector.shape_cast %swap3A_939 : vector<1x16xf32> to vector<16xf32>
        %swap3A_941 = vector.shape_cast %mul3A_936 : vector<16xf32> to vector<1x16xf32>
        tpu.vector_store %arg11[%swap3A_937, %swap3A_938], %swap3A_941 {strides = array<i32>} : memref<80x128xf32, #tpu.memory_space<vmem>>, vector<1x16xf32>,
        %get3A_942 = arith.index_cast %add3A_911 : i32 to index
        %get3A_943 = arith.constant 48 : index
        %get3A_944 = tpu.vector_load %arg11[%get3A_942, %get3A_943] {strides = array<i32>} : memref<80x128xf32, #tpu.memory_space<vmem>>, vector<1x16xf32>,
        %get3A_945 = vector.shape_cast %get3A_944 : vector<1x16xf32> to vector<16xf32>
        %mul3A_946 = arith.mulf %get3A_945, %broadcast_in_dim3A_907 : vector<16xf32>
        %swap3A_947 = arith.index_cast %add3A_911 : i32 to index
        %swap3A_948 = arith.constant 48 : index
        %swap3A_949 = tpu.vector_load %arg11[%swap3A_947, %swap3A_948] {strides = array<i32>} : memref<80x128xf32, #tpu.memory_space<vmem>>, vector<1x16xf32>,
        %swap3A_950 = vector.shape_cast %swap3A_949 : vector<1x16xf32> to vector<16xf32>
        %swap3A_951 = vector.shape_cast %mul3A_946 : vector<16xf32> to vector<1x16xf32>
        tpu.vector_store %arg11[%swap3A_947, %swap3A_948], %swap3A_951 {strides = array<i32>} : memref<80x128xf32, #tpu.memory_space<vmem>>, vector<1x16xf32>,
        %get3A_952 = arith.index_cast %add3A_911 : i32 to index
        %get3A_953 = arith.constant 64 : index
        %get3A_954 = tpu.vector_load %arg11[%get3A_952, %get3A_953] {strides = array<i32>} : memref<80x128xf32, #tpu.memory_space<vmem>>, vector<1x16xf32>,
        %get3A_955 = vector.shape_cast %get3A_954 : vector<1x16xf32> to vector<16xf32>
        %mul3A_956 = arith.mulf %get3A_955, %broadcast_in_dim3A_907 : vector<16xf32>
        %swap3A_957 = arith.index_cast %add3A_911 : i32 to index
        %swap3A_958 = arith.constant 64 : index
        %swap3A_959 = tpu.vector_load %arg11[%swap3A_957, %swap3A_958] {strides = array<i32>} : memref<80x128xf32, #tpu.memory_space<vmem>>, vector<1x16xf32>,
        %swap3A_960 = vector.shape_cast %swap3A_959 : vector<1x16xf32> to vector<16xf32>
        %swap3A_961 = vector.shape_cast %mul3A_956 : vector<16xf32> to vector<1x16xf32>
        tpu.vector_store %arg11[%swap3A_957, %swap3A_958], %swap3A_961 {strides = array<i32>} : memref<80x128xf32, #tpu.memory_space<vmem>>, vector<1x16xf32>,
        %get3A_962 = arith.index_cast %add3A_911 : i32 to index
        %get3A_963 = arith.constant 80 : index
        %get3A_964 = tpu.vector_load %arg11[%get3A_962, %get3A_963] {strides = array<i32>} : memref<80x128xf32, #tpu.memory_space<vmem>>, vector<1x16xf32>,
        %get3A_965 = vector.shape_cast %get3A_964 : vector<1x16xf32> to vector<16xf32>
        %mul3A_966 = arith.mulf %get3A_965, %broadcast_in_dim3A_907 : vector<16xf32>
        %swap3A_967 = arith.index_cast %add3A_911 : i32 to index
        %swap3A_968 = arith.constant 80 : index
        %swap3A_969 = tpu.vector_load %arg11[%swap3A_967, %swap3A_968] {strides = array<i32>} : memref<80x128xf32, #tpu.memory_space<vmem>>, vector<1x16xf32>,
        %swap3A_970 = vector.shape_cast %swap3A_969 : vector<1x16xf32> to vector<16xf32>
        %swap3A_971 = vector.shape_cast %mul3A_966 : vector<16xf32> to vector<1x16xf32>
        tpu.vector_store %arg11[%swap3A_967, %swap3A_968], %swap3A_971 {strides = array<i32>} : memref<80x128xf32, #tpu.memory_space<vmem>>, vector<1x16xf32>,
        %get3A_972 = arith.index_cast %add3A_911 : i32 to index
        %get3A_973 = arith.constant 96 : index
        %get3A_974 = tpu.vector_load %arg11[%get3A_972, %get3A_973] {strides = array<i32>} : memref<80x128xf32, #tpu.memory_space<vmem>>, vector<1x16xf32>,
        %get3A_975 = vector.shape_cast %get3A_974 : vector<1x16xf32> to vector<16xf32>
        %mul3A_976 = arith.mulf %get3A_975, %broadcast_in_dim3A_907 : vector<16xf32>
        %swap3A_977 = arith.index_cast %add3A_911 : i32 to index
        %swap3A_978 = arith.constant 96 : index
        %swap3A_979 = tpu.vector_load %arg11[%swap3A_977, %swap3A_978] {strides = array<i32>} : memref<80x128xf32, #tpu.memory_space<vmem>>, vector<1x16xf32>,
        %swap3A_980 = vector.shape_cast %swap3A_979 : vector<1x16xf32> to vector<16xf32>
        %swap3A_981 = vector.shape_cast %mul3A_976 : vector<16xf32> to vector<1x16xf32>
        tpu.vector_store %arg11[%swap3A_977, %swap3A_978], %swap3A_981 {strides = array<i32>} : memref<80x128xf32, #tpu.memory_space<vmem>>, vector<1x16xf32>,
        %get3A_982 = arith.index_cast %add3A_911 : i32 to index
        %get3A_983 = arith.constant 112 : index
        %get3A_984 = tpu.vector_load %arg11[%get3A_982, %get3A_983] {strides = array<i32>} : memref<80x128xf32, #tpu.memory_space<vmem>>, vector<1x16xf32>,
        %get3A_985 = vector.shape_cast %get3A_984 : vector<1x16xf32> to vector<16xf32>
        %mul3A_986 = arith.mulf %get3A_985, %broadcast_in_dim3A_907 : vector<16xf32>
        %swap3A_987 = arith.index_cast %add3A_911 : i32 to index
        %swap3A_988 = arith.constant 112 : index
        %swap3A_989 = tpu.vector_load %arg11[%swap3A_987, %swap3A_988] {strides = array<i32>} : memref<80x128xf32, #tpu.memory_space<vmem>>, vector<1x16xf32>,
        %swap3A_990 = vector.shape_cast %swap3A_989 : vector<1x16xf32> to vector<16xf32>
        %swap3A_991 = vector.shape_cast %mul3A_986 : vector<16xf32> to vector<1x16xf32>
        tpu.vector_store %arg11[%swap3A_987, %swap3A_988], %swap3A_991 {strides = array<i32>} : memref<80x128xf32, #tpu.memory_space<vmem>>, vector<1x16xf32>,
        %slice3A_992 = vector.extract_strided_slice %get3A_38 {offsets = [11], sizes = [1], strides = [1]} : vector<16xf32> to vector<1xf32>
        %squeeze3A_993 = vector.extract %slice3A_992[0] : f32 from vector<1xf32>
        %broadcast_in_dim3A_994 = vector.broadcast %squeeze3A_993 : f32 to vector<16xf32>
        %mul3A_995 = arith.constant 16 : i32
        %mul3A_996 = arith.muli %scan3A_34, %mul3A_995 : i32
        %add3A_997 = arith.constant 11 : i32
        %add3A_998 = arith.addi %mul3A_996, %add3A_997 : i32
        %get3A_999 = arith.index_cast %add3A_998 : i32 to index
        %get3A_1000 = arith.constant 0 : index
        %get3A_1001 = tpu.vector_load %arg11[%get3A_999, %get3A_1000] {strides = array<i32>} : memref<80x128xf32, #tpu.memory_space<vmem>>, vector<1x16xf32>,
        %get3A_1002 = vector.shape_cast %get3A_1001 : vector<1x16xf32> to vector<16xf32>
        %mul3A_1003 = arith.mulf %get3A_1002, %broadcast_in_dim3A_994 : vector<16xf32>
        %swap3A_1004 = arith.index_cast %add3A_998 : i32 to index
        %swap3A_1005 = arith.constant 0 : index
        %swap3A_1006 = tpu.vector_load %arg11[%swap3A_1004, %swap3A_1005] {strides = array<i32>} : memref<80x128xf32, #tpu.memory_space<vmem>>, vector<1x16xf32>,
        %swap3A_1007 = vector.shape_cast %swap3A_1006 : vector<1x16xf32> to vector<16xf32>
        %swap3A_1008 = vector.shape_cast %mul3A_1003 : vector<16xf32> to vector<1x16xf32>
        tpu.vector_store %arg11[%swap3A_1004, %swap3A_1005], %swap3A_1008 {strides = array<i32>} : memref<80x128xf32, #tpu.memory_space<vmem>>, vector<1x16xf32>,
        %get3A_1009 = arith.index_cast %add3A_998 : i32 to index
        %get3A_1010 = arith.constant 16 : index
        %get3A_1011 = tpu.vector_load %arg11[%get3A_1009, %get3A_1010] {strides = array<i32>} : memref<80x128xf32, #tpu.memory_space<vmem>>, vector<1x16xf32>,
        %get3A_1012 = vector.shape_cast %get3A_1011 : vector<1x16xf32> to vector<16xf32>
        %mul3A_1013 = arith.mulf %get3A_1012, %broadcast_in_dim3A_994 : vector<16xf32>
        %swap3A_1014 = arith.index_cast %add3A_998 : i32 to index
        %swap3A_1015 = arith.constant 16 : index
        %swap3A_1016 = tpu.vector_load %arg11[%swap3A_1014, %swap3A_1015] {strides = array<i32>} : memref<80x128xf32, #tpu.memory_space<vmem>>, vector<1x16xf32>,
        %swap3A_1017 = vector.shape_cast %swap3A_1016 : vector<1x16xf32> to vector<16xf32>
        %swap3A_1018 = vector.shape_cast %mul3A_1013 : vector<16xf32> to vector<1x16xf32>
        tpu.vector_store %arg11[%swap3A_1014, %swap3A_1015], %swap3A_1018 {strides = array<i32>} : memref<80x128xf32, #tpu.memory_space<vmem>>, vector<1x16xf32>,
        %get3A_1019 = arith.index_cast %add3A_998 : i32 to index
        %get3A_1020 = arith.constant 32 : index
        %get3A_1021 = tpu.vector_load %arg11[%get3A_1019, %get3A_1020] {strides = array<i32>} : memref<80x128xf32, #tpu.memory_space<vmem>>, vector<1x16xf32>,
        %get3A_1022 = vector.shape_cast %get3A_1021 : vector<1x16xf32> to vector<16xf32>
        %mul3A_1023 = arith.mulf %get3A_1022, %broadcast_in_dim3A_994 : vector<16xf32>
        %swap3A_1024 = arith.index_cast %add3A_998 : i32 to index
        %swap3A_1025 = arith.constant 32 : index
        %swap3A_1026 = tpu.vector_load %arg11[%swap3A_1024, %swap3A_1025] {strides = array<i32>} : memref<80x128xf32, #tpu.memory_space<vmem>>, vector<1x16xf32>,
        %swap3A_1027 = vector.shape_cast %swap3A_1026 : vector<1x16xf32> to vector<16xf32>
        %swap3A_1028 = vector.shape_cast %mul3A_1023 : vector<16xf32> to vector<1x16xf32>
        tpu.vector_store %arg11[%swap3A_1024, %swap3A_1025], %swap3A_1028 {strides = array<i32>} : memref<80x128xf32, #tpu.memory_space<vmem>>, vector<1x16xf32>,
        %get3A_1029 = arith.index_cast %add3A_998 : i32 to index
        %get3A_1030 = arith.constant 48 : index
        %get3A_1031 = tpu.vector_load %arg11[%get3A_1029, %get3A_1030] {strides = array<i32>} : memref<80x128xf32, #tpu.memory_space<vmem>>, vector<1x16xf32>,
        %get3A_1032 = vector.shape_cast %get3A_1031 : vector<1x16xf32> to vector<16xf32>
        %mul3A_1033 = arith.mulf %get3A_1032, %broadcast_in_dim3A_994 : vector<16xf32>
        %swap3A_1034 = arith.index_cast %add3A_998 : i32 to index
        %swap3A_1035 = arith.constant 48 : index
        %swap3A_1036 = tpu.vector_load %arg11[%swap3A_1034, %swap3A_1035] {strides = array<i32>} : memref<80x128xf32, #tpu.memory_space<vmem>>, vector<1x16xf32>,
        %swap3A_1037 = vector.shape_cast %swap3A_1036 : vector<1x16xf32> to vector<16xf32>
        %swap3A_1038 = vector.shape_cast %mul3A_1033 : vector<16xf32> to vector<1x16xf32>
        tpu.vector_store %arg11[%swap3A_1034, %swap3A_1035], %swap3A_1038 {strides = array<i32>} : memref<80x128xf32, #tpu.memory_space<vmem>>, vector<1x16xf32>,
        %get3A_1039 = arith.index_cast %add3A_998 : i32 to index
        %get3A_1040 = arith.constant 64 : index
        %get3A_1041 = tpu.vector_load %arg11[%get3A_1039, %get3A_1040] {strides = array<i32>} : memref<80x128xf32, #tpu.memory_space<vmem>>, vector<1x16xf32>,
        %get3A_1042 = vector.shape_cast %get3A_1041 : vector<1x16xf32> to vector<16xf32>
        %mul3A_1043 = arith.mulf %get3A_1042, %broadcast_in_dim3A_994 : vector<16xf32>
        %swap3A_1044 = arith.index_cast %add3A_998 : i32 to index
        %swap3A_1045 = arith.constant 64 : index
        %swap3A_1046 = tpu.vector_load %arg11[%swap3A_1044, %swap3A_1045] {strides = array<i32>} : memref<80x128xf32, #tpu.memory_space<vmem>>, vector<1x16xf32>,
        %swap3A_1047 = vector.shape_cast %swap3A_1046 : vector<1x16xf32> to vector<16xf32>
        %swap3A_1048 = vector.shape_cast %mul3A_1043 : vector<16xf32> to vector<1x16xf32>
        tpu.vector_store %arg11[%swap3A_1044, %swap3A_1045], %swap3A_1048 {strides = array<i32>} : memref<80x128xf32, #tpu.memory_space<vmem>>, vector<1x16xf32>,
        %get3A_1049 = arith.index_cast %add3A_998 : i32 to index
        %get3A_1050 = arith.constant 80 : index
        %get3A_1051 = tpu.vector_load %arg11[%get3A_1049, %get3A_1050] {strides = array<i32>} : memref<80x128xf32, #tpu.memory_space<vmem>>, vector<1x16xf32>,
        %get3A_1052 = vector.shape_cast %get3A_1051 : vector<1x16xf32> to vector<16xf32>
        %mul3A_1053 = arith.mulf %get3A_1052, %broadcast_in_dim3A_994 : vector<16xf32>
        %swap3A_1054 = arith.index_cast %add3A_998 : i32 to index
        %swap3A_1055 = arith.constant 80 : index
        %swap3A_1056 = tpu.vector_load %arg11[%swap3A_1054, %swap3A_1055] {strides = array<i32>} : memref<80x128xf32, #tpu.memory_space<vmem>>, vector<1x16xf32>,
        %swap3A_1057 = vector.shape_cast %swap3A_1056 : vector<1x16xf32> to vector<16xf32>
        %swap3A_1058 = vector.shape_cast %mul3A_1053 : vector<16xf32> to vector<1x16xf32>
        tpu.vector_store %arg11[%swap3A_1054, %swap3A_1055], %swap3A_1058 {strides = array<i32>} : memref<80x128xf32, #tpu.memory_space<vmem>>, vector<1x16xf32>,
        %get3A_1059 = arith.index_cast %add3A_998 : i32 to index
        %get3A_1060 = arith.constant 96 : index
        %get3A_1061 = tpu.vector_load %arg11[%get3A_1059, %get3A_1060] {strides = array<i32>} : memref<80x128xf32, #tpu.memory_space<vmem>>, vector<1x16xf32>,
        %get3A_1062 = vector.shape_cast %get3A_1061 : vector<1x16xf32> to vector<16xf32>
        %mul3A_1063 = arith.mulf %get3A_1062, %broadcast_in_dim3A_994 : vector<16xf32>
        %swap3A_1064 = arith.index_cast %add3A_998 : i32 to index
        %swap3A_1065 = arith.constant 96 : index
        %swap3A_1066 = tpu.vector_load %arg11[%swap3A_1064, %swap3A_1065] {strides = array<i32>} : memref<80x128xf32, #tpu.memory_space<vmem>>, vector<1x16xf32>,
        %swap3A_1067 = vector.shape_cast %swap3A_1066 : vector<1x16xf32> to vector<16xf32>
        %swap3A_1068 = vector.shape_cast %mul3A_1063 : vector<16xf32> to vector<1x16xf32>
        tpu.vector_store %arg11[%swap3A_1064, %swap3A_1065], %swap3A_1068 {strides = array<i32>} : memref<80x128xf32, #tpu.memory_space<vmem>>, vector<1x16xf32>,
        %get3A_1069 = arith.index_cast %add3A_998 : i32 to index
        %get3A_1070 = arith.constant 112 : index
        %get3A_1071 = tpu.vector_load %arg11[%get3A_1069, %get3A_1070] {strides = array<i32>} : memref<80x128xf32, #tpu.memory_space<vmem>>, vector<1x16xf32>,
        %get3A_1072 = vector.shape_cast %get3A_1071 : vector<1x16xf32> to vector<16xf32>
        %mul3A_1073 = arith.mulf %get3A_1072, %broadcast_in_dim3A_994 : vector<16xf32>
        %swap3A_1074 = arith.index_cast %add3A_998 : i32 to index
        %swap3A_1075 = arith.constant 112 : index
        %swap3A_1076 = tpu.vector_load %arg11[%swap3A_1074, %swap3A_1075] {strides = array<i32>} : memref<80x128xf32, #tpu.memory_space<vmem>>, vector<1x16xf32>,
        %swap3A_1077 = vector.shape_cast %swap3A_1076 : vector<1x16xf32> to vector<16xf32>
        %swap3A_1078 = vector.shape_cast %mul3A_1073 : vector<16xf32> to vector<1x16xf32>
        tpu.vector_store %arg11[%swap3A_1074, %swap3A_1075], %swap3A_1078 {strides = array<i32>} : memref<80x128xf32, #tpu.memory_space<vmem>>, vector<1x16xf32>,
        %slice3A_1079 = vector.extract_strided_slice %get3A_38 {offsets = [12], sizes = [1], strides = [1]} : vector<16xf32> to vector<1xf32>
        %squeeze3A_1080 = vector.extract %slice3A_1079[0] : f32 from vector<1xf32>
        %broadcast_in_dim3A_1081 = vector.broadcast %squeeze3A_1080 : f32 to vector<16xf32>
        %mul3A_1082 = arith.constant 16 : i32
        %mul3A_1083 = arith.muli %scan3A_34, %mul3A_1082 : i32
        %add3A_1084 = arith.constant 12 : i32
        %add3A_1085 = arith.addi %mul3A_1083, %add3A_1084 : i32
        %get3A_1086 = arith.index_cast %add3A_1085 : i32 to index
        %get3A_1087 = arith.constant 0 : index
        %get3A_1088 = tpu.vector_load %arg11[%get3A_1086, %get3A_1087] {strides = array<i32>} : memref<80x128xf32, #tpu.memory_space<vmem>>, vector<1x16xf32>,
        %get3A_1089 = vector.shape_cast %get3A_1088 : vector<1x16xf32> to vector<16xf32>
        %mul3A_1090 = arith.mulf %get3A_1089, %broadcast_in_dim3A_1081 : vector<16xf32>
        %swap3A_1091 = arith.index_cast %add3A_1085 : i32 to index
        %swap3A_1092 = arith.constant 0 : index
        %swap3A_1093 = tpu.vector_load %arg11[%swap3A_1091, %swap3A_1092] {strides = array<i32>} : memref<80x128xf32, #tpu.memory_space<vmem>>, vector<1x16xf32>,
        %swap3A_1094 = vector.shape_cast %swap3A_1093 : vector<1x16xf32> to vector<16xf32>
        %swap3A_1095 = vector.shape_cast %mul3A_1090 : vector<16xf32> to vector<1x16xf32>
        tpu.vector_store %arg11[%swap3A_1091, %swap3A_1092], %swap3A_1095 {strides = array<i32>} : memref<80x128xf32, #tpu.memory_space<vmem>>, vector<1x16xf32>,
        %get3A_1096 = arith.index_cast %add3A_1085 : i32 to index
        %get3A_1097 = arith.constant 16 : index
        %get3A_1098 = tpu.vector_load %arg11[%get3A_1096, %get3A_1097] {strides = array<i32>} : memref<80x128xf32, #tpu.memory_space<vmem>>, vector<1x16xf32>,
        %get3A_1099 = vector.shape_cast %get3A_1098 : vector<1x16xf32> to vector<16xf32>
        %mul3A_1100 = arith.mulf %get3A_1099, %broadcast_in_dim3A_1081 : vector<16xf32>
        %swap3A_1101 = arith.index_cast %add3A_1085 : i32 to index
        %swap3A_1102 = arith.constant 16 : index
        %swap3A_1103 = tpu.vector_load %arg11[%swap3A_1101, %swap3A_1102] {strides = array<i32>} : memref<80x128xf32, #tpu.memory_space<vmem>>, vector<1x16xf32>,
        %swap3A_1104 = vector.shape_cast %swap3A_1103 : vector<1x16xf32> to vector<16xf32>
        %swap3A_1105 = vector.shape_cast %mul3A_1100 : vector<16xf32> to vector<1x16xf32>
        tpu.vector_store %arg11[%swap3A_1101, %swap3A_1102], %swap3A_1105 {strides = array<i32>} : memref<80x128xf32, #tpu.memory_space<vmem>>, vector<1x16xf32>,
        %get3A_1106 = arith.index_cast %add3A_1085 : i32 to index
        %get3A_1107 = arith.constant 32 : index
        %get3A_1108 = tpu.vector_load %arg11[%get3A_1106, %get3A_1107] {strides = array<i32>} : memref<80x128xf32, #tpu.memory_space<vmem>>, vector<1x16xf32>,
        %get3A_1109 = vector.shape_cast %get3A_1108 : vector<1x16xf32> to vector<16xf32>
        %mul3A_1110 = arith.mulf %get3A_1109, %broadcast_in_dim3A_1081 : vector<16xf32>
        %swap3A_1111 = arith.index_cast %add3A_1085 : i32 to index
        %swap3A_1112 = arith.constant 32 : index
        %swap3A_1113 = tpu.vector_load %arg11[%swap3A_1111, %swap3A_1112] {strides = array<i32>} : memref<80x128xf32, #tpu.memory_space<vmem>>, vector<1x16xf32>,
        %swap3A_1114 = vector.shape_cast %swap3A_1113 : vector<1x16xf32> to vector<16xf32>
        %swap3A_1115 = vector.shape_cast %mul3A_1110 : vector<16xf32> to vector<1x16xf32>
        tpu.vector_store %arg11[%swap3A_1111, %swap3A_1112], %swap3A_1115 {strides = array<i32>} : memref<80x128xf32, #tpu.memory_space<vmem>>, vector<1x16xf32>,
        %get3A_1116 = arith.index_cast %add3A_1085 : i32 to index
        %get3A_1117 = arith.constant 48 : index
        %get3A_1118 = tpu.vector_load %arg11[%get3A_1116, %get3A_1117] {strides = array<i32>} : memref<80x128xf32, #tpu.memory_space<vmem>>, vector<1x16xf32>,
        %get3A_1119 = vector.shape_cast %get3A_1118 : vector<1x16xf32> to vector<16xf32>
        %mul3A_1120 = arith.mulf %get3A_1119, %broadcast_in_dim3A_1081 : vector<16xf32>
        %swap3A_1121 = arith.index_cast %add3A_1085 : i32 to index
        %swap3A_1122 = arith.constant 48 : index
        %swap3A_1123 = tpu.vector_load %arg11[%swap3A_1121, %swap3A_1122] {strides = array<i32>} : memref<80x128xf32, #tpu.memory_space<vmem>>, vector<1x16xf32>,
        %swap3A_1124 = vector.shape_cast %swap3A_1123 : vector<1x16xf32> to vector<16xf32>
        %swap3A_1125 = vector.shape_cast %mul3A_1120 : vector<16xf32> to vector<1x16xf32>
        tpu.vector_store %arg11[%swap3A_1121, %swap3A_1122], %swap3A_1125 {strides = array<i32>} : memref<80x128xf32, #tpu.memory_space<vmem>>, vector<1x16xf32>,
        %get3A_1126 = arith.index_cast %add3A_1085 : i32 to index
        %get3A_1127 = arith.constant 64 : index
        %get3A_1128 = tpu.vector_load %arg11[%get3A_1126, %get3A_1127] {strides = array<i32>} : memref<80x128xf32, #tpu.memory_space<vmem>>, vector<1x16xf32>,
        %get3A_1129 = vector.shape_cast %get3A_1128 : vector<1x16xf32> to vector<16xf32>
        %mul3A_1130 = arith.mulf %get3A_1129, %broadcast_in_dim3A_1081 : vector<16xf32>
        %swap3A_1131 = arith.index_cast %add3A_1085 : i32 to index
        %swap3A_1132 = arith.constant 64 : index
        %swap3A_1133 = tpu.vector_load %arg11[%swap3A_1131, %swap3A_1132] {strides = array<i32>} : memref<80x128xf32, #tpu.memory_space<vmem>>, vector<1x16xf32>,
        %swap3A_1134 = vector.shape_cast %swap3A_1133 : vector<1x16xf32> to vector<16xf32>
        %swap3A_1135 = vector.shape_cast %mul3A_1130 : vector<16xf32> to vector<1x16xf32>
        tpu.vector_store %arg11[%swap3A_1131, %swap3A_1132], %swap3A_1135 {strides = array<i32>} : memref<80x128xf32, #tpu.memory_space<vmem>>, vector<1x16xf32>,
        %get3A_1136 = arith.index_cast %add3A_1085 : i32 to index
        %get3A_1137 = arith.constant 80 : index
        %get3A_1138 = tpu.vector_load %arg11[%get3A_1136, %get3A_1137] {strides = array<i32>} : memref<80x128xf32, #tpu.memory_space<vmem>>, vector<1x16xf32>,
        %get3A_1139 = vector.shape_cast %get3A_1138 : vector<1x16xf32> to vector<16xf32>
        %mul3A_1140 = arith.mulf %get3A_1139, %broadcast_in_dim3A_1081 : vector<16xf32>
        %swap3A_1141 = arith.index_cast %add3A_1085 : i32 to index
        %swap3A_1142 = arith.constant 80 : index
        %swap3A_1143 = tpu.vector_load %arg11[%swap3A_1141, %swap3A_1142] {strides = array<i32>} : memref<80x128xf32, #tpu.memory_space<vmem>>, vector<1x16xf32>,
        %swap3A_1144 = vector.shape_cast %swap3A_1143 : vector<1x16xf32> to vector<16xf32>
        %swap3A_1145 = vector.shape_cast %mul3A_1140 : vector<16xf32> to vector<1x16xf32>
        tpu.vector_store %arg11[%swap3A_1141, %swap3A_1142], %swap3A_1145 {strides = array<i32>} : memref<80x128xf32, #tpu.memory_space<vmem>>, vector<1x16xf32>,
        %get3A_1146 = arith.index_cast %add3A_1085 : i32 to index
        %get3A_1147 = arith.constant 96 : index
        %get3A_1148 = tpu.vector_load %arg11[%get3A_1146, %get3A_1147] {strides = array<i32>} : memref<80x128xf32, #tpu.memory_space<vmem>>, vector<1x16xf32>,
        %get3A_1149 = vector.shape_cast %get3A_1148 : vector<1x16xf32> to vector<16xf32>
        %mul3A_1150 = arith.mulf %get3A_1149, %broadcast_in_dim3A_1081 : vector<16xf32>
        %swap3A_1151 = arith.index_cast %add3A_1085 : i32 to index
        %swap3A_1152 = arith.constant 96 : index
        %swap3A_1153 = tpu.vector_load %arg11[%swap3A_1151, %swap3A_1152] {strides = array<i32>} : memref<80x128xf32, #tpu.memory_space<vmem>>, vector<1x16xf32>,
        %swap3A_1154 = vector.shape_cast %swap3A_1153 : vector<1x16xf32> to vector<16xf32>
        %swap3A_1155 = vector.shape_cast %mul3A_1150 : vector<16xf32> to vector<1x16xf32>
        tpu.vector_store %arg11[%swap3A_1151, %swap3A_1152], %swap3A_1155 {strides = array<i32>} : memref<80x128xf32, #tpu.memory_space<vmem>>, vector<1x16xf32>,
        %get3A_1156 = arith.index_cast %add3A_1085 : i32 to index
        %get3A_1157 = arith.constant 112 : index
        %get3A_1158 = tpu.vector_load %arg11[%get3A_1156, %get3A_1157] {strides = array<i32>} : memref<80x128xf32, #tpu.memory_space<vmem>>, vector<1x16xf32>,
        %get3A_1159 = vector.shape_cast %get3A_1158 : vector<1x16xf32> to vector<16xf32>
        %mul3A_1160 = arith.mulf %get3A_1159, %broadcast_in_dim3A_1081 : vector<16xf32>
        %swap3A_1161 = arith.index_cast %add3A_1085 : i32 to index
        %swap3A_1162 = arith.constant 112 : index
        %swap3A_1163 = tpu.vector_load %arg11[%swap3A_1161, %swap3A_1162] {strides = array<i32>} : memref<80x128xf32, #tpu.memory_space<vmem>>, vector<1x16xf32>,
        %swap3A_1164 = vector.shape_cast %swap3A_1163 : vector<1x16xf32> to vector<16xf32>
        %swap3A_1165 = vector.shape_cast %mul3A_1160 : vector<16xf32> to vector<1x16xf32>
        tpu.vector_store %arg11[%swap3A_1161, %swap3A_1162], %swap3A_1165 {strides = array<i32>} : memref<80x128xf32, #tpu.memory_space<vmem>>, vector<1x16xf32>,
        %slice3A_1166 = vector.extract_strided_slice %get3A_38 {offsets = [13], sizes = [1], strides = [1]} : vector<16xf32> to vector<1xf32>
        %squeeze3A_1167 = vector.extract %slice3A_1166[0] : f32 from vector<1xf32>
        %broadcast_in_dim3A_1168 = vector.broadcast %squeeze3A_1167 : f32 to vector<16xf32>
        %mul3A_1169 = arith.constant 16 : i32
        %mul3A_1170 = arith.muli %scan3A_34, %mul3A_1169 : i32
        %add3A_1171 = arith.constant 13 : i32
        %add3A_1172 = arith.addi %mul3A_1170, %add3A_1171 : i32
        %get3A_1173 = arith.index_cast %add3A_1172 : i32 to index
        %get3A_1174 = arith.constant 0 : index
        %get3A_1175 = tpu.vector_load %arg11[%get3A_1173, %get3A_1174] {strides = array<i32>} : memref<80x128xf32, #tpu.memory_space<vmem>>, vector<1x16xf32>,
        %get3A_1176 = vector.shape_cast %get3A_1175 : vector<1x16xf32> to vector<16xf32>
        %mul3A_1177 = arith.mulf %get3A_1176, %broadcast_in_dim3A_1168 : vector<16xf32>
        %swap3A_1178 = arith.index_cast %add3A_1172 : i32 to index
        %swap3A_1179 = arith.constant 0 : index
        %swap3A_1180 = tpu.vector_load %arg11[%swap3A_1178, %swap3A_1179] {strides = array<i32>} : memref<80x128xf32, #tpu.memory_space<vmem>>, vector<1x16xf32>,
        %swap3A_1181 = vector.shape_cast %swap3A_1180 : vector<1x16xf32> to vector<16xf32>
        %swap3A_1182 = vector.shape_cast %mul3A_1177 : vector<16xf32> to vector<1x16xf32>
        tpu.vector_store %arg11[%swap3A_1178, %swap3A_1179], %swap3A_1182 {strides = array<i32>} : memref<80x128xf32, #tpu.memory_space<vmem>>, vector<1x16xf32>,
        %get3A_1183 = arith.index_cast %add3A_1172 : i32 to index
        %get3A_1184 = arith.constant 16 : index
        %get3A_1185 = tpu.vector_load %arg11[%get3A_1183, %get3A_1184] {strides = array<i32>} : memref<80x128xf32, #tpu.memory_space<vmem>>, vector<1x16xf32>,
        %get3A_1186 = vector.shape_cast %get3A_1185 : vector<1x16xf32> to vector<16xf32>
        %mul3A_1187 = arith.mulf %get3A_1186, %broadcast_in_dim3A_1168 : vector<16xf32>
        %swap3A_1188 = arith.index_cast %add3A_1172 : i32 to index
        %swap3A_1189 = arith.constant 16 : index
        %swap3A_1190 = tpu.vector_load %arg11[%swap3A_1188, %swap3A_1189] {strides = array<i32>} : memref<80x128xf32, #tpu.memory_space<vmem>>, vector<1x16xf32>,
        %swap3A_1191 = vector.shape_cast %swap3A_1190 : vector<1x16xf32> to vector<16xf32>
        %swap3A_1192 = vector.shape_cast %mul3A_1187 : vector<16xf32> to vector<1x16xf32>
        tpu.vector_store %arg11[%swap3A_1188, %swap3A_1189], %swap3A_1192 {strides = array<i32>} : memref<80x128xf32, #tpu.memory_space<vmem>>, vector<1x16xf32>,
        %get3A_1193 = arith.index_cast %add3A_1172 : i32 to index
        %get3A_1194 = arith.constant 32 : index
        %get3A_1195 = tpu.vector_load %arg11[%get3A_1193, %get3A_1194] {strides = array<i32>} : memref<80x128xf32, #tpu.memory_space<vmem>>, vector<1x16xf32>,
        %get3A_1196 = vector.shape_cast %get3A_1195 : vector<1x16xf32> to vector<16xf32>
        %mul3A_1197 = arith.mulf %get3A_1196, %broadcast_in_dim3A_1168 : vector<16xf32>
        %swap3A_1198 = arith.index_cast %add3A_1172 : i32 to index
        %swap3A_1199 = arith.constant 32 : index
        %swap3A_1200 = tpu.vector_load %arg11[%swap3A_1198, %swap3A_1199] {strides = array<i32>} : memref<80x128xf32, #tpu.memory_space<vmem>>, vector<1x16xf32>,
        %swap3A_1201 = vector.shape_cast %swap3A_1200 : vector<1x16xf32> to vector<16xf32>
        %swap3A_1202 = vector.shape_cast %mul3A_1197 : vector<16xf32> to vector<1x16xf32>
        tpu.vector_store %arg11[%swap3A_1198, %swap3A_1199], %swap3A_1202 {strides = array<i32>} : memref<80x128xf32, #tpu.memory_space<vmem>>, vector<1x16xf32>,
        %get3A_1203 = arith.index_cast %add3A_1172 : i32 to index
        %get3A_1204 = arith.constant 48 : index
        %get3A_1205 = tpu.vector_load %arg11[%get3A_1203, %get3A_1204] {strides = array<i32>} : memref<80x128xf32, #tpu.memory_space<vmem>>, vector<1x16xf32>,
        %get3A_1206 = vector.shape_cast %get3A_1205 : vector<1x16xf32> to vector<16xf32>
        %mul3A_1207 = arith.mulf %get3A_1206, %broadcast_in_dim3A_1168 : vector<16xf32>
        %swap3A_1208 = arith.index_cast %add3A_1172 : i32 to index
        %swap3A_1209 = arith.constant 48 : index
        %swap3A_1210 = tpu.vector_load %arg11[%swap3A_1208, %swap3A_1209] {strides = array<i32>} : memref<80x128xf32, #tpu.memory_space<vmem>>, vector<1x16xf32>,
        %swap3A_1211 = vector.shape_cast %swap3A_1210 : vector<1x16xf32> to vector<16xf32>
        %swap3A_1212 = vector.shape_cast %mul3A_1207 : vector<16xf32> to vector<1x16xf32>
        tpu.vector_store %arg11[%swap3A_1208, %swap3A_1209], %swap3A_1212 {strides = array<i32>} : memref<80x128xf32, #tpu.memory_space<vmem>>, vector<1x16xf32>,
        %get3A_1213 = arith.index_cast %add3A_1172 : i32 to index
        %get3A_1214 = arith.constant 64 : index
        %get3A_1215 = tpu.vector_load %arg11[%get3A_1213, %get3A_1214] {strides = array<i32>} : memref<80x128xf32, #tpu.memory_space<vmem>>, vector<1x16xf32>,
        %get3A_1216 = vector.shape_cast %get3A_1215 : vector<1x16xf32> to vector<16xf32>
        %mul3A_1217 = arith.mulf %get3A_1216, %broadcast_in_dim3A_1168 : vector<16xf32>
        %swap3A_1218 = arith.index_cast %add3A_1172 : i32 to index
        %swap3A_1219 = arith.constant 64 : index
        %swap3A_1220 = tpu.vector_load %arg11[%swap3A_1218, %swap3A_1219] {strides = array<i32>} : memref<80x128xf32, #tpu.memory_space<vmem>>, vector<1x16xf32>,
        %swap3A_1221 = vector.shape_cast %swap3A_1220 : vector<1x16xf32> to vector<16xf32>
        %swap3A_1222 = vector.shape_cast %mul3A_1217 : vector<16xf32> to vector<1x16xf32>
        tpu.vector_store %arg11[%swap3A_1218, %swap3A_1219], %swap3A_1222 {strides = array<i32>} : memref<80x128xf32, #tpu.memory_space<vmem>>, vector<1x16xf32>,
        %get3A_1223 = arith.index_cast %add3A_1172 : i32 to index
        %get3A_1224 = arith.constant 80 : index
        %get3A_1225 = tpu.vector_load %arg11[%get3A_1223, %get3A_1224] {strides = array<i32>} : memref<80x128xf32, #tpu.memory_space<vmem>>, vector<1x16xf32>,
        %get3A_1226 = vector.shape_cast %get3A_1225 : vector<1x16xf32> to vector<16xf32>
        %mul3A_1227 = arith.mulf %get3A_1226, %broadcast_in_dim3A_1168 : vector<16xf32>
        %swap3A_1228 = arith.index_cast %add3A_1172 : i32 to index
        %swap3A_1229 = arith.constant 80 : index
        %swap3A_1230 = tpu.vector_load %arg11[%swap3A_1228, %swap3A_1229] {strides = array<i32>} : memref<80x128xf32, #tpu.memory_space<vmem>>, vector<1x16xf32>,
        %swap3A_1231 = vector.shape_cast %swap3A_1230 : vector<1x16xf32> to vector<16xf32>
        %swap3A_1232 = vector.shape_cast %mul3A_1227 : vector<16xf32> to vector<1x16xf32>
        tpu.vector_store %arg11[%swap3A_1228, %swap3A_1229], %swap3A_1232 {strides = array<i32>} : memref<80x128xf32, #tpu.memory_space<vmem>>, vector<1x16xf32>,
        %get3A_1233 = arith.index_cast %add3A_1172 : i32 to index
        %get3A_1234 = arith.constant 96 : index
        %get3A_1235 = tpu.vector_load %arg11[%get3A_1233, %get3A_1234] {strides = array<i32>} : memref<80x128xf32, #tpu.memory_space<vmem>>, vector<1x16xf32>,
        %get3A_1236 = vector.shape_cast %get3A_1235 : vector<1x16xf32> to vector<16xf32>
        %mul3A_1237 = arith.mulf %get3A_1236, %broadcast_in_dim3A_1168 : vector<16xf32>
        %swap3A_1238 = arith.index_cast %add3A_1172 : i32 to index
        %swap3A_1239 = arith.constant 96 : index
        %swap3A_1240 = tpu.vector_load %arg11[%swap3A_1238, %swap3A_1239] {strides = array<i32>} : memref<80x128xf32, #tpu.memory_space<vmem>>, vector<1x16xf32>,
        %swap3A_1241 = vector.shape_cast %swap3A_1240 : vector<1x16xf32> to vector<16xf32>
        %swap3A_1242 = vector.shape_cast %mul3A_1237 : vector<16xf32> to vector<1x16xf32>
        tpu.vector_store %arg11[%swap3A_1238, %swap3A_1239], %swap3A_1242 {strides = array<i32>} : memref<80x128xf32, #tpu.memory_space<vmem>>, vector<1x16xf32>,
        %get3A_1243 = arith.index_cast %add3A_1172 : i32 to index
        %get3A_1244 = arith.constant 112 : index
        %get3A_1245 = tpu.vector_load %arg11[%get3A_1243, %get3A_1244] {strides = array<i32>} : memref<80x128xf32, #tpu.memory_space<vmem>>, vector<1x16xf32>,
        %get3A_1246 = vector.shape_cast %get3A_1245 : vector<1x16xf32> to vector<16xf32>
        %mul3A_1247 = arith.mulf %get3A_1246, %broadcast_in_dim3A_1168 : vector<16xf32>
        %swap3A_1248 = arith.index_cast %add3A_1172 : i32 to index
        %swap3A_1249 = arith.constant 112 : index
        %swap3A_1250 = tpu.vector_load %arg11[%swap3A_1248, %swap3A_1249] {strides = array<i32>} : memref<80x128xf32, #tpu.memory_space<vmem>>, vector<1x16xf32>,
        %swap3A_1251 = vector.shape_cast %swap3A_1250 : vector<1x16xf32> to vector<16xf32>
        %swap3A_1252 = vector.shape_cast %mul3A_1247 : vector<16xf32> to vector<1x16xf32>
        tpu.vector_store %arg11[%swap3A_1248, %swap3A_1249], %swap3A_1252 {strides = array<i32>} : memref<80x128xf32, #tpu.memory_space<vmem>>, vector<1x16xf32>,
        %slice3A_1253 = vector.extract_strided_slice %get3A_38 {offsets = [14], sizes = [1], strides = [1]} : vector<16xf32> to vector<1xf32>
        %squeeze3A_1254 = vector.extract %slice3A_1253[0] : f32 from vector<1xf32>
        %broadcast_in_dim3A_1255 = vector.broadcast %squeeze3A_1254 : f32 to vector<16xf32>
        %mul3A_1256 = arith.constant 16 : i32
        %mul3A_1257 = arith.muli %scan3A_34, %mul3A_1256 : i32
        %add3A_1258 = arith.constant 14 : i32
        %add3A_1259 = arith.addi %mul3A_1257, %add3A_1258 : i32
        %get3A_1260 = arith.index_cast %add3A_1259 : i32 to index
        %get3A_1261 = arith.constant 0 : index
        %get3A_1262 = tpu.vector_load %arg11[%get3A_1260, %get3A_1261] {strides = array<i32>} : memref<80x128xf32, #tpu.memory_space<vmem>>, vector<1x16xf32>,
        %get3A_1263 = vector.shape_cast %get3A_1262 : vector<1x16xf32> to vector<16xf32>
        %mul3A_1264 = arith.mulf %get3A_1263, %broadcast_in_dim3A_1255 : vector<16xf32>
        %swap3A_1265 = arith.index_cast %add3A_1259 : i32 to index
        %swap3A_1266 = arith.constant 0 : index
        %swap3A_1267 = tpu.vector_load %arg11[%swap3A_1265, %swap3A_1266] {strides = array<i32>} : memref<80x128xf32, #tpu.memory_space<vmem>>, vector<1x16xf32>,
        %swap3A_1268 = vector.shape_cast %swap3A_1267 : vector<1x16xf32> to vector<16xf32>
        %swap3A_1269 = vector.shape_cast %mul3A_1264 : vector<16xf32> to vector<1x16xf32>
        tpu.vector_store %arg11[%swap3A_1265, %swap3A_1266], %swap3A_1269 {strides = array<i32>} : memref<80x128xf32, #tpu.memory_space<vmem>>, vector<1x16xf32>,
        %get3A_1270 = arith.index_cast %add3A_1259 : i32 to index
        %get3A_1271 = arith.constant 16 : index
        %get3A_1272 = tpu.vector_load %arg11[%get3A_1270, %get3A_1271] {strides = array<i32>} : memref<80x128xf32, #tpu.memory_space<vmem>>, vector<1x16xf32>,
        %get3A_1273 = vector.shape_cast %get3A_1272 : vector<1x16xf32> to vector<16xf32>
        %mul3A_1274 = arith.mulf %get3A_1273, %broadcast_in_dim3A_1255 : vector<16xf32>
        %swap3A_1275 = arith.index_cast %add3A_1259 : i32 to index
        %swap3A_1276 = arith.constant 16 : index
        %swap3A_1277 = tpu.vector_load %arg11[%swap3A_1275, %swap3A_1276] {strides = array<i32>} : memref<80x128xf32, #tpu.memory_space<vmem>>, vector<1x16xf32>,
        %swap3A_1278 = vector.shape_cast %swap3A_1277 : vector<1x16xf32> to vector<16xf32>
        %swap3A_1279 = vector.shape_cast %mul3A_1274 : vector<16xf32> to vector<1x16xf32>
        tpu.vector_store %arg11[%swap3A_1275, %swap3A_1276], %swap3A_1279 {strides = array<i32>} : memref<80x128xf32, #tpu.memory_space<vmem>>, vector<1x16xf32>,
        %get3A_1280 = arith.index_cast %add3A_1259 : i32 to index
        %get3A_1281 = arith.constant 32 : index
        %get3A_1282 = tpu.vector_load %arg11[%get3A_1280, %get3A_1281] {strides = array<i32>} : memref<80x128xf32, #tpu.memory_space<vmem>>, vector<1x16xf32>,
        %get3A_1283 = vector.shape_cast %get3A_1282 : vector<1x16xf32> to vector<16xf32>
        %mul3A_1284 = arith.mulf %get3A_1283, %broadcast_in_dim3A_1255 : vector<16xf32>
        %swap3A_1285 = arith.index_cast %add3A_1259 : i32 to index
        %swap3A_1286 = arith.constant 32 : index
        %swap3A_1287 = tpu.vector_load %arg11[%swap3A_1285, %swap3A_1286] {strides = array<i32>} : memref<80x128xf32, #tpu.memory_space<vmem>>, vector<1x16xf32>,
        %swap3A_1288 = vector.shape_cast %swap3A_1287 : vector<1x16xf32> to vector<16xf32>
        %swap3A_1289 = vector.shape_cast %mul3A_1284 : vector<16xf32> to vector<1x16xf32>
        tpu.vector_store %arg11[%swap3A_1285, %swap3A_1286], %swap3A_1289 {strides = array<i32>} : memref<80x128xf32, #tpu.memory_space<vmem>>, vector<1x16xf32>,
        %get3A_1290 = arith.index_cast %add3A_1259 : i32 to index
        %get3A_1291 = arith.constant 48 : index
        %get3A_1292 = tpu.vector_load %arg11[%get3A_1290, %get3A_1291] {strides = array<i32>} : memref<80x128xf32, #tpu.memory_space<vmem>>, vector<1x16xf32>,
        %get3A_1293 = vector.shape_cast %get3A_1292 : vector<1x16xf32> to vector<16xf32>
        %mul3A_1294 = arith.mulf %get3A_1293, %broadcast_in_dim3A_1255 : vector<16xf32>
        %swap3A_1295 = arith.index_cast %add3A_1259 : i32 to index
        %swap3A_1296 = arith.constant 48 : index
        %swap3A_1297 = tpu.vector_load %arg11[%swap3A_1295, %swap3A_1296] {strides = array<i32>} : memref<80x128xf32, #tpu.memory_space<vmem>>, vector<1x16xf32>,
        %swap3A_1298 = vector.shape_cast %swap3A_1297 : vector<1x16xf32> to vector<16xf32>
        %swap3A_1299 = vector.shape_cast %mul3A_1294 : vector<16xf32> to vector<1x16xf32>
        tpu.vector_store %arg11[%swap3A_1295, %swap3A_1296], %swap3A_1299 {strides = array<i32>} : memref<80x128xf32, #tpu.memory_space<vmem>>, vector<1x16xf32>,
        %get3A_1300 = arith.index_cast %add3A_1259 : i32 to index
        %get3A_1301 = arith.constant 64 : index
        %get3A_1302 = tpu.vector_load %arg11[%get3A_1300, %get3A_1301] {strides = array<i32>} : memref<80x128xf32, #tpu.memory_space<vmem>>, vector<1x16xf32>,
        %get3A_1303 = vector.shape_cast %get3A_1302 : vector<1x16xf32> to vector<16xf32>
        %mul3A_1304 = arith.mulf %get3A_1303, %broadcast_in_dim3A_1255 : vector<16xf32>
        %swap3A_1305 = arith.index_cast %add3A_1259 : i32 to index
        %swap3A_1306 = arith.constant 64 : index
        %swap3A_1307 = tpu.vector_load %arg11[%swap3A_1305, %swap3A_1306] {strides = array<i32>} : memref<80x128xf32, #tpu.memory_space<vmem>>, vector<1x16xf32>,
        %swap3A_1308 = vector.shape_cast %swap3A_1307 : vector<1x16xf32> to vector<16xf32>
        %swap3A_1309 = vector.shape_cast %mul3A_1304 : vector<16xf32> to vector<1x16xf32>
        tpu.vector_store %arg11[%swap3A_1305, %swap3A_1306], %swap3A_1309 {strides = array<i32>} : memref<80x128xf32, #tpu.memory_space<vmem>>, vector<1x16xf32>,
        %get3A_1310 = arith.index_cast %add3A_1259 : i32 to index
        %get3A_1311 = arith.constant 80 : index
        %get3A_1312 = tpu.vector_load %arg11[%get3A_1310, %get3A_1311] {strides = array<i32>} : memref<80x128xf32, #tpu.memory_space<vmem>>, vector<1x16xf32>,
        %get3A_1313 = vector.shape_cast %get3A_1312 : vector<1x16xf32> to vector<16xf32>
        %mul3A_1314 = arith.mulf %get3A_1313, %broadcast_in_dim3A_1255 : vector<16xf32>
        %swap3A_1315 = arith.index_cast %add3A_1259 : i32 to index
        %swap3A_1316 = arith.constant 80 : index
        %swap3A_1317 = tpu.vector_load %arg11[%swap3A_1315, %swap3A_1316] {strides = array<i32>} : memref<80x128xf32, #tpu.memory_space<vmem>>, vector<1x16xf32>,
        %swap3A_1318 = vector.shape_cast %swap3A_1317 : vector<1x16xf32> to vector<16xf32>
        %swap3A_1319 = vector.shape_cast %mul3A_1314 : vector<16xf32> to vector<1x16xf32>
        tpu.vector_store %arg11[%swap3A_1315, %swap3A_1316], %swap3A_1319 {strides = array<i32>} : memref<80x128xf32, #tpu.memory_space<vmem>>, vector<1x16xf32>,
        %get3A_1320 = arith.index_cast %add3A_1259 : i32 to index
        %get3A_1321 = arith.constant 96 : index
        %get3A_1322 = tpu.vector_load %arg11[%get3A_1320, %get3A_1321] {strides = array<i32>} : memref<80x128xf32, #tpu.memory_space<vmem>>, vector<1x16xf32>,
        %get3A_1323 = vector.shape_cast %get3A_1322 : vector<1x16xf32> to vector<16xf32>
        %mul3A_1324 = arith.mulf %get3A_1323, %broadcast_in_dim3A_1255 : vector<16xf32>
        %swap3A_1325 = arith.index_cast %add3A_1259 : i32 to index
        %swap3A_1326 = arith.constant 96 : index
        %swap3A_1327 = tpu.vector_load %arg11[%swap3A_1325, %swap3A_1326] {strides = array<i32>} : memref<80x128xf32, #tpu.memory_space<vmem>>, vector<1x16xf32>,
        %swap3A_1328 = vector.shape_cast %swap3A_1327 : vector<1x16xf32> to vector<16xf32>
        %swap3A_1329 = vector.shape_cast %mul3A_1324 : vector<16xf32> to vector<1x16xf32>
        tpu.vector_store %arg11[%swap3A_1325, %swap3A_1326], %swap3A_1329 {strides = array<i32>} : memref<80x128xf32, #tpu.memory_space<vmem>>, vector<1x16xf32>,
        %get3A_1330 = arith.index_cast %add3A_1259 : i32 to index
        %get3A_1331 = arith.constant 112 : index
        %get3A_1332 = tpu.vector_load %arg11[%get3A_1330, %get3A_1331] {strides = array<i32>} : memref<80x128xf32, #tpu.memory_space<vmem>>, vector<1x16xf32>,
        %get3A_1333 = vector.shape_cast %get3A_1332 : vector<1x16xf32> to vector<16xf32>
        %mul3A_1334 = arith.mulf %get3A_1333, %broadcast_in_dim3A_1255 : vector<16xf32>
        %swap3A_1335 = arith.index_cast %add3A_1259 : i32 to index
        %swap3A_1336 = arith.constant 112 : index
        %swap3A_1337 = tpu.vector_load %arg11[%swap3A_1335, %swap3A_1336] {strides = array<i32>} : memref<80x128xf32, #tpu.memory_space<vmem>>, vector<1x16xf32>,
        %swap3A_1338 = vector.shape_cast %swap3A_1337 : vector<1x16xf32> to vector<16xf32>
        %swap3A_1339 = vector.shape_cast %mul3A_1334 : vector<16xf32> to vector<1x16xf32>
        tpu.vector_store %arg11[%swap3A_1335, %swap3A_1336], %swap3A_1339 {strides = array<i32>} : memref<80x128xf32, #tpu.memory_space<vmem>>, vector<1x16xf32>,
        %slice3A_1340 = vector.extract_strided_slice %get3A_38 {offsets = [15], sizes = [1], strides = [1]} : vector<16xf32> to vector<1xf32>
        %squeeze3A_1341 = vector.extract %slice3A_1340[0] : f32 from vector<1xf32>
        %broadcast_in_dim3A_1342 = vector.broadcast %squeeze3A_1341 : f32 to vector<16xf32>
        %mul3A_1343 = arith.constant 16 : i32
        %mul3A_1344 = arith.muli %scan3A_34, %mul3A_1343 : i32
        %add3A_1345 = arith.constant 15 : i32
        %add3A_1346 = arith.addi %mul3A_1344, %add3A_1345 : i32
        %get3A_1347 = arith.index_cast %add3A_1346 : i32 to index
        %get3A_1348 = arith.constant 0 : index
        %get3A_1349 = tpu.vector_load %arg11[%get3A_1347, %get3A_1348] {strides = array<i32>} : memref<80x128xf32, #tpu.memory_space<vmem>>, vector<1x16xf32>,
        %get3A_1350 = vector.shape_cast %get3A_1349 : vector<1x16xf32> to vector<16xf32>
        %mul3A_1351 = arith.mulf %get3A_1350, %broadcast_in_dim3A_1342 : vector<16xf32>
        %swap3A_1352 = arith.index_cast %add3A_1346 : i32 to index
        %swap3A_1353 = arith.constant 0 : index
        %swap3A_1354 = tpu.vector_load %arg11[%swap3A_1352, %swap3A_1353] {strides = array<i32>} : memref<80x128xf32, #tpu.memory_space<vmem>>, vector<1x16xf32>,
        %swap3A_1355 = vector.shape_cast %swap3A_1354 : vector<1x16xf32> to vector<16xf32>
        %swap3A_1356 = vector.shape_cast %mul3A_1351 : vector<16xf32> to vector<1x16xf32>
        tpu.vector_store %arg11[%swap3A_1352, %swap3A_1353], %swap3A_1356 {strides = array<i32>} : memref<80x128xf32, #tpu.memory_space<vmem>>, vector<1x16xf32>,
        %get3A_1357 = arith.index_cast %add3A_1346 : i32 to index
        %get3A_1358 = arith.constant 16 : index
        %get3A_1359 = tpu.vector_load %arg11[%get3A_1357, %get3A_1358] {strides = array<i32>} : memref<80x128xf32, #tpu.memory_space<vmem>>, vector<1x16xf32>,
        %get3A_1360 = vector.shape_cast %get3A_1359 : vector<1x16xf32> to vector<16xf32>
        %mul3A_1361 = arith.mulf %get3A_1360, %broadcast_in_dim3A_1342 : vector<16xf32>
        %swap3A_1362 = arith.index_cast %add3A_1346 : i32 to index
        %swap3A_1363 = arith.constant 16 : index
        %swap3A_1364 = tpu.vector_load %arg11[%swap3A_1362, %swap3A_1363] {strides = array<i32>} : memref<80x128xf32, #tpu.memory_space<vmem>>, vector<1x16xf32>,
        %swap3A_1365 = vector.shape_cast %swap3A_1364 : vector<1x16xf32> to vector<16xf32>
        %swap3A_1366 = vector.shape_cast %mul3A_1361 : vector<16xf32> to vector<1x16xf32>
        tpu.vector_store %arg11[%swap3A_1362, %swap3A_1363], %swap3A_1366 {strides = array<i32>} : memref<80x128xf32, #tpu.memory_space<vmem>>, vector<1x16xf32>,
        %get3A_1367 = arith.index_cast %add3A_1346 : i32 to index
        %get3A_1368 = arith.constant 32 : index
        %get3A_1369 = tpu.vector_load %arg11[%get3A_1367, %get3A_1368] {strides = array<i32>} : memref<80x128xf32, #tpu.memory_space<vmem>>, vector<1x16xf32>,
        %get3A_1370 = vector.shape_cast %get3A_1369 : vector<1x16xf32> to vector<16xf32>
        %mul3A_1371 = arith.mulf %get3A_1370, %broadcast_in_dim3A_1342 : vector<16xf32>
        %swap3A_1372 = arith.index_cast %add3A_1346 : i32 to index
        %swap3A_1373 = arith.constant 32 : index
        %swap3A_1374 = tpu.vector_load %arg11[%swap3A_1372, %swap3A_1373] {strides = array<i32>} : memref<80x128xf32, #tpu.memory_space<vmem>>, vector<1x16xf32>,
        %swap3A_1375 = vector.shape_cast %swap3A_1374 : vector<1x16xf32> to vector<16xf32>
        %swap3A_1376 = vector.shape_cast %mul3A_1371 : vector<16xf32> to vector<1x16xf32>
        tpu.vector_store %arg11[%swap3A_1372, %swap3A_1373], %swap3A_1376 {strides = array<i32>} : memref<80x128xf32, #tpu.memory_space<vmem>>, vector<1x16xf32>,
        %get3A_1377 = arith.index_cast %add3A_1346 : i32 to index
        %get3A_1378 = arith.constant 48 : index
        %get3A_1379 = tpu.vector_load %arg11[%get3A_1377, %get3A_1378] {strides = array<i32>} : memref<80x128xf32, #tpu.memory_space<vmem>>, vector<1x16xf32>,
        %get3A_1380 = vector.shape_cast %get3A_1379 : vector<1x16xf32> to vector<16xf32>
        %mul3A_1381 = arith.mulf %get3A_1380, %broadcast_in_dim3A_1342 : vector<16xf32>
        %swap3A_1382 = arith.index_cast %add3A_1346 : i32 to index
        %swap3A_1383 = arith.constant 48 : index
        %swap3A_1384 = tpu.vector_load %arg11[%swap3A_1382, %swap3A_1383] {strides = array<i32>} : memref<80x128xf32, #tpu.memory_space<vmem>>, vector<1x16xf32>,
        %swap3A_1385 = vector.shape_cast %swap3A_1384 : vector<1x16xf32> to vector<16xf32>
        %swap3A_1386 = vector.shape_cast %mul3A_1381 : vector<16xf32> to vector<1x16xf32>
        tpu.vector_store %arg11[%swap3A_1382, %swap3A_1383], %swap3A_1386 {strides = array<i32>} : memref<80x128xf32, #tpu.memory_space<vmem>>, vector<1x16xf32>,
        %get3A_1387 = arith.index_cast %add3A_1346 : i32 to index
        %get3A_1388 = arith.constant 64 : index
        %get3A_1389 = tpu.vector_load %arg11[%get3A_1387, %get3A_1388] {strides = array<i32>} : memref<80x128xf32, #tpu.memory_space<vmem>>, vector<1x16xf32>,
        %get3A_1390 = vector.shape_cast %get3A_1389 : vector<1x16xf32> to vector<16xf32>
        %mul3A_1391 = arith.mulf %get3A_1390, %broadcast_in_dim3A_1342 : vector<16xf32>
        %swap3A_1392 = arith.index_cast %add3A_1346 : i32 to index
        %swap3A_1393 = arith.constant 64 : index
        %swap3A_1394 = tpu.vector_load %arg11[%swap3A_1392, %swap3A_1393] {strides = array<i32>} : memref<80x128xf32, #tpu.memory_space<vmem>>, vector<1x16xf32>,
        %swap3A_1395 = vector.shape_cast %swap3A_1394 : vector<1x16xf32> to vector<16xf32>
        %swap3A_1396 = vector.shape_cast %mul3A_1391 : vector<16xf32> to vector<1x16xf32>
        tpu.vector_store %arg11[%swap3A_1392, %swap3A_1393], %swap3A_1396 {strides = array<i32>} : memref<80x128xf32, #tpu.memory_space<vmem>>, vector<1x16xf32>,
        %get3A_1397 = arith.index_cast %add3A_1346 : i32 to index
        %get3A_1398 = arith.constant 80 : index
        %get3A_1399 = tpu.vector_load %arg11[%get3A_1397, %get3A_1398] {strides = array<i32>} : memref<80x128xf32, #tpu.memory_space<vmem>>, vector<1x16xf32>,
        %get3A_1400 = vector.shape_cast %get3A_1399 : vector<1x16xf32> to vector<16xf32>
        %mul3A_1401 = arith.mulf %get3A_1400, %broadcast_in_dim3A_1342 : vector<16xf32>
        %swap3A_1402 = arith.index_cast %add3A_1346 : i32 to index
        %swap3A_1403 = arith.constant 80 : index
        %swap3A_1404 = tpu.vector_load %arg11[%swap3A_1402, %swap3A_1403] {strides = array<i32>} : memref<80x128xf32, #tpu.memory_space<vmem>>, vector<1x16xf32>,
        %swap3A_1405 = vector.shape_cast %swap3A_1404 : vector<1x16xf32> to vector<16xf32>
        %swap3A_1406 = vector.shape_cast %mul3A_1401 : vector<16xf32> to vector<1x16xf32>
        tpu.vector_store %arg11[%swap3A_1402, %swap3A_1403], %swap3A_1406 {strides = array<i32>} : memref<80x128xf32, #tpu.memory_space<vmem>>, vector<1x16xf32>,
        %get3A_1407 = arith.index_cast %add3A_1346 : i32 to index
        %get3A_1408 = arith.constant 96 : index
        %get3A_1409 = tpu.vector_load %arg11[%get3A_1407, %get3A_1408] {strides = array<i32>} : memref<80x128xf32, #tpu.memory_space<vmem>>, vector<1x16xf32>,
        %get3A_1410 = vector.shape_cast %get3A_1409 : vector<1x16xf32> to vector<16xf32>
        %mul3A_1411 = arith.mulf %get3A_1410, %broadcast_in_dim3A_1342 : vector<16xf32>
        %swap3A_1412 = arith.index_cast %add3A_1346 : i32 to index
        %swap3A_1413 = arith.constant 96 : index
        %swap3A_1414 = tpu.vector_load %arg11[%swap3A_1412, %swap3A_1413] {strides = array<i32>} : memref<80x128xf32, #tpu.memory_space<vmem>>, vector<1x16xf32>,
        %swap3A_1415 = vector.shape_cast %swap3A_1414 : vector<1x16xf32> to vector<16xf32>
        %swap3A_1416 = vector.shape_cast %mul3A_1411 : vector<16xf32> to vector<1x16xf32>
        tpu.vector_store %arg11[%swap3A_1412, %swap3A_1413], %swap3A_1416 {strides = array<i32>} : memref<80x128xf32, #tpu.memory_space<vmem>>, vector<1x16xf32>,
        %get3A_1417 = arith.index_cast %add3A_1346 : i32 to index
        %get3A_1418 = arith.constant 112 : index
        %get3A_1419 = tpu.vector_load %arg11[%get3A_1417, %get3A_1418] {strides = array<i32>} : memref<80x128xf32, #tpu.memory_space<vmem>>, vector<1x16xf32>,
        %get3A_1420 = vector.shape_cast %get3A_1419 : vector<1x16xf32> to vector<16xf32>
        %mul3A_1421 = arith.mulf %get3A_1420, %broadcast_in_dim3A_1342 : vector<16xf32>
        %swap3A_1422 = arith.index_cast %add3A_1346 : i32 to index
        %swap3A_1423 = arith.constant 112 : index
        %swap3A_1424 = tpu.vector_load %arg11[%swap3A_1422, %swap3A_1423] {strides = array<i32>} : memref<80x128xf32, #tpu.memory_space<vmem>>, vector<1x16xf32>,
        %swap3A_1425 = vector.shape_cast %swap3A_1424 : vector<1x16xf32> to vector<16xf32>
        %swap3A_1426 = vector.shape_cast %mul3A_1421 : vector<16xf32> to vector<1x16xf32>
        tpu.vector_store %arg11[%swap3A_1422, %swap3A_1423], %swap3A_1426 {strides = array<i32>} : memref<80x128xf32, #tpu.memory_space<vmem>>, vector<1x16xf32>,
      }
      %scan3A_33 = arith.constant 5 : i32
      "tpu.region"() ({
        %run_scoped3A = tpu.sem_alloc : memref<!tpu.dma_semaphore, #tpu.memory_space<semaphore_mem>>
        %dma_start3A_34 = arith.constant 0 : i32
        %dma_start3A_35 = arith.constant 0 : i32
        %dma_start3A_36 = tpu.memref_slice %arg12[%dma_start3A_34, %dma_start3A_35] : memref<10240x128xf32, #tpu.memory_space<vmem_shared>> -> memref<10240x128xf32, #tpu.memory_space<vmem_shared>>
        tpu.enqueue_indirect_dma source(%arg11 : memref<80x128xf32, #tpu.memory_space<vmem>>) target(%dma_start3A_36 : memref<10240x128xf32, #tpu.memory_space<vmem_shared>>) offsets(%arg9 : memref<80xi32, #tpu.memory_space<vmem>>) semaphore(%run_scoped3A : memref<!tpu.dma_semaphore, #tpu.memory_space<semaphore_mem>>) {add = true}
        %dma_wait3A_37 = arith.constant 0 : i32
        %dma_wait3A_38 = arith.constant 0 : i32
        %dma_wait3A_39 = tpu.memref_slice %arg12[%dma_wait3A_37, %dma_wait3A_38] : memref<10240x128xf32, #tpu.memory_space<vmem_shared>> -> memref<10240x128xf32, #tpu.memory_space<vmem_shared>>
        tpu.wait_indirect_dma semaphore(%run_scoped3A : memref<!tpu.dma_semaphore, #tpu.memory_space<semaphore_mem>>) src(%arg11 : memref<80x128xf32, #tpu.memory_space<vmem>>) dst(%dma_wait3A_39 : memref<10240x128xf32, #tpu.memory_space<vmem_shared>>)
        tpu.yield
      }) : () -> ()
    }
    %scan3A_11 = arith.constant 125 : i32
    %barrier3A_12 = arith.constant 0 : index
    tpu.barrier barrier_id(%barrier3A_12)
    %mul3A_13 = arith.constant 640 : i32
    %mul3A_14 = arith.muli %arg1, %mul3A_13 : i32
    %mul3A_15 = arith.constant 10240 : i32
    %mul3A_16 = arith.muli %arg0, %mul3A_15 : i32
    %mul3A_17 = arith.constant 640 : i32
    %mul3A_18 = arith.muli %arg1, %mul3A_17 : i32
    %add3A_19 = arith.addi %mul3A_16, %mul3A_18 : i32
    "tpu.region"() ({
      %run_scoped3A = tpu.sem_alloc : memref<!tpu.dma_semaphore, #tpu.memory_space<semaphore_mem>>
      %dma_start3A = arith.constant 0 : i32
      %dma_start3A_20 = tpu.memref_slice %arg7[%add3A_19, %dma_start3A] : memref<20480x128xf32, #tpu.memory_space<hbm>> -> memref<640x128xf32, #tpu.memory_space<hbm>>
      %dma_start3A_21 = arith.constant 0 : i32
      %dma_start3A_22 = tpu.memref_slice %arg12[%mul3A_14, %dma_start3A_21] : memref<10240x128xf32, #tpu.memory_space<vmem_shared>> -> memref<640x128xf32, #tpu.memory_space<vmem_shared>>
      tpu.enqueue_dma source(%dma_start3A_22 : memref<640x128xf32, #tpu.memory_space<vmem_shared>>) target(%dma_start3A_20 : memref<640x128xf32, #tpu.memory_space<hbm>>) target_semaphore(%run_scoped3A : memref<!tpu.dma_semaphore, #tpu.memory_space<semaphore_mem>>)
      %dma_wait3A = arith.constant 0 : i32
      %dma_wait3A_23 = tpu.memref_slice %arg7[%add3A_19, %dma_wait3A] : memref<20480x128xf32, #tpu.memory_space<hbm>> -> memref<640x128xf32, #tpu.memory_space<hbm>>
      %dma_wait3A_24 = arith.constant 0 : i32
      %dma_wait3A_25 = tpu.memref_slice %arg12[%mul3A_14, %dma_wait3A_24] : memref<10240x128xf32, #tpu.memory_space<vmem_shared>> -> memref<640x128xf32, #tpu.memory_space<vmem_shared>>
      tpu.wait_dma2 semaphore(%run_scoped3A : memref<!tpu.dma_semaphore, #tpu.memory_space<semaphore_mem>>) src(%dma_wait3A_25 : memref<640x128xf32, #tpu.memory_space<vmem_shared>>) dst(%dma_wait3A_23 : memref<640x128xf32, #tpu.memory_space<hbm>>)
      tpu.yield
    }) : () -> ()
    return
  }
}

#map = affine_map<(d0, d1) -> (0, 0)>
#map1 = affine_map<(d0, d1) -> (0)>
module attributes {stable_mosaic.version = 14 : i64} {
  func.func @k(%arg0: i32, %arg1: i32, %arg2: memref<10000x128xf32, #tpu.memory_space<hbm>>, %arg3: memref<320000xi32, #tpu.memory_space<hbm>>, %arg4: memref<320000xi32, #tpu.memory_space<hbm>>, %arg5: memref<320000xf32, #tpu.memory_space<hbm>>, %arg6: memref<10240x128xf32, #tpu.memory_space<hbm>>, %arg7: memref<20480x128xf32, #tpu.memory_space<hbm>>, %arg8: memref<80xi32, #tpu.memory_space<vmem>>, %arg9: memref<80xi32, #tpu.memory_space<vmem>>, %arg10: memref<80xf32, #tpu.memory_space<vmem>>, %arg11: memref<80x128xf32, #tpu.memory_space<vmem>>, %arg12: memref<10240x128xf32, #tpu.memory_space<vmem_shared>>, %arg13: memref<!tpu.dma_semaphore, #tpu.memory_space<semaphore_mem>>) attributes {dimension_semantics = [#tpu.dimension_semantics<core_parallel>, #tpu.dimension_semantics<subcore_parallel>], iteration_bounds = array<i64: 2, 16>, scalar_prefetch = 0 : i64, scratch_operands = 6 : i64, tpu.core_type = #tpu.core_type<sc_vector_subcore>, window_params = [{transform_indices = #map}, {transform_indices = #map1}, {transform_indices = #map1}, {transform_indices = #map1}, {transform_indices = #map}, {transform_indices = #map}]} {
    %mul3A = arith.constant 640 : i32
    %mul3A_0 = arith.muli %arg1, %mul3A : i32
    %mul3A_1 = arith.constant 640 : i32
    %mul3A_2 = arith.muli %arg1, %mul3A_1 : i32
    "tpu.region"() ({
      %run_scoped3A = tpu.sem_alloc : memref<!tpu.dma_semaphore, #tpu.memory_space<semaphore_mem>>
      %dma_start3A = arith.constant 0 : i32
      %dma_start3A_20 = tpu.memref_slice %arg12[%mul3A_2, %dma_start3A] : memref<10240x128xf32, #tpu.memory_space<vmem_shared>> -> memref<640x128xf32, #tpu.memory_space<vmem_shared>>
      %dma_start3A_21 = arith.constant 0 : i32
      %dma_start3A_22 = tpu.memref_slice %arg6[%mul3A_0, %dma_start3A_21] : memref<10240x128xf32, #tpu.memory_space<hbm>> -> memref<640x128xf32, #tpu.memory_space<hbm>>
      tpu.enqueue_dma source(%dma_start3A_22 : memref<640x128xf32, #tpu.memory_space<hbm>>) target(%dma_start3A_20 : memref<640x128xf32, #tpu.memory_space<vmem_shared>>) target_semaphore(%run_scoped3A : memref<!tpu.dma_semaphore, #tpu.memory_space<semaphore_mem>>)
      %dma_wait3A = arith.constant 0 : i32
      %dma_wait3A_23 = tpu.memref_slice %arg12[%mul3A_2, %dma_wait3A] : memref<10240x128xf32, #tpu.memory_space<vmem_shared>> -> memref<640x128xf32, #tpu.memory_space<vmem_shared>>
      %dma_wait3A_24 = arith.constant 0 : i32
      %dma_wait3A_25 = tpu.memref_slice %arg6[%mul3A_0, %dma_wait3A_24] : memref<10240x128xf32, #tpu.memory_space<hbm>> -> memref<640x128xf32, #tpu.memory_space<hbm>>
      tpu.wait_dma2 semaphore(%run_scoped3A : memref<!tpu.dma_semaphore, #tpu.memory_space<semaphore_mem>>) src(%dma_wait3A_25 : memref<640x128xf32, #tpu.memory_space<hbm>>) dst(%dma_wait3A_23 : memref<640x128xf32, #tpu.memory_space<vmem_shared>>)
      tpu.yield
    }) : () -> ()
    %barrier3A = arith.constant 0 : index
    tpu.barrier barrier_id(%barrier3A)
    %mul3A_3 = arith.constant 2 : i32
    %mul3A_4 = arith.muli %arg1, %mul3A_3 : i32
    %add3A = arith.addi %mul3A_4, %arg0 : i32
    %mul3A_5 = arith.constant 10000 : i32
    %mul3A_6 = arith.muli %add3A, %mul3A_5 : i32
    %scan3A = arith.constant 0 : i32
    %scan3A_7 = arith.constant 0 : i32
    %scan3A_8 = arith.constant 125 : i32
    %scan3A_9 = arith.addi %scan3A_7, %scan3A_8 : i32
    %scan3A_10 = arith.constant 1 : i32
    scf.for %scan3A_20 = %scan3A_7 to %scan3A_9 step %scan3A_10  : i32 {
      %mul3A_21 = arith.constant 80 : i32
      %mul3A_22 = arith.muli %scan3A_20, %mul3A_21 : i32
      %add3A_23 = arith.addi %mul3A_6, %mul3A_22 : i32
      "tpu.region"() ({
        %run_scoped3A = tpu.sem_alloc : memref<!tpu.dma_semaphore, #tpu.memory_space<semaphore_mem>>
        %dma_start3A_34 = tpu.memref_slice %arg3[%add3A_23] : memref<320000xi32, #tpu.memory_space<hbm>> -> memref<80xi32, #tpu.memory_space<hbm>>
        %dma_start3A_35 = tpu.memref_slice %arg3[%add3A_23] : memref<320000xi32, #tpu.memory_space<hbm>> -> memref<80xi32, #tpu.memory_space<hbm>>
        tpu.enqueue_dma source(%dma_start3A_35 : memref<80xi32, #tpu.memory_space<hbm>>) target(%arg8 : memref<80xi32, #tpu.memory_space<vmem>>) target_semaphore(%run_scoped3A : memref<!tpu.dma_semaphore, #tpu.memory_space<semaphore_mem>>)
        %dma_wait3A_36 = tpu.memref_slice %arg3[%add3A_23] : memref<320000xi32, #tpu.memory_space<hbm>> -> memref<80xi32, #tpu.memory_space<hbm>>
        %dma_wait3A_37 = tpu.memref_slice %arg3[%add3A_23] : memref<320000xi32, #tpu.memory_space<hbm>> -> memref<80xi32, #tpu.memory_space<hbm>>
        tpu.wait_dma2 semaphore(%run_scoped3A : memref<!tpu.dma_semaphore, #tpu.memory_space<semaphore_mem>>) src(%dma_wait3A_37 : memref<80xi32, #tpu.memory_space<hbm>>) dst(%arg8 : memref<80xi32, #tpu.memory_space<vmem>>)
        tpu.yield
      }) : () -> ()
      "tpu.region"() ({
        %run_scoped3A = tpu.sem_alloc : memref<!tpu.dma_semaphore, #tpu.memory_space<semaphore_mem>>
        %dma_start3A_34 = tpu.memref_slice %arg4[%add3A_23] : memref<320000xi32, #tpu.memory_space<hbm>> -> memref<80xi32, #tpu.memory_space<hbm>>
        %dma_start3A_35 = tpu.memref_slice %arg4[%add3A_23] : memref<320000xi32, #tpu.memory_space<hbm>> -> memref<80xi32, #tpu.memory_space<hbm>>
        tpu.enqueue_dma source(%dma_start3A_35 : memref<80xi32, #tpu.memory_space<hbm>>) target(%arg9 : memref<80xi32, #tpu.memory_space<vmem>>) target_semaphore(%run_scoped3A : memref<!tpu.dma_semaphore, #tpu.memory_space<semaphore_mem>>)
        %dma_wait3A_36 = tpu.memref_slice %arg4[%add3A_23] : memref<320000xi32, #tpu.memory_space<hbm>> -> memref<80xi32, #tpu.memory_space<hbm>>
        %dma_wait3A_37 = tpu.memref_slice %arg4[%add3A_23] : memref<320000xi32, #tpu.memory_space<hbm>> -> memref<80xi32, #tpu.memory_space<hbm>>
        tpu.wait_dma2 semaphore(%run_scoped3A : memref<!tpu.dma_semaphore, #tpu.memory_space<semaphore_mem>>) src(%dma_wait3A_37 : memref<80xi32, #tpu.memory_space<hbm>>) dst(%arg9 : memref<80xi32, #tpu.memory_space<vmem>>)
        tpu.yield
      }) : () -> ()
      "tpu.region"() ({
        %run_scoped3A = tpu.sem_alloc : memref<!tpu.dma_semaphore, #tpu.memory_space<semaphore_mem>>
        %dma_start3A_34 = tpu.memref_slice %arg5[%add3A_23] : memref<320000xf32, #tpu.memory_space<hbm>> -> memref<80xf32, #tpu.memory_space<hbm>>
        %dma_start3A_35 = tpu.memref_slice %arg5[%add3A_23] : memref<320000xf32, #tpu.memory_space<hbm>> -> memref<80xf32, #tpu.memory_space<hbm>>
        tpu.enqueue_dma source(%dma_start3A_35 : memref<80xf32, #tpu.memory_space<hbm>>) target(%arg10 : memref<80xf32, #tpu.memory_space<vmem>>) target_semaphore(%run_scoped3A : memref<!tpu.dma_semaphore, #tpu.memory_space<semaphore_mem>>)
        %dma_wait3A_36 = tpu.memref_slice %arg5[%add3A_23] : memref<320000xf32, #tpu.memory_space<hbm>> -> memref<80xf32, #tpu.memory_space<hbm>>
        %dma_wait3A_37 = tpu.memref_slice %arg5[%add3A_23] : memref<320000xf32, #tpu.memory_space<hbm>> -> memref<80xf32, #tpu.memory_space<hbm>>
        tpu.wait_dma2 semaphore(%run_scoped3A : memref<!tpu.dma_semaphore, #tpu.memory_space<semaphore_mem>>) src(%dma_wait3A_37 : memref<80xf32, #tpu.memory_space<hbm>>) dst(%arg10 : memref<80xf32, #tpu.memory_space<vmem>>)
        tpu.yield
      }) : () -> ()
      %dma_start3A = arith.constant 0 : i32
      %dma_start3A_24 = arith.constant 0 : i32
      %dma_start3A_25 = tpu.memref_slice %arg2[%dma_start3A, %dma_start3A_24] : memref<10000x128xf32, #tpu.memory_space<hbm>> -> memref<10000x128xf32, #tpu.memory_space<hbm>>
      tpu.enqueue_indirect_dma source(%dma_start3A_25 : memref<10000x128xf32, #tpu.memory_space<hbm>>) target(%arg11 : memref<80x128xf32, #tpu.memory_space<vmem>>) offsets(%arg8 : memref<80xi32, #tpu.memory_space<vmem>>) semaphore(%arg13 : memref<!tpu.dma_semaphore, #tpu.memory_space<semaphore_mem>>)
      %dma_wait3A = arith.constant 0 : i32
      %dma_wait3A_26 = arith.constant 0 : i32
      %dma_wait3A_27 = tpu.memref_slice %arg2[%dma_wait3A, %dma_wait3A_26] : memref<10000x128xf32, #tpu.memory_space<hbm>> -> memref<10000x128xf32, #tpu.memory_space<hbm>>
      tpu.wait_indirect_dma semaphore(%arg13 : memref<!tpu.dma_semaphore, #tpu.memory_space<semaphore_mem>>) src(%dma_wait3A_27 : memref<10000x128xf32, #tpu.memory_space<hbm>>) dst(%arg11 : memref<80x128xf32, #tpu.memory_space<vmem>>)
      %scan3A_28 = arith.constant 0 : i32
      %scan3A_29 = arith.constant 0 : i32
      %scan3A_30 = arith.constant 5 : i32
      %scan3A_31 = arith.addi %scan3A_29, %scan3A_30 : i32
      %scan3A_32 = arith.constant 1 : i32
      scf.for %scan3A_34 = %scan3A_29 to %scan3A_31 step %scan3A_32  : i32 {
        %mul3A_35 = arith.constant 16 : i32
        %mul3A_36 = arith.muli %scan3A_34, %mul3A_35 : i32
        %get3A = arith.index_cast %mul3A_36 : i32 to index
        %get3A_37 = tpu.vector_load %arg10[%get3A] {strides = array<i32>} : memref<80xf32, #tpu.memory_space<vmem>>, vector<16xf32>,
        %get3A_38 = vector.shape_cast %get3A_37 : vector<16xf32> to vector<16xf32>
        %slice3A = vector.extract_strided_slice %get3A_38 {offsets = [0], sizes = [1], strides = [1]} : vector<16xf32> to vector<1xf32>
        %squeeze3A = vector.extract %slice3A[0] : f32 from vector<1xf32>
        %broadcast_in_dim3A = vector.broadcast %squeeze3A : f32 to vector<16xf32>
        %mul3A_39 = arith.constant 16 : i32
        %mul3A_40 = arith.muli %scan3A_34, %mul3A_39 : i32
        %add3A_41 = arith.constant 0 : i32
        %add3A_42 = arith.addi %mul3A_40, %add3A_41 : i32
        %get3A_43 = arith.index_cast %add3A_42 : i32 to index
        %get3A_44 = arith.constant 0 : index
        %get3A_45 = tpu.vector_load %arg11[%get3A_43, %get3A_44] {strides = array<i32>} : memref<80x128xf32, #tpu.memory_space<vmem>>, vector<1x16xf32>,
        %get3A_46 = vector.shape_cast %get3A_45 : vector<1x16xf32> to vector<16xf32>
        %mul3A_47 = arith.mulf %get3A_46, %broadcast_in_dim3A : vector<16xf32>
        %swap3A = arith.index_cast %add3A_42 : i32 to index
        %swap3A_48 = arith.constant 0 : index
        %swap3A_49 = tpu.vector_load %arg11[%swap3A, %swap3A_48] {strides = array<i32>} : memref<80x128xf32, #tpu.memory_space<vmem>>, vector<1x16xf32>,
        %swap3A_50 = vector.shape_cast %swap3A_49 : vector<1x16xf32> to vector<16xf32>
        %swap3A_51 = vector.shape_cast %mul3A_47 : vector<16xf32> to vector<1x16xf32>
        tpu.vector_store %arg11[%swap3A, %swap3A_48], %swap3A_51 {strides = array<i32>} : memref<80x128xf32, #tpu.memory_space<vmem>>, vector<1x16xf32>,
        %get3A_52 = arith.index_cast %add3A_42 : i32 to index
        %get3A_53 = arith.constant 16 : index
        %get3A_54 = tpu.vector_load %arg11[%get3A_52, %get3A_53] {strides = array<i32>} : memref<80x128xf32, #tpu.memory_space<vmem>>, vector<1x16xf32>,
        %get3A_55 = vector.shape_cast %get3A_54 : vector<1x16xf32> to vector<16xf32>
        %mul3A_56 = arith.mulf %get3A_55, %broadcast_in_dim3A : vector<16xf32>
        %swap3A_57 = arith.index_cast %add3A_42 : i32 to index
        %swap3A_58 = arith.constant 16 : index
        %swap3A_59 = tpu.vector_load %arg11[%swap3A_57, %swap3A_58] {strides = array<i32>} : memref<80x128xf32, #tpu.memory_space<vmem>>, vector<1x16xf32>,
        %swap3A_60 = vector.shape_cast %swap3A_59 : vector<1x16xf32> to vector<16xf32>
        %swap3A_61 = vector.shape_cast %mul3A_56 : vector<16xf32> to vector<1x16xf32>
        tpu.vector_store %arg11[%swap3A_57, %swap3A_58], %swap3A_61 {strides = array<i32>} : memref<80x128xf32, #tpu.memory_space<vmem>>, vector<1x16xf32>,
        %get3A_62 = arith.index_cast %add3A_42 : i32 to index
        %get3A_63 = arith.constant 32 : index
        %get3A_64 = tpu.vector_load %arg11[%get3A_62, %get3A_63] {strides = array<i32>} : memref<80x128xf32, #tpu.memory_space<vmem>>, vector<1x16xf32>,
        %get3A_65 = vector.shape_cast %get3A_64 : vector<1x16xf32> to vector<16xf32>
        %mul3A_66 = arith.mulf %get3A_65, %broadcast_in_dim3A : vector<16xf32>
        %swap3A_67 = arith.index_cast %add3A_42 : i32 to index
        %swap3A_68 = arith.constant 32 : index
        %swap3A_69 = tpu.vector_load %arg11[%swap3A_67, %swap3A_68] {strides = array<i32>} : memref<80x128xf32, #tpu.memory_space<vmem>>, vector<1x16xf32>,
        %swap3A_70 = vector.shape_cast %swap3A_69 : vector<1x16xf32> to vector<16xf32>
        %swap3A_71 = vector.shape_cast %mul3A_66 : vector<16xf32> to vector<1x16xf32>
        tpu.vector_store %arg11[%swap3A_67, %swap3A_68], %swap3A_71 {strides = array<i32>} : memref<80x128xf32, #tpu.memory_space<vmem>>, vector<1x16xf32>,
        %get3A_72 = arith.index_cast %add3A_42 : i32 to index
        %get3A_73 = arith.constant 48 : index
        %get3A_74 = tpu.vector_load %arg11[%get3A_72, %get3A_73] {strides = array<i32>} : memref<80x128xf32, #tpu.memory_space<vmem>>, vector<1x16xf32>,
        %get3A_75 = vector.shape_cast %get3A_74 : vector<1x16xf32> to vector<16xf32>
        %mul3A_76 = arith.mulf %get3A_75, %broadcast_in_dim3A : vector<16xf32>
        %swap3A_77 = arith.index_cast %add3A_42 : i32 to index
        %swap3A_78 = arith.constant 48 : index
        %swap3A_79 = tpu.vector_load %arg11[%swap3A_77, %swap3A_78] {strides = array<i32>} : memref<80x128xf32, #tpu.memory_space<vmem>>, vector<1x16xf32>,
        %swap3A_80 = vector.shape_cast %swap3A_79 : vector<1x16xf32> to vector<16xf32>
        %swap3A_81 = vector.shape_cast %mul3A_76 : vector<16xf32> to vector<1x16xf32>
        tpu.vector_store %arg11[%swap3A_77, %swap3A_78], %swap3A_81 {strides = array<i32>} : memref<80x128xf32, #tpu.memory_space<vmem>>, vector<1x16xf32>,
        %get3A_82 = arith.index_cast %add3A_42 : i32 to index
        %get3A_83 = arith.constant 64 : index
        %get3A_84 = tpu.vector_load %arg11[%get3A_82, %get3A_83] {strides = array<i32>} : memref<80x128xf32, #tpu.memory_space<vmem>>, vector<1x16xf32>,
        %get3A_85 = vector.shape_cast %get3A_84 : vector<1x16xf32> to vector<16xf32>
        %mul3A_86 = arith.mulf %get3A_85, %broadcast_in_dim3A : vector<16xf32>
        %swap3A_87 = arith.index_cast %add3A_42 : i32 to index
        %swap3A_88 = arith.constant 64 : index
        %swap3A_89 = tpu.vector_load %arg11[%swap3A_87, %swap3A_88] {strides = array<i32>} : memref<80x128xf32, #tpu.memory_space<vmem>>, vector<1x16xf32>,
        %swap3A_90 = vector.shape_cast %swap3A_89 : vector<1x16xf32> to vector<16xf32>
        %swap3A_91 = vector.shape_cast %mul3A_86 : vector<16xf32> to vector<1x16xf32>
        tpu.vector_store %arg11[%swap3A_87, %swap3A_88], %swap3A_91 {strides = array<i32>} : memref<80x128xf32, #tpu.memory_space<vmem>>, vector<1x16xf32>,
        %get3A_92 = arith.index_cast %add3A_42 : i32 to index
        %get3A_93 = arith.constant 80 : index
        %get3A_94 = tpu.vector_load %arg11[%get3A_92, %get3A_93] {strides = array<i32>} : memref<80x128xf32, #tpu.memory_space<vmem>>, vector<1x16xf32>,
        %get3A_95 = vector.shape_cast %get3A_94 : vector<1x16xf32> to vector<16xf32>
        %mul3A_96 = arith.mulf %get3A_95, %broadcast_in_dim3A : vector<16xf32>
        %swap3A_97 = arith.index_cast %add3A_42 : i32 to index
        %swap3A_98 = arith.constant 80 : index
        %swap3A_99 = tpu.vector_load %arg11[%swap3A_97, %swap3A_98] {strides = array<i32>} : memref<80x128xf32, #tpu.memory_space<vmem>>, vector<1x16xf32>,
        %swap3A_100 = vector.shape_cast %swap3A_99 : vector<1x16xf32> to vector<16xf32>
        %swap3A_101 = vector.shape_cast %mul3A_96 : vector<16xf32> to vector<1x16xf32>
        tpu.vector_store %arg11[%swap3A_97, %swap3A_98], %swap3A_101 {strides = array<i32>} : memref<80x128xf32, #tpu.memory_space<vmem>>, vector<1x16xf32>,
        %get3A_102 = arith.index_cast %add3A_42 : i32 to index
        %get3A_103 = arith.constant 96 : index
        %get3A_104 = tpu.vector_load %arg11[%get3A_102, %get3A_103] {strides = array<i32>} : memref<80x128xf32, #tpu.memory_space<vmem>>, vector<1x16xf32>,
        %get3A_105 = vector.shape_cast %get3A_104 : vector<1x16xf32> to vector<16xf32>
        %mul3A_106 = arith.mulf %get3A_105, %broadcast_in_dim3A : vector<16xf32>
        %swap3A_107 = arith.index_cast %add3A_42 : i32 to index
        %swap3A_108 = arith.constant 96 : index
        %swap3A_109 = tpu.vector_load %arg11[%swap3A_107, %swap3A_108] {strides = array<i32>} : memref<80x128xf32, #tpu.memory_space<vmem>>, vector<1x16xf32>,
        %swap3A_110 = vector.shape_cast %swap3A_109 : vector<1x16xf32> to vector<16xf32>
        %swap3A_111 = vector.shape_cast %mul3A_106 : vector<16xf32> to vector<1x16xf32>
        tpu.vector_store %arg11[%swap3A_107, %swap3A_108], %swap3A_111 {strides = array<i32>} : memref<80x128xf32, #tpu.memory_space<vmem>>, vector<1x16xf32>,
        %get3A_112 = arith.index_cast %add3A_42 : i32 to index
        %get3A_113 = arith.constant 112 : index
        %get3A_114 = tpu.vector_load %arg11[%get3A_112, %get3A_113] {strides = array<i32>} : memref<80x128xf32, #tpu.memory_space<vmem>>, vector<1x16xf32>,
        %get3A_115 = vector.shape_cast %get3A_114 : vector<1x16xf32> to vector<16xf32>
        %mul3A_116 = arith.mulf %get3A_115, %broadcast_in_dim3A : vector<16xf32>
        %swap3A_117 = arith.index_cast %add3A_42 : i32 to index
        %swap3A_118 = arith.constant 112 : index
        %swap3A_119 = tpu.vector_load %arg11[%swap3A_117, %swap3A_118] {strides = array<i32>} : memref<80x128xf32, #tpu.memory_space<vmem>>, vector<1x16xf32>,
        %swap3A_120 = vector.shape_cast %swap3A_119 : vector<1x16xf32> to vector<16xf32>
        %swap3A_121 = vector.shape_cast %mul3A_116 : vector<16xf32> to vector<1x16xf32>
        tpu.vector_store %arg11[%swap3A_117, %swap3A_118], %swap3A_121 {strides = array<i32>} : memref<80x128xf32, #tpu.memory_space<vmem>>, vector<1x16xf32>,
        %slice3A_122 = vector.extract_strided_slice %get3A_38 {offsets = [1], sizes = [1], strides = [1]} : vector<16xf32> to vector<1xf32>
        %squeeze3A_123 = vector.extract %slice3A_122[0] : f32 from vector<1xf32>
        %broadcast_in_dim3A_124 = vector.broadcast %squeeze3A_123 : f32 to vector<16xf32>
        %mul3A_125 = arith.constant 16 : i32
        %mul3A_126 = arith.muli %scan3A_34, %mul3A_125 : i32
        %add3A_127 = arith.constant 1 : i32
        %add3A_128 = arith.addi %mul3A_126, %add3A_127 : i32
        %get3A_129 = arith.index_cast %add3A_128 : i32 to index
        %get3A_130 = arith.constant 0 : index
        %get3A_131 = tpu.vector_load %arg11[%get3A_129, %get3A_130] {strides = array<i32>} : memref<80x128xf32, #tpu.memory_space<vmem>>, vector<1x16xf32>,
        %get3A_132 = vector.shape_cast %get3A_131 : vector<1x16xf32> to vector<16xf32>
        %mul3A_133 = arith.mulf %get3A_132, %broadcast_in_dim3A_124 : vector<16xf32>
        %swap3A_134 = arith.index_cast %add3A_128 : i32 to index
        %swap3A_135 = arith.constant 0 : index
        %swap3A_136 = tpu.vector_load %arg11[%swap3A_134, %swap3A_135] {strides = array<i32>} : memref<80x128xf32, #tpu.memory_space<vmem>>, vector<1x16xf32>,
        %swap3A_137 = vector.shape_cast %swap3A_136 : vector<1x16xf32> to vector<16xf32>
        %swap3A_138 = vector.shape_cast %mul3A_133 : vector<16xf32> to vector<1x16xf32>
        tpu.vector_store %arg11[%swap3A_134, %swap3A_135], %swap3A_138 {strides = array<i32>} : memref<80x128xf32, #tpu.memory_space<vmem>>, vector<1x16xf32>,
        %get3A_139 = arith.index_cast %add3A_128 : i32 to index
        %get3A_140 = arith.constant 16 : index
        %get3A_141 = tpu.vector_load %arg11[%get3A_139, %get3A_140] {strides = array<i32>} : memref<80x128xf32, #tpu.memory_space<vmem>>, vector<1x16xf32>,
        %get3A_142 = vector.shape_cast %get3A_141 : vector<1x16xf32> to vector<16xf32>
        %mul3A_143 = arith.mulf %get3A_142, %broadcast_in_dim3A_124 : vector<16xf32>
        %swap3A_144 = arith.index_cast %add3A_128 : i32 to index
        %swap3A_145 = arith.constant 16 : index
        %swap3A_146 = tpu.vector_load %arg11[%swap3A_144, %swap3A_145] {strides = array<i32>} : memref<80x128xf32, #tpu.memory_space<vmem>>, vector<1x16xf32>,
        %swap3A_147 = vector.shape_cast %swap3A_146 : vector<1x16xf32> to vector<16xf32>
        %swap3A_148 = vector.shape_cast %mul3A_143 : vector<16xf32> to vector<1x16xf32>
        tpu.vector_store %arg11[%swap3A_144, %swap3A_145], %swap3A_148 {strides = array<i32>} : memref<80x128xf32, #tpu.memory_space<vmem>>, vector<1x16xf32>,
        %get3A_149 = arith.index_cast %add3A_128 : i32 to index
        %get3A_150 = arith.constant 32 : index
        %get3A_151 = tpu.vector_load %arg11[%get3A_149, %get3A_150] {strides = array<i32>} : memref<80x128xf32, #tpu.memory_space<vmem>>, vector<1x16xf32>,
        %get3A_152 = vector.shape_cast %get3A_151 : vector<1x16xf32> to vector<16xf32>
        %mul3A_153 = arith.mulf %get3A_152, %broadcast_in_dim3A_124 : vector<16xf32>
        %swap3A_154 = arith.index_cast %add3A_128 : i32 to index
        %swap3A_155 = arith.constant 32 : index
        %swap3A_156 = tpu.vector_load %arg11[%swap3A_154, %swap3A_155] {strides = array<i32>} : memref<80x128xf32, #tpu.memory_space<vmem>>, vector<1x16xf32>,
        %swap3A_157 = vector.shape_cast %swap3A_156 : vector<1x16xf32> to vector<16xf32>
        %swap3A_158 = vector.shape_cast %mul3A_153 : vector<16xf32> to vector<1x16xf32>
        tpu.vector_store %arg11[%swap3A_154, %swap3A_155], %swap3A_158 {strides = array<i32>} : memref<80x128xf32, #tpu.memory_space<vmem>>, vector<1x16xf32>,
        %get3A_159 = arith.index_cast %add3A_128 : i32 to index
        %get3A_160 = arith.constant 48 : index
        %get3A_161 = tpu.vector_load %arg11[%get3A_159, %get3A_160] {strides = array<i32>} : memref<80x128xf32, #tpu.memory_space<vmem>>, vector<1x16xf32>,
        %get3A_162 = vector.shape_cast %get3A_161 : vector<1x16xf32> to vector<16xf32>
        %mul3A_163 = arith.mulf %get3A_162, %broadcast_in_dim3A_124 : vector<16xf32>
        %swap3A_164 = arith.index_cast %add3A_128 : i32 to index
        %swap3A_165 = arith.constant 48 : index
        %swap3A_166 = tpu.vector_load %arg11[%swap3A_164, %swap3A_165] {strides = array<i32>} : memref<80x128xf32, #tpu.memory_space<vmem>>, vector<1x16xf32>,
        %swap3A_167 = vector.shape_cast %swap3A_166 : vector<1x16xf32> to vector<16xf32>
        %swap3A_168 = vector.shape_cast %mul3A_163 : vector<16xf32> to vector<1x16xf32>
        tpu.vector_store %arg11[%swap3A_164, %swap3A_165], %swap3A_168 {strides = array<i32>} : memref<80x128xf32, #tpu.memory_space<vmem>>, vector<1x16xf32>,
        %get3A_169 = arith.index_cast %add3A_128 : i32 to index
        %get3A_170 = arith.constant 64 : index
        %get3A_171 = tpu.vector_load %arg11[%get3A_169, %get3A_170] {strides = array<i32>} : memref<80x128xf32, #tpu.memory_space<vmem>>, vector<1x16xf32>,
        %get3A_172 = vector.shape_cast %get3A_171 : vector<1x16xf32> to vector<16xf32>
        %mul3A_173 = arith.mulf %get3A_172, %broadcast_in_dim3A_124 : vector<16xf32>
        %swap3A_174 = arith.index_cast %add3A_128 : i32 to index
        %swap3A_175 = arith.constant 64 : index
        %swap3A_176 = tpu.vector_load %arg11[%swap3A_174, %swap3A_175] {strides = array<i32>} : memref<80x128xf32, #tpu.memory_space<vmem>>, vector<1x16xf32>,
        %swap3A_177 = vector.shape_cast %swap3A_176 : vector<1x16xf32> to vector<16xf32>
        %swap3A_178 = vector.shape_cast %mul3A_173 : vector<16xf32> to vector<1x16xf32>
        tpu.vector_store %arg11[%swap3A_174, %swap3A_175], %swap3A_178 {strides = array<i32>} : memref<80x128xf32, #tpu.memory_space<vmem>>, vector<1x16xf32>,
        %get3A_179 = arith.index_cast %add3A_128 : i32 to index
        %get3A_180 = arith.constant 80 : index
        %get3A_181 = tpu.vector_load %arg11[%get3A_179, %get3A_180] {strides = array<i32>} : memref<80x128xf32, #tpu.memory_space<vmem>>, vector<1x16xf32>,
        %get3A_182 = vector.shape_cast %get3A_181 : vector<1x16xf32> to vector<16xf32>
        %mul3A_183 = arith.mulf %get3A_182, %broadcast_in_dim3A_124 : vector<16xf32>
        %swap3A_184 = arith.index_cast %add3A_128 : i32 to index
        %swap3A_185 = arith.constant 80 : index
        %swap3A_186 = tpu.vector_load %arg11[%swap3A_184, %swap3A_185] {strides = array<i32>} : memref<80x128xf32, #tpu.memory_space<vmem>>, vector<1x16xf32>,
        %swap3A_187 = vector.shape_cast %swap3A_186 : vector<1x16xf32> to vector<16xf32>
        %swap3A_188 = vector.shape_cast %mul3A_183 : vector<16xf32> to vector<1x16xf32>
        tpu.vector_store %arg11[%swap3A_184, %swap3A_185], %swap3A_188 {strides = array<i32>} : memref<80x128xf32, #tpu.memory_space<vmem>>, vector<1x16xf32>,
        %get3A_189 = arith.index_cast %add3A_128 : i32 to index
        %get3A_190 = arith.constant 96 : index
        %get3A_191 = tpu.vector_load %arg11[%get3A_189, %get3A_190] {strides = array<i32>} : memref<80x128xf32, #tpu.memory_space<vmem>>, vector<1x16xf32>,
        %get3A_192 = vector.shape_cast %get3A_191 : vector<1x16xf32> to vector<16xf32>
        %mul3A_193 = arith.mulf %get3A_192, %broadcast_in_dim3A_124 : vector<16xf32>
        %swap3A_194 = arith.index_cast %add3A_128 : i32 to index
        %swap3A_195 = arith.constant 96 : index
        %swap3A_196 = tpu.vector_load %arg11[%swap3A_194, %swap3A_195] {strides = array<i32>} : memref<80x128xf32, #tpu.memory_space<vmem>>, vector<1x16xf32>,
        %swap3A_197 = vector.shape_cast %swap3A_196 : vector<1x16xf32> to vector<16xf32>
        %swap3A_198 = vector.shape_cast %mul3A_193 : vector<16xf32> to vector<1x16xf32>
        tpu.vector_store %arg11[%swap3A_194, %swap3A_195], %swap3A_198 {strides = array<i32>} : memref<80x128xf32, #tpu.memory_space<vmem>>, vector<1x16xf32>,
        %get3A_199 = arith.index_cast %add3A_128 : i32 to index
        %get3A_200 = arith.constant 112 : index
        %get3A_201 = tpu.vector_load %arg11[%get3A_199, %get3A_200] {strides = array<i32>} : memref<80x128xf32, #tpu.memory_space<vmem>>, vector<1x16xf32>,
        %get3A_202 = vector.shape_cast %get3A_201 : vector<1x16xf32> to vector<16xf32>
        %mul3A_203 = arith.mulf %get3A_202, %broadcast_in_dim3A_124 : vector<16xf32>
        %swap3A_204 = arith.index_cast %add3A_128 : i32 to index
        %swap3A_205 = arith.constant 112 : index
        %swap3A_206 = tpu.vector_load %arg11[%swap3A_204, %swap3A_205] {strides = array<i32>} : memref<80x128xf32, #tpu.memory_space<vmem>>, vector<1x16xf32>,
        %swap3A_207 = vector.shape_cast %swap3A_206 : vector<1x16xf32> to vector<16xf32>
        %swap3A_208 = vector.shape_cast %mul3A_203 : vector<16xf32> to vector<1x16xf32>
        tpu.vector_store %arg11[%swap3A_204, %swap3A_205], %swap3A_208 {strides = array<i32>} : memref<80x128xf32, #tpu.memory_space<vmem>>, vector<1x16xf32>,
        %slice3A_209 = vector.extract_strided_slice %get3A_38 {offsets = [2], sizes = [1], strides = [1]} : vector<16xf32> to vector<1xf32>
        %squeeze3A_210 = vector.extract %slice3A_209[0] : f32 from vector<1xf32>
        %broadcast_in_dim3A_211 = vector.broadcast %squeeze3A_210 : f32 to vector<16xf32>
        %mul3A_212 = arith.constant 16 : i32
        %mul3A_213 = arith.muli %scan3A_34, %mul3A_212 : i32
        %add3A_214 = arith.constant 2 : i32
        %add3A_215 = arith.addi %mul3A_213, %add3A_214 : i32
        %get3A_216 = arith.index_cast %add3A_215 : i32 to index
        %get3A_217 = arith.constant 0 : index
        %get3A_218 = tpu.vector_load %arg11[%get3A_216, %get3A_217] {strides = array<i32>} : memref<80x128xf32, #tpu.memory_space<vmem>>, vector<1x16xf32>,
        %get3A_219 = vector.shape_cast %get3A_218 : vector<1x16xf32> to vector<16xf32>
        %mul3A_220 = arith.mulf %get3A_219, %broadcast_in_dim3A_211 : vector<16xf32>
        %swap3A_221 = arith.index_cast %add3A_215 : i32 to index
        %swap3A_222 = arith.constant 0 : index
        %swap3A_223 = tpu.vector_load %arg11[%swap3A_221, %swap3A_222] {strides = array<i32>} : memref<80x128xf32, #tpu.memory_space<vmem>>, vector<1x16xf32>,
        %swap3A_224 = vector.shape_cast %swap3A_223 : vector<1x16xf32> to vector<16xf32>
        %swap3A_225 = vector.shape_cast %mul3A_220 : vector<16xf32> to vector<1x16xf32>
        tpu.vector_store %arg11[%swap3A_221, %swap3A_222], %swap3A_225 {strides = array<i32>} : memref<80x128xf32, #tpu.memory_space<vmem>>, vector<1x16xf32>,
        %get3A_226 = arith.index_cast %add3A_215 : i32 to index
        %get3A_227 = arith.constant 16 : index
        %get3A_228 = tpu.vector_load %arg11[%get3A_226, %get3A_227] {strides = array<i32>} : memref<80x128xf32, #tpu.memory_space<vmem>>, vector<1x16xf32>,
        %get3A_229 = vector.shape_cast %get3A_228 : vector<1x16xf32> to vector<16xf32>
        %mul3A_230 = arith.mulf %get3A_229, %broadcast_in_dim3A_211 : vector<16xf32>
        %swap3A_231 = arith.index_cast %add3A_215 : i32 to index
        %swap3A_232 = arith.constant 16 : index
        %swap3A_233 = tpu.vector_load %arg11[%swap3A_231, %swap3A_232] {strides = array<i32>} : memref<80x128xf32, #tpu.memory_space<vmem>>, vector<1x16xf32>,
        %swap3A_234 = vector.shape_cast %swap3A_233 : vector<1x16xf32> to vector<16xf32>
        %swap3A_235 = vector.shape_cast %mul3A_230 : vector<16xf32> to vector<1x16xf32>
        tpu.vector_store %arg11[%swap3A_231, %swap3A_232], %swap3A_235 {strides = array<i32>} : memref<80x128xf32, #tpu.memory_space<vmem>>, vector<1x16xf32>,
        %get3A_236 = arith.index_cast %add3A_215 : i32 to index
        %get3A_237 = arith.constant 32 : index
        %get3A_238 = tpu.vector_load %arg11[%get3A_236, %get3A_237] {strides = array<i32>} : memref<80x128xf32, #tpu.memory_space<vmem>>, vector<1x16xf32>,
        %get3A_239 = vector.shape_cast %get3A_238 : vector<1x16xf32> to vector<16xf32>
        %mul3A_240 = arith.mulf %get3A_239, %broadcast_in_dim3A_211 : vector<16xf32>
        %swap3A_241 = arith.index_cast %add3A_215 : i32 to index
        %swap3A_242 = arith.constant 32 : index
        %swap3A_243 = tpu.vector_load %arg11[%swap3A_241, %swap3A_242] {strides = array<i32>} : memref<80x128xf32, #tpu.memory_space<vmem>>, vector<1x16xf32>,
        %swap3A_244 = vector.shape_cast %swap3A_243 : vector<1x16xf32> to vector<16xf32>
        %swap3A_245 = vector.shape_cast %mul3A_240 : vector<16xf32> to vector<1x16xf32>
        tpu.vector_store %arg11[%swap3A_241, %swap3A_242], %swap3A_245 {strides = array<i32>} : memref<80x128xf32, #tpu.memory_space<vmem>>, vector<1x16xf32>,
        %get3A_246 = arith.index_cast %add3A_215 : i32 to index
        %get3A_247 = arith.constant 48 : index
        %get3A_248 = tpu.vector_load %arg11[%get3A_246, %get3A_247] {strides = array<i32>} : memref<80x128xf32, #tpu.memory_space<vmem>>, vector<1x16xf32>,
        %get3A_249 = vector.shape_cast %get3A_248 : vector<1x16xf32> to vector<16xf32>
        %mul3A_250 = arith.mulf %get3A_249, %broadcast_in_dim3A_211 : vector<16xf32>
        %swap3A_251 = arith.index_cast %add3A_215 : i32 to index
        %swap3A_252 = arith.constant 48 : index
        %swap3A_253 = tpu.vector_load %arg11[%swap3A_251, %swap3A_252] {strides = array<i32>} : memref<80x128xf32, #tpu.memory_space<vmem>>, vector<1x16xf32>,
        %swap3A_254 = vector.shape_cast %swap3A_253 : vector<1x16xf32> to vector<16xf32>
        %swap3A_255 = vector.shape_cast %mul3A_250 : vector<16xf32> to vector<1x16xf32>
        tpu.vector_store %arg11[%swap3A_251, %swap3A_252], %swap3A_255 {strides = array<i32>} : memref<80x128xf32, #tpu.memory_space<vmem>>, vector<1x16xf32>,
        %get3A_256 = arith.index_cast %add3A_215 : i32 to index
        %get3A_257 = arith.constant 64 : index
        %get3A_258 = tpu.vector_load %arg11[%get3A_256, %get3A_257] {strides = array<i32>} : memref<80x128xf32, #tpu.memory_space<vmem>>, vector<1x16xf32>,
        %get3A_259 = vector.shape_cast %get3A_258 : vector<1x16xf32> to vector<16xf32>
        %mul3A_260 = arith.mulf %get3A_259, %broadcast_in_dim3A_211 : vector<16xf32>
        %swap3A_261 = arith.index_cast %add3A_215 : i32 to index
        %swap3A_262 = arith.constant 64 : index
        %swap3A_263 = tpu.vector_load %arg11[%swap3A_261, %swap3A_262] {strides = array<i32>} : memref<80x128xf32, #tpu.memory_space<vmem>>, vector<1x16xf32>,
        %swap3A_264 = vector.shape_cast %swap3A_263 : vector<1x16xf32> to vector<16xf32>
        %swap3A_265 = vector.shape_cast %mul3A_260 : vector<16xf32> to vector<1x16xf32>
        tpu.vector_store %arg11[%swap3A_261, %swap3A_262], %swap3A_265 {strides = array<i32>} : memref<80x128xf32, #tpu.memory_space<vmem>>, vector<1x16xf32>,
        %get3A_266 = arith.index_cast %add3A_215 : i32 to index
        %get3A_267 = arith.constant 80 : index
        %get3A_268 = tpu.vector_load %arg11[%get3A_266, %get3A_267] {strides = array<i32>} : memref<80x128xf32, #tpu.memory_space<vmem>>, vector<1x16xf32>,
        %get3A_269 = vector.shape_cast %get3A_268 : vector<1x16xf32> to vector<16xf32>
        %mul3A_270 = arith.mulf %get3A_269, %broadcast_in_dim3A_211 : vector<16xf32>
        %swap3A_271 = arith.index_cast %add3A_215 : i32 to index
        %swap3A_272 = arith.constant 80 : index
        %swap3A_273 = tpu.vector_load %arg11[%swap3A_271, %swap3A_272] {strides = array<i32>} : memref<80x128xf32, #tpu.memory_space<vmem>>, vector<1x16xf32>,
        %swap3A_274 = vector.shape_cast %swap3A_273 : vector<1x16xf32> to vector<16xf32>
        %swap3A_275 = vector.shape_cast %mul3A_270 : vector<16xf32> to vector<1x16xf32>
        tpu.vector_store %arg11[%swap3A_271, %swap3A_272], %swap3A_275 {strides = array<i32>} : memref<80x128xf32, #tpu.memory_space<vmem>>, vector<1x16xf32>,
        %get3A_276 = arith.index_cast %add3A_215 : i32 to index
        %get3A_277 = arith.constant 96 : index
        %get3A_278 = tpu.vector_load %arg11[%get3A_276, %get3A_277] {strides = array<i32>} : memref<80x128xf32, #tpu.memory_space<vmem>>, vector<1x16xf32>,
        %get3A_279 = vector.shape_cast %get3A_278 : vector<1x16xf32> to vector<16xf32>
        %mul3A_280 = arith.mulf %get3A_279, %broadcast_in_dim3A_211 : vector<16xf32>
        %swap3A_281 = arith.index_cast %add3A_215 : i32 to index
        %swap3A_282 = arith.constant 96 : index
        %swap3A_283 = tpu.vector_load %arg11[%swap3A_281, %swap3A_282] {strides = array<i32>} : memref<80x128xf32, #tpu.memory_space<vmem>>, vector<1x16xf32>,
        %swap3A_284 = vector.shape_cast %swap3A_283 : vector<1x16xf32> to vector<16xf32>
        %swap3A_285 = vector.shape_cast %mul3A_280 : vector<16xf32> to vector<1x16xf32>
        tpu.vector_store %arg11[%swap3A_281, %swap3A_282], %swap3A_285 {strides = array<i32>} : memref<80x128xf32, #tpu.memory_space<vmem>>, vector<1x16xf32>,
        %get3A_286 = arith.index_cast %add3A_215 : i32 to index
        %get3A_287 = arith.constant 112 : index
        %get3A_288 = tpu.vector_load %arg11[%get3A_286, %get3A_287] {strides = array<i32>} : memref<80x128xf32, #tpu.memory_space<vmem>>, vector<1x16xf32>,
        %get3A_289 = vector.shape_cast %get3A_288 : vector<1x16xf32> to vector<16xf32>
        %mul3A_290 = arith.mulf %get3A_289, %broadcast_in_dim3A_211 : vector<16xf32>
        %swap3A_291 = arith.index_cast %add3A_215 : i32 to index
        %swap3A_292 = arith.constant 112 : index
        %swap3A_293 = tpu.vector_load %arg11[%swap3A_291, %swap3A_292] {strides = array<i32>} : memref<80x128xf32, #tpu.memory_space<vmem>>, vector<1x16xf32>,
        %swap3A_294 = vector.shape_cast %swap3A_293 : vector<1x16xf32> to vector<16xf32>
        %swap3A_295 = vector.shape_cast %mul3A_290 : vector<16xf32> to vector<1x16xf32>
        tpu.vector_store %arg11[%swap3A_291, %swap3A_292], %swap3A_295 {strides = array<i32>} : memref<80x128xf32, #tpu.memory_space<vmem>>, vector<1x16xf32>,
        %slice3A_296 = vector.extract_strided_slice %get3A_38 {offsets = [3], sizes = [1], strides = [1]} : vector<16xf32> to vector<1xf32>
        %squeeze3A_297 = vector.extract %slice3A_296[0] : f32 from vector<1xf32>
        %broadcast_in_dim3A_298 = vector.broadcast %squeeze3A_297 : f32 to vector<16xf32>
        %mul3A_299 = arith.constant 16 : i32
        %mul3A_300 = arith.muli %scan3A_34, %mul3A_299 : i32
        %add3A_301 = arith.constant 3 : i32
        %add3A_302 = arith.addi %mul3A_300, %add3A_301 : i32
        %get3A_303 = arith.index_cast %add3A_302 : i32 to index
        %get3A_304 = arith.constant 0 : index
        %get3A_305 = tpu.vector_load %arg11[%get3A_303, %get3A_304] {strides = array<i32>} : memref<80x128xf32, #tpu.memory_space<vmem>>, vector<1x16xf32>,
        %get3A_306 = vector.shape_cast %get3A_305 : vector<1x16xf32> to vector<16xf32>
        %mul3A_307 = arith.mulf %get3A_306, %broadcast_in_dim3A_298 : vector<16xf32>
        %swap3A_308 = arith.index_cast %add3A_302 : i32 to index
        %swap3A_309 = arith.constant 0 : index
        %swap3A_310 = tpu.vector_load %arg11[%swap3A_308, %swap3A_309] {strides = array<i32>} : memref<80x128xf32, #tpu.memory_space<vmem>>, vector<1x16xf32>,
        %swap3A_311 = vector.shape_cast %swap3A_310 : vector<1x16xf32> to vector<16xf32>
        %swap3A_312 = vector.shape_cast %mul3A_307 : vector<16xf32> to vector<1x16xf32>
        tpu.vector_store %arg11[%swap3A_308, %swap3A_309], %swap3A_312 {strides = array<i32>} : memref<80x128xf32, #tpu.memory_space<vmem>>, vector<1x16xf32>,
        %get3A_313 = arith.index_cast %add3A_302 : i32 to index
        %get3A_314 = arith.constant 16 : index
        %get3A_315 = tpu.vector_load %arg11[%get3A_313, %get3A_314] {strides = array<i32>} : memref<80x128xf32, #tpu.memory_space<vmem>>, vector<1x16xf32>,
        %get3A_316 = vector.shape_cast %get3A_315 : vector<1x16xf32> to vector<16xf32>
        %mul3A_317 = arith.mulf %get3A_316, %broadcast_in_dim3A_298 : vector<16xf32>
        %swap3A_318 = arith.index_cast %add3A_302 : i32 to index
        %swap3A_319 = arith.constant 16 : index
        %swap3A_320 = tpu.vector_load %arg11[%swap3A_318, %swap3A_319] {strides = array<i32>} : memref<80x128xf32, #tpu.memory_space<vmem>>, vector<1x16xf32>,
        %swap3A_321 = vector.shape_cast %swap3A_320 : vector<1x16xf32> to vector<16xf32>
        %swap3A_322 = vector.shape_cast %mul3A_317 : vector<16xf32> to vector<1x16xf32>
        tpu.vector_store %arg11[%swap3A_318, %swap3A_319], %swap3A_322 {strides = array<i32>} : memref<80x128xf32, #tpu.memory_space<vmem>>, vector<1x16xf32>,
        %get3A_323 = arith.index_cast %add3A_302 : i32 to index
        %get3A_324 = arith.constant 32 : index
        %get3A_325 = tpu.vector_load %arg11[%get3A_323, %get3A_324] {strides = array<i32>} : memref<80x128xf32, #tpu.memory_space<vmem>>, vector<1x16xf32>,
        %get3A_326 = vector.shape_cast %get3A_325 : vector<1x16xf32> to vector<16xf32>
        %mul3A_327 = arith.mulf %get3A_326, %broadcast_in_dim3A_298 : vector<16xf32>
        %swap3A_328 = arith.index_cast %add3A_302 : i32 to index
        %swap3A_329 = arith.constant 32 : index
        %swap3A_330 = tpu.vector_load %arg11[%swap3A_328, %swap3A_329] {strides = array<i32>} : memref<80x128xf32, #tpu.memory_space<vmem>>, vector<1x16xf32>,
        %swap3A_331 = vector.shape_cast %swap3A_330 : vector<1x16xf32> to vector<16xf32>
        %swap3A_332 = vector.shape_cast %mul3A_327 : vector<16xf32> to vector<1x16xf32>
        tpu.vector_store %arg11[%swap3A_328, %swap3A_329], %swap3A_332 {strides = array<i32>} : memref<80x128xf32, #tpu.memory_space<vmem>>, vector<1x16xf32>,
        %get3A_333 = arith.index_cast %add3A_302 : i32 to index
        %get3A_334 = arith.constant 48 : index
        %get3A_335 = tpu.vector_load %arg11[%get3A_333, %get3A_334] {strides = array<i32>} : memref<80x128xf32, #tpu.memory_space<vmem>>, vector<1x16xf32>,
        %get3A_336 = vector.shape_cast %get3A_335 : vector<1x16xf32> to vector<16xf32>
        %mul3A_337 = arith.mulf %get3A_336, %broadcast_in_dim3A_298 : vector<16xf32>
        %swap3A_338 = arith.index_cast %add3A_302 : i32 to index
        %swap3A_339 = arith.constant 48 : index
        %swap3A_340 = tpu.vector_load %arg11[%swap3A_338, %swap3A_339] {strides = array<i32>} : memref<80x128xf32, #tpu.memory_space<vmem>>, vector<1x16xf32>,
        %swap3A_341 = vector.shape_cast %swap3A_340 : vector<1x16xf32> to vector<16xf32>
        %swap3A_342 = vector.shape_cast %mul3A_337 : vector<16xf32> to vector<1x16xf32>
        tpu.vector_store %arg11[%swap3A_338, %swap3A_339], %swap3A_342 {strides = array<i32>} : memref<80x128xf32, #tpu.memory_space<vmem>>, vector<1x16xf32>,
        %get3A_343 = arith.index_cast %add3A_302 : i32 to index
        %get3A_344 = arith.constant 64 : index
        %get3A_345 = tpu.vector_load %arg11[%get3A_343, %get3A_344] {strides = array<i32>} : memref<80x128xf32, #tpu.memory_space<vmem>>, vector<1x16xf32>,
        %get3A_346 = vector.shape_cast %get3A_345 : vector<1x16xf32> to vector<16xf32>
        %mul3A_347 = arith.mulf %get3A_346, %broadcast_in_dim3A_298 : vector<16xf32>
        %swap3A_348 = arith.index_cast %add3A_302 : i32 to index
        %swap3A_349 = arith.constant 64 : index
        %swap3A_350 = tpu.vector_load %arg11[%swap3A_348, %swap3A_349] {strides = array<i32>} : memref<80x128xf32, #tpu.memory_space<vmem>>, vector<1x16xf32>,
        %swap3A_351 = vector.shape_cast %swap3A_350 : vector<1x16xf32> to vector<16xf32>
        %swap3A_352 = vector.shape_cast %mul3A_347 : vector<16xf32> to vector<1x16xf32>
        tpu.vector_store %arg11[%swap3A_348, %swap3A_349], %swap3A_352 {strides = array<i32>} : memref<80x128xf32, #tpu.memory_space<vmem>>, vector<1x16xf32>,
        %get3A_353 = arith.index_cast %add3A_302 : i32 to index
        %get3A_354 = arith.constant 80 : index
        %get3A_355 = tpu.vector_load %arg11[%get3A_353, %get3A_354] {strides = array<i32>} : memref<80x128xf32, #tpu.memory_space<vmem>>, vector<1x16xf32>,
        %get3A_356 = vector.shape_cast %get3A_355 : vector<1x16xf32> to vector<16xf32>
        %mul3A_357 = arith.mulf %get3A_356, %broadcast_in_dim3A_298 : vector<16xf32>
        %swap3A_358 = arith.index_cast %add3A_302 : i32 to index
        %swap3A_359 = arith.constant 80 : index
        %swap3A_360 = tpu.vector_load %arg11[%swap3A_358, %swap3A_359] {strides = array<i32>} : memref<80x128xf32, #tpu.memory_space<vmem>>, vector<1x16xf32>,
        %swap3A_361 = vector.shape_cast %swap3A_360 : vector<1x16xf32> to vector<16xf32>
        %swap3A_362 = vector.shape_cast %mul3A_357 : vector<16xf32> to vector<1x16xf32>
        tpu.vector_store %arg11[%swap3A_358, %swap3A_359], %swap3A_362 {strides = array<i32>} : memref<80x128xf32, #tpu.memory_space<vmem>>, vector<1x16xf32>,
        %get3A_363 = arith.index_cast %add3A_302 : i32 to index
        %get3A_364 = arith.constant 96 : index
        %get3A_365 = tpu.vector_load %arg11[%get3A_363, %get3A_364] {strides = array<i32>} : memref<80x128xf32, #tpu.memory_space<vmem>>, vector<1x16xf32>,
        %get3A_366 = vector.shape_cast %get3A_365 : vector<1x16xf32> to vector<16xf32>
        %mul3A_367 = arith.mulf %get3A_366, %broadcast_in_dim3A_298 : vector<16xf32>
        %swap3A_368 = arith.index_cast %add3A_302 : i32 to index
        %swap3A_369 = arith.constant 96 : index
        %swap3A_370 = tpu.vector_load %arg11[%swap3A_368, %swap3A_369] {strides = array<i32>} : memref<80x128xf32, #tpu.memory_space<vmem>>, vector<1x16xf32>,
        %swap3A_371 = vector.shape_cast %swap3A_370 : vector<1x16xf32> to vector<16xf32>
        %swap3A_372 = vector.shape_cast %mul3A_367 : vector<16xf32> to vector<1x16xf32>
        tpu.vector_store %arg11[%swap3A_368, %swap3A_369], %swap3A_372 {strides = array<i32>} : memref<80x128xf32, #tpu.memory_space<vmem>>, vector<1x16xf32>,
        %get3A_373 = arith.index_cast %add3A_302 : i32 to index
        %get3A_374 = arith.constant 112 : index
        %get3A_375 = tpu.vector_load %arg11[%get3A_373, %get3A_374] {strides = array<i32>} : memref<80x128xf32, #tpu.memory_space<vmem>>, vector<1x16xf32>,
        %get3A_376 = vector.shape_cast %get3A_375 : vector<1x16xf32> to vector<16xf32>
        %mul3A_377 = arith.mulf %get3A_376, %broadcast_in_dim3A_298 : vector<16xf32>
        %swap3A_378 = arith.index_cast %add3A_302 : i32 to index
        %swap3A_379 = arith.constant 112 : index
        %swap3A_380 = tpu.vector_load %arg11[%swap3A_378, %swap3A_379] {strides = array<i32>} : memref<80x128xf32, #tpu.memory_space<vmem>>, vector<1x16xf32>,
        %swap3A_381 = vector.shape_cast %swap3A_380 : vector<1x16xf32> to vector<16xf32>
        %swap3A_382 = vector.shape_cast %mul3A_377 : vector<16xf32> to vector<1x16xf32>
        tpu.vector_store %arg11[%swap3A_378, %swap3A_379], %swap3A_382 {strides = array<i32>} : memref<80x128xf32, #tpu.memory_space<vmem>>, vector<1x16xf32>,
        %slice3A_383 = vector.extract_strided_slice %get3A_38 {offsets = [4], sizes = [1], strides = [1]} : vector<16xf32> to vector<1xf32>
        %squeeze3A_384 = vector.extract %slice3A_383[0] : f32 from vector<1xf32>
        %broadcast_in_dim3A_385 = vector.broadcast %squeeze3A_384 : f32 to vector<16xf32>
        %mul3A_386 = arith.constant 16 : i32
        %mul3A_387 = arith.muli %scan3A_34, %mul3A_386 : i32
        %add3A_388 = arith.constant 4 : i32
        %add3A_389 = arith.addi %mul3A_387, %add3A_388 : i32
        %get3A_390 = arith.index_cast %add3A_389 : i32 to index
        %get3A_391 = arith.constant 0 : index
        %get3A_392 = tpu.vector_load %arg11[%get3A_390, %get3A_391] {strides = array<i32>} : memref<80x128xf32, #tpu.memory_space<vmem>>, vector<1x16xf32>,
        %get3A_393 = vector.shape_cast %get3A_392 : vector<1x16xf32> to vector<16xf32>
        %mul3A_394 = arith.mulf %get3A_393, %broadcast_in_dim3A_385 : vector<16xf32>
        %swap3A_395 = arith.index_cast %add3A_389 : i32 to index
        %swap3A_396 = arith.constant 0 : index
        %swap3A_397 = tpu.vector_load %arg11[%swap3A_395, %swap3A_396] {strides = array<i32>} : memref<80x128xf32, #tpu.memory_space<vmem>>, vector<1x16xf32>,
        %swap3A_398 = vector.shape_cast %swap3A_397 : vector<1x16xf32> to vector<16xf32>
        %swap3A_399 = vector.shape_cast %mul3A_394 : vector<16xf32> to vector<1x16xf32>
        tpu.vector_store %arg11[%swap3A_395, %swap3A_396], %swap3A_399 {strides = array<i32>} : memref<80x128xf32, #tpu.memory_space<vmem>>, vector<1x16xf32>,
        %get3A_400 = arith.index_cast %add3A_389 : i32 to index
        %get3A_401 = arith.constant 16 : index
        %get3A_402 = tpu.vector_load %arg11[%get3A_400, %get3A_401] {strides = array<i32>} : memref<80x128xf32, #tpu.memory_space<vmem>>, vector<1x16xf32>,
        %get3A_403 = vector.shape_cast %get3A_402 : vector<1x16xf32> to vector<16xf32>
        %mul3A_404 = arith.mulf %get3A_403, %broadcast_in_dim3A_385 : vector<16xf32>
        %swap3A_405 = arith.index_cast %add3A_389 : i32 to index
        %swap3A_406 = arith.constant 16 : index
        %swap3A_407 = tpu.vector_load %arg11[%swap3A_405, %swap3A_406] {strides = array<i32>} : memref<80x128xf32, #tpu.memory_space<vmem>>, vector<1x16xf32>,
        %swap3A_408 = vector.shape_cast %swap3A_407 : vector<1x16xf32> to vector<16xf32>
        %swap3A_409 = vector.shape_cast %mul3A_404 : vector<16xf32> to vector<1x16xf32>
        tpu.vector_store %arg11[%swap3A_405, %swap3A_406], %swap3A_409 {strides = array<i32>} : memref<80x128xf32, #tpu.memory_space<vmem>>, vector<1x16xf32>,
        %get3A_410 = arith.index_cast %add3A_389 : i32 to index
        %get3A_411 = arith.constant 32 : index
        %get3A_412 = tpu.vector_load %arg11[%get3A_410, %get3A_411] {strides = array<i32>} : memref<80x128xf32, #tpu.memory_space<vmem>>, vector<1x16xf32>,
        %get3A_413 = vector.shape_cast %get3A_412 : vector<1x16xf32> to vector<16xf32>
        %mul3A_414 = arith.mulf %get3A_413, %broadcast_in_dim3A_385 : vector<16xf32>
        %swap3A_415 = arith.index_cast %add3A_389 : i32 to index
        %swap3A_416 = arith.constant 32 : index
        %swap3A_417 = tpu.vector_load %arg11[%swap3A_415, %swap3A_416] {strides = array<i32>} : memref<80x128xf32, #tpu.memory_space<vmem>>, vector<1x16xf32>,
        %swap3A_418 = vector.shape_cast %swap3A_417 : vector<1x16xf32> to vector<16xf32>
        %swap3A_419 = vector.shape_cast %mul3A_414 : vector<16xf32> to vector<1x16xf32>
        tpu.vector_store %arg11[%swap3A_415, %swap3A_416], %swap3A_419 {strides = array<i32>} : memref<80x128xf32, #tpu.memory_space<vmem>>, vector<1x16xf32>,
        %get3A_420 = arith.index_cast %add3A_389 : i32 to index
        %get3A_421 = arith.constant 48 : index
        %get3A_422 = tpu.vector_load %arg11[%get3A_420, %get3A_421] {strides = array<i32>} : memref<80x128xf32, #tpu.memory_space<vmem>>, vector<1x16xf32>,
        %get3A_423 = vector.shape_cast %get3A_422 : vector<1x16xf32> to vector<16xf32>
        %mul3A_424 = arith.mulf %get3A_423, %broadcast_in_dim3A_385 : vector<16xf32>
        %swap3A_425 = arith.index_cast %add3A_389 : i32 to index
        %swap3A_426 = arith.constant 48 : index
        %swap3A_427 = tpu.vector_load %arg11[%swap3A_425, %swap3A_426] {strides = array<i32>} : memref<80x128xf32, #tpu.memory_space<vmem>>, vector<1x16xf32>,
        %swap3A_428 = vector.shape_cast %swap3A_427 : vector<1x16xf32> to vector<16xf32>
        %swap3A_429 = vector.shape_cast %mul3A_424 : vector<16xf32> to vector<1x16xf32>
        tpu.vector_store %arg11[%swap3A_425, %swap3A_426], %swap3A_429 {strides = array<i32>} : memref<80x128xf32, #tpu.memory_space<vmem>>, vector<1x16xf32>,
        %get3A_430 = arith.index_cast %add3A_389 : i32 to index
        %get3A_431 = arith.constant 64 : index
        %get3A_432 = tpu.vector_load %arg11[%get3A_430, %get3A_431] {strides = array<i32>} : memref<80x128xf32, #tpu.memory_space<vmem>>, vector<1x16xf32>,
        %get3A_433 = vector.shape_cast %get3A_432 : vector<1x16xf32> to vector<16xf32>
        %mul3A_434 = arith.mulf %get3A_433, %broadcast_in_dim3A_385 : vector<16xf32>
        %swap3A_435 = arith.index_cast %add3A_389 : i32 to index
        %swap3A_436 = arith.constant 64 : index
        %swap3A_437 = tpu.vector_load %arg11[%swap3A_435, %swap3A_436] {strides = array<i32>} : memref<80x128xf32, #tpu.memory_space<vmem>>, vector<1x16xf32>,
        %swap3A_438 = vector.shape_cast %swap3A_437 : vector<1x16xf32> to vector<16xf32>
        %swap3A_439 = vector.shape_cast %mul3A_434 : vector<16xf32> to vector<1x16xf32>
        tpu.vector_store %arg11[%swap3A_435, %swap3A_436], %swap3A_439 {strides = array<i32>} : memref<80x128xf32, #tpu.memory_space<vmem>>, vector<1x16xf32>,
        %get3A_440 = arith.index_cast %add3A_389 : i32 to index
        %get3A_441 = arith.constant 80 : index
        %get3A_442 = tpu.vector_load %arg11[%get3A_440, %get3A_441] {strides = array<i32>} : memref<80x128xf32, #tpu.memory_space<vmem>>, vector<1x16xf32>,
        %get3A_443 = vector.shape_cast %get3A_442 : vector<1x16xf32> to vector<16xf32>
        %mul3A_444 = arith.mulf %get3A_443, %broadcast_in_dim3A_385 : vector<16xf32>
        %swap3A_445 = arith.index_cast %add3A_389 : i32 to index
        %swap3A_446 = arith.constant 80 : index
        %swap3A_447 = tpu.vector_load %arg11[%swap3A_445, %swap3A_446] {strides = array<i32>} : memref<80x128xf32, #tpu.memory_space<vmem>>, vector<1x16xf32>,
        %swap3A_448 = vector.shape_cast %swap3A_447 : vector<1x16xf32> to vector<16xf32>
        %swap3A_449 = vector.shape_cast %mul3A_444 : vector<16xf32> to vector<1x16xf32>
        tpu.vector_store %arg11[%swap3A_445, %swap3A_446], %swap3A_449 {strides = array<i32>} : memref<80x128xf32, #tpu.memory_space<vmem>>, vector<1x16xf32>,
        %get3A_450 = arith.index_cast %add3A_389 : i32 to index
        %get3A_451 = arith.constant 96 : index
        %get3A_452 = tpu.vector_load %arg11[%get3A_450, %get3A_451] {strides = array<i32>} : memref<80x128xf32, #tpu.memory_space<vmem>>, vector<1x16xf32>,
        %get3A_453 = vector.shape_cast %get3A_452 : vector<1x16xf32> to vector<16xf32>
        %mul3A_454 = arith.mulf %get3A_453, %broadcast_in_dim3A_385 : vector<16xf32>
        %swap3A_455 = arith.index_cast %add3A_389 : i32 to index
        %swap3A_456 = arith.constant 96 : index
        %swap3A_457 = tpu.vector_load %arg11[%swap3A_455, %swap3A_456] {strides = array<i32>} : memref<80x128xf32, #tpu.memory_space<vmem>>, vector<1x16xf32>,
        %swap3A_458 = vector.shape_cast %swap3A_457 : vector<1x16xf32> to vector<16xf32>
        %swap3A_459 = vector.shape_cast %mul3A_454 : vector<16xf32> to vector<1x16xf32>
        tpu.vector_store %arg11[%swap3A_455, %swap3A_456], %swap3A_459 {strides = array<i32>} : memref<80x128xf32, #tpu.memory_space<vmem>>, vector<1x16xf32>,
        %get3A_460 = arith.index_cast %add3A_389 : i32 to index
        %get3A_461 = arith.constant 112 : index
        %get3A_462 = tpu.vector_load %arg11[%get3A_460, %get3A_461] {strides = array<i32>} : memref<80x128xf32, #tpu.memory_space<vmem>>, vector<1x16xf32>,
        %get3A_463 = vector.shape_cast %get3A_462 : vector<1x16xf32> to vector<16xf32>
        %mul3A_464 = arith.mulf %get3A_463, %broadcast_in_dim3A_385 : vector<16xf32>
        %swap3A_465 = arith.index_cast %add3A_389 : i32 to index
        %swap3A_466 = arith.constant 112 : index
        %swap3A_467 = tpu.vector_load %arg11[%swap3A_465, %swap3A_466] {strides = array<i32>} : memref<80x128xf32, #tpu.memory_space<vmem>>, vector<1x16xf32>,
        %swap3A_468 = vector.shape_cast %swap3A_467 : vector<1x16xf32> to vector<16xf32>
        %swap3A_469 = vector.shape_cast %mul3A_464 : vector<16xf32> to vector<1x16xf32>
        tpu.vector_store %arg11[%swap3A_465, %swap3A_466], %swap3A_469 {strides = array<i32>} : memref<80x128xf32, #tpu.memory_space<vmem>>, vector<1x16xf32>,
        %slice3A_470 = vector.extract_strided_slice %get3A_38 {offsets = [5], sizes = [1], strides = [1]} : vector<16xf32> to vector<1xf32>
        %squeeze3A_471 = vector.extract %slice3A_470[0] : f32 from vector<1xf32>
        %broadcast_in_dim3A_472 = vector.broadcast %squeeze3A_471 : f32 to vector<16xf32>
        %mul3A_473 = arith.constant 16 : i32
        %mul3A_474 = arith.muli %scan3A_34, %mul3A_473 : i32
        %add3A_475 = arith.constant 5 : i32
        %add3A_476 = arith.addi %mul3A_474, %add3A_475 : i32
        %get3A_477 = arith.index_cast %add3A_476 : i32 to index
        %get3A_478 = arith.constant 0 : index
        %get3A_479 = tpu.vector_load %arg11[%get3A_477, %get3A_478] {strides = array<i32>} : memref<80x128xf32, #tpu.memory_space<vmem>>, vector<1x16xf32>,
        %get3A_480 = vector.shape_cast %get3A_479 : vector<1x16xf32> to vector<16xf32>
        %mul3A_481 = arith.mulf %get3A_480, %broadcast_in_dim3A_472 : vector<16xf32>
        %swap3A_482 = arith.index_cast %add3A_476 : i32 to index
        %swap3A_483 = arith.constant 0 : index
        %swap3A_484 = tpu.vector_load %arg11[%swap3A_482, %swap3A_483] {strides = array<i32>} : memref<80x128xf32, #tpu.memory_space<vmem>>, vector<1x16xf32>,
        %swap3A_485 = vector.shape_cast %swap3A_484 : vector<1x16xf32> to vector<16xf32>
        %swap3A_486 = vector.shape_cast %mul3A_481 : vector<16xf32> to vector<1x16xf32>
        tpu.vector_store %arg11[%swap3A_482, %swap3A_483], %swap3A_486 {strides = array<i32>} : memref<80x128xf32, #tpu.memory_space<vmem>>, vector<1x16xf32>,
        %get3A_487 = arith.index_cast %add3A_476 : i32 to index
        %get3A_488 = arith.constant 16 : index
        %get3A_489 = tpu.vector_load %arg11[%get3A_487, %get3A_488] {strides = array<i32>} : memref<80x128xf32, #tpu.memory_space<vmem>>, vector<1x16xf32>,
        %get3A_490 = vector.shape_cast %get3A_489 : vector<1x16xf32> to vector<16xf32>
        %mul3A_491 = arith.mulf %get3A_490, %broadcast_in_dim3A_472 : vector<16xf32>
        %swap3A_492 = arith.index_cast %add3A_476 : i32 to index
        %swap3A_493 = arith.constant 16 : index
        %swap3A_494 = tpu.vector_load %arg11[%swap3A_492, %swap3A_493] {strides = array<i32>} : memref<80x128xf32, #tpu.memory_space<vmem>>, vector<1x16xf32>,
        %swap3A_495 = vector.shape_cast %swap3A_494 : vector<1x16xf32> to vector<16xf32>
        %swap3A_496 = vector.shape_cast %mul3A_491 : vector<16xf32> to vector<1x16xf32>
        tpu.vector_store %arg11[%swap3A_492, %swap3A_493], %swap3A_496 {strides = array<i32>} : memref<80x128xf32, #tpu.memory_space<vmem>>, vector<1x16xf32>,
        %get3A_497 = arith.index_cast %add3A_476 : i32 to index
        %get3A_498 = arith.constant 32 : index
        %get3A_499 = tpu.vector_load %arg11[%get3A_497, %get3A_498] {strides = array<i32>} : memref<80x128xf32, #tpu.memory_space<vmem>>, vector<1x16xf32>,
        %get3A_500 = vector.shape_cast %get3A_499 : vector<1x16xf32> to vector<16xf32>
        %mul3A_501 = arith.mulf %get3A_500, %broadcast_in_dim3A_472 : vector<16xf32>
        %swap3A_502 = arith.index_cast %add3A_476 : i32 to index
        %swap3A_503 = arith.constant 32 : index
        %swap3A_504 = tpu.vector_load %arg11[%swap3A_502, %swap3A_503] {strides = array<i32>} : memref<80x128xf32, #tpu.memory_space<vmem>>, vector<1x16xf32>,
        %swap3A_505 = vector.shape_cast %swap3A_504 : vector<1x16xf32> to vector<16xf32>
        %swap3A_506 = vector.shape_cast %mul3A_501 : vector<16xf32> to vector<1x16xf32>
        tpu.vector_store %arg11[%swap3A_502, %swap3A_503], %swap3A_506 {strides = array<i32>} : memref<80x128xf32, #tpu.memory_space<vmem>>, vector<1x16xf32>,
        %get3A_507 = arith.index_cast %add3A_476 : i32 to index
        %get3A_508 = arith.constant 48 : index
        %get3A_509 = tpu.vector_load %arg11[%get3A_507, %get3A_508] {strides = array<i32>} : memref<80x128xf32, #tpu.memory_space<vmem>>, vector<1x16xf32>,
        %get3A_510 = vector.shape_cast %get3A_509 : vector<1x16xf32> to vector<16xf32>
        %mul3A_511 = arith.mulf %get3A_510, %broadcast_in_dim3A_472 : vector<16xf32>
        %swap3A_512 = arith.index_cast %add3A_476 : i32 to index
        %swap3A_513 = arith.constant 48 : index
        %swap3A_514 = tpu.vector_load %arg11[%swap3A_512, %swap3A_513] {strides = array<i32>} : memref<80x128xf32, #tpu.memory_space<vmem>>, vector<1x16xf32>,
        %swap3A_515 = vector.shape_cast %swap3A_514 : vector<1x16xf32> to vector<16xf32>
        %swap3A_516 = vector.shape_cast %mul3A_511 : vector<16xf32> to vector<1x16xf32>
        tpu.vector_store %arg11[%swap3A_512, %swap3A_513], %swap3A_516 {strides = array<i32>} : memref<80x128xf32, #tpu.memory_space<vmem>>, vector<1x16xf32>,
        %get3A_517 = arith.index_cast %add3A_476 : i32 to index
        %get3A_518 = arith.constant 64 : index
        %get3A_519 = tpu.vector_load %arg11[%get3A_517, %get3A_518] {strides = array<i32>} : memref<80x128xf32, #tpu.memory_space<vmem>>, vector<1x16xf32>,
        %get3A_520 = vector.shape_cast %get3A_519 : vector<1x16xf32> to vector<16xf32>
        %mul3A_521 = arith.mulf %get3A_520, %broadcast_in_dim3A_472 : vector<16xf32>
        %swap3A_522 = arith.index_cast %add3A_476 : i32 to index
        %swap3A_523 = arith.constant 64 : index
        %swap3A_524 = tpu.vector_load %arg11[%swap3A_522, %swap3A_523] {strides = array<i32>} : memref<80x128xf32, #tpu.memory_space<vmem>>, vector<1x16xf32>,
        %swap3A_525 = vector.shape_cast %swap3A_524 : vector<1x16xf32> to vector<16xf32>
        %swap3A_526 = vector.shape_cast %mul3A_521 : vector<16xf32> to vector<1x16xf32>
        tpu.vector_store %arg11[%swap3A_522, %swap3A_523], %swap3A_526 {strides = array<i32>} : memref<80x128xf32, #tpu.memory_space<vmem>>, vector<1x16xf32>,
        %get3A_527 = arith.index_cast %add3A_476 : i32 to index
        %get3A_528 = arith.constant 80 : index
        %get3A_529 = tpu.vector_load %arg11[%get3A_527, %get3A_528] {strides = array<i32>} : memref<80x128xf32, #tpu.memory_space<vmem>>, vector<1x16xf32>,
        %get3A_530 = vector.shape_cast %get3A_529 : vector<1x16xf32> to vector<16xf32>
        %mul3A_531 = arith.mulf %get3A_530, %broadcast_in_dim3A_472 : vector<16xf32>
        %swap3A_532 = arith.index_cast %add3A_476 : i32 to index
        %swap3A_533 = arith.constant 80 : index
        %swap3A_534 = tpu.vector_load %arg11[%swap3A_532, %swap3A_533] {strides = array<i32>} : memref<80x128xf32, #tpu.memory_space<vmem>>, vector<1x16xf32>,
        %swap3A_535 = vector.shape_cast %swap3A_534 : vector<1x16xf32> to vector<16xf32>
        %swap3A_536 = vector.shape_cast %mul3A_531 : vector<16xf32> to vector<1x16xf32>
        tpu.vector_store %arg11[%swap3A_532, %swap3A_533], %swap3A_536 {strides = array<i32>} : memref<80x128xf32, #tpu.memory_space<vmem>>, vector<1x16xf32>,
        %get3A_537 = arith.index_cast %add3A_476 : i32 to index
        %get3A_538 = arith.constant 96 : index
        %get3A_539 = tpu.vector_load %arg11[%get3A_537, %get3A_538] {strides = array<i32>} : memref<80x128xf32, #tpu.memory_space<vmem>>, vector<1x16xf32>,
        %get3A_540 = vector.shape_cast %get3A_539 : vector<1x16xf32> to vector<16xf32>
        %mul3A_541 = arith.mulf %get3A_540, %broadcast_in_dim3A_472 : vector<16xf32>
        %swap3A_542 = arith.index_cast %add3A_476 : i32 to index
        %swap3A_543 = arith.constant 96 : index
        %swap3A_544 = tpu.vector_load %arg11[%swap3A_542, %swap3A_543] {strides = array<i32>} : memref<80x128xf32, #tpu.memory_space<vmem>>, vector<1x16xf32>,
        %swap3A_545 = vector.shape_cast %swap3A_544 : vector<1x16xf32> to vector<16xf32>
        %swap3A_546 = vector.shape_cast %mul3A_541 : vector<16xf32> to vector<1x16xf32>
        tpu.vector_store %arg11[%swap3A_542, %swap3A_543], %swap3A_546 {strides = array<i32>} : memref<80x128xf32, #tpu.memory_space<vmem>>, vector<1x16xf32>,
        %get3A_547 = arith.index_cast %add3A_476 : i32 to index
        %get3A_548 = arith.constant 112 : index
        %get3A_549 = tpu.vector_load %arg11[%get3A_547, %get3A_548] {strides = array<i32>} : memref<80x128xf32, #tpu.memory_space<vmem>>, vector<1x16xf32>,
        %get3A_550 = vector.shape_cast %get3A_549 : vector<1x16xf32> to vector<16xf32>
        %mul3A_551 = arith.mulf %get3A_550, %broadcast_in_dim3A_472 : vector<16xf32>
        %swap3A_552 = arith.index_cast %add3A_476 : i32 to index
        %swap3A_553 = arith.constant 112 : index
        %swap3A_554 = tpu.vector_load %arg11[%swap3A_552, %swap3A_553] {strides = array<i32>} : memref<80x128xf32, #tpu.memory_space<vmem>>, vector<1x16xf32>,
        %swap3A_555 = vector.shape_cast %swap3A_554 : vector<1x16xf32> to vector<16xf32>
        %swap3A_556 = vector.shape_cast %mul3A_551 : vector<16xf32> to vector<1x16xf32>
        tpu.vector_store %arg11[%swap3A_552, %swap3A_553], %swap3A_556 {strides = array<i32>} : memref<80x128xf32, #tpu.memory_space<vmem>>, vector<1x16xf32>,
        %slice3A_557 = vector.extract_strided_slice %get3A_38 {offsets = [6], sizes = [1], strides = [1]} : vector<16xf32> to vector<1xf32>
        %squeeze3A_558 = vector.extract %slice3A_557[0] : f32 from vector<1xf32>
        %broadcast_in_dim3A_559 = vector.broadcast %squeeze3A_558 : f32 to vector<16xf32>
        %mul3A_560 = arith.constant 16 : i32
        %mul3A_561 = arith.muli %scan3A_34, %mul3A_560 : i32
        %add3A_562 = arith.constant 6 : i32
        %add3A_563 = arith.addi %mul3A_561, %add3A_562 : i32
        %get3A_564 = arith.index_cast %add3A_563 : i32 to index
        %get3A_565 = arith.constant 0 : index
        %get3A_566 = tpu.vector_load %arg11[%get3A_564, %get3A_565] {strides = array<i32>} : memref<80x128xf32, #tpu.memory_space<vmem>>, vector<1x16xf32>,
        %get3A_567 = vector.shape_cast %get3A_566 : vector<1x16xf32> to vector<16xf32>
        %mul3A_568 = arith.mulf %get3A_567, %broadcast_in_dim3A_559 : vector<16xf32>
        %swap3A_569 = arith.index_cast %add3A_563 : i32 to index
        %swap3A_570 = arith.constant 0 : index
        %swap3A_571 = tpu.vector_load %arg11[%swap3A_569, %swap3A_570] {strides = array<i32>} : memref<80x128xf32, #tpu.memory_space<vmem>>, vector<1x16xf32>,
        %swap3A_572 = vector.shape_cast %swap3A_571 : vector<1x16xf32> to vector<16xf32>
        %swap3A_573 = vector.shape_cast %mul3A_568 : vector<16xf32> to vector<1x16xf32>
        tpu.vector_store %arg11[%swap3A_569, %swap3A_570], %swap3A_573 {strides = array<i32>} : memref<80x128xf32, #tpu.memory_space<vmem>>, vector<1x16xf32>,
        %get3A_574 = arith.index_cast %add3A_563 : i32 to index
        %get3A_575 = arith.constant 16 : index
        %get3A_576 = tpu.vector_load %arg11[%get3A_574, %get3A_575] {strides = array<i32>} : memref<80x128xf32, #tpu.memory_space<vmem>>, vector<1x16xf32>,
        %get3A_577 = vector.shape_cast %get3A_576 : vector<1x16xf32> to vector<16xf32>
        %mul3A_578 = arith.mulf %get3A_577, %broadcast_in_dim3A_559 : vector<16xf32>
        %swap3A_579 = arith.index_cast %add3A_563 : i32 to index
        %swap3A_580 = arith.constant 16 : index
        %swap3A_581 = tpu.vector_load %arg11[%swap3A_579, %swap3A_580] {strides = array<i32>} : memref<80x128xf32, #tpu.memory_space<vmem>>, vector<1x16xf32>,
        %swap3A_582 = vector.shape_cast %swap3A_581 : vector<1x16xf32> to vector<16xf32>
        %swap3A_583 = vector.shape_cast %mul3A_578 : vector<16xf32> to vector<1x16xf32>
        tpu.vector_store %arg11[%swap3A_579, %swap3A_580], %swap3A_583 {strides = array<i32>} : memref<80x128xf32, #tpu.memory_space<vmem>>, vector<1x16xf32>,
        %get3A_584 = arith.index_cast %add3A_563 : i32 to index
        %get3A_585 = arith.constant 32 : index
        %get3A_586 = tpu.vector_load %arg11[%get3A_584, %get3A_585] {strides = array<i32>} : memref<80x128xf32, #tpu.memory_space<vmem>>, vector<1x16xf32>,
        %get3A_587 = vector.shape_cast %get3A_586 : vector<1x16xf32> to vector<16xf32>
        %mul3A_588 = arith.mulf %get3A_587, %broadcast_in_dim3A_559 : vector<16xf32>
        %swap3A_589 = arith.index_cast %add3A_563 : i32 to index
        %swap3A_590 = arith.constant 32 : index
        %swap3A_591 = tpu.vector_load %arg11[%swap3A_589, %swap3A_590] {strides = array<i32>} : memref<80x128xf32, #tpu.memory_space<vmem>>, vector<1x16xf32>,
        %swap3A_592 = vector.shape_cast %swap3A_591 : vector<1x16xf32> to vector<16xf32>
        %swap3A_593 = vector.shape_cast %mul3A_588 : vector<16xf32> to vector<1x16xf32>
        tpu.vector_store %arg11[%swap3A_589, %swap3A_590], %swap3A_593 {strides = array<i32>} : memref<80x128xf32, #tpu.memory_space<vmem>>, vector<1x16xf32>,
        %get3A_594 = arith.index_cast %add3A_563 : i32 to index
        %get3A_595 = arith.constant 48 : index
        %get3A_596 = tpu.vector_load %arg11[%get3A_594, %get3A_595] {strides = array<i32>} : memref<80x128xf32, #tpu.memory_space<vmem>>, vector<1x16xf32>,
        %get3A_597 = vector.shape_cast %get3A_596 : vector<1x16xf32> to vector<16xf32>
        %mul3A_598 = arith.mulf %get3A_597, %broadcast_in_dim3A_559 : vector<16xf32>
        %swap3A_599 = arith.index_cast %add3A_563 : i32 to index
        %swap3A_600 = arith.constant 48 : index
        %swap3A_601 = tpu.vector_load %arg11[%swap3A_599, %swap3A_600] {strides = array<i32>} : memref<80x128xf32, #tpu.memory_space<vmem>>, vector<1x16xf32>,
        %swap3A_602 = vector.shape_cast %swap3A_601 : vector<1x16xf32> to vector<16xf32>
        %swap3A_603 = vector.shape_cast %mul3A_598 : vector<16xf32> to vector<1x16xf32>
        tpu.vector_store %arg11[%swap3A_599, %swap3A_600], %swap3A_603 {strides = array<i32>} : memref<80x128xf32, #tpu.memory_space<vmem>>, vector<1x16xf32>,
        %get3A_604 = arith.index_cast %add3A_563 : i32 to index
        %get3A_605 = arith.constant 64 : index
        %get3A_606 = tpu.vector_load %arg11[%get3A_604, %get3A_605] {strides = array<i32>} : memref<80x128xf32, #tpu.memory_space<vmem>>, vector<1x16xf32>,
        %get3A_607 = vector.shape_cast %get3A_606 : vector<1x16xf32> to vector<16xf32>
        %mul3A_608 = arith.mulf %get3A_607, %broadcast_in_dim3A_559 : vector<16xf32>
        %swap3A_609 = arith.index_cast %add3A_563 : i32 to index
        %swap3A_610 = arith.constant 64 : index
        %swap3A_611 = tpu.vector_load %arg11[%swap3A_609, %swap3A_610] {strides = array<i32>} : memref<80x128xf32, #tpu.memory_space<vmem>>, vector<1x16xf32>,
        %swap3A_612 = vector.shape_cast %swap3A_611 : vector<1x16xf32> to vector<16xf32>
        %swap3A_613 = vector.shape_cast %mul3A_608 : vector<16xf32> to vector<1x16xf32>
        tpu.vector_store %arg11[%swap3A_609, %swap3A_610], %swap3A_613 {strides = array<i32>} : memref<80x128xf32, #tpu.memory_space<vmem>>, vector<1x16xf32>,
        %get3A_614 = arith.index_cast %add3A_563 : i32 to index
        %get3A_615 = arith.constant 80 : index
        %get3A_616 = tpu.vector_load %arg11[%get3A_614, %get3A_615] {strides = array<i32>} : memref<80x128xf32, #tpu.memory_space<vmem>>, vector<1x16xf32>,
        %get3A_617 = vector.shape_cast %get3A_616 : vector<1x16xf32> to vector<16xf32>
        %mul3A_618 = arith.mulf %get3A_617, %broadcast_in_dim3A_559 : vector<16xf32>
        %swap3A_619 = arith.index_cast %add3A_563 : i32 to index
        %swap3A_620 = arith.constant 80 : index
        %swap3A_621 = tpu.vector_load %arg11[%swap3A_619, %swap3A_620] {strides = array<i32>} : memref<80x128xf32, #tpu.memory_space<vmem>>, vector<1x16xf32>,
        %swap3A_622 = vector.shape_cast %swap3A_621 : vector<1x16xf32> to vector<16xf32>
        %swap3A_623 = vector.shape_cast %mul3A_618 : vector<16xf32> to vector<1x16xf32>
        tpu.vector_store %arg11[%swap3A_619, %swap3A_620], %swap3A_623 {strides = array<i32>} : memref<80x128xf32, #tpu.memory_space<vmem>>, vector<1x16xf32>,
        %get3A_624 = arith.index_cast %add3A_563 : i32 to index
        %get3A_625 = arith.constant 96 : index
        %get3A_626 = tpu.vector_load %arg11[%get3A_624, %get3A_625] {strides = array<i32>} : memref<80x128xf32, #tpu.memory_space<vmem>>, vector<1x16xf32>,
        %get3A_627 = vector.shape_cast %get3A_626 : vector<1x16xf32> to vector<16xf32>
        %mul3A_628 = arith.mulf %get3A_627, %broadcast_in_dim3A_559 : vector<16xf32>
        %swap3A_629 = arith.index_cast %add3A_563 : i32 to index
        %swap3A_630 = arith.constant 96 : index
        %swap3A_631 = tpu.vector_load %arg11[%swap3A_629, %swap3A_630] {strides = array<i32>} : memref<80x128xf32, #tpu.memory_space<vmem>>, vector<1x16xf32>,
        %swap3A_632 = vector.shape_cast %swap3A_631 : vector<1x16xf32> to vector<16xf32>
        %swap3A_633 = vector.shape_cast %mul3A_628 : vector<16xf32> to vector<1x16xf32>
        tpu.vector_store %arg11[%swap3A_629, %swap3A_630], %swap3A_633 {strides = array<i32>} : memref<80x128xf32, #tpu.memory_space<vmem>>, vector<1x16xf32>,
        %get3A_634 = arith.index_cast %add3A_563 : i32 to index
        %get3A_635 = arith.constant 112 : index
        %get3A_636 = tpu.vector_load %arg11[%get3A_634, %get3A_635] {strides = array<i32>} : memref<80x128xf32, #tpu.memory_space<vmem>>, vector<1x16xf32>,
        %get3A_637 = vector.shape_cast %get3A_636 : vector<1x16xf32> to vector<16xf32>
        %mul3A_638 = arith.mulf %get3A_637, %broadcast_in_dim3A_559 : vector<16xf32>
        %swap3A_639 = arith.index_cast %add3A_563 : i32 to index
        %swap3A_640 = arith.constant 112 : index
        %swap3A_641 = tpu.vector_load %arg11[%swap3A_639, %swap3A_640] {strides = array<i32>} : memref<80x128xf32, #tpu.memory_space<vmem>>, vector<1x16xf32>,
        %swap3A_642 = vector.shape_cast %swap3A_641 : vector<1x16xf32> to vector<16xf32>
        %swap3A_643 = vector.shape_cast %mul3A_638 : vector<16xf32> to vector<1x16xf32>
        tpu.vector_store %arg11[%swap3A_639, %swap3A_640], %swap3A_643 {strides = array<i32>} : memref<80x128xf32, #tpu.memory_space<vmem>>, vector<1x16xf32>,
        %slice3A_644 = vector.extract_strided_slice %get3A_38 {offsets = [7], sizes = [1], strides = [1]} : vector<16xf32> to vector<1xf32>
        %squeeze3A_645 = vector.extract %slice3A_644[0] : f32 from vector<1xf32>
        %broadcast_in_dim3A_646 = vector.broadcast %squeeze3A_645 : f32 to vector<16xf32>
        %mul3A_647 = arith.constant 16 : i32
        %mul3A_648 = arith.muli %scan3A_34, %mul3A_647 : i32
        %add3A_649 = arith.constant 7 : i32
        %add3A_650 = arith.addi %mul3A_648, %add3A_649 : i32
        %get3A_651 = arith.index_cast %add3A_650 : i32 to index
        %get3A_652 = arith.constant 0 : index
        %get3A_653 = tpu.vector_load %arg11[%get3A_651, %get3A_652] {strides = array<i32>} : memref<80x128xf32, #tpu.memory_space<vmem>>, vector<1x16xf32>,
        %get3A_654 = vector.shape_cast %get3A_653 : vector<1x16xf32> to vector<16xf32>
        %mul3A_655 = arith.mulf %get3A_654, %broadcast_in_dim3A_646 : vector<16xf32>
        %swap3A_656 = arith.index_cast %add3A_650 : i32 to index
        %swap3A_657 = arith.constant 0 : index
        %swap3A_658 = tpu.vector_load %arg11[%swap3A_656, %swap3A_657] {strides = array<i32>} : memref<80x128xf32, #tpu.memory_space<vmem>>, vector<1x16xf32>,
        %swap3A_659 = vector.shape_cast %swap3A_658 : vector<1x16xf32> to vector<16xf32>
        %swap3A_660 = vector.shape_cast %mul3A_655 : vector<16xf32> to vector<1x16xf32>
        tpu.vector_store %arg11[%swap3A_656, %swap3A_657], %swap3A_660 {strides = array<i32>} : memref<80x128xf32, #tpu.memory_space<vmem>>, vector<1x16xf32>,
        %get3A_661 = arith.index_cast %add3A_650 : i32 to index
        %get3A_662 = arith.constant 16 : index
        %get3A_663 = tpu.vector_load %arg11[%get3A_661, %get3A_662] {strides = array<i32>} : memref<80x128xf32, #tpu.memory_space<vmem>>, vector<1x16xf32>,
        %get3A_664 = vector.shape_cast %get3A_663 : vector<1x16xf32> to vector<16xf32>
        %mul3A_665 = arith.mulf %get3A_664, %broadcast_in_dim3A_646 : vector<16xf32>
        %swap3A_666 = arith.index_cast %add3A_650 : i32 to index
        %swap3A_667 = arith.constant 16 : index
        %swap3A_668 = tpu.vector_load %arg11[%swap3A_666, %swap3A_667] {strides = array<i32>} : memref<80x128xf32, #tpu.memory_space<vmem>>, vector<1x16xf32>,
        %swap3A_669 = vector.shape_cast %swap3A_668 : vector<1x16xf32> to vector<16xf32>
        %swap3A_670 = vector.shape_cast %mul3A_665 : vector<16xf32> to vector<1x16xf32>
        tpu.vector_store %arg11[%swap3A_666, %swap3A_667], %swap3A_670 {strides = array<i32>} : memref<80x128xf32, #tpu.memory_space<vmem>>, vector<1x16xf32>,
        %get3A_671 = arith.index_cast %add3A_650 : i32 to index
        %get3A_672 = arith.constant 32 : index
        %get3A_673 = tpu.vector_load %arg11[%get3A_671, %get3A_672] {strides = array<i32>} : memref<80x128xf32, #tpu.memory_space<vmem>>, vector<1x16xf32>,
        %get3A_674 = vector.shape_cast %get3A_673 : vector<1x16xf32> to vector<16xf32>
        %mul3A_675 = arith.mulf %get3A_674, %broadcast_in_dim3A_646 : vector<16xf32>
        %swap3A_676 = arith.index_cast %add3A_650 : i32 to index
        %swap3A_677 = arith.constant 32 : index
        %swap3A_678 = tpu.vector_load %arg11[%swap3A_676, %swap3A_677] {strides = array<i32>} : memref<80x128xf32, #tpu.memory_space<vmem>>, vector<1x16xf32>,
        %swap3A_679 = vector.shape_cast %swap3A_678 : vector<1x16xf32> to vector<16xf32>
        %swap3A_680 = vector.shape_cast %mul3A_675 : vector<16xf32> to vector<1x16xf32>
        tpu.vector_store %arg11[%swap3A_676, %swap3A_677], %swap3A_680 {strides = array<i32>} : memref<80x128xf32, #tpu.memory_space<vmem>>, vector<1x16xf32>,
        %get3A_681 = arith.index_cast %add3A_650 : i32 to index
        %get3A_682 = arith.constant 48 : index
        %get3A_683 = tpu.vector_load %arg11[%get3A_681, %get3A_682] {strides = array<i32>} : memref<80x128xf32, #tpu.memory_space<vmem>>, vector<1x16xf32>,
        %get3A_684 = vector.shape_cast %get3A_683 : vector<1x16xf32> to vector<16xf32>
        %mul3A_685 = arith.mulf %get3A_684, %broadcast_in_dim3A_646 : vector<16xf32>
        %swap3A_686 = arith.index_cast %add3A_650 : i32 to index
        %swap3A_687 = arith.constant 48 : index
        %swap3A_688 = tpu.vector_load %arg11[%swap3A_686, %swap3A_687] {strides = array<i32>} : memref<80x128xf32, #tpu.memory_space<vmem>>, vector<1x16xf32>,
        %swap3A_689 = vector.shape_cast %swap3A_688 : vector<1x16xf32> to vector<16xf32>
        %swap3A_690 = vector.shape_cast %mul3A_685 : vector<16xf32> to vector<1x16xf32>
        tpu.vector_store %arg11[%swap3A_686, %swap3A_687], %swap3A_690 {strides = array<i32>} : memref<80x128xf32, #tpu.memory_space<vmem>>, vector<1x16xf32>,
        %get3A_691 = arith.index_cast %add3A_650 : i32 to index
        %get3A_692 = arith.constant 64 : index
        %get3A_693 = tpu.vector_load %arg11[%get3A_691, %get3A_692] {strides = array<i32>} : memref<80x128xf32, #tpu.memory_space<vmem>>, vector<1x16xf32>,
        %get3A_694 = vector.shape_cast %get3A_693 : vector<1x16xf32> to vector<16xf32>
        %mul3A_695 = arith.mulf %get3A_694, %broadcast_in_dim3A_646 : vector<16xf32>
        %swap3A_696 = arith.index_cast %add3A_650 : i32 to index
        %swap3A_697 = arith.constant 64 : index
        %swap3A_698 = tpu.vector_load %arg11[%swap3A_696, %swap3A_697] {strides = array<i32>} : memref<80x128xf32, #tpu.memory_space<vmem>>, vector<1x16xf32>,
        %swap3A_699 = vector.shape_cast %swap3A_698 : vector<1x16xf32> to vector<16xf32>
        %swap3A_700 = vector.shape_cast %mul3A_695 : vector<16xf32> to vector<1x16xf32>
        tpu.vector_store %arg11[%swap3A_696, %swap3A_697], %swap3A_700 {strides = array<i32>} : memref<80x128xf32, #tpu.memory_space<vmem>>, vector<1x16xf32>,
        %get3A_701 = arith.index_cast %add3A_650 : i32 to index
        %get3A_702 = arith.constant 80 : index
        %get3A_703 = tpu.vector_load %arg11[%get3A_701, %get3A_702] {strides = array<i32>} : memref<80x128xf32, #tpu.memory_space<vmem>>, vector<1x16xf32>,
        %get3A_704 = vector.shape_cast %get3A_703 : vector<1x16xf32> to vector<16xf32>
        %mul3A_705 = arith.mulf %get3A_704, %broadcast_in_dim3A_646 : vector<16xf32>
        %swap3A_706 = arith.index_cast %add3A_650 : i32 to index
        %swap3A_707 = arith.constant 80 : index
        %swap3A_708 = tpu.vector_load %arg11[%swap3A_706, %swap3A_707] {strides = array<i32>} : memref<80x128xf32, #tpu.memory_space<vmem>>, vector<1x16xf32>,
        %swap3A_709 = vector.shape_cast %swap3A_708 : vector<1x16xf32> to vector<16xf32>
        %swap3A_710 = vector.shape_cast %mul3A_705 : vector<16xf32> to vector<1x16xf32>
        tpu.vector_store %arg11[%swap3A_706, %swap3A_707], %swap3A_710 {strides = array<i32>} : memref<80x128xf32, #tpu.memory_space<vmem>>, vector<1x16xf32>,
        %get3A_711 = arith.index_cast %add3A_650 : i32 to index
        %get3A_712 = arith.constant 96 : index
        %get3A_713 = tpu.vector_load %arg11[%get3A_711, %get3A_712] {strides = array<i32>} : memref<80x128xf32, #tpu.memory_space<vmem>>, vector<1x16xf32>,
        %get3A_714 = vector.shape_cast %get3A_713 : vector<1x16xf32> to vector<16xf32>
        %mul3A_715 = arith.mulf %get3A_714, %broadcast_in_dim3A_646 : vector<16xf32>
        %swap3A_716 = arith.index_cast %add3A_650 : i32 to index
        %swap3A_717 = arith.constant 96 : index
        %swap3A_718 = tpu.vector_load %arg11[%swap3A_716, %swap3A_717] {strides = array<i32>} : memref<80x128xf32, #tpu.memory_space<vmem>>, vector<1x16xf32>,
        %swap3A_719 = vector.shape_cast %swap3A_718 : vector<1x16xf32> to vector<16xf32>
        %swap3A_720 = vector.shape_cast %mul3A_715 : vector<16xf32> to vector<1x16xf32>
        tpu.vector_store %arg11[%swap3A_716, %swap3A_717], %swap3A_720 {strides = array<i32>} : memref<80x128xf32, #tpu.memory_space<vmem>>, vector<1x16xf32>,
        %get3A_721 = arith.index_cast %add3A_650 : i32 to index
        %get3A_722 = arith.constant 112 : index
        %get3A_723 = tpu.vector_load %arg11[%get3A_721, %get3A_722] {strides = array<i32>} : memref<80x128xf32, #tpu.memory_space<vmem>>, vector<1x16xf32>,
        %get3A_724 = vector.shape_cast %get3A_723 : vector<1x16xf32> to vector<16xf32>
        %mul3A_725 = arith.mulf %get3A_724, %broadcast_in_dim3A_646 : vector<16xf32>
        %swap3A_726 = arith.index_cast %add3A_650 : i32 to index
        %swap3A_727 = arith.constant 112 : index
        %swap3A_728 = tpu.vector_load %arg11[%swap3A_726, %swap3A_727] {strides = array<i32>} : memref<80x128xf32, #tpu.memory_space<vmem>>, vector<1x16xf32>,
        %swap3A_729 = vector.shape_cast %swap3A_728 : vector<1x16xf32> to vector<16xf32>
        %swap3A_730 = vector.shape_cast %mul3A_725 : vector<16xf32> to vector<1x16xf32>
        tpu.vector_store %arg11[%swap3A_726, %swap3A_727], %swap3A_730 {strides = array<i32>} : memref<80x128xf32, #tpu.memory_space<vmem>>, vector<1x16xf32>,
        %slice3A_731 = vector.extract_strided_slice %get3A_38 {offsets = [8], sizes = [1], strides = [1]} : vector<16xf32> to vector<1xf32>
        %squeeze3A_732 = vector.extract %slice3A_731[0] : f32 from vector<1xf32>
        %broadcast_in_dim3A_733 = vector.broadcast %squeeze3A_732 : f32 to vector<16xf32>
        %mul3A_734 = arith.constant 16 : i32
        %mul3A_735 = arith.muli %scan3A_34, %mul3A_734 : i32
        %add3A_736 = arith.constant 8 : i32
        %add3A_737 = arith.addi %mul3A_735, %add3A_736 : i32
        %get3A_738 = arith.index_cast %add3A_737 : i32 to index
        %get3A_739 = arith.constant 0 : index
        %get3A_740 = tpu.vector_load %arg11[%get3A_738, %get3A_739] {strides = array<i32>} : memref<80x128xf32, #tpu.memory_space<vmem>>, vector<1x16xf32>,
        %get3A_741 = vector.shape_cast %get3A_740 : vector<1x16xf32> to vector<16xf32>
        %mul3A_742 = arith.mulf %get3A_741, %broadcast_in_dim3A_733 : vector<16xf32>
        %swap3A_743 = arith.index_cast %add3A_737 : i32 to index
        %swap3A_744 = arith.constant 0 : index
        %swap3A_745 = tpu.vector_load %arg11[%swap3A_743, %swap3A_744] {strides = array<i32>} : memref<80x128xf32, #tpu.memory_space<vmem>>, vector<1x16xf32>,
        %swap3A_746 = vector.shape_cast %swap3A_745 : vector<1x16xf32> to vector<16xf32>
        %swap3A_747 = vector.shape_cast %mul3A_742 : vector<16xf32> to vector<1x16xf32>
        tpu.vector_store %arg11[%swap3A_743, %swap3A_744], %swap3A_747 {strides = array<i32>} : memref<80x128xf32, #tpu.memory_space<vmem>>, vector<1x16xf32>,
        %get3A_748 = arith.index_cast %add3A_737 : i32 to index
        %get3A_749 = arith.constant 16 : index
        %get3A_750 = tpu.vector_load %arg11[%get3A_748, %get3A_749] {strides = array<i32>} : memref<80x128xf32, #tpu.memory_space<vmem>>, vector<1x16xf32>,
        %get3A_751 = vector.shape_cast %get3A_750 : vector<1x16xf32> to vector<16xf32>
        %mul3A_752 = arith.mulf %get3A_751, %broadcast_in_dim3A_733 : vector<16xf32>
        %swap3A_753 = arith.index_cast %add3A_737 : i32 to index
        %swap3A_754 = arith.constant 16 : index
        %swap3A_755 = tpu.vector_load %arg11[%swap3A_753, %swap3A_754] {strides = array<i32>} : memref<80x128xf32, #tpu.memory_space<vmem>>, vector<1x16xf32>,
        %swap3A_756 = vector.shape_cast %swap3A_755 : vector<1x16xf32> to vector<16xf32>
        %swap3A_757 = vector.shape_cast %mul3A_752 : vector<16xf32> to vector<1x16xf32>
        tpu.vector_store %arg11[%swap3A_753, %swap3A_754], %swap3A_757 {strides = array<i32>} : memref<80x128xf32, #tpu.memory_space<vmem>>, vector<1x16xf32>,
        %get3A_758 = arith.index_cast %add3A_737 : i32 to index
        %get3A_759 = arith.constant 32 : index
        %get3A_760 = tpu.vector_load %arg11[%get3A_758, %get3A_759] {strides = array<i32>} : memref<80x128xf32, #tpu.memory_space<vmem>>, vector<1x16xf32>,
        %get3A_761 = vector.shape_cast %get3A_760 : vector<1x16xf32> to vector<16xf32>
        %mul3A_762 = arith.mulf %get3A_761, %broadcast_in_dim3A_733 : vector<16xf32>
        %swap3A_763 = arith.index_cast %add3A_737 : i32 to index
        %swap3A_764 = arith.constant 32 : index
        %swap3A_765 = tpu.vector_load %arg11[%swap3A_763, %swap3A_764] {strides = array<i32>} : memref<80x128xf32, #tpu.memory_space<vmem>>, vector<1x16xf32>,
        %swap3A_766 = vector.shape_cast %swap3A_765 : vector<1x16xf32> to vector<16xf32>
        %swap3A_767 = vector.shape_cast %mul3A_762 : vector<16xf32> to vector<1x16xf32>
        tpu.vector_store %arg11[%swap3A_763, %swap3A_764], %swap3A_767 {strides = array<i32>} : memref<80x128xf32, #tpu.memory_space<vmem>>, vector<1x16xf32>,
        %get3A_768 = arith.index_cast %add3A_737 : i32 to index
        %get3A_769 = arith.constant 48 : index
        %get3A_770 = tpu.vector_load %arg11[%get3A_768, %get3A_769] {strides = array<i32>} : memref<80x128xf32, #tpu.memory_space<vmem>>, vector<1x16xf32>,
        %get3A_771 = vector.shape_cast %get3A_770 : vector<1x16xf32> to vector<16xf32>
        %mul3A_772 = arith.mulf %get3A_771, %broadcast_in_dim3A_733 : vector<16xf32>
        %swap3A_773 = arith.index_cast %add3A_737 : i32 to index
        %swap3A_774 = arith.constant 48 : index
        %swap3A_775 = tpu.vector_load %arg11[%swap3A_773, %swap3A_774] {strides = array<i32>} : memref<80x128xf32, #tpu.memory_space<vmem>>, vector<1x16xf32>,
        %swap3A_776 = vector.shape_cast %swap3A_775 : vector<1x16xf32> to vector<16xf32>
        %swap3A_777 = vector.shape_cast %mul3A_772 : vector<16xf32> to vector<1x16xf32>
        tpu.vector_store %arg11[%swap3A_773, %swap3A_774], %swap3A_777 {strides = array<i32>} : memref<80x128xf32, #tpu.memory_space<vmem>>, vector<1x16xf32>,
        %get3A_778 = arith.index_cast %add3A_737 : i32 to index
        %get3A_779 = arith.constant 64 : index
        %get3A_780 = tpu.vector_load %arg11[%get3A_778, %get3A_779] {strides = array<i32>} : memref<80x128xf32, #tpu.memory_space<vmem>>, vector<1x16xf32>,
        %get3A_781 = vector.shape_cast %get3A_780 : vector<1x16xf32> to vector<16xf32>
        %mul3A_782 = arith.mulf %get3A_781, %broadcast_in_dim3A_733 : vector<16xf32>
        %swap3A_783 = arith.index_cast %add3A_737 : i32 to index
        %swap3A_784 = arith.constant 64 : index
        %swap3A_785 = tpu.vector_load %arg11[%swap3A_783, %swap3A_784] {strides = array<i32>} : memref<80x128xf32, #tpu.memory_space<vmem>>, vector<1x16xf32>,
        %swap3A_786 = vector.shape_cast %swap3A_785 : vector<1x16xf32> to vector<16xf32>
        %swap3A_787 = vector.shape_cast %mul3A_782 : vector<16xf32> to vector<1x16xf32>
        tpu.vector_store %arg11[%swap3A_783, %swap3A_784], %swap3A_787 {strides = array<i32>} : memref<80x128xf32, #tpu.memory_space<vmem>>, vector<1x16xf32>,
        %get3A_788 = arith.index_cast %add3A_737 : i32 to index
        %get3A_789 = arith.constant 80 : index
        %get3A_790 = tpu.vector_load %arg11[%get3A_788, %get3A_789] {strides = array<i32>} : memref<80x128xf32, #tpu.memory_space<vmem>>, vector<1x16xf32>,
        %get3A_791 = vector.shape_cast %get3A_790 : vector<1x16xf32> to vector<16xf32>
        %mul3A_792 = arith.mulf %get3A_791, %broadcast_in_dim3A_733 : vector<16xf32>
        %swap3A_793 = arith.index_cast %add3A_737 : i32 to index
        %swap3A_794 = arith.constant 80 : index
        %swap3A_795 = tpu.vector_load %arg11[%swap3A_793, %swap3A_794] {strides = array<i32>} : memref<80x128xf32, #tpu.memory_space<vmem>>, vector<1x16xf32>,
        %swap3A_796 = vector.shape_cast %swap3A_795 : vector<1x16xf32> to vector<16xf32>
        %swap3A_797 = vector.shape_cast %mul3A_792 : vector<16xf32> to vector<1x16xf32>
        tpu.vector_store %arg11[%swap3A_793, %swap3A_794], %swap3A_797 {strides = array<i32>} : memref<80x128xf32, #tpu.memory_space<vmem>>, vector<1x16xf32>,
        %get3A_798 = arith.index_cast %add3A_737 : i32 to index
        %get3A_799 = arith.constant 96 : index
        %get3A_800 = tpu.vector_load %arg11[%get3A_798, %get3A_799] {strides = array<i32>} : memref<80x128xf32, #tpu.memory_space<vmem>>, vector<1x16xf32>,
        %get3A_801 = vector.shape_cast %get3A_800 : vector<1x16xf32> to vector<16xf32>
        %mul3A_802 = arith.mulf %get3A_801, %broadcast_in_dim3A_733 : vector<16xf32>
        %swap3A_803 = arith.index_cast %add3A_737 : i32 to index
        %swap3A_804 = arith.constant 96 : index
        %swap3A_805 = tpu.vector_load %arg11[%swap3A_803, %swap3A_804] {strides = array<i32>} : memref<80x128xf32, #tpu.memory_space<vmem>>, vector<1x16xf32>,
        %swap3A_806 = vector.shape_cast %swap3A_805 : vector<1x16xf32> to vector<16xf32>
        %swap3A_807 = vector.shape_cast %mul3A_802 : vector<16xf32> to vector<1x16xf32>
        tpu.vector_store %arg11[%swap3A_803, %swap3A_804], %swap3A_807 {strides = array<i32>} : memref<80x128xf32, #tpu.memory_space<vmem>>, vector<1x16xf32>,
        %get3A_808 = arith.index_cast %add3A_737 : i32 to index
        %get3A_809 = arith.constant 112 : index
        %get3A_810 = tpu.vector_load %arg11[%get3A_808, %get3A_809] {strides = array<i32>} : memref<80x128xf32, #tpu.memory_space<vmem>>, vector<1x16xf32>,
        %get3A_811 = vector.shape_cast %get3A_810 : vector<1x16xf32> to vector<16xf32>
        %mul3A_812 = arith.mulf %get3A_811, %broadcast_in_dim3A_733 : vector<16xf32>
        %swap3A_813 = arith.index_cast %add3A_737 : i32 to index
        %swap3A_814 = arith.constant 112 : index
        %swap3A_815 = tpu.vector_load %arg11[%swap3A_813, %swap3A_814] {strides = array<i32>} : memref<80x128xf32, #tpu.memory_space<vmem>>, vector<1x16xf32>,
        %swap3A_816 = vector.shape_cast %swap3A_815 : vector<1x16xf32> to vector<16xf32>
        %swap3A_817 = vector.shape_cast %mul3A_812 : vector<16xf32> to vector<1x16xf32>
        tpu.vector_store %arg11[%swap3A_813, %swap3A_814], %swap3A_817 {strides = array<i32>} : memref<80x128xf32, #tpu.memory_space<vmem>>, vector<1x16xf32>,
        %slice3A_818 = vector.extract_strided_slice %get3A_38 {offsets = [9], sizes = [1], strides = [1]} : vector<16xf32> to vector<1xf32>
        %squeeze3A_819 = vector.extract %slice3A_818[0] : f32 from vector<1xf32>
        %broadcast_in_dim3A_820 = vector.broadcast %squeeze3A_819 : f32 to vector<16xf32>
        %mul3A_821 = arith.constant 16 : i32
        %mul3A_822 = arith.muli %scan3A_34, %mul3A_821 : i32
        %add3A_823 = arith.constant 9 : i32
        %add3A_824 = arith.addi %mul3A_822, %add3A_823 : i32
        %get3A_825 = arith.index_cast %add3A_824 : i32 to index
        %get3A_826 = arith.constant 0 : index
        %get3A_827 = tpu.vector_load %arg11[%get3A_825, %get3A_826] {strides = array<i32>} : memref<80x128xf32, #tpu.memory_space<vmem>>, vector<1x16xf32>,
        %get3A_828 = vector.shape_cast %get3A_827 : vector<1x16xf32> to vector<16xf32>
        %mul3A_829 = arith.mulf %get3A_828, %broadcast_in_dim3A_820 : vector<16xf32>
        %swap3A_830 = arith.index_cast %add3A_824 : i32 to index
        %swap3A_831 = arith.constant 0 : index
        %swap3A_832 = tpu.vector_load %arg11[%swap3A_830, %swap3A_831] {strides = array<i32>} : memref<80x128xf32, #tpu.memory_space<vmem>>, vector<1x16xf32>,
        %swap3A_833 = vector.shape_cast %swap3A_832 : vector<1x16xf32> to vector<16xf32>
        %swap3A_834 = vector.shape_cast %mul3A_829 : vector<16xf32> to vector<1x16xf32>
        tpu.vector_store %arg11[%swap3A_830, %swap3A_831], %swap3A_834 {strides = array<i32>} : memref<80x128xf32, #tpu.memory_space<vmem>>, vector<1x16xf32>,
        %get3A_835 = arith.index_cast %add3A_824 : i32 to index
        %get3A_836 = arith.constant 16 : index
        %get3A_837 = tpu.vector_load %arg11[%get3A_835, %get3A_836] {strides = array<i32>} : memref<80x128xf32, #tpu.memory_space<vmem>>, vector<1x16xf32>,
        %get3A_838 = vector.shape_cast %get3A_837 : vector<1x16xf32> to vector<16xf32>
        %mul3A_839 = arith.mulf %get3A_838, %broadcast_in_dim3A_820 : vector<16xf32>
        %swap3A_840 = arith.index_cast %add3A_824 : i32 to index
        %swap3A_841 = arith.constant 16 : index
        %swap3A_842 = tpu.vector_load %arg11[%swap3A_840, %swap3A_841] {strides = array<i32>} : memref<80x128xf32, #tpu.memory_space<vmem>>, vector<1x16xf32>,
        %swap3A_843 = vector.shape_cast %swap3A_842 : vector<1x16xf32> to vector<16xf32>
        %swap3A_844 = vector.shape_cast %mul3A_839 : vector<16xf32> to vector<1x16xf32>
        tpu.vector_store %arg11[%swap3A_840, %swap3A_841], %swap3A_844 {strides = array<i32>} : memref<80x128xf32, #tpu.memory_space<vmem>>, vector<1x16xf32>,
        %get3A_845 = arith.index_cast %add3A_824 : i32 to index
        %get3A_846 = arith.constant 32 : index
        %get3A_847 = tpu.vector_load %arg11[%get3A_845, %get3A_846] {strides = array<i32>} : memref<80x128xf32, #tpu.memory_space<vmem>>, vector<1x16xf32>,
        %get3A_848 = vector.shape_cast %get3A_847 : vector<1x16xf32> to vector<16xf32>
        %mul3A_849 = arith.mulf %get3A_848, %broadcast_in_dim3A_820 : vector<16xf32>
        %swap3A_850 = arith.index_cast %add3A_824 : i32 to index
        %swap3A_851 = arith.constant 32 : index
        %swap3A_852 = tpu.vector_load %arg11[%swap3A_850, %swap3A_851] {strides = array<i32>} : memref<80x128xf32, #tpu.memory_space<vmem>>, vector<1x16xf32>,
        %swap3A_853 = vector.shape_cast %swap3A_852 : vector<1x16xf32> to vector<16xf32>
        %swap3A_854 = vector.shape_cast %mul3A_849 : vector<16xf32> to vector<1x16xf32>
        tpu.vector_store %arg11[%swap3A_850, %swap3A_851], %swap3A_854 {strides = array<i32>} : memref<80x128xf32, #tpu.memory_space<vmem>>, vector<1x16xf32>,
        %get3A_855 = arith.index_cast %add3A_824 : i32 to index
        %get3A_856 = arith.constant 48 : index
        %get3A_857 = tpu.vector_load %arg11[%get3A_855, %get3A_856] {strides = array<i32>} : memref<80x128xf32, #tpu.memory_space<vmem>>, vector<1x16xf32>,
        %get3A_858 = vector.shape_cast %get3A_857 : vector<1x16xf32> to vector<16xf32>
        %mul3A_859 = arith.mulf %get3A_858, %broadcast_in_dim3A_820 : vector<16xf32>
        %swap3A_860 = arith.index_cast %add3A_824 : i32 to index
        %swap3A_861 = arith.constant 48 : index
        %swap3A_862 = tpu.vector_load %arg11[%swap3A_860, %swap3A_861] {strides = array<i32>} : memref<80x128xf32, #tpu.memory_space<vmem>>, vector<1x16xf32>,
        %swap3A_863 = vector.shape_cast %swap3A_862 : vector<1x16xf32> to vector<16xf32>
        %swap3A_864 = vector.shape_cast %mul3A_859 : vector<16xf32> to vector<1x16xf32>
        tpu.vector_store %arg11[%swap3A_860, %swap3A_861], %swap3A_864 {strides = array<i32>} : memref<80x128xf32, #tpu.memory_space<vmem>>, vector<1x16xf32>,
        %get3A_865 = arith.index_cast %add3A_824 : i32 to index
        %get3A_866 = arith.constant 64 : index
        %get3A_867 = tpu.vector_load %arg11[%get3A_865, %get3A_866] {strides = array<i32>} : memref<80x128xf32, #tpu.memory_space<vmem>>, vector<1x16xf32>,
        %get3A_868 = vector.shape_cast %get3A_867 : vector<1x16xf32> to vector<16xf32>
        %mul3A_869 = arith.mulf %get3A_868, %broadcast_in_dim3A_820 : vector<16xf32>
        %swap3A_870 = arith.index_cast %add3A_824 : i32 to index
        %swap3A_871 = arith.constant 64 : index
        %swap3A_872 = tpu.vector_load %arg11[%swap3A_870, %swap3A_871] {strides = array<i32>} : memref<80x128xf32, #tpu.memory_space<vmem>>, vector<1x16xf32>,
        %swap3A_873 = vector.shape_cast %swap3A_872 : vector<1x16xf32> to vector<16xf32>
        %swap3A_874 = vector.shape_cast %mul3A_869 : vector<16xf32> to vector<1x16xf32>
        tpu.vector_store %arg11[%swap3A_870, %swap3A_871], %swap3A_874 {strides = array<i32>} : memref<80x128xf32, #tpu.memory_space<vmem>>, vector<1x16xf32>,
        %get3A_875 = arith.index_cast %add3A_824 : i32 to index
        %get3A_876 = arith.constant 80 : index
        %get3A_877 = tpu.vector_load %arg11[%get3A_875, %get3A_876] {strides = array<i32>} : memref<80x128xf32, #tpu.memory_space<vmem>>, vector<1x16xf32>,
        %get3A_878 = vector.shape_cast %get3A_877 : vector<1x16xf32> to vector<16xf32>
        %mul3A_879 = arith.mulf %get3A_878, %broadcast_in_dim3A_820 : vector<16xf32>
        %swap3A_880 = arith.index_cast %add3A_824 : i32 to index
        %swap3A_881 = arith.constant 80 : index
        %swap3A_882 = tpu.vector_load %arg11[%swap3A_880, %swap3A_881] {strides = array<i32>} : memref<80x128xf32, #tpu.memory_space<vmem>>, vector<1x16xf32>,
        %swap3A_883 = vector.shape_cast %swap3A_882 : vector<1x16xf32> to vector<16xf32>
        %swap3A_884 = vector.shape_cast %mul3A_879 : vector<16xf32> to vector<1x16xf32>
        tpu.vector_store %arg11[%swap3A_880, %swap3A_881], %swap3A_884 {strides = array<i32>} : memref<80x128xf32, #tpu.memory_space<vmem>>, vector<1x16xf32>,
        %get3A_885 = arith.index_cast %add3A_824 : i32 to index
        %get3A_886 = arith.constant 96 : index
        %get3A_887 = tpu.vector_load %arg11[%get3A_885, %get3A_886] {strides = array<i32>} : memref<80x128xf32, #tpu.memory_space<vmem>>, vector<1x16xf32>,
        %get3A_888 = vector.shape_cast %get3A_887 : vector<1x16xf32> to vector<16xf32>
        %mul3A_889 = arith.mulf %get3A_888, %broadcast_in_dim3A_820 : vector<16xf32>
        %swap3A_890 = arith.index_cast %add3A_824 : i32 to index
        %swap3A_891 = arith.constant 96 : index
        %swap3A_892 = tpu.vector_load %arg11[%swap3A_890, %swap3A_891] {strides = array<i32>} : memref<80x128xf32, #tpu.memory_space<vmem>>, vector<1x16xf32>,
        %swap3A_893 = vector.shape_cast %swap3A_892 : vector<1x16xf32> to vector<16xf32>
        %swap3A_894 = vector.shape_cast %mul3A_889 : vector<16xf32> to vector<1x16xf32>
        tpu.vector_store %arg11[%swap3A_890, %swap3A_891], %swap3A_894 {strides = array<i32>} : memref<80x128xf32, #tpu.memory_space<vmem>>, vector<1x16xf32>,
        %get3A_895 = arith.index_cast %add3A_824 : i32 to index
        %get3A_896 = arith.constant 112 : index
        %get3A_897 = tpu.vector_load %arg11[%get3A_895, %get3A_896] {strides = array<i32>} : memref<80x128xf32, #tpu.memory_space<vmem>>, vector<1x16xf32>,
        %get3A_898 = vector.shape_cast %get3A_897 : vector<1x16xf32> to vector<16xf32>
        %mul3A_899 = arith.mulf %get3A_898, %broadcast_in_dim3A_820 : vector<16xf32>
        %swap3A_900 = arith.index_cast %add3A_824 : i32 to index
        %swap3A_901 = arith.constant 112 : index
        %swap3A_902 = tpu.vector_load %arg11[%swap3A_900, %swap3A_901] {strides = array<i32>} : memref<80x128xf32, #tpu.memory_space<vmem>>, vector<1x16xf32>,
        %swap3A_903 = vector.shape_cast %swap3A_902 : vector<1x16xf32> to vector<16xf32>
        %swap3A_904 = vector.shape_cast %mul3A_899 : vector<16xf32> to vector<1x16xf32>
        tpu.vector_store %arg11[%swap3A_900, %swap3A_901], %swap3A_904 {strides = array<i32>} : memref<80x128xf32, #tpu.memory_space<vmem>>, vector<1x16xf32>,
        %slice3A_905 = vector.extract_strided_slice %get3A_38 {offsets = [10], sizes = [1], strides = [1]} : vector<16xf32> to vector<1xf32>
        %squeeze3A_906 = vector.extract %slice3A_905[0] : f32 from vector<1xf32>
        %broadcast_in_dim3A_907 = vector.broadcast %squeeze3A_906 : f32 to vector<16xf32>
        %mul3A_908 = arith.constant 16 : i32
        %mul3A_909 = arith.muli %scan3A_34, %mul3A_908 : i32
        %add3A_910 = arith.constant 10 : i32
        %add3A_911 = arith.addi %mul3A_909, %add3A_910 : i32
        %get3A_912 = arith.index_cast %add3A_911 : i32 to index
        %get3A_913 = arith.constant 0 : index
        %get3A_914 = tpu.vector_load %arg11[%get3A_912, %get3A_913] {strides = array<i32>} : memref<80x128xf32, #tpu.memory_space<vmem>>, vector<1x16xf32>,
        %get3A_915 = vector.shape_cast %get3A_914 : vector<1x16xf32> to vector<16xf32>
        %mul3A_916 = arith.mulf %get3A_915, %broadcast_in_dim3A_907 : vector<16xf32>
        %swap3A_917 = arith.index_cast %add3A_911 : i32 to index
        %swap3A_918 = arith.constant 0 : index
        %swap3A_919 = tpu.vector_load %arg11[%swap3A_917, %swap3A_918] {strides = array<i32>} : memref<80x128xf32, #tpu.memory_space<vmem>>, vector<1x16xf32>,
        %swap3A_920 = vector.shape_cast %swap3A_919 : vector<1x16xf32> to vector<16xf32>
        %swap3A_921 = vector.shape_cast %mul3A_916 : vector<16xf32> to vector<1x16xf32>
        tpu.vector_store %arg11[%swap3A_917, %swap3A_918], %swap3A_921 {strides = array<i32>} : memref<80x128xf32, #tpu.memory_space<vmem>>, vector<1x16xf32>,
        %get3A_922 = arith.index_cast %add3A_911 : i32 to index
        %get3A_923 = arith.constant 16 : index
        %get3A_924 = tpu.vector_load %arg11[%get3A_922, %get3A_923] {strides = array<i32>} : memref<80x128xf32, #tpu.memory_space<vmem>>, vector<1x16xf32>,
        %get3A_925 = vector.shape_cast %get3A_924 : vector<1x16xf32> to vector<16xf32>
        %mul3A_926 = arith.mulf %get3A_925, %broadcast_in_dim3A_907 : vector<16xf32>
        %swap3A_927 = arith.index_cast %add3A_911 : i32 to index
        %swap3A_928 = arith.constant 16 : index
        %swap3A_929 = tpu.vector_load %arg11[%swap3A_927, %swap3A_928] {strides = array<i32>} : memref<80x128xf32, #tpu.memory_space<vmem>>, vector<1x16xf32>,
        %swap3A_930 = vector.shape_cast %swap3A_929 : vector<1x16xf32> to vector<16xf32>
        %swap3A_931 = vector.shape_cast %mul3A_926 : vector<16xf32> to vector<1x16xf32>
        tpu.vector_store %arg11[%swap3A_927, %swap3A_928], %swap3A_931 {strides = array<i32>} : memref<80x128xf32, #tpu.memory_space<vmem>>, vector<1x16xf32>,
        %get3A_932 = arith.index_cast %add3A_911 : i32 to index
        %get3A_933 = arith.constant 32 : index
        %get3A_934 = tpu.vector_load %arg11[%get3A_932, %get3A_933] {strides = array<i32>} : memref<80x128xf32, #tpu.memory_space<vmem>>, vector<1x16xf32>,
        %get3A_935 = vector.shape_cast %get3A_934 : vector<1x16xf32> to vector<16xf32>
        %mul3A_936 = arith.mulf %get3A_935, %broadcast_in_dim3A_907 : vector<16xf32>
        %swap3A_937 = arith.index_cast %add3A_911 : i32 to index
        %swap3A_938 = arith.constant 32 : index
        %swap3A_939 = tpu.vector_load %arg11[%swap3A_937, %swap3A_938] {strides = array<i32>} : memref<80x128xf32, #tpu.memory_space<vmem>>, vector<1x16xf32>,
        %swap3A_940 = vector.shape_cast %swap3A_939 : vector<1x16xf32> to vector<16xf32>
        %swap3A_941 = vector.shape_cast %mul3A_936 : vector<16xf32> to vector<1x16xf32>
        tpu.vector_store %arg11[%swap3A_937, %swap3A_938], %swap3A_941 {strides = array<i32>} : memref<80x128xf32, #tpu.memory_space<vmem>>, vector<1x16xf32>,
        %get3A_942 = arith.index_cast %add3A_911 : i32 to index
        %get3A_943 = arith.constant 48 : index
        %get3A_944 = tpu.vector_load %arg11[%get3A_942, %get3A_943] {strides = array<i32>} : memref<80x128xf32, #tpu.memory_space<vmem>>, vector<1x16xf32>,
        %get3A_945 = vector.shape_cast %get3A_944 : vector<1x16xf32> to vector<16xf32>
        %mul3A_946 = arith.mulf %get3A_945, %broadcast_in_dim3A_907 : vector<16xf32>
        %swap3A_947 = arith.index_cast %add3A_911 : i32 to index
        %swap3A_948 = arith.constant 48 : index
        %swap3A_949 = tpu.vector_load %arg11[%swap3A_947, %swap3A_948] {strides = array<i32>} : memref<80x128xf32, #tpu.memory_space<vmem>>, vector<1x16xf32>,
        %swap3A_950 = vector.shape_cast %swap3A_949 : vector<1x16xf32> to vector<16xf32>
        %swap3A_951 = vector.shape_cast %mul3A_946 : vector<16xf32> to vector<1x16xf32>
        tpu.vector_store %arg11[%swap3A_947, %swap3A_948], %swap3A_951 {strides = array<i32>} : memref<80x128xf32, #tpu.memory_space<vmem>>, vector<1x16xf32>,
        %get3A_952 = arith.index_cast %add3A_911 : i32 to index
        %get3A_953 = arith.constant 64 : index
        %get3A_954 = tpu.vector_load %arg11[%get3A_952, %get3A_953] {strides = array<i32>} : memref<80x128xf32, #tpu.memory_space<vmem>>, vector<1x16xf32>,
        %get3A_955 = vector.shape_cast %get3A_954 : vector<1x16xf32> to vector<16xf32>
        %mul3A_956 = arith.mulf %get3A_955, %broadcast_in_dim3A_907 : vector<16xf32>
        %swap3A_957 = arith.index_cast %add3A_911 : i32 to index
        %swap3A_958 = arith.constant 64 : index
        %swap3A_959 = tpu.vector_load %arg11[%swap3A_957, %swap3A_958] {strides = array<i32>} : memref<80x128xf32, #tpu.memory_space<vmem>>, vector<1x16xf32>,
        %swap3A_960 = vector.shape_cast %swap3A_959 : vector<1x16xf32> to vector<16xf32>
        %swap3A_961 = vector.shape_cast %mul3A_956 : vector<16xf32> to vector<1x16xf32>
        tpu.vector_store %arg11[%swap3A_957, %swap3A_958], %swap3A_961 {strides = array<i32>} : memref<80x128xf32, #tpu.memory_space<vmem>>, vector<1x16xf32>,
        %get3A_962 = arith.index_cast %add3A_911 : i32 to index
        %get3A_963 = arith.constant 80 : index
        %get3A_964 = tpu.vector_load %arg11[%get3A_962, %get3A_963] {strides = array<i32>} : memref<80x128xf32, #tpu.memory_space<vmem>>, vector<1x16xf32>,
        %get3A_965 = vector.shape_cast %get3A_964 : vector<1x16xf32> to vector<16xf32>
        %mul3A_966 = arith.mulf %get3A_965, %broadcast_in_dim3A_907 : vector<16xf32>
        %swap3A_967 = arith.index_cast %add3A_911 : i32 to index
        %swap3A_968 = arith.constant 80 : index
        %swap3A_969 = tpu.vector_load %arg11[%swap3A_967, %swap3A_968] {strides = array<i32>} : memref<80x128xf32, #tpu.memory_space<vmem>>, vector<1x16xf32>,
        %swap3A_970 = vector.shape_cast %swap3A_969 : vector<1x16xf32> to vector<16xf32>
        %swap3A_971 = vector.shape_cast %mul3A_966 : vector<16xf32> to vector<1x16xf32>
        tpu.vector_store %arg11[%swap3A_967, %swap3A_968], %swap3A_971 {strides = array<i32>} : memref<80x128xf32, #tpu.memory_space<vmem>>, vector<1x16xf32>,
        %get3A_972 = arith.index_cast %add3A_911 : i32 to index
        %get3A_973 = arith.constant 96 : index
        %get3A_974 = tpu.vector_load %arg11[%get3A_972, %get3A_973] {strides = array<i32>} : memref<80x128xf32, #tpu.memory_space<vmem>>, vector<1x16xf32>,
        %get3A_975 = vector.shape_cast %get3A_974 : vector<1x16xf32> to vector<16xf32>
        %mul3A_976 = arith.mulf %get3A_975, %broadcast_in_dim3A_907 : vector<16xf32>
        %swap3A_977 = arith.index_cast %add3A_911 : i32 to index
        %swap3A_978 = arith.constant 96 : index
        %swap3A_979 = tpu.vector_load %arg11[%swap3A_977, %swap3A_978] {strides = array<i32>} : memref<80x128xf32, #tpu.memory_space<vmem>>, vector<1x16xf32>,
        %swap3A_980 = vector.shape_cast %swap3A_979 : vector<1x16xf32> to vector<16xf32>
        %swap3A_981 = vector.shape_cast %mul3A_976 : vector<16xf32> to vector<1x16xf32>
        tpu.vector_store %arg11[%swap3A_977, %swap3A_978], %swap3A_981 {strides = array<i32>} : memref<80x128xf32, #tpu.memory_space<vmem>>, vector<1x16xf32>,
        %get3A_982 = arith.index_cast %add3A_911 : i32 to index
        %get3A_983 = arith.constant 112 : index
        %get3A_984 = tpu.vector_load %arg11[%get3A_982, %get3A_983] {strides = array<i32>} : memref<80x128xf32, #tpu.memory_space<vmem>>, vector<1x16xf32>,
        %get3A_985 = vector.shape_cast %get3A_984 : vector<1x16xf32> to vector<16xf32>
        %mul3A_986 = arith.mulf %get3A_985, %broadcast_in_dim3A_907 : vector<16xf32>
        %swap3A_987 = arith.index_cast %add3A_911 : i32 to index
        %swap3A_988 = arith.constant 112 : index
        %swap3A_989 = tpu.vector_load %arg11[%swap3A_987, %swap3A_988] {strides = array<i32>} : memref<80x128xf32, #tpu.memory_space<vmem>>, vector<1x16xf32>,
        %swap3A_990 = vector.shape_cast %swap3A_989 : vector<1x16xf32> to vector<16xf32>
        %swap3A_991 = vector.shape_cast %mul3A_986 : vector<16xf32> to vector<1x16xf32>
        tpu.vector_store %arg11[%swap3A_987, %swap3A_988], %swap3A_991 {strides = array<i32>} : memref<80x128xf32, #tpu.memory_space<vmem>>, vector<1x16xf32>,
        %slice3A_992 = vector.extract_strided_slice %get3A_38 {offsets = [11], sizes = [1], strides = [1]} : vector<16xf32> to vector<1xf32>
        %squeeze3A_993 = vector.extract %slice3A_992[0] : f32 from vector<1xf32>
        %broadcast_in_dim3A_994 = vector.broadcast %squeeze3A_993 : f32 to vector<16xf32>
        %mul3A_995 = arith.constant 16 : i32
        %mul3A_996 = arith.muli %scan3A_34, %mul3A_995 : i32
        %add3A_997 = arith.constant 11 : i32
        %add3A_998 = arith.addi %mul3A_996, %add3A_997 : i32
        %get3A_999 = arith.index_cast %add3A_998 : i32 to index
        %get3A_1000 = arith.constant 0 : index
        %get3A_1001 = tpu.vector_load %arg11[%get3A_999, %get3A_1000] {strides = array<i32>} : memref<80x128xf32, #tpu.memory_space<vmem>>, vector<1x16xf32>,
        %get3A_1002 = vector.shape_cast %get3A_1001 : vector<1x16xf32> to vector<16xf32>
        %mul3A_1003 = arith.mulf %get3A_1002, %broadcast_in_dim3A_994 : vector<16xf32>
        %swap3A_1004 = arith.index_cast %add3A_998 : i32 to index
        %swap3A_1005 = arith.constant 0 : index
        %swap3A_1006 = tpu.vector_load %arg11[%swap3A_1004, %swap3A_1005] {strides = array<i32>} : memref<80x128xf32, #tpu.memory_space<vmem>>, vector<1x16xf32>,
        %swap3A_1007 = vector.shape_cast %swap3A_1006 : vector<1x16xf32> to vector<16xf32>
        %swap3A_1008 = vector.shape_cast %mul3A_1003 : vector<16xf32> to vector<1x16xf32>
        tpu.vector_store %arg11[%swap3A_1004, %swap3A_1005], %swap3A_1008 {strides = array<i32>} : memref<80x128xf32, #tpu.memory_space<vmem>>, vector<1x16xf32>,
        %get3A_1009 = arith.index_cast %add3A_998 : i32 to index
        %get3A_1010 = arith.constant 16 : index
        %get3A_1011 = tpu.vector_load %arg11[%get3A_1009, %get3A_1010] {strides = array<i32>} : memref<80x128xf32, #tpu.memory_space<vmem>>, vector<1x16xf32>,
        %get3A_1012 = vector.shape_cast %get3A_1011 : vector<1x16xf32> to vector<16xf32>
        %mul3A_1013 = arith.mulf %get3A_1012, %broadcast_in_dim3A_994 : vector<16xf32>
        %swap3A_1014 = arith.index_cast %add3A_998 : i32 to index
        %swap3A_1015 = arith.constant 16 : index
        %swap3A_1016 = tpu.vector_load %arg11[%swap3A_1014, %swap3A_1015] {strides = array<i32>} : memref<80x128xf32, #tpu.memory_space<vmem>>, vector<1x16xf32>,
        %swap3A_1017 = vector.shape_cast %swap3A_1016 : vector<1x16xf32> to vector<16xf32>
        %swap3A_1018 = vector.shape_cast %mul3A_1013 : vector<16xf32> to vector<1x16xf32>
        tpu.vector_store %arg11[%swap3A_1014, %swap3A_1015], %swap3A_1018 {strides = array<i32>} : memref<80x128xf32, #tpu.memory_space<vmem>>, vector<1x16xf32>,
        %get3A_1019 = arith.index_cast %add3A_998 : i32 to index
        %get3A_1020 = arith.constant 32 : index
        %get3A_1021 = tpu.vector_load %arg11[%get3A_1019, %get3A_1020] {strides = array<i32>} : memref<80x128xf32, #tpu.memory_space<vmem>>, vector<1x16xf32>,
        %get3A_1022 = vector.shape_cast %get3A_1021 : vector<1x16xf32> to vector<16xf32>
        %mul3A_1023 = arith.mulf %get3A_1022, %broadcast_in_dim3A_994 : vector<16xf32>
        %swap3A_1024 = arith.index_cast %add3A_998 : i32 to index
        %swap3A_1025 = arith.constant 32 : index
        %swap3A_1026 = tpu.vector_load %arg11[%swap3A_1024, %swap3A_1025] {strides = array<i32>} : memref<80x128xf32, #tpu.memory_space<vmem>>, vector<1x16xf32>,
        %swap3A_1027 = vector.shape_cast %swap3A_1026 : vector<1x16xf32> to vector<16xf32>
        %swap3A_1028 = vector.shape_cast %mul3A_1023 : vector<16xf32> to vector<1x16xf32>
        tpu.vector_store %arg11[%swap3A_1024, %swap3A_1025], %swap3A_1028 {strides = array<i32>} : memref<80x128xf32, #tpu.memory_space<vmem>>, vector<1x16xf32>,
        %get3A_1029 = arith.index_cast %add3A_998 : i32 to index
        %get3A_1030 = arith.constant 48 : index
        %get3A_1031 = tpu.vector_load %arg11[%get3A_1029, %get3A_1030] {strides = array<i32>} : memref<80x128xf32, #tpu.memory_space<vmem>>, vector<1x16xf32>,
        %get3A_1032 = vector.shape_cast %get3A_1031 : vector<1x16xf32> to vector<16xf32>
        %mul3A_1033 = arith.mulf %get3A_1032, %broadcast_in_dim3A_994 : vector<16xf32>
        %swap3A_1034 = arith.index_cast %add3A_998 : i32 to index
        %swap3A_1035 = arith.constant 48 : index
        %swap3A_1036 = tpu.vector_load %arg11[%swap3A_1034, %swap3A_1035] {strides = array<i32>} : memref<80x128xf32, #tpu.memory_space<vmem>>, vector<1x16xf32>,
        %swap3A_1037 = vector.shape_cast %swap3A_1036 : vector<1x16xf32> to vector<16xf32>
        %swap3A_1038 = vector.shape_cast %mul3A_1033 : vector<16xf32> to vector<1x16xf32>
        tpu.vector_store %arg11[%swap3A_1034, %swap3A_1035], %swap3A_1038 {strides = array<i32>} : memref<80x128xf32, #tpu.memory_space<vmem>>, vector<1x16xf32>,
        %get3A_1039 = arith.index_cast %add3A_998 : i32 to index
        %get3A_1040 = arith.constant 64 : index
        %get3A_1041 = tpu.vector_load %arg11[%get3A_1039, %get3A_1040] {strides = array<i32>} : memref<80x128xf32, #tpu.memory_space<vmem>>, vector<1x16xf32>,
        %get3A_1042 = vector.shape_cast %get3A_1041 : vector<1x16xf32> to vector<16xf32>
        %mul3A_1043 = arith.mulf %get3A_1042, %broadcast_in_dim3A_994 : vector<16xf32>
        %swap3A_1044 = arith.index_cast %add3A_998 : i32 to index
        %swap3A_1045 = arith.constant 64 : index
        %swap3A_1046 = tpu.vector_load %arg11[%swap3A_1044, %swap3A_1045] {strides = array<i32>} : memref<80x128xf32, #tpu.memory_space<vmem>>, vector<1x16xf32>,
        %swap3A_1047 = vector.shape_cast %swap3A_1046 : vector<1x16xf32> to vector<16xf32>
        %swap3A_1048 = vector.shape_cast %mul3A_1043 : vector<16xf32> to vector<1x16xf32>
        tpu.vector_store %arg11[%swap3A_1044, %swap3A_1045], %swap3A_1048 {strides = array<i32>} : memref<80x128xf32, #tpu.memory_space<vmem>>, vector<1x16xf32>,
        %get3A_1049 = arith.index_cast %add3A_998 : i32 to index
        %get3A_1050 = arith.constant 80 : index
        %get3A_1051 = tpu.vector_load %arg11[%get3A_1049, %get3A_1050] {strides = array<i32>} : memref<80x128xf32, #tpu.memory_space<vmem>>, vector<1x16xf32>,
        %get3A_1052 = vector.shape_cast %get3A_1051 : vector<1x16xf32> to vector<16xf32>
        %mul3A_1053 = arith.mulf %get3A_1052, %broadcast_in_dim3A_994 : vector<16xf32>
        %swap3A_1054 = arith.index_cast %add3A_998 : i32 to index
        %swap3A_1055 = arith.constant 80 : index
        %swap3A_1056 = tpu.vector_load %arg11[%swap3A_1054, %swap3A_1055] {strides = array<i32>} : memref<80x128xf32, #tpu.memory_space<vmem>>, vector<1x16xf32>,
        %swap3A_1057 = vector.shape_cast %swap3A_1056 : vector<1x16xf32> to vector<16xf32>
        %swap3A_1058 = vector.shape_cast %mul3A_1053 : vector<16xf32> to vector<1x16xf32>
        tpu.vector_store %arg11[%swap3A_1054, %swap3A_1055], %swap3A_1058 {strides = array<i32>} : memref<80x128xf32, #tpu.memory_space<vmem>>, vector<1x16xf32>,
        %get3A_1059 = arith.index_cast %add3A_998 : i32 to index
        %get3A_1060 = arith.constant 96 : index
        %get3A_1061 = tpu.vector_load %arg11[%get3A_1059, %get3A_1060] {strides = array<i32>} : memref<80x128xf32, #tpu.memory_space<vmem>>, vector<1x16xf32>,
        %get3A_1062 = vector.shape_cast %get3A_1061 : vector<1x16xf32> to vector<16xf32>
        %mul3A_1063 = arith.mulf %get3A_1062, %broadcast_in_dim3A_994 : vector<16xf32>
        %swap3A_1064 = arith.index_cast %add3A_998 : i32 to index
        %swap3A_1065 = arith.constant 96 : index
        %swap3A_1066 = tpu.vector_load %arg11[%swap3A_1064, %swap3A_1065] {strides = array<i32>} : memref<80x128xf32, #tpu.memory_space<vmem>>, vector<1x16xf32>,
        %swap3A_1067 = vector.shape_cast %swap3A_1066 : vector<1x16xf32> to vector<16xf32>
        %swap3A_1068 = vector.shape_cast %mul3A_1063 : vector<16xf32> to vector<1x16xf32>
        tpu.vector_store %arg11[%swap3A_1064, %swap3A_1065], %swap3A_1068 {strides = array<i32>} : memref<80x128xf32, #tpu.memory_space<vmem>>, vector<1x16xf32>,
        %get3A_1069 = arith.index_cast %add3A_998 : i32 to index
        %get3A_1070 = arith.constant 112 : index
        %get3A_1071 = tpu.vector_load %arg11[%get3A_1069, %get3A_1070] {strides = array<i32>} : memref<80x128xf32, #tpu.memory_space<vmem>>, vector<1x16xf32>,
        %get3A_1072 = vector.shape_cast %get3A_1071 : vector<1x16xf32> to vector<16xf32>
        %mul3A_1073 = arith.mulf %get3A_1072, %broadcast_in_dim3A_994 : vector<16xf32>
        %swap3A_1074 = arith.index_cast %add3A_998 : i32 to index
        %swap3A_1075 = arith.constant 112 : index
        %swap3A_1076 = tpu.vector_load %arg11[%swap3A_1074, %swap3A_1075] {strides = array<i32>} : memref<80x128xf32, #tpu.memory_space<vmem>>, vector<1x16xf32>,
        %swap3A_1077 = vector.shape_cast %swap3A_1076 : vector<1x16xf32> to vector<16xf32>
        %swap3A_1078 = vector.shape_cast %mul3A_1073 : vector<16xf32> to vector<1x16xf32>
        tpu.vector_store %arg11[%swap3A_1074, %swap3A_1075], %swap3A_1078 {strides = array<i32>} : memref<80x128xf32, #tpu.memory_space<vmem>>, vector<1x16xf32>,
        %slice3A_1079 = vector.extract_strided_slice %get3A_38 {offsets = [12], sizes = [1], strides = [1]} : vector<16xf32> to vector<1xf32>
        %squeeze3A_1080 = vector.extract %slice3A_1079[0] : f32 from vector<1xf32>
        %broadcast_in_dim3A_1081 = vector.broadcast %squeeze3A_1080 : f32 to vector<16xf32>
        %mul3A_1082 = arith.constant 16 : i32
        %mul3A_1083 = arith.muli %scan3A_34, %mul3A_1082 : i32
        %add3A_1084 = arith.constant 12 : i32
        %add3A_1085 = arith.addi %mul3A_1083, %add3A_1084 : i32
        %get3A_1086 = arith.index_cast %add3A_1085 : i32 to index
        %get3A_1087 = arith.constant 0 : index
        %get3A_1088 = tpu.vector_load %arg11[%get3A_1086, %get3A_1087] {strides = array<i32>} : memref<80x128xf32, #tpu.memory_space<vmem>>, vector<1x16xf32>,
        %get3A_1089 = vector.shape_cast %get3A_1088 : vector<1x16xf32> to vector<16xf32>
        %mul3A_1090 = arith.mulf %get3A_1089, %broadcast_in_dim3A_1081 : vector<16xf32>
        %swap3A_1091 = arith.index_cast %add3A_1085 : i32 to index
        %swap3A_1092 = arith.constant 0 : index
        %swap3A_1093 = tpu.vector_load %arg11[%swap3A_1091, %swap3A_1092] {strides = array<i32>} : memref<80x128xf32, #tpu.memory_space<vmem>>, vector<1x16xf32>,
        %swap3A_1094 = vector.shape_cast %swap3A_1093 : vector<1x16xf32> to vector<16xf32>
        %swap3A_1095 = vector.shape_cast %mul3A_1090 : vector<16xf32> to vector<1x16xf32>
        tpu.vector_store %arg11[%swap3A_1091, %swap3A_1092], %swap3A_1095 {strides = array<i32>} : memref<80x128xf32, #tpu.memory_space<vmem>>, vector<1x16xf32>,
        %get3A_1096 = arith.index_cast %add3A_1085 : i32 to index
        %get3A_1097 = arith.constant 16 : index
        %get3A_1098 = tpu.vector_load %arg11[%get3A_1096, %get3A_1097] {strides = array<i32>} : memref<80x128xf32, #tpu.memory_space<vmem>>, vector<1x16xf32>,
        %get3A_1099 = vector.shape_cast %get3A_1098 : vector<1x16xf32> to vector<16xf32>
        %mul3A_1100 = arith.mulf %get3A_1099, %broadcast_in_dim3A_1081 : vector<16xf32>
        %swap3A_1101 = arith.index_cast %add3A_1085 : i32 to index
        %swap3A_1102 = arith.constant 16 : index
        %swap3A_1103 = tpu.vector_load %arg11[%swap3A_1101, %swap3A_1102] {strides = array<i32>} : memref<80x128xf32, #tpu.memory_space<vmem>>, vector<1x16xf32>,
        %swap3A_1104 = vector.shape_cast %swap3A_1103 : vector<1x16xf32> to vector<16xf32>
        %swap3A_1105 = vector.shape_cast %mul3A_1100 : vector<16xf32> to vector<1x16xf32>
        tpu.vector_store %arg11[%swap3A_1101, %swap3A_1102], %swap3A_1105 {strides = array<i32>} : memref<80x128xf32, #tpu.memory_space<vmem>>, vector<1x16xf32>,
        %get3A_1106 = arith.index_cast %add3A_1085 : i32 to index
        %get3A_1107 = arith.constant 32 : index
        %get3A_1108 = tpu.vector_load %arg11[%get3A_1106, %get3A_1107] {strides = array<i32>} : memref<80x128xf32, #tpu.memory_space<vmem>>, vector<1x16xf32>,
        %get3A_1109 = vector.shape_cast %get3A_1108 : vector<1x16xf32> to vector<16xf32>
        %mul3A_1110 = arith.mulf %get3A_1109, %broadcast_in_dim3A_1081 : vector<16xf32>
        %swap3A_1111 = arith.index_cast %add3A_1085 : i32 to index
        %swap3A_1112 = arith.constant 32 : index
        %swap3A_1113 = tpu.vector_load %arg11[%swap3A_1111, %swap3A_1112] {strides = array<i32>} : memref<80x128xf32, #tpu.memory_space<vmem>>, vector<1x16xf32>,
        %swap3A_1114 = vector.shape_cast %swap3A_1113 : vector<1x16xf32> to vector<16xf32>
        %swap3A_1115 = vector.shape_cast %mul3A_1110 : vector<16xf32> to vector<1x16xf32>
        tpu.vector_store %arg11[%swap3A_1111, %swap3A_1112], %swap3A_1115 {strides = array<i32>} : memref<80x128xf32, #tpu.memory_space<vmem>>, vector<1x16xf32>,
        %get3A_1116 = arith.index_cast %add3A_1085 : i32 to index
        %get3A_1117 = arith.constant 48 : index
        %get3A_1118 = tpu.vector_load %arg11[%get3A_1116, %get3A_1117] {strides = array<i32>} : memref<80x128xf32, #tpu.memory_space<vmem>>, vector<1x16xf32>,
        %get3A_1119 = vector.shape_cast %get3A_1118 : vector<1x16xf32> to vector<16xf32>
        %mul3A_1120 = arith.mulf %get3A_1119, %broadcast_in_dim3A_1081 : vector<16xf32>
        %swap3A_1121 = arith.index_cast %add3A_1085 : i32 to index
        %swap3A_1122 = arith.constant 48 : index
        %swap3A_1123 = tpu.vector_load %arg11[%swap3A_1121, %swap3A_1122] {strides = array<i32>} : memref<80x128xf32, #tpu.memory_space<vmem>>, vector<1x16xf32>,
        %swap3A_1124 = vector.shape_cast %swap3A_1123 : vector<1x16xf32> to vector<16xf32>
        %swap3A_1125 = vector.shape_cast %mul3A_1120 : vector<16xf32> to vector<1x16xf32>
        tpu.vector_store %arg11[%swap3A_1121, %swap3A_1122], %swap3A_1125 {strides = array<i32>} : memref<80x128xf32, #tpu.memory_space<vmem>>, vector<1x16xf32>,
        %get3A_1126 = arith.index_cast %add3A_1085 : i32 to index
        %get3A_1127 = arith.constant 64 : index
        %get3A_1128 = tpu.vector_load %arg11[%get3A_1126, %get3A_1127] {strides = array<i32>} : memref<80x128xf32, #tpu.memory_space<vmem>>, vector<1x16xf32>,
        %get3A_1129 = vector.shape_cast %get3A_1128 : vector<1x16xf32> to vector<16xf32>
        %mul3A_1130 = arith.mulf %get3A_1129, %broadcast_in_dim3A_1081 : vector<16xf32>
        %swap3A_1131 = arith.index_cast %add3A_1085 : i32 to index
        %swap3A_1132 = arith.constant 64 : index
        %swap3A_1133 = tpu.vector_load %arg11[%swap3A_1131, %swap3A_1132] {strides = array<i32>} : memref<80x128xf32, #tpu.memory_space<vmem>>, vector<1x16xf32>,
        %swap3A_1134 = vector.shape_cast %swap3A_1133 : vector<1x16xf32> to vector<16xf32>
        %swap3A_1135 = vector.shape_cast %mul3A_1130 : vector<16xf32> to vector<1x16xf32>
        tpu.vector_store %arg11[%swap3A_1131, %swap3A_1132], %swap3A_1135 {strides = array<i32>} : memref<80x128xf32, #tpu.memory_space<vmem>>, vector<1x16xf32>,
        %get3A_1136 = arith.index_cast %add3A_1085 : i32 to index
        %get3A_1137 = arith.constant 80 : index
        %get3A_1138 = tpu.vector_load %arg11[%get3A_1136, %get3A_1137] {strides = array<i32>} : memref<80x128xf32, #tpu.memory_space<vmem>>, vector<1x16xf32>,
        %get3A_1139 = vector.shape_cast %get3A_1138 : vector<1x16xf32> to vector<16xf32>
        %mul3A_1140 = arith.mulf %get3A_1139, %broadcast_in_dim3A_1081 : vector<16xf32>
        %swap3A_1141 = arith.index_cast %add3A_1085 : i32 to index
        %swap3A_1142 = arith.constant 80 : index
        %swap3A_1143 = tpu.vector_load %arg11[%swap3A_1141, %swap3A_1142] {strides = array<i32>} : memref<80x128xf32, #tpu.memory_space<vmem>>, vector<1x16xf32>,
        %swap3A_1144 = vector.shape_cast %swap3A_1143 : vector<1x16xf32> to vector<16xf32>
        %swap3A_1145 = vector.shape_cast %mul3A_1140 : vector<16xf32> to vector<1x16xf32>
        tpu.vector_store %arg11[%swap3A_1141, %swap3A_1142], %swap3A_1145 {strides = array<i32>} : memref<80x128xf32, #tpu.memory_space<vmem>>, vector<1x16xf32>,
        %get3A_1146 = arith.index_cast %add3A_1085 : i32 to index
        %get3A_1147 = arith.constant 96 : index
        %get3A_1148 = tpu.vector_load %arg11[%get3A_1146, %get3A_1147] {strides = array<i32>} : memref<80x128xf32, #tpu.memory_space<vmem>>, vector<1x16xf32>,
        %get3A_1149 = vector.shape_cast %get3A_1148 : vector<1x16xf32> to vector<16xf32>
        %mul3A_1150 = arith.mulf %get3A_1149, %broadcast_in_dim3A_1081 : vector<16xf32>
        %swap3A_1151 = arith.index_cast %add3A_1085 : i32 to index
        %swap3A_1152 = arith.constant 96 : index
        %swap3A_1153 = tpu.vector_load %arg11[%swap3A_1151, %swap3A_1152] {strides = array<i32>} : memref<80x128xf32, #tpu.memory_space<vmem>>, vector<1x16xf32>,
        %swap3A_1154 = vector.shape_cast %swap3A_1153 : vector<1x16xf32> to vector<16xf32>
        %swap3A_1155 = vector.shape_cast %mul3A_1150 : vector<16xf32> to vector<1x16xf32>
        tpu.vector_store %arg11[%swap3A_1151, %swap3A_1152], %swap3A_1155 {strides = array<i32>} : memref<80x128xf32, #tpu.memory_space<vmem>>, vector<1x16xf32>,
        %get3A_1156 = arith.index_cast %add3A_1085 : i32 to index
        %get3A_1157 = arith.constant 112 : index
        %get3A_1158 = tpu.vector_load %arg11[%get3A_1156, %get3A_1157] {strides = array<i32>} : memref<80x128xf32, #tpu.memory_space<vmem>>, vector<1x16xf32>,
        %get3A_1159 = vector.shape_cast %get3A_1158 : vector<1x16xf32> to vector<16xf32>
        %mul3A_1160 = arith.mulf %get3A_1159, %broadcast_in_dim3A_1081 : vector<16xf32>
        %swap3A_1161 = arith.index_cast %add3A_1085 : i32 to index
        %swap3A_1162 = arith.constant 112 : index
        %swap3A_1163 = tpu.vector_load %arg11[%swap3A_1161, %swap3A_1162] {strides = array<i32>} : memref<80x128xf32, #tpu.memory_space<vmem>>, vector<1x16xf32>,
        %swap3A_1164 = vector.shape_cast %swap3A_1163 : vector<1x16xf32> to vector<16xf32>
        %swap3A_1165 = vector.shape_cast %mul3A_1160 : vector<16xf32> to vector<1x16xf32>
        tpu.vector_store %arg11[%swap3A_1161, %swap3A_1162], %swap3A_1165 {strides = array<i32>} : memref<80x128xf32, #tpu.memory_space<vmem>>, vector<1x16xf32>,
        %slice3A_1166 = vector.extract_strided_slice %get3A_38 {offsets = [13], sizes = [1], strides = [1]} : vector<16xf32> to vector<1xf32>
        %squeeze3A_1167 = vector.extract %slice3A_1166[0] : f32 from vector<1xf32>
        %broadcast_in_dim3A_1168 = vector.broadcast %squeeze3A_1167 : f32 to vector<16xf32>
        %mul3A_1169 = arith.constant 16 : i32
        %mul3A_1170 = arith.muli %scan3A_34, %mul3A_1169 : i32
        %add3A_1171 = arith.constant 13 : i32
        %add3A_1172 = arith.addi %mul3A_1170, %add3A_1171 : i32
        %get3A_1173 = arith.index_cast %add3A_1172 : i32 to index
        %get3A_1174 = arith.constant 0 : index
        %get3A_1175 = tpu.vector_load %arg11[%get3A_1173, %get3A_1174] {strides = array<i32>} : memref<80x128xf32, #tpu.memory_space<vmem>>, vector<1x16xf32>,
        %get3A_1176 = vector.shape_cast %get3A_1175 : vector<1x16xf32> to vector<16xf32>
        %mul3A_1177 = arith.mulf %get3A_1176, %broadcast_in_dim3A_1168 : vector<16xf32>
        %swap3A_1178 = arith.index_cast %add3A_1172 : i32 to index
        %swap3A_1179 = arith.constant 0 : index
        %swap3A_1180 = tpu.vector_load %arg11[%swap3A_1178, %swap3A_1179] {strides = array<i32>} : memref<80x128xf32, #tpu.memory_space<vmem>>, vector<1x16xf32>,
        %swap3A_1181 = vector.shape_cast %swap3A_1180 : vector<1x16xf32> to vector<16xf32>
        %swap3A_1182 = vector.shape_cast %mul3A_1177 : vector<16xf32> to vector<1x16xf32>
        tpu.vector_store %arg11[%swap3A_1178, %swap3A_1179], %swap3A_1182 {strides = array<i32>} : memref<80x128xf32, #tpu.memory_space<vmem>>, vector<1x16xf32>,
        %get3A_1183 = arith.index_cast %add3A_1172 : i32 to index
        %get3A_1184 = arith.constant 16 : index
        %get3A_1185 = tpu.vector_load %arg11[%get3A_1183, %get3A_1184] {strides = array<i32>} : memref<80x128xf32, #tpu.memory_space<vmem>>, vector<1x16xf32>,
        %get3A_1186 = vector.shape_cast %get3A_1185 : vector<1x16xf32> to vector<16xf32>
        %mul3A_1187 = arith.mulf %get3A_1186, %broadcast_in_dim3A_1168 : vector<16xf32>
        %swap3A_1188 = arith.index_cast %add3A_1172 : i32 to index
        %swap3A_1189 = arith.constant 16 : index
        %swap3A_1190 = tpu.vector_load %arg11[%swap3A_1188, %swap3A_1189] {strides = array<i32>} : memref<80x128xf32, #tpu.memory_space<vmem>>, vector<1x16xf32>,
        %swap3A_1191 = vector.shape_cast %swap3A_1190 : vector<1x16xf32> to vector<16xf32>
        %swap3A_1192 = vector.shape_cast %mul3A_1187 : vector<16xf32> to vector<1x16xf32>
        tpu.vector_store %arg11[%swap3A_1188, %swap3A_1189], %swap3A_1192 {strides = array<i32>} : memref<80x128xf32, #tpu.memory_space<vmem>>, vector<1x16xf32>,
        %get3A_1193 = arith.index_cast %add3A_1172 : i32 to index
        %get3A_1194 = arith.constant 32 : index
        %get3A_1195 = tpu.vector_load %arg11[%get3A_1193, %get3A_1194] {strides = array<i32>} : memref<80x128xf32, #tpu.memory_space<vmem>>, vector<1x16xf32>,
        %get3A_1196 = vector.shape_cast %get3A_1195 : vector<1x16xf32> to vector<16xf32>
        %mul3A_1197 = arith.mulf %get3A_1196, %broadcast_in_dim3A_1168 : vector<16xf32>
        %swap3A_1198 = arith.index_cast %add3A_1172 : i32 to index
        %swap3A_1199 = arith.constant 32 : index
        %swap3A_1200 = tpu.vector_load %arg11[%swap3A_1198, %swap3A_1199] {strides = array<i32>} : memref<80x128xf32, #tpu.memory_space<vmem>>, vector<1x16xf32>,
        %swap3A_1201 = vector.shape_cast %swap3A_1200 : vector<1x16xf32> to vector<16xf32>
        %swap3A_1202 = vector.shape_cast %mul3A_1197 : vector<16xf32> to vector<1x16xf32>
        tpu.vector_store %arg11[%swap3A_1198, %swap3A_1199], %swap3A_1202 {strides = array<i32>} : memref<80x128xf32, #tpu.memory_space<vmem>>, vector<1x16xf32>,
        %get3A_1203 = arith.index_cast %add3A_1172 : i32 to index
        %get3A_1204 = arith.constant 48 : index
        %get3A_1205 = tpu.vector_load %arg11[%get3A_1203, %get3A_1204] {strides = array<i32>} : memref<80x128xf32, #tpu.memory_space<vmem>>, vector<1x16xf32>,
        %get3A_1206 = vector.shape_cast %get3A_1205 : vector<1x16xf32> to vector<16xf32>
        %mul3A_1207 = arith.mulf %get3A_1206, %broadcast_in_dim3A_1168 : vector<16xf32>
        %swap3A_1208 = arith.index_cast %add3A_1172 : i32 to index
        %swap3A_1209 = arith.constant 48 : index
        %swap3A_1210 = tpu.vector_load %arg11[%swap3A_1208, %swap3A_1209] {strides = array<i32>} : memref<80x128xf32, #tpu.memory_space<vmem>>, vector<1x16xf32>,
        %swap3A_1211 = vector.shape_cast %swap3A_1210 : vector<1x16xf32> to vector<16xf32>
        %swap3A_1212 = vector.shape_cast %mul3A_1207 : vector<16xf32> to vector<1x16xf32>
        tpu.vector_store %arg11[%swap3A_1208, %swap3A_1209], %swap3A_1212 {strides = array<i32>} : memref<80x128xf32, #tpu.memory_space<vmem>>, vector<1x16xf32>,
        %get3A_1213 = arith.index_cast %add3A_1172 : i32 to index
        %get3A_1214 = arith.constant 64 : index
        %get3A_1215 = tpu.vector_load %arg11[%get3A_1213, %get3A_1214] {strides = array<i32>} : memref<80x128xf32, #tpu.memory_space<vmem>>, vector<1x16xf32>,
        %get3A_1216 = vector.shape_cast %get3A_1215 : vector<1x16xf32> to vector<16xf32>
        %mul3A_1217 = arith.mulf %get3A_1216, %broadcast_in_dim3A_1168 : vector<16xf32>
        %swap3A_1218 = arith.index_cast %add3A_1172 : i32 to index
        %swap3A_1219 = arith.constant 64 : index
        %swap3A_1220 = tpu.vector_load %arg11[%swap3A_1218, %swap3A_1219] {strides = array<i32>} : memref<80x128xf32, #tpu.memory_space<vmem>>, vector<1x16xf32>,
        %swap3A_1221 = vector.shape_cast %swap3A_1220 : vector<1x16xf32> to vector<16xf32>
        %swap3A_1222 = vector.shape_cast %mul3A_1217 : vector<16xf32> to vector<1x16xf32>
        tpu.vector_store %arg11[%swap3A_1218, %swap3A_1219], %swap3A_1222 {strides = array<i32>} : memref<80x128xf32, #tpu.memory_space<vmem>>, vector<1x16xf32>,
        %get3A_1223 = arith.index_cast %add3A_1172 : i32 to index
        %get3A_1224 = arith.constant 80 : index
        %get3A_1225 = tpu.vector_load %arg11[%get3A_1223, %get3A_1224] {strides = array<i32>} : memref<80x128xf32, #tpu.memory_space<vmem>>, vector<1x16xf32>,
        %get3A_1226 = vector.shape_cast %get3A_1225 : vector<1x16xf32> to vector<16xf32>
        %mul3A_1227 = arith.mulf %get3A_1226, %broadcast_in_dim3A_1168 : vector<16xf32>
        %swap3A_1228 = arith.index_cast %add3A_1172 : i32 to index
        %swap3A_1229 = arith.constant 80 : index
        %swap3A_1230 = tpu.vector_load %arg11[%swap3A_1228, %swap3A_1229] {strides = array<i32>} : memref<80x128xf32, #tpu.memory_space<vmem>>, vector<1x16xf32>,
        %swap3A_1231 = vector.shape_cast %swap3A_1230 : vector<1x16xf32> to vector<16xf32>
        %swap3A_1232 = vector.shape_cast %mul3A_1227 : vector<16xf32> to vector<1x16xf32>
        tpu.vector_store %arg11[%swap3A_1228, %swap3A_1229], %swap3A_1232 {strides = array<i32>} : memref<80x128xf32, #tpu.memory_space<vmem>>, vector<1x16xf32>,
        %get3A_1233 = arith.index_cast %add3A_1172 : i32 to index
        %get3A_1234 = arith.constant 96 : index
        %get3A_1235 = tpu.vector_load %arg11[%get3A_1233, %get3A_1234] {strides = array<i32>} : memref<80x128xf32, #tpu.memory_space<vmem>>, vector<1x16xf32>,
        %get3A_1236 = vector.shape_cast %get3A_1235 : vector<1x16xf32> to vector<16xf32>
        %mul3A_1237 = arith.mulf %get3A_1236, %broadcast_in_dim3A_1168 : vector<16xf32>
        %swap3A_1238 = arith.index_cast %add3A_1172 : i32 to index
        %swap3A_1239 = arith.constant 96 : index
        %swap3A_1240 = tpu.vector_load %arg11[%swap3A_1238, %swap3A_1239] {strides = array<i32>} : memref<80x128xf32, #tpu.memory_space<vmem>>, vector<1x16xf32>,
        %swap3A_1241 = vector.shape_cast %swap3A_1240 : vector<1x16xf32> to vector<16xf32>
        %swap3A_1242 = vector.shape_cast %mul3A_1237 : vector<16xf32> to vector<1x16xf32>
        tpu.vector_store %arg11[%swap3A_1238, %swap3A_1239], %swap3A_1242 {strides = array<i32>} : memref<80x128xf32, #tpu.memory_space<vmem>>, vector<1x16xf32>,
        %get3A_1243 = arith.index_cast %add3A_1172 : i32 to index
        %get3A_1244 = arith.constant 112 : index
        %get3A_1245 = tpu.vector_load %arg11[%get3A_1243, %get3A_1244] {strides = array<i32>} : memref<80x128xf32, #tpu.memory_space<vmem>>, vector<1x16xf32>,
        %get3A_1246 = vector.shape_cast %get3A_1245 : vector<1x16xf32> to vector<16xf32>
        %mul3A_1247 = arith.mulf %get3A_1246, %broadcast_in_dim3A_1168 : vector<16xf32>
        %swap3A_1248 = arith.index_cast %add3A_1172 : i32 to index
        %swap3A_1249 = arith.constant 112 : index
        %swap3A_1250 = tpu.vector_load %arg11[%swap3A_1248, %swap3A_1249] {strides = array<i32>} : memref<80x128xf32, #tpu.memory_space<vmem>>, vector<1x16xf32>,
        %swap3A_1251 = vector.shape_cast %swap3A_1250 : vector<1x16xf32> to vector<16xf32>
        %swap3A_1252 = vector.shape_cast %mul3A_1247 : vector<16xf32> to vector<1x16xf32>
        tpu.vector_store %arg11[%swap3A_1248, %swap3A_1249], %swap3A_1252 {strides = array<i32>} : memref<80x128xf32, #tpu.memory_space<vmem>>, vector<1x16xf32>,
        %slice3A_1253 = vector.extract_strided_slice %get3A_38 {offsets = [14], sizes = [1], strides = [1]} : vector<16xf32> to vector<1xf32>
        %squeeze3A_1254 = vector.extract %slice3A_1253[0] : f32 from vector<1xf32>
        %broadcast_in_dim3A_1255 = vector.broadcast %squeeze3A_1254 : f32 to vector<16xf32>
        %mul3A_1256 = arith.constant 16 : i32
        %mul3A_1257 = arith.muli %scan3A_34, %mul3A_1256 : i32
        %add3A_1258 = arith.constant 14 : i32
        %add3A_1259 = arith.addi %mul3A_1257, %add3A_1258 : i32
        %get3A_1260 = arith.index_cast %add3A_1259 : i32 to index
        %get3A_1261 = arith.constant 0 : index
        %get3A_1262 = tpu.vector_load %arg11[%get3A_1260, %get3A_1261] {strides = array<i32>} : memref<80x128xf32, #tpu.memory_space<vmem>>, vector<1x16xf32>,
        %get3A_1263 = vector.shape_cast %get3A_1262 : vector<1x16xf32> to vector<16xf32>
        %mul3A_1264 = arith.mulf %get3A_1263, %broadcast_in_dim3A_1255 : vector<16xf32>
        %swap3A_1265 = arith.index_cast %add3A_1259 : i32 to index
        %swap3A_1266 = arith.constant 0 : index
        %swap3A_1267 = tpu.vector_load %arg11[%swap3A_1265, %swap3A_1266] {strides = array<i32>} : memref<80x128xf32, #tpu.memory_space<vmem>>, vector<1x16xf32>,
        %swap3A_1268 = vector.shape_cast %swap3A_1267 : vector<1x16xf32> to vector<16xf32>
        %swap3A_1269 = vector.shape_cast %mul3A_1264 : vector<16xf32> to vector<1x16xf32>
        tpu.vector_store %arg11[%swap3A_1265, %swap3A_1266], %swap3A_1269 {strides = array<i32>} : memref<80x128xf32, #tpu.memory_space<vmem>>, vector<1x16xf32>,
        %get3A_1270 = arith.index_cast %add3A_1259 : i32 to index
        %get3A_1271 = arith.constant 16 : index
        %get3A_1272 = tpu.vector_load %arg11[%get3A_1270, %get3A_1271] {strides = array<i32>} : memref<80x128xf32, #tpu.memory_space<vmem>>, vector<1x16xf32>,
        %get3A_1273 = vector.shape_cast %get3A_1272 : vector<1x16xf32> to vector<16xf32>
        %mul3A_1274 = arith.mulf %get3A_1273, %broadcast_in_dim3A_1255 : vector<16xf32>
        %swap3A_1275 = arith.index_cast %add3A_1259 : i32 to index
        %swap3A_1276 = arith.constant 16 : index
        %swap3A_1277 = tpu.vector_load %arg11[%swap3A_1275, %swap3A_1276] {strides = array<i32>} : memref<80x128xf32, #tpu.memory_space<vmem>>, vector<1x16xf32>,
        %swap3A_1278 = vector.shape_cast %swap3A_1277 : vector<1x16xf32> to vector<16xf32>
        %swap3A_1279 = vector.shape_cast %mul3A_1274 : vector<16xf32> to vector<1x16xf32>
        tpu.vector_store %arg11[%swap3A_1275, %swap3A_1276], %swap3A_1279 {strides = array<i32>} : memref<80x128xf32, #tpu.memory_space<vmem>>, vector<1x16xf32>,
        %get3A_1280 = arith.index_cast %add3A_1259 : i32 to index
        %get3A_1281 = arith.constant 32 : index
        %get3A_1282 = tpu.vector_load %arg11[%get3A_1280, %get3A_1281] {strides = array<i32>} : memref<80x128xf32, #tpu.memory_space<vmem>>, vector<1x16xf32>,
        %get3A_1283 = vector.shape_cast %get3A_1282 : vector<1x16xf32> to vector<16xf32>
        %mul3A_1284 = arith.mulf %get3A_1283, %broadcast_in_dim3A_1255 : vector<16xf32>
        %swap3A_1285 = arith.index_cast %add3A_1259 : i32 to index
        %swap3A_1286 = arith.constant 32 : index
        %swap3A_1287 = tpu.vector_load %arg11[%swap3A_1285, %swap3A_1286] {strides = array<i32>} : memref<80x128xf32, #tpu.memory_space<vmem>>, vector<1x16xf32>,
        %swap3A_1288 = vector.shape_cast %swap3A_1287 : vector<1x16xf32> to vector<16xf32>
        %swap3A_1289 = vector.shape_cast %mul3A_1284 : vector<16xf32> to vector<1x16xf32>
        tpu.vector_store %arg11[%swap3A_1285, %swap3A_1286], %swap3A_1289 {strides = array<i32>} : memref<80x128xf32, #tpu.memory_space<vmem>>, vector<1x16xf32>,
        %get3A_1290 = arith.index_cast %add3A_1259 : i32 to index
        %get3A_1291 = arith.constant 48 : index
        %get3A_1292 = tpu.vector_load %arg11[%get3A_1290, %get3A_1291] {strides = array<i32>} : memref<80x128xf32, #tpu.memory_space<vmem>>, vector<1x16xf32>,
        %get3A_1293 = vector.shape_cast %get3A_1292 : vector<1x16xf32> to vector<16xf32>
        %mul3A_1294 = arith.mulf %get3A_1293, %broadcast_in_dim3A_1255 : vector<16xf32>
        %swap3A_1295 = arith.index_cast %add3A_1259 : i32 to index
        %swap3A_1296 = arith.constant 48 : index
        %swap3A_1297 = tpu.vector_load %arg11[%swap3A_1295, %swap3A_1296] {strides = array<i32>} : memref<80x128xf32, #tpu.memory_space<vmem>>, vector<1x16xf32>,
        %swap3A_1298 = vector.shape_cast %swap3A_1297 : vector<1x16xf32> to vector<16xf32>
        %swap3A_1299 = vector.shape_cast %mul3A_1294 : vector<16xf32> to vector<1x16xf32>
        tpu.vector_store %arg11[%swap3A_1295, %swap3A_1296], %swap3A_1299 {strides = array<i32>} : memref<80x128xf32, #tpu.memory_space<vmem>>, vector<1x16xf32>,
        %get3A_1300 = arith.index_cast %add3A_1259 : i32 to index
        %get3A_1301 = arith.constant 64 : index
        %get3A_1302 = tpu.vector_load %arg11[%get3A_1300, %get3A_1301] {strides = array<i32>} : memref<80x128xf32, #tpu.memory_space<vmem>>, vector<1x16xf32>,
        %get3A_1303 = vector.shape_cast %get3A_1302 : vector<1x16xf32> to vector<16xf32>
        %mul3A_1304 = arith.mulf %get3A_1303, %broadcast_in_dim3A_1255 : vector<16xf32>
        %swap3A_1305 = arith.index_cast %add3A_1259 : i32 to index
        %swap3A_1306 = arith.constant 64 : index
        %swap3A_1307 = tpu.vector_load %arg11[%swap3A_1305, %swap3A_1306] {strides = array<i32>} : memref<80x128xf32, #tpu.memory_space<vmem>>, vector<1x16xf32>,
        %swap3A_1308 = vector.shape_cast %swap3A_1307 : vector<1x16xf32> to vector<16xf32>
        %swap3A_1309 = vector.shape_cast %mul3A_1304 : vector<16xf32> to vector<1x16xf32>
        tpu.vector_store %arg11[%swap3A_1305, %swap3A_1306], %swap3A_1309 {strides = array<i32>} : memref<80x128xf32, #tpu.memory_space<vmem>>, vector<1x16xf32>,
        %get3A_1310 = arith.index_cast %add3A_1259 : i32 to index
        %get3A_1311 = arith.constant 80 : index
        %get3A_1312 = tpu.vector_load %arg11[%get3A_1310, %get3A_1311] {strides = array<i32>} : memref<80x128xf32, #tpu.memory_space<vmem>>, vector<1x16xf32>,
        %get3A_1313 = vector.shape_cast %get3A_1312 : vector<1x16xf32> to vector<16xf32>
        %mul3A_1314 = arith.mulf %get3A_1313, %broadcast_in_dim3A_1255 : vector<16xf32>
        %swap3A_1315 = arith.index_cast %add3A_1259 : i32 to index
        %swap3A_1316 = arith.constant 80 : index
        %swap3A_1317 = tpu.vector_load %arg11[%swap3A_1315, %swap3A_1316] {strides = array<i32>} : memref<80x128xf32, #tpu.memory_space<vmem>>, vector<1x16xf32>,
        %swap3A_1318 = vector.shape_cast %swap3A_1317 : vector<1x16xf32> to vector<16xf32>
        %swap3A_1319 = vector.shape_cast %mul3A_1314 : vector<16xf32> to vector<1x16xf32>
        tpu.vector_store %arg11[%swap3A_1315, %swap3A_1316], %swap3A_1319 {strides = array<i32>} : memref<80x128xf32, #tpu.memory_space<vmem>>, vector<1x16xf32>,
        %get3A_1320 = arith.index_cast %add3A_1259 : i32 to index
        %get3A_1321 = arith.constant 96 : index
        %get3A_1322 = tpu.vector_load %arg11[%get3A_1320, %get3A_1321] {strides = array<i32>} : memref<80x128xf32, #tpu.memory_space<vmem>>, vector<1x16xf32>,
        %get3A_1323 = vector.shape_cast %get3A_1322 : vector<1x16xf32> to vector<16xf32>
        %mul3A_1324 = arith.mulf %get3A_1323, %broadcast_in_dim3A_1255 : vector<16xf32>
        %swap3A_1325 = arith.index_cast %add3A_1259 : i32 to index
        %swap3A_1326 = arith.constant 96 : index
        %swap3A_1327 = tpu.vector_load %arg11[%swap3A_1325, %swap3A_1326] {strides = array<i32>} : memref<80x128xf32, #tpu.memory_space<vmem>>, vector<1x16xf32>,
        %swap3A_1328 = vector.shape_cast %swap3A_1327 : vector<1x16xf32> to vector<16xf32>
        %swap3A_1329 = vector.shape_cast %mul3A_1324 : vector<16xf32> to vector<1x16xf32>
        tpu.vector_store %arg11[%swap3A_1325, %swap3A_1326], %swap3A_1329 {strides = array<i32>} : memref<80x128xf32, #tpu.memory_space<vmem>>, vector<1x16xf32>,
        %get3A_1330 = arith.index_cast %add3A_1259 : i32 to index
        %get3A_1331 = arith.constant 112 : index
        %get3A_1332 = tpu.vector_load %arg11[%get3A_1330, %get3A_1331] {strides = array<i32>} : memref<80x128xf32, #tpu.memory_space<vmem>>, vector<1x16xf32>,
        %get3A_1333 = vector.shape_cast %get3A_1332 : vector<1x16xf32> to vector<16xf32>
        %mul3A_1334 = arith.mulf %get3A_1333, %broadcast_in_dim3A_1255 : vector<16xf32>
        %swap3A_1335 = arith.index_cast %add3A_1259 : i32 to index
        %swap3A_1336 = arith.constant 112 : index
        %swap3A_1337 = tpu.vector_load %arg11[%swap3A_1335, %swap3A_1336] {strides = array<i32>} : memref<80x128xf32, #tpu.memory_space<vmem>>, vector<1x16xf32>,
        %swap3A_1338 = vector.shape_cast %swap3A_1337 : vector<1x16xf32> to vector<16xf32>
        %swap3A_1339 = vector.shape_cast %mul3A_1334 : vector<16xf32> to vector<1x16xf32>
        tpu.vector_store %arg11[%swap3A_1335, %swap3A_1336], %swap3A_1339 {strides = array<i32>} : memref<80x128xf32, #tpu.memory_space<vmem>>, vector<1x16xf32>,
        %slice3A_1340 = vector.extract_strided_slice %get3A_38 {offsets = [15], sizes = [1], strides = [1]} : vector<16xf32> to vector<1xf32>
        %squeeze3A_1341 = vector.extract %slice3A_1340[0] : f32 from vector<1xf32>
        %broadcast_in_dim3A_1342 = vector.broadcast %squeeze3A_1341 : f32 to vector<16xf32>
        %mul3A_1343 = arith.constant 16 : i32
        %mul3A_1344 = arith.muli %scan3A_34, %mul3A_1343 : i32
        %add3A_1345 = arith.constant 15 : i32
        %add3A_1346 = arith.addi %mul3A_1344, %add3A_1345 : i32
        %get3A_1347 = arith.index_cast %add3A_1346 : i32 to index
        %get3A_1348 = arith.constant 0 : index
        %get3A_1349 = tpu.vector_load %arg11[%get3A_1347, %get3A_1348] {strides = array<i32>} : memref<80x128xf32, #tpu.memory_space<vmem>>, vector<1x16xf32>,
        %get3A_1350 = vector.shape_cast %get3A_1349 : vector<1x16xf32> to vector<16xf32>
        %mul3A_1351 = arith.mulf %get3A_1350, %broadcast_in_dim3A_1342 : vector<16xf32>
        %swap3A_1352 = arith.index_cast %add3A_1346 : i32 to index
        %swap3A_1353 = arith.constant 0 : index
        %swap3A_1354 = tpu.vector_load %arg11[%swap3A_1352, %swap3A_1353] {strides = array<i32>} : memref<80x128xf32, #tpu.memory_space<vmem>>, vector<1x16xf32>,
        %swap3A_1355 = vector.shape_cast %swap3A_1354 : vector<1x16xf32> to vector<16xf32>
        %swap3A_1356 = vector.shape_cast %mul3A_1351 : vector<16xf32> to vector<1x16xf32>
        tpu.vector_store %arg11[%swap3A_1352, %swap3A_1353], %swap3A_1356 {strides = array<i32>} : memref<80x128xf32, #tpu.memory_space<vmem>>, vector<1x16xf32>,
        %get3A_1357 = arith.index_cast %add3A_1346 : i32 to index
        %get3A_1358 = arith.constant 16 : index
        %get3A_1359 = tpu.vector_load %arg11[%get3A_1357, %get3A_1358] {strides = array<i32>} : memref<80x128xf32, #tpu.memory_space<vmem>>, vector<1x16xf32>,
        %get3A_1360 = vector.shape_cast %get3A_1359 : vector<1x16xf32> to vector<16xf32>
        %mul3A_1361 = arith.mulf %get3A_1360, %broadcast_in_dim3A_1342 : vector<16xf32>
        %swap3A_1362 = arith.index_cast %add3A_1346 : i32 to index
        %swap3A_1363 = arith.constant 16 : index
        %swap3A_1364 = tpu.vector_load %arg11[%swap3A_1362, %swap3A_1363] {strides = array<i32>} : memref<80x128xf32, #tpu.memory_space<vmem>>, vector<1x16xf32>,
        %swap3A_1365 = vector.shape_cast %swap3A_1364 : vector<1x16xf32> to vector<16xf32>
        %swap3A_1366 = vector.shape_cast %mul3A_1361 : vector<16xf32> to vector<1x16xf32>
        tpu.vector_store %arg11[%swap3A_1362, %swap3A_1363], %swap3A_1366 {strides = array<i32>} : memref<80x128xf32, #tpu.memory_space<vmem>>, vector<1x16xf32>,
        %get3A_1367 = arith.index_cast %add3A_1346 : i32 to index
        %get3A_1368 = arith.constant 32 : index
        %get3A_1369 = tpu.vector_load %arg11[%get3A_1367, %get3A_1368] {strides = array<i32>} : memref<80x128xf32, #tpu.memory_space<vmem>>, vector<1x16xf32>,
        %get3A_1370 = vector.shape_cast %get3A_1369 : vector<1x16xf32> to vector<16xf32>
        %mul3A_1371 = arith.mulf %get3A_1370, %broadcast_in_dim3A_1342 : vector<16xf32>
        %swap3A_1372 = arith.index_cast %add3A_1346 : i32 to index
        %swap3A_1373 = arith.constant 32 : index
        %swap3A_1374 = tpu.vector_load %arg11[%swap3A_1372, %swap3A_1373] {strides = array<i32>} : memref<80x128xf32, #tpu.memory_space<vmem>>, vector<1x16xf32>,
        %swap3A_1375 = vector.shape_cast %swap3A_1374 : vector<1x16xf32> to vector<16xf32>
        %swap3A_1376 = vector.shape_cast %mul3A_1371 : vector<16xf32> to vector<1x16xf32>
        tpu.vector_store %arg11[%swap3A_1372, %swap3A_1373], %swap3A_1376 {strides = array<i32>} : memref<80x128xf32, #tpu.memory_space<vmem>>, vector<1x16xf32>,
        %get3A_1377 = arith.index_cast %add3A_1346 : i32 to index
        %get3A_1378 = arith.constant 48 : index
        %get3A_1379 = tpu.vector_load %arg11[%get3A_1377, %get3A_1378] {strides = array<i32>} : memref<80x128xf32, #tpu.memory_space<vmem>>, vector<1x16xf32>,
        %get3A_1380 = vector.shape_cast %get3A_1379 : vector<1x16xf32> to vector<16xf32>
        %mul3A_1381 = arith.mulf %get3A_1380, %broadcast_in_dim3A_1342 : vector<16xf32>
        %swap3A_1382 = arith.index_cast %add3A_1346 : i32 to index
        %swap3A_1383 = arith.constant 48 : index
        %swap3A_1384 = tpu.vector_load %arg11[%swap3A_1382, %swap3A_1383] {strides = array<i32>} : memref<80x128xf32, #tpu.memory_space<vmem>>, vector<1x16xf32>,
        %swap3A_1385 = vector.shape_cast %swap3A_1384 : vector<1x16xf32> to vector<16xf32>
        %swap3A_1386 = vector.shape_cast %mul3A_1381 : vector<16xf32> to vector<1x16xf32>
        tpu.vector_store %arg11[%swap3A_1382, %swap3A_1383], %swap3A_1386 {strides = array<i32>} : memref<80x128xf32, #tpu.memory_space<vmem>>, vector<1x16xf32>,
        %get3A_1387 = arith.index_cast %add3A_1346 : i32 to index
        %get3A_1388 = arith.constant 64 : index
        %get3A_1389 = tpu.vector_load %arg11[%get3A_1387, %get3A_1388] {strides = array<i32>} : memref<80x128xf32, #tpu.memory_space<vmem>>, vector<1x16xf32>,
        %get3A_1390 = vector.shape_cast %get3A_1389 : vector<1x16xf32> to vector<16xf32>
        %mul3A_1391 = arith.mulf %get3A_1390, %broadcast_in_dim3A_1342 : vector<16xf32>
        %swap3A_1392 = arith.index_cast %add3A_1346 : i32 to index
        %swap3A_1393 = arith.constant 64 : index
        %swap3A_1394 = tpu.vector_load %arg11[%swap3A_1392, %swap3A_1393] {strides = array<i32>} : memref<80x128xf32, #tpu.memory_space<vmem>>, vector<1x16xf32>,
        %swap3A_1395 = vector.shape_cast %swap3A_1394 : vector<1x16xf32> to vector<16xf32>
        %swap3A_1396 = vector.shape_cast %mul3A_1391 : vector<16xf32> to vector<1x16xf32>
        tpu.vector_store %arg11[%swap3A_1392, %swap3A_1393], %swap3A_1396 {strides = array<i32>} : memref<80x128xf32, #tpu.memory_space<vmem>>, vector<1x16xf32>,
        %get3A_1397 = arith.index_cast %add3A_1346 : i32 to index
        %get3A_1398 = arith.constant 80 : index
        %get3A_1399 = tpu.vector_load %arg11[%get3A_1397, %get3A_1398] {strides = array<i32>} : memref<80x128xf32, #tpu.memory_space<vmem>>, vector<1x16xf32>,
        %get3A_1400 = vector.shape_cast %get3A_1399 : vector<1x16xf32> to vector<16xf32>
        %mul3A_1401 = arith.mulf %get3A_1400, %broadcast_in_dim3A_1342 : vector<16xf32>
        %swap3A_1402 = arith.index_cast %add3A_1346 : i32 to index
        %swap3A_1403 = arith.constant 80 : index
        %swap3A_1404 = tpu.vector_load %arg11[%swap3A_1402, %swap3A_1403] {strides = array<i32>} : memref<80x128xf32, #tpu.memory_space<vmem>>, vector<1x16xf32>,
        %swap3A_1405 = vector.shape_cast %swap3A_1404 : vector<1x16xf32> to vector<16xf32>
        %swap3A_1406 = vector.shape_cast %mul3A_1401 : vector<16xf32> to vector<1x16xf32>
        tpu.vector_store %arg11[%swap3A_1402, %swap3A_1403], %swap3A_1406 {strides = array<i32>} : memref<80x128xf32, #tpu.memory_space<vmem>>, vector<1x16xf32>,
        %get3A_1407 = arith.index_cast %add3A_1346 : i32 to index
        %get3A_1408 = arith.constant 96 : index
        %get3A_1409 = tpu.vector_load %arg11[%get3A_1407, %get3A_1408] {strides = array<i32>} : memref<80x128xf32, #tpu.memory_space<vmem>>, vector<1x16xf32>,
        %get3A_1410 = vector.shape_cast %get3A_1409 : vector<1x16xf32> to vector<16xf32>
        %mul3A_1411 = arith.mulf %get3A_1410, %broadcast_in_dim3A_1342 : vector<16xf32>
        %swap3A_1412 = arith.index_cast %add3A_1346 : i32 to index
        %swap3A_1413 = arith.constant 96 : index
        %swap3A_1414 = tpu.vector_load %arg11[%swap3A_1412, %swap3A_1413] {strides = array<i32>} : memref<80x128xf32, #tpu.memory_space<vmem>>, vector<1x16xf32>,
        %swap3A_1415 = vector.shape_cast %swap3A_1414 : vector<1x16xf32> to vector<16xf32>
        %swap3A_1416 = vector.shape_cast %mul3A_1411 : vector<16xf32> to vector<1x16xf32>
        tpu.vector_store %arg11[%swap3A_1412, %swap3A_1413], %swap3A_1416 {strides = array<i32>} : memref<80x128xf32, #tpu.memory_space<vmem>>, vector<1x16xf32>,
        %get3A_1417 = arith.index_cast %add3A_1346 : i32 to index
        %get3A_1418 = arith.constant 112 : index
        %get3A_1419 = tpu.vector_load %arg11[%get3A_1417, %get3A_1418] {strides = array<i32>} : memref<80x128xf32, #tpu.memory_space<vmem>>, vector<1x16xf32>,
        %get3A_1420 = vector.shape_cast %get3A_1419 : vector<1x16xf32> to vector<16xf32>
        %mul3A_1421 = arith.mulf %get3A_1420, %broadcast_in_dim3A_1342 : vector<16xf32>
        %swap3A_1422 = arith.index_cast %add3A_1346 : i32 to index
        %swap3A_1423 = arith.constant 112 : index
        %swap3A_1424 = tpu.vector_load %arg11[%swap3A_1422, %swap3A_1423] {strides = array<i32>} : memref<80x128xf32, #tpu.memory_space<vmem>>, vector<1x16xf32>,
        %swap3A_1425 = vector.shape_cast %swap3A_1424 : vector<1x16xf32> to vector<16xf32>
        %swap3A_1426 = vector.shape_cast %mul3A_1421 : vector<16xf32> to vector<1x16xf32>
        tpu.vector_store %arg11[%swap3A_1422, %swap3A_1423], %swap3A_1426 {strides = array<i32>} : memref<80x128xf32, #tpu.memory_space<vmem>>, vector<1x16xf32>,
      }
      %scan3A_33 = arith.constant 5 : i32
      "tpu.region"() ({
        %run_scoped3A = tpu.sem_alloc : memref<!tpu.dma_semaphore, #tpu.memory_space<semaphore_mem>>
        %dma_start3A_34 = arith.constant 0 : i32
        %dma_start3A_35 = arith.constant 0 : i32
        %dma_start3A_36 = tpu.memref_slice %arg12[%dma_start3A_34, %dma_start3A_35] : memref<10240x128xf32, #tpu.memory_space<vmem_shared>> -> memref<10240x128xf32, #tpu.memory_space<vmem_shared>>
        tpu.enqueue_indirect_dma source(%arg11 : memref<80x128xf32, #tpu.memory_space<vmem>>) target(%dma_start3A_36 : memref<10240x128xf32, #tpu.memory_space<vmem_shared>>) offsets(%arg9 : memref<80xi32, #tpu.memory_space<vmem>>) semaphore(%run_scoped3A : memref<!tpu.dma_semaphore, #tpu.memory_space<semaphore_mem>>) {add = true}
        %dma_wait3A_37 = arith.constant 0 : i32
        %dma_wait3A_38 = arith.constant 0 : i32
        %dma_wait3A_39 = tpu.memref_slice %arg12[%dma_wait3A_37, %dma_wait3A_38] : memref<10240x128xf32, #tpu.memory_space<vmem_shared>> -> memref<10240x128xf32, #tpu.memory_space<vmem_shared>>
        tpu.wait_indirect_dma semaphore(%run_scoped3A : memref<!tpu.dma_semaphore, #tpu.memory_space<semaphore_mem>>) src(%arg11 : memref<80x128xf32, #tpu.memory_space<vmem>>) dst(%dma_wait3A_39 : memref<10240x128xf32, #tpu.memory_space<vmem_shared>>)
        tpu.yield
      }) : () -> ()
    }
    %scan3A_11 = arith.constant 125 : i32
    %barrier3A_12 = arith.constant 0 : index
    tpu.barrier barrier_id(%barrier3A_12)
    %mul3A_13 = arith.constant 640 : i32
    %mul3A_14 = arith.muli %arg1, %mul3A_13 : i32
    %mul3A_15 = arith.constant 10240 : i32
    %mul3A_16 = arith.muli %arg0, %mul3A_15 : i32
    %mul3A_17 = arith.constant 640 : i32
    %mul3A_18 = arith.muli %arg1, %mul3A_17 : i32
    %add3A_19 = arith.addi %mul3A_16, %mul3A_18 : i32
    "tpu.region"() ({
      %run_scoped3A = tpu.sem_alloc : memref<!tpu.dma_semaphore, #tpu.memory_space<semaphore_mem>>
      %dma_start3A = arith.constant 0 : i32
      %dma_start3A_20 = tpu.memref_slice %arg7[%add3A_19, %dma_start3A] : memref<20480x128xf32, #tpu.memory_space<hbm>> -> memref<640x128xf32, #tpu.memory_space<hbm>>
      %dma_start3A_21 = arith.constant 0 : i32
      %dma_start3A_22 = tpu.memref_slice %arg12[%mul3A_14, %dma_start3A_21] : memref<10240x128xf32, #tpu.memory_space<vmem_shared>> -> memref<640x128xf32, #tpu.memory_space<vmem_shared>>
      tpu.enqueue_dma source(%dma_start3A_22 : memref<640x128xf32, #tpu.memory_space<vmem_shared>>) target(%dma_start3A_20 : memref<640x128xf32, #tpu.memory_space<hbm>>) target_semaphore(%run_scoped3A : memref<!tpu.dma_semaphore, #tpu.memory_space<semaphore_mem>>)
      %dma_wait3A = arith.constant 0 : i32
      %dma_wait3A_23 = tpu.memref_slice %arg7[%add3A_19, %dma_wait3A] : memref<20480x128xf32, #tpu.memory_space<hbm>> -> memref<640x128xf32, #tpu.memory_space<hbm>>
      %dma_wait3A_24 = arith.constant 0 : i32
      %dma_wait3A_25 = tpu.memref_slice %arg12[%mul3A_14, %dma_wait3A_24] : memref<10240x128xf32, #tpu.memory_space<vmem_shared>> -> memref<640x128xf32, #tpu.memory_space<vmem_shared>>
      tpu.wait_dma2 semaphore(%run_scoped3A : memref<!tpu.dma_semaphore, #tpu.memory_space<semaphore_mem>>) src(%dma_wait3A_25 : memref<640x128xf32, #tpu.memory_space<vmem_shared>>) dst(%dma_wait3A_23 : memref<640x128xf32, #tpu.memory_space<hbm>>)
      tpu.yield
    }) : () -> ()
    return
  }
}

module attributes {stable_mosaic.version = 14 : i64} {
  func.func @_tc_layer0_body(%arg0: i32, %arg1: memref<1xf32, #tpu.memory_space<smem>>, %arg2: memref<1000x128xf32, #tpu.memory_space<vmem>>, %arg3: memref<1000x128xf32, #tpu.memory_space<vmem>>, %arg4: memref<1000x128xf32, #tpu.memory_space<vmem>>, %arg5: memref<128x128xf32, #tpu.memory_space<vmem>>, %arg6: memref<128x128xf32, #tpu.memory_space<vmem>>, %arg7: memref<1x128xf32, #tpu.memory_space<vmem>>, %arg8: memref<1x128xf32, #tpu.memory_space<vmem>>, %arg9: memref<1x128xf32, #tpu.memory_space<vmem>>, %arg10: memref<1000x128xf32, #tpu.memory_space<vmem>>) attributes {dimension_semantics = [#tpu.dimension_semantics<arbitrary>], iteration_bounds = array<i64: 10>, scalar_prefetch = 0 : i64, scratch_operands = 0 : i64, tpu.core_type = #tpu.core_type<tc>, window_params = [{transform_indices = @transform_0, window_bounds = array<i64: 1>}, {transform_indices = @transform_1, window_bounds = array<i64: 1000, 128>}, {transform_indices = @transform_2, window_bounds = array<i64: 1000, 128>}, {transform_indices = @transform_3, window_bounds = array<i64: 1000, 128>}, {pipeline_mode = #tpu.pipeline_mode<synchronous>, transform_indices = @transform_4, window_bounds = array<i64: 128, 128>}, {pipeline_mode = #tpu.pipeline_mode<synchronous>, transform_indices = @transform_5, window_bounds = array<i64: 128, 128>}, {pipeline_mode = #tpu.pipeline_mode<synchronous>, transform_indices = @transform_6, window_bounds = array<i64: 1, 128>}, {pipeline_mode = #tpu.pipeline_mode<synchronous>, transform_indices = @transform_7, window_bounds = array<i64: 1, 128>}, {pipeline_mode = #tpu.pipeline_mode<synchronous>, transform_indices = @transform_8, window_bounds = array<i64: 1, 128>}, {transform_indices = @transform_9, window_bounds = array<i64: 1000, 128>}]} {
    %get3A = arith.constant 0 : index
    %get3A_0 = arith.constant 0 : index
    %get3A_1 = vector.load %arg2[%get3A, %get3A_0] : memref<1000x128xf32, #tpu.memory_space<vmem>>, vector<1000x128xf32>
    %get3A_2 = arith.constant 0 : index
    %get3A_3 = arith.constant 0 : index
    %get3A_4 = vector.load %arg3[%get3A_2, %get3A_3] : memref<1000x128xf32, #tpu.memory_space<vmem>>, vector<1000x128xf32>
    %add3A = arith.addf %get3A_1, %get3A_4 : vector<1000x128xf32>
    %get3A_5 = arith.constant 0 : index
    %get3A_6 = arith.constant 0 : index
    %get3A_7 = vector.load %arg5[%get3A_5, %get3A_6] : memref<128x128xf32, #tpu.memory_space<vmem>>, vector<128x128xf32>
    %dot_general3A = arith.constant dense<0.000000e+00> : vector<1000x128xf32>
    %dot_general3A_8 = tpu.matmul %add3A, %get3A_7, %dot_general3A {dimension_numbers = #tpu.dot_dimension_numbers<[1], [0], [0], [1], [0, 0, 1, 1], [], []>, transpose_lhs_hint = false} : vector<1000x128xf32>, vector<128x128xf32>, vector<1000x128xf32> -> vector<1000x128xf32>
    %get3A_9 = arith.constant 0 : index
    %get3A_10 = arith.constant 0 : index
    %get3A_11 = vector.load %arg4[%get3A_9, %get3A_10] : memref<1000x128xf32, #tpu.memory_space<vmem>>, vector<1000x128xf32>
    %get3A_12 = arith.constant 0 : index
    %get3A_13 = arith.constant 0 : index
    %get3A_14 = vector.load %arg6[%get3A_12, %get3A_13] : memref<128x128xf32, #tpu.memory_space<vmem>>, vector<128x128xf32>
    %dot_general3A_15 = arith.constant dense<0.000000e+00> : vector<1000x128xf32>
    %dot_general3A_16 = tpu.matmul %get3A_11, %get3A_14, %dot_general3A_15 {dimension_numbers = #tpu.dot_dimension_numbers<[1], [0], [0], [1], [0, 0, 1, 1], [], []>, transpose_lhs_hint = false} : vector<1000x128xf32>, vector<128x128xf32>, vector<1000x128xf32> -> vector<1000x128xf32>
    %add3A_17 = arith.addf %dot_general3A_8, %dot_general3A_16 : vector<1000x128xf32>
    %get3A_18 = arith.constant 0 : index
    %get3A_19 = arith.constant 0 : index
    %get3A_20 = vector.load %arg7[%get3A_18, %get3A_19] : memref<1x128xf32, #tpu.memory_space<vmem>>, vector<1x128xf32>
    %add3A_21 = vector.broadcast %get3A_20 : vector<1x128xf32> to vector<1000x128xf32>
    %add3A_22 = arith.addf %add3A_17, %add3A_21 : vector<1000x128xf32>
    %get3A_23 = arith.constant 0 : index
    %get3A_24 = arith.constant 0 : index
    %get3A_25 = vector.load %arg8[%get3A_23, %get3A_24] : memref<1x128xf32, #tpu.memory_space<vmem>>, vector<1x128xf32>
    %get3A_26 = arith.constant 0 : index
    %get3A_27 = arith.constant 0 : index
    %get3A_28 = vector.load %arg9[%get3A_26, %get3A_27] : memref<1x128xf32, #tpu.memory_space<vmem>>, vector<1x128xf32>
    %reduce_sum3A = arith.constant dense<0.000000e+00> : vector<1000xf32>
    %reduce_sum3A_29 = vector.multi_reduction <add>, %add3A_22, %reduce_sum3A [1] : vector<1000x128xf32> to vector<1000xf32>
    %broadcast_in_dim3A = vector.shape_cast %reduce_sum3A_29 : vector<1000xf32> to vector<1000x1xf32>
    %div3A = arith.constant 1.280000e+02 : f32
    %div3A_30 = vector.broadcast %div3A : f32 to vector<1000x1xf32>
    %div3A_31 = arith.divf %broadcast_in_dim3A, %div3A_30 : vector<1000x1xf32>
    %sub3A = vector.broadcast %div3A_31 : vector<1000x1xf32> to vector<1000x128xf32>
    %sub3A_32 = arith.subf %add3A_22, %sub3A : vector<1000x128xf32>
    %mul3A = arith.mulf %sub3A_32, %sub3A_32 : vector<1000x128xf32>
    %reduce_sum3A_33 = arith.constant dense<0.000000e+00> : vector<1000xf32>
    %reduce_sum3A_34 = vector.multi_reduction <add>, %mul3A, %reduce_sum3A_33 [1] : vector<1000x128xf32> to vector<1000xf32>
    %broadcast_in_dim3A_35 = vector.shape_cast %reduce_sum3A_34 : vector<1000xf32> to vector<1000x1xf32>
    %div3A_36 = arith.constant 1.280000e+02 : f32
    %div3A_37 = vector.broadcast %div3A_36 : f32 to vector<1000x1xf32>
    %div3A_38 = arith.divf %broadcast_in_dim3A_35, %div3A_37 : vector<1000x1xf32>
    %add3A_39 = arith.constant 9.99999974E-6 : f32
    %add3A_40 = vector.broadcast %add3A_39 : f32 to vector<1000x1xf32>
    %add3A_41 = arith.addf %div3A_38, %add3A_40 : vector<1000x1xf32>
    %rsqrt3A = math.rsqrt %add3A_41 : vector<1000x1xf32>
    %mul3A_42 = vector.broadcast %rsqrt3A : vector<1000x1xf32> to vector<1000x128xf32>
    %mul3A_43 = arith.mulf %sub3A_32, %mul3A_42 : vector<1000x128xf32>
    %mul3A_44 = vector.broadcast %get3A_25 : vector<1x128xf32> to vector<1000x128xf32>
    %mul3A_45 = arith.mulf %mul3A_43, %mul3A_44 : vector<1000x128xf32>
    %add3A_46 = vector.broadcast %get3A_28 : vector<1x128xf32> to vector<1000x128xf32>
    %add3A_47 = arith.addf %mul3A_45, %add3A_46 : vector<1000x128xf32>
    %get3A_48 = arith.constant 0 : index
    %get3A_49 = memref.load %arg1[%get3A_48] : memref<1xf32, #tpu.memory_space<smem>>
    %ge3A = arith.constant 0.000000e+00 : f32
    %ge3A_50 = vector.broadcast %ge3A : f32 to vector<1000x128xf32>
    %ge3A_51 = arith.cmpf oge, %add3A_47, %ge3A_50 : vector<1000x128xf32>
    %mul3A_52 = vector.broadcast %get3A_49 : f32 to vector<1000x128xf32>
    %mul3A_53 = arith.mulf %mul3A_52, %add3A_47 : vector<1000x128xf32>
    %select_n3A = arith.select %ge3A_51, %add3A_47, %mul3A_53 : vector<1000x128xi1>, vector<1000x128xf32>
    %swap3A = arith.constant 0 : index
    %swap3A_54 = arith.constant 0 : index
    %swap3A_55 = vector.load %arg10[%swap3A, %swap3A_54] : memref<1000x128xf32, #tpu.memory_space<vmem>>, vector<1000x128xf32>
    tpu.vector_store %arg10[%swap3A, %swap3A_54], %select_n3A {strides = array<i32>} : memref<1000x128xf32, #tpu.memory_space<vmem>>, vector<1000x128xf32>,
    return
  }
  func.func @transform_0(%arg0: i32) -> i32 {
    %c0_i32 = arith.constant 0 : i32
    %c0_i32_0 = arith.constant 0 : i32
    return %c0_i32 : i32
  }
  func.func @transform_1(%arg0: i32) -> (i32, i32) {
    %c0_i32 = arith.constant 0 : i32
    %c0_i32_0 = arith.constant 0 : i32
    return %arg0, %c0_i32 : i32, i32
  }
  func.func @transform_2(%arg0: i32) -> (i32, i32) {
    %c0_i32 = arith.constant 0 : i32
    %c0_i32_0 = arith.constant 0 : i32
    return %arg0, %c0_i32 : i32, i32
  }
  func.func @transform_3(%arg0: i32) -> (i32, i32) {
    %c0_i32 = arith.constant 0 : i32
    %c0_i32_0 = arith.constant 0 : i32
    return %arg0, %c0_i32 : i32, i32
  }
  func.func @transform_4(%arg0: i32) -> (i32, i32) {
    %c0_i32 = arith.constant 0 : i32
    %c0_i32_0 = arith.constant 0 : i32
    %c0_i32_1 = arith.constant 0 : i32
    return %c0_i32, %c0_i32_0 : i32, i32
  }
  func.func @transform_5(%arg0: i32) -> (i32, i32) {
    %c0_i32 = arith.constant 0 : i32
    %c0_i32_0 = arith.constant 0 : i32
    %c0_i32_1 = arith.constant 0 : i32
    return %c0_i32, %c0_i32_0 : i32, i32
  }
  func.func @transform_6(%arg0: i32) -> (i32, i32) {
    %c0_i32 = arith.constant 0 : i32
    %c0_i32_0 = arith.constant 0 : i32
    %c0_i32_1 = arith.constant 0 : i32
    return %c0_i32, %c0_i32_0 : i32, i32
  }
  func.func @transform_7(%arg0: i32) -> (i32, i32) {
    %c0_i32 = arith.constant 0 : i32
    %c0_i32_0 = arith.constant 0 : i32
    %c0_i32_1 = arith.constant 0 : i32
    return %c0_i32, %c0_i32_0 : i32, i32
  }
  func.func @transform_8(%arg0: i32) -> (i32, i32) {
    %c0_i32 = arith.constant 0 : i32
    %c0_i32_0 = arith.constant 0 : i32
    %c0_i32_1 = arith.constant 0 : i32
    return %c0_i32, %c0_i32_0 : i32, i32
  }
  func.func @transform_9(%arg0: i32) -> (i32, i32) {
    %c0_i32 = arith.constant 0 : i32
    %c0_i32_0 = arith.constant 0 : i32
    return %arg0, %c0_i32 : i32, i32
  }
}

module attributes {stable_mosaic.version = 14 : i64} {
  func.func @_tc_layer1_head_body(%arg0: i32, %arg1: memref<1xf32, #tpu.memory_space<smem>>, %arg2: memref<1000x128xf32, #tpu.memory_space<vmem>>, %arg3: memref<1000x128xf32, #tpu.memory_space<vmem>>, %arg4: memref<1000x128xf32, #tpu.memory_space<vmem>>, %arg5: memref<128x128xf32, #tpu.memory_space<vmem>>, %arg6: memref<128x128xf32, #tpu.memory_space<vmem>>, %arg7: memref<1x128xf32, #tpu.memory_space<vmem>>, %arg8: memref<1x128xf32, #tpu.memory_space<vmem>>, %arg9: memref<1x128xf32, #tpu.memory_space<vmem>>, %arg10: memref<128x128xf32, #tpu.memory_space<vmem>>, %arg11: memref<1x128xf32, #tpu.memory_space<vmem>>, %arg12: memref<1x128xf32, #tpu.memory_space<vmem>>, %arg13: memref<1x128xf32, #tpu.memory_space<vmem>>, %arg14: memref<128x128xf32, #tpu.memory_space<vmem>>, %arg15: memref<1x128xf32, #tpu.memory_space<vmem>>, %arg16: memref<1000x128xf32, #tpu.memory_space<vmem>>) attributes {dimension_semantics = [#tpu.dimension_semantics<arbitrary>], iteration_bounds = array<i64: 10>, scalar_prefetch = 0 : i64, scratch_operands = 0 : i64, tpu.core_type = #tpu.core_type<tc>, window_params = [{transform_indices = @transform_0, window_bounds = array<i64: 1>}, {transform_indices = @transform_1, window_bounds = array<i64: 1000, 128>}, {transform_indices = @transform_2, window_bounds = array<i64: 1000, 128>}, {transform_indices = @transform_3, window_bounds = array<i64: 1000, 128>}, {pipeline_mode = #tpu.pipeline_mode<synchronous>, transform_indices = @transform_4, window_bounds = array<i64: 128, 128>}, {pipeline_mode = #tpu.pipeline_mode<synchronous>, transform_indices = @transform_5, window_bounds = array<i64: 128, 128>}, {pipeline_mode = #tpu.pipeline_mode<synchronous>, transform_indices = @transform_6, window_bounds = array<i64: 1, 128>}, {pipeline_mode = #tpu.pipeline_mode<synchronous>, transform_indices = @transform_7, window_bounds = array<i64: 1, 128>}, {pipeline_mode = #tpu.pipeline_mode<synchronous>, transform_indices = @transform_8, window_bounds = array<i64: 1, 128>}, {pipeline_mode = #tpu.pipeline_mode<synchronous>, transform_indices = @transform_9, window_bounds = array<i64: 128, 128>}, {pipeline_mode = #tpu.pipeline_mode<synchronous>, transform_indices = @transform_10, window_bounds = array<i64: 1, 128>}, {pipeline_mode = #tpu.pipeline_mode<synchronous>, transform_indices = @transform_11, window_bounds = array<i64: 1, 128>}, {pipeline_mode = #tpu.pipeline_mode<synchronous>, transform_indices = @transform_12, window_bounds = array<i64: 1, 128>}, {pipeline_mode = #tpu.pipeline_mode<synchronous>, transform_indices = @transform_13, window_bounds = array<i64: 128, 128>}, {pipeline_mode = #tpu.pipeline_mode<synchronous>, transform_indices = @transform_14, window_bounds = array<i64: 1, 128>}, {transform_indices = @transform_15, window_bounds = array<i64: 1000, 128>}]} {
    %get3A = arith.constant 0 : index
    %get3A_0 = arith.constant 0 : index
    %get3A_1 = vector.load %arg2[%get3A, %get3A_0] : memref<1000x128xf32, #tpu.memory_space<vmem>>, vector<1000x128xf32>
    %get3A_2 = arith.constant 0 : index
    %get3A_3 = arith.constant 0 : index
    %get3A_4 = vector.load %arg3[%get3A_2, %get3A_3] : memref<1000x128xf32, #tpu.memory_space<vmem>>, vector<1000x128xf32>
    %add3A = arith.addf %get3A_1, %get3A_4 : vector<1000x128xf32>
    %get3A_5 = arith.constant 0 : index
    %get3A_6 = arith.constant 0 : index
    %get3A_7 = vector.load %arg5[%get3A_5, %get3A_6] : memref<128x128xf32, #tpu.memory_space<vmem>>, vector<128x128xf32>
    %dot_general3A = arith.constant dense<0.000000e+00> : vector<1000x128xf32>
    %dot_general3A_8 = tpu.matmul %add3A, %get3A_7, %dot_general3A {dimension_numbers = #tpu.dot_dimension_numbers<[1], [0], [0], [1], [0, 0, 1, 1], [], []>, transpose_lhs_hint = false} : vector<1000x128xf32>, vector<128x128xf32>, vector<1000x128xf32> -> vector<1000x128xf32>
    %get3A_9 = arith.constant 0 : index
    %get3A_10 = arith.constant 0 : index
    %get3A_11 = vector.load %arg4[%get3A_9, %get3A_10] : memref<1000x128xf32, #tpu.memory_space<vmem>>, vector<1000x128xf32>
    %get3A_12 = arith.constant 0 : index
    %get3A_13 = arith.constant 0 : index
    %get3A_14 = vector.load %arg6[%get3A_12, %get3A_13] : memref<128x128xf32, #tpu.memory_space<vmem>>, vector<128x128xf32>
    %dot_general3A_15 = arith.constant dense<0.000000e+00> : vector<1000x128xf32>
    %dot_general3A_16 = tpu.matmul %get3A_11, %get3A_14, %dot_general3A_15 {dimension_numbers = #tpu.dot_dimension_numbers<[1], [0], [0], [1], [0, 0, 1, 1], [], []>, transpose_lhs_hint = false} : vector<1000x128xf32>, vector<128x128xf32>, vector<1000x128xf32> -> vector<1000x128xf32>
    %add3A_17 = arith.addf %dot_general3A_8, %dot_general3A_16 : vector<1000x128xf32>
    %get3A_18 = arith.constant 0 : index
    %get3A_19 = arith.constant 0 : index
    %get3A_20 = vector.load %arg7[%get3A_18, %get3A_19] : memref<1x128xf32, #tpu.memory_space<vmem>>, vector<1x128xf32>
    %add3A_21 = vector.broadcast %get3A_20 : vector<1x128xf32> to vector<1000x128xf32>
    %add3A_22 = arith.addf %add3A_17, %add3A_21 : vector<1000x128xf32>
    %get3A_23 = arith.constant 0 : index
    %get3A_24 = arith.constant 0 : index
    %get3A_25 = vector.load %arg8[%get3A_23, %get3A_24] : memref<1x128xf32, #tpu.memory_space<vmem>>, vector<1x128xf32>
    %get3A_26 = arith.constant 0 : index
    %get3A_27 = arith.constant 0 : index
    %get3A_28 = vector.load %arg9[%get3A_26, %get3A_27] : memref<1x128xf32, #tpu.memory_space<vmem>>, vector<1x128xf32>
    %reduce_sum3A = arith.constant dense<0.000000e+00> : vector<1000xf32>
    %reduce_sum3A_29 = vector.multi_reduction <add>, %add3A_22, %reduce_sum3A [1] : vector<1000x128xf32> to vector<1000xf32>
    %broadcast_in_dim3A = vector.shape_cast %reduce_sum3A_29 : vector<1000xf32> to vector<1000x1xf32>
    %div3A = arith.constant 1.280000e+02 : f32
    %div3A_30 = vector.broadcast %div3A : f32 to vector<1000x1xf32>
    %div3A_31 = arith.divf %broadcast_in_dim3A, %div3A_30 : vector<1000x1xf32>
    %sub3A = vector.broadcast %div3A_31 : vector<1000x1xf32> to vector<1000x128xf32>
    %sub3A_32 = arith.subf %add3A_22, %sub3A : vector<1000x128xf32>
    %mul3A = arith.mulf %sub3A_32, %sub3A_32 : vector<1000x128xf32>
    %reduce_sum3A_33 = arith.constant dense<0.000000e+00> : vector<1000xf32>
    %reduce_sum3A_34 = vector.multi_reduction <add>, %mul3A, %reduce_sum3A_33 [1] : vector<1000x128xf32> to vector<1000xf32>
    %broadcast_in_dim3A_35 = vector.shape_cast %reduce_sum3A_34 : vector<1000xf32> to vector<1000x1xf32>
    %div3A_36 = arith.constant 1.280000e+02 : f32
    %div3A_37 = vector.broadcast %div3A_36 : f32 to vector<1000x1xf32>
    %div3A_38 = arith.divf %broadcast_in_dim3A_35, %div3A_37 : vector<1000x1xf32>
    %add3A_39 = arith.constant 9.99999974E-6 : f32
    %add3A_40 = vector.broadcast %add3A_39 : f32 to vector<1000x1xf32>
    %add3A_41 = arith.addf %div3A_38, %add3A_40 : vector<1000x1xf32>
    %rsqrt3A = math.rsqrt %add3A_41 : vector<1000x1xf32>
    %mul3A_42 = vector.broadcast %rsqrt3A : vector<1000x1xf32> to vector<1000x128xf32>
    %mul3A_43 = arith.mulf %sub3A_32, %mul3A_42 : vector<1000x128xf32>
    %mul3A_44 = vector.broadcast %get3A_25 : vector<1x128xf32> to vector<1000x128xf32>
    %mul3A_45 = arith.mulf %mul3A_43, %mul3A_44 : vector<1000x128xf32>
    %add3A_46 = vector.broadcast %get3A_28 : vector<1x128xf32> to vector<1000x128xf32>
    %add3A_47 = arith.addf %mul3A_45, %add3A_46 : vector<1000x128xf32>
    %get3A_48 = arith.constant 0 : index
    %get3A_49 = memref.load %arg1[%get3A_48] : memref<1xf32, #tpu.memory_space<smem>>
    %ge3A = arith.constant 0.000000e+00 : f32
    %ge3A_50 = vector.broadcast %ge3A : f32 to vector<1000x128xf32>
    %ge3A_51 = arith.cmpf oge, %add3A_47, %ge3A_50 : vector<1000x128xf32>
    %mul3A_52 = vector.broadcast %get3A_49 : f32 to vector<1000x128xf32>
    %mul3A_53 = arith.mulf %mul3A_52, %add3A_47 : vector<1000x128xf32>
    %select_n3A = arith.select %ge3A_51, %add3A_47, %mul3A_53 : vector<1000x128xi1>, vector<1000x128xf32>
    %get3A_54 = arith.constant 0 : index
    %get3A_55 = arith.constant 0 : index
    %get3A_56 = vector.load %arg10[%get3A_54, %get3A_55] : memref<128x128xf32, #tpu.memory_space<vmem>>, vector<128x128xf32>
    %dot_general3A_57 = arith.constant dense<0.000000e+00> : vector<1000x128xf32>
    %dot_general3A_58 = tpu.matmul %select_n3A, %get3A_56, %dot_general3A_57 {dimension_numbers = #tpu.dot_dimension_numbers<[1], [0], [0], [1], [0, 0, 1, 1], [], []>, transpose_lhs_hint = false} : vector<1000x128xf32>, vector<128x128xf32>, vector<1000x128xf32> -> vector<1000x128xf32>
    %get3A_59 = arith.constant 0 : index
    %get3A_60 = arith.constant 0 : index
    %get3A_61 = vector.load %arg11[%get3A_59, %get3A_60] : memref<1x128xf32, #tpu.memory_space<vmem>>, vector<1x128xf32>
    %add3A_62 = vector.broadcast %get3A_61 : vector<1x128xf32> to vector<1000x128xf32>
    %add3A_63 = arith.addf %dot_general3A_58, %add3A_62 : vector<1000x128xf32>
    %max3A = arith.constant 0.000000e+00 : f32
    %max3A_64 = vector.broadcast %max3A : f32 to vector<1000x128xf32>
    %max3A_65 = arith.maximumf %add3A_63, %max3A_64 : vector<1000x128xf32>
    %get3A_66 = arith.constant 0 : index
    %get3A_67 = arith.constant 0 : index
    %get3A_68 = vector.load %arg12[%get3A_66, %get3A_67] : memref<1x128xf32, #tpu.memory_space<vmem>>, vector<1x128xf32>
    %get3A_69 = arith.constant 0 : index
    %get3A_70 = arith.constant 0 : index
    %get3A_71 = vector.load %arg13[%get3A_69, %get3A_70] : memref<1x128xf32, #tpu.memory_space<vmem>>, vector<1x128xf32>
    %reduce_sum3A_72 = arith.constant dense<0.000000e+00> : vector<1000xf32>
    %reduce_sum3A_73 = vector.multi_reduction <add>, %max3A_65, %reduce_sum3A_72 [1] : vector<1000x128xf32> to vector<1000xf32>
    %broadcast_in_dim3A_74 = vector.shape_cast %reduce_sum3A_73 : vector<1000xf32> to vector<1000x1xf32>
    %div3A_75 = arith.constant 1.280000e+02 : f32
    %div3A_76 = vector.broadcast %div3A_75 : f32 to vector<1000x1xf32>
    %div3A_77 = arith.divf %broadcast_in_dim3A_74, %div3A_76 : vector<1000x1xf32>
    %sub3A_78 = vector.broadcast %div3A_77 : vector<1000x1xf32> to vector<1000x128xf32>
    %sub3A_79 = arith.subf %max3A_65, %sub3A_78 : vector<1000x128xf32>
    %mul3A_80 = arith.mulf %sub3A_79, %sub3A_79 : vector<1000x128xf32>
    %reduce_sum3A_81 = arith.constant dense<0.000000e+00> : vector<1000xf32>
    %reduce_sum3A_82 = vector.multi_reduction <add>, %mul3A_80, %reduce_sum3A_81 [1] : vector<1000x128xf32> to vector<1000xf32>
    %broadcast_in_dim3A_83 = vector.shape_cast %reduce_sum3A_82 : vector<1000xf32> to vector<1000x1xf32>
    %div3A_84 = arith.constant 1.280000e+02 : f32
    %div3A_85 = vector.broadcast %div3A_84 : f32 to vector<1000x1xf32>
    %div3A_86 = arith.divf %broadcast_in_dim3A_83, %div3A_85 : vector<1000x1xf32>
    %add3A_87 = arith.constant 9.99999974E-6 : f32
    %add3A_88 = vector.broadcast %add3A_87 : f32 to vector<1000x1xf32>
    %add3A_89 = arith.addf %div3A_86, %add3A_88 : vector<1000x1xf32>
    %rsqrt3A_90 = math.rsqrt %add3A_89 : vector<1000x1xf32>
    %mul3A_91 = vector.broadcast %rsqrt3A_90 : vector<1000x1xf32> to vector<1000x128xf32>
    %mul3A_92 = arith.mulf %sub3A_79, %mul3A_91 : vector<1000x128xf32>
    %mul3A_93 = vector.broadcast %get3A_68 : vector<1x128xf32> to vector<1000x128xf32>
    %mul3A_94 = arith.mulf %mul3A_92, %mul3A_93 : vector<1000x128xf32>
    %add3A_95 = vector.broadcast %get3A_71 : vector<1x128xf32> to vector<1000x128xf32>
    %add3A_96 = arith.addf %mul3A_94, %add3A_95 : vector<1000x128xf32>
    %get3A_97 = arith.constant 0 : index
    %get3A_98 = arith.constant 0 : index
    %get3A_99 = vector.load %arg14[%get3A_97, %get3A_98] : memref<128x128xf32, #tpu.memory_space<vmem>>, vector<128x128xf32>
    %dot_general3A_100 = arith.constant dense<0.000000e+00> : vector<1000x128xf32>
    %dot_general3A_101 = tpu.matmul %add3A_96, %get3A_99, %dot_general3A_100 {dimension_numbers = #tpu.dot_dimension_numbers<[1], [0], [0], [1], [0, 0, 1, 1], [], []>, transpose_lhs_hint = false} : vector<1000x128xf32>, vector<128x128xf32>, vector<1000x128xf32> -> vector<1000x128xf32>
    %get3A_102 = arith.constant 0 : index
    %get3A_103 = arith.constant 0 : index
    %get3A_104 = vector.load %arg15[%get3A_102, %get3A_103] : memref<1x128xf32, #tpu.memory_space<vmem>>, vector<1x128xf32>
    %add3A_105 = vector.broadcast %get3A_104 : vector<1x128xf32> to vector<1000x128xf32>
    %add3A_106 = arith.addf %dot_general3A_101, %add3A_105 : vector<1000x128xf32>
    %swap3A = arith.constant 0 : index
    %swap3A_107 = arith.constant 0 : index
    %swap3A_108 = vector.load %arg16[%swap3A, %swap3A_107] : memref<1000x128xf32, #tpu.memory_space<vmem>>, vector<1000x128xf32>
    tpu.vector_store %arg16[%swap3A, %swap3A_107], %add3A_106 {strides = array<i32>} : memref<1000x128xf32, #tpu.memory_space<vmem>>, vector<1000x128xf32>,
    return
  }
  func.func @transform_0(%arg0: i32) -> i32 {
    %c0_i32 = arith.constant 0 : i32
    %c0_i32_0 = arith.constant 0 : i32
    return %c0_i32 : i32
  }
  func.func @transform_1(%arg0: i32) -> (i32, i32) {
    %c0_i32 = arith.constant 0 : i32
    %c0_i32_0 = arith.constant 0 : i32
    return %arg0, %c0_i32 : i32, i32
  }
  func.func @transform_2(%arg0: i32) -> (i32, i32) {
    %c0_i32 = arith.constant 0 : i32
    %c0_i32_0 = arith.constant 0 : i32
    return %arg0, %c0_i32 : i32, i32
  }
  func.func @transform_3(%arg0: i32) -> (i32, i32) {
    %c0_i32 = arith.constant 0 : i32
    %c0_i32_0 = arith.constant 0 : i32
    return %arg0, %c0_i32 : i32, i32
  }
  func.func @transform_4(%arg0: i32) -> (i32, i32) {
    %c0_i32 = arith.constant 0 : i32
    %c0_i32_0 = arith.constant 0 : i32
    %c0_i32_1 = arith.constant 0 : i32
    return %c0_i32, %c0_i32_0 : i32, i32
  }
  func.func @transform_5(%arg0: i32) -> (i32, i32) {
    %c0_i32 = arith.constant 0 : i32
    %c0_i32_0 = arith.constant 0 : i32
    %c0_i32_1 = arith.constant 0 : i32
    return %c0_i32, %c0_i32_0 : i32, i32
  }
  func.func @transform_6(%arg0: i32) -> (i32, i32) {
    %c0_i32 = arith.constant 0 : i32
    %c0_i32_0 = arith.constant 0 : i32
    %c0_i32_1 = arith.constant 0 : i32
    return %c0_i32, %c0_i32_0 : i32, i32
  }
  func.func @transform_7(%arg0: i32) -> (i32, i32) {
    %c0_i32 = arith.constant 0 : i32
    %c0_i32_0 = arith.constant 0 : i32
    %c0_i32_1 = arith.constant 0 : i32
    return %c0_i32, %c0_i32_0 : i32, i32
  }
  func.func @transform_8(%arg0: i32) -> (i32, i32) {
    %c0_i32 = arith.constant 0 : i32
    %c0_i32_0 = arith.constant 0 : i32
    %c0_i32_1 = arith.constant 0 : i32
    return %c0_i32, %c0_i32_0 : i32, i32
  }
  func.func @transform_9(%arg0: i32) -> (i32, i32) {
    %c0_i32 = arith.constant 0 : i32
    %c0_i32_0 = arith.constant 0 : i32
    %c0_i32_1 = arith.constant 0 : i32
    return %c0_i32, %c0_i32_0 : i32, i32
  }
  func.func @transform_10(%arg0: i32) -> (i32, i32) {
    %c0_i32 = arith.constant 0 : i32
    %c0_i32_0 = arith.constant 0 : i32
    %c0_i32_1 = arith.constant 0 : i32
    return %c0_i32, %c0_i32_0 : i32, i32
  }
  func.func @transform_11(%arg0: i32) -> (i32, i32) {
    %c0_i32 = arith.constant 0 : i32
    %c0_i32_0 = arith.constant 0 : i32
    %c0_i32_1 = arith.constant 0 : i32
    return %c0_i32, %c0_i32_0 : i32, i32
  }
  func.func @transform_12(%arg0: i32) -> (i32, i32) {
    %c0_i32 = arith.constant 0 : i32
    %c0_i32_0 = arith.constant 0 : i32
    %c0_i32_1 = arith.constant 0 : i32
    return %c0_i32, %c0_i32_0 : i32, i32
  }
  func.func @transform_13(%arg0: i32) -> (i32, i32) {
    %c0_i32 = arith.constant 0 : i32
    %c0_i32_0 = arith.constant 0 : i32
    %c0_i32_1 = arith.constant 0 : i32
    return %c0_i32, %c0_i32_0 : i32, i32
  }
  func.func @transform_14(%arg0: i32) -> (i32, i32) {
    %c0_i32 = arith.constant 0 : i32
    %c0_i32_0 = arith.constant 0 : i32
    %c0_i32_1 = arith.constant 0 : i32
    return %c0_i32, %c0_i32_0 : i32, i32
  }
  func.func @transform_15(%arg0: i32) -> (i32, i32) {
    %c0_i32 = arith.constant 0 : i32
    %c0_i32_0 = arith.constant 0 : i32
    return %arg0, %c0_i32 : i32, i32
  }
}

</mosaic_0001>

<sc_bundles>
// kernel: kernel.6.cloned.1.call-start
scs
__scs_entry_jumppad:
0x0: {  	(pc) =	sbr.rel $0x88, $3  }
0x1: {  	(tag) =	ssettag $0x0;
	lr =	simm.s32 $0x1  }
0x2: {  	[smem:$0x3F8C] =	sst lr;
	_ =	strace $0xD0000000  }
0x3: {  	_ = 	snop  }
0x4: {  	_ = 	snop  }
0x5: {  	_ = 	snop  }
0x6: {  	_ = 	snop  }
0x7: {  	_ = 	snop  }
__scs_overlays_trampoline_lowered:
0x8: {  	[smem:$0x3F9B] =	sst s0  }
0x9: {  	[smem:$0x3F9C] =	sst s1  }
0xa: {  	[smem:$0x3F9D] =	sst s2  }
0xb: {  	[smem:$0x3F9E] =	sst s3  }
0xc: {  	[smem:$0x3F9F] =	sst s4  }
0xd: {  	[smem:$0x3FA0] =	sst s5  }
0xe: {  	[smem:$0x3FA1] =	sst s6  }
0xf: {  	[smem:$0x3FA2] =	sst s7  }
0x10: {  	[smem:$0x3FA3] =	sst s8  }
0x11: {  	[smem:$0x3FA4] =	sst s9;
	s0 =	simm.s32 @!p0 $0x0  }
0x12: {  	s1 =	sld [smem:$0x3F8A];
	s0 =	simm.s32 @p0 $0x1  }
0x13: {  	[smem:$0x3FA5] =	sst s0;
	s0 =	simm.s32 @!p1 $0x0  }
0x14: {  	s2 =	sld [smem:$0x3F89];
	s0 =	simm.s32 @p1 $0x1  }
0x15: {  	[smem:$0x3FA6] =	sst s0;
	s0 =	simm.s32 @!p2 $0x0  }
0x16: {  	s3 =	sld [smem:$0x3FDB];
	s0 =	simm.s32 @p2 $0x1  }
0x17: {  	s4 =	simm.s32 $0x1BF5;
	[smem:$0x3FA8] =	sst s0  }
0x18: {  	s0 =	sld [smem:$0x3F8B];
	_ =	swait.ge [sflag:s4], $0x0  }
0x19: {  	s7 =	sld [smem:$0x3F8C]  }
0x1a: {  	s8 =	sadd.s32 $0xFFFFE003, lr  }
0x1b: {  	s9 =	sadd.s32 $0xFFFFFEF7, lr;
	s5 =	simm.s32 $0xFFFFFFFF;
	p2 =	slt.u32 s8, $0xFFFFF086  }
0x1c: {  	p1 =	slt.u32 s9, $0xF7A;
	s5 =	simm.s32 @!p2 $0x0  }
0x1d: {  	s5 =	simm.s32 @p1 $0x1;
	p0 =	seq.s32 s7, s2  }
0x1e: {  	s7 =	smul.u32 @!p0 $0xF7A, s2;
	p2 =	seq.s32 @!p0 s5, $0x0  }
0x1f: {  	s9 =	smul.u32 $0xF7A, s1;
	s8 =	simm.s32 @!p0 $0x1BF5;
	p2 =	por !p2, p0  }
0x20: {  	[sflag:s8] =	ssyncset.s32 @!p0 $0xFFFFF086;
	s6 =	sadd.s32 @!p0 s3, s7;
	s7 =	simm.s32 @!p0 $0x108  }
0x21: {  	s3 =	sadd.s32 s3, s9;
	s6 =	sadd.s32 @!p0 $0x88, s6;
	s7 =	simm.s32 @p2 $0x1082  }
0x22: {  	[simem:s7], [sflag:s8] =	dma.local @!p0 [hbm:s6], $0xF7A  }
0x23: {  	s9 =	sor.u32 $0xD0000000, s2;
	s6 =	simm.s32 $0x108;
	_ =	swait.ge @!p0 [sflag:s8], $0x0  }
0x24: {  	s3 =	sadd.s32 $0x88, s3;
	s6 =	simm.s32 @!p1 $0x1082;
	[sflag:s4] =	ssyncset.s32 $0xFFFFF086  }
0x25: {  	[simem:s6], [sflag:s4] =	dma.local [hbm:s3], $0xF7A  }
0x26: {  	[smem:$0x3F8C] =	sst s1;
	(tag) =	ssettag s2;
	_ =	strace s9  }
0x27: {  	s1 =	sld [smem:$0x3F9C]  }
0x28: {  	s2 =	sld [smem:$0x3F9D]  }
0x29: {  	s4 =	sld [smem:$0x3F9F]  }
0x2a: {  	p0 =	seq.s32 s5, $0x0;
	s5 =	sld [smem:$0x3FA0]  }
0x2b: {  	s6 =	sld [smem:$0x3FA1]  }
0x2c: {  	s7 =	sld [smem:$0x3FA2]  }
0x2d: {  	s3 =	simm.s32 $0x108;
	s8 =	sld [smem:$0x3FA3]  }
0x2e: {  	s3 =	simm.s32 @!p0 $0x1082;
	s9 =	sld [smem:$0x3FA4]  }
0x2f: {  	lr =	sadd.s32 s0, s3;
	s0 =	sld [smem:$0x3F9B]  }
0x30: {  	s3 =	sld [smem:$0x3F9E]  }
0x31: {  	[smem:$0x3FA7] =	sst s10  }
0x32: {  	s10 =	sld [smem:$0x3FA5];
	_ =	sdelay $0x3  }
0x33: {  	p0 =	seq.s32 s10, $0x1;
	s10 =	sld [smem:$0x3FA7];
	_ =	sdelay $0x3  }
0x34: {  	[smem:$0x3FA7] =	sst s10  }
0x35: {  	s10 =	sld [smem:$0x3FA6];
	_ =	sdelay $0x3  }
0x36: {  	p1 =	seq.s32 s10, $0x1;
	s10 =	sld [smem:$0x3FA7];
	_ =	sdelay $0x3  }
0x37: {  	[smem:$0x3FA7] =	sst s10  }
0x38: {  	s10 =	sld [smem:$0x3FA8]  }
0x39: {  	_ = 	snop;
	(pc) =	sbr.ind lr, $3  }
0x3a: {  	_ = 	snop  }
0x3b: {  	_ = 	snop  }
0x3c: {  	p2 =	seq.s32 s10, $0x1;
	s10 =	sld [smem:$0x3FA7]  }
0x3d: {  	_ =	shalt  }
0x3e: {  	_ =	shalt  }
0x3f: {  	_ =	shalt  }
0x40: {  	_ =	shalt  }
0x41: {  	_ =	shalt  }
0x42: {  	_ =	shalt  }
0x43: {  	_ =	shalt  }
0x44: {  	_ =	shalt  }
0x45: {  	_ =	shalt  }
0x46: {  	_ =	shalt  }
0x47: {  	_ =	shalt  }
0x48: {  	_ =	shalt  }
0x49: {  	_ =	shalt  }
0x4a: {  	_ =	shalt  }
0x4b: {  	_ =	shalt  }
0x4c: {  	_ =	shalt  }
0x4d: {  	_ =	shalt  }
0x4e: {  	_ =	shalt  }
0x4f: {  	_ =	shalt  }
0x50: {  	_ =	shalt  }
0x51: {  	_ =	shalt  }
0x52: {  	_ =	shalt  }
0x53: {  	_ =	shalt  }
0x54: {  	_ =	shalt  }
0x55: {  	_ =	shalt  }
0x56: {  	_ =	shalt  }
0x57: {  	_ =	shalt  }
0x58: {  	_ =	shalt  }
0x59: {  	_ =	shalt  }
0x5a: {  	_ =	shalt  }
0x5b: {  	_ =	shalt  }
0x5c: {  	_ =	shalt  }
0x5d: {  	_ =	shalt  }
0x5e: {  	_ =	shalt  }
0x5f: {  	_ =	shalt  }
0x60: {  	_ =	shalt  }
0x61: {  	_ =	shalt  }
0x62: {  	_ =	shalt  }
0x63: {  	_ =	shalt  }
0x64: {  	_ =	shalt  }
0x65: {  	_ =	shalt  }
0x66: {  	_ =	shalt  }
0x67: {  	_ =	shalt  }
0x68: {  	_ =	shalt  }
0x69: {  	_ =	shalt  }
0x6a: {  	_ =	shalt  }
0x6b: {  	_ =	shalt  }
0x6c: {  	_ =	shalt  }
0x6d: {  	_ =	shalt  }
0x6e: {  	_ =	shalt  }
0x6f: {  	_ =	shalt  }
0x70: {  	_ =	shalt  }
0x71: {  	_ =	shalt  }
0x72: {  	_ =	shalt  }
0x73: {  	_ =	shalt  }
0x74: {  	_ =	shalt  }
0x75: {  	_ =	shalt  }
0x76: {  	_ =	shalt  }
0x77: {  	_ =	shalt  }
0x78: {  	_ =	shalt  }
0x79: {  	_ =	shalt  }
0x7a: {  	_ =	shalt  }
0x7b: {  	_ =	shalt  }
0x7c: {  	_ =	shalt  }
0x7d: {  	_ =	shalt  }
0x7e: {  	_ =	shalt  }
0x7f: {  	_ =	shalt  }
0x80: {  	_ =	shalt  }
0x81: {  	_ =	shalt  }
0x82: {  	_ =	shalt  }
0x83: {  	_ =	shalt  }
0x84: {  	_ =	shalt  }
0x85: {  	_ =	shalt  }
0x86: {  	_ =	shalt  }
0x87: {  	_ =	shalt  }
.Lfunc_end0:
.L_simem_size_0:
called_computation_lowered:
.L_overlay_start_0:
0x88: {  	s2 =	sld [smem:$0x3FD9]  }
0x89: {  	s3 =	sld [smem:$0x3FFE];
	_ =	sdelay $0x1  }
0x8a: {  	s1 =	srdreg.scid  }
0x8b: {  	s0 =	sand.u32 $0x1, s1  }
0x8c: {  	s17 =	sshll.u32 s0, $0xA;
	s2 =	sadd.s32 s3, s2  }
0x8d: {  	s2 =	sadd.s32 s2, s17  }
0x8e: {  	[smem:$0x3FB3] =	sst s2  }
0x8f: {  	_ = 	snop  }
0x90: {  	s2 =	sld [smem:$0x3FC9];
	(tm) =	ssettm $0x1  }
0x91: {  	s18 =	sld [smem:$0x3FFB];
	_ =	sdelay $0x3  }
0x92: {  	_ =	strace s18  }
0x93: {  	s3 =	sld [smem:$0x3FFC];
	_ =	sdelay $0x3  }
0x94: {  	_ =	strace s3  }
0x95: {  	s3 =	sld [smem:$0x3FFD];
	_ =	sdelay $0x3  }
0x96: {  	_ =	strace s3  }
0x97: {  	_ =	strace $0x8FFFFFFF  }
0x98: {  	s19 =	sld [smem:$0x3FDB];
	_ =	sdelay $0x1  }
0x99: {  	s4 =	simm.s32 $_scs_section_size  }
0x9a: {  	s5 =	simm.s32 $_size__tile_overlayer_lowered;
	s6 =	simm.s32 $_tile_overlayer_lowered  }
0x9b: {  	s22 =	simm.s32 $0x1BFF;
	s21 =	sshll.u32 s6, $0x1;
	s3 =	sadd.s32 s4, s19  }
0x9c: {  	s7 =	simm.s32 $0x0;
	s20 =	sshll.u32 s5, $0x1;
	s5 =	sadd.s32 s21, s3  }
0x9d: {  	[timem:s7], [sflag:s22] =	dma.local [hbm:s5], s20  }
0x9e: {  	_ =	swait.ge [sflag:s22], s20  }
0x9f: {  	s4 =	ssub.s32 $0x0, s20;
	[sflag:s22] =	ssyncset.done $0x0  }
0xa0: {  	[sflag:s22] =	ssyncadd.s32 s4;
	_ =	sdelay $0x1  }
0xa1: {  	s23 =	simm.s32 $0x1B8B  }
0xa2: {  	_ =	swait.ge [sflag:s23], $0x1  }
0xa3: {  	[sflag:s23] =	ssyncset.done $0x0  }
0xa4: {  	s25 =	simm.s32 $0x1B8E;
	s24 =	sld [smem:$0x3FFE];
	[sflag:s23] =	ssyncadd.s32 $0xFFFFFFFF  }
0xa5: {  	s26 =	simm.s32 $execute0_lowered;
	[smem:$0x3FD2] =	sst s25  }
0xa6: {  	s5 =	sshll.u32 s26, $0x1;
	_ =	strace $0x80000046;
	[dreg:$0x1] =	wrdreg $0xFFFFFFFF  }
0xa7: {  	s28 =	simm.s32 $_size_execute0_lowered;
	s3 =	sadd.s32 s3, s5;
	[dreg:$0x0] =	wrdreg $0x0  }
0xa8: {  	s5 =	sshll.u32 s28, $0x1;
	[dreg:$0x2] =	wrdreg s3  }
0xa9: {  	[dreg:$0x3] =	wrdreg s5  }
0xaa: {  	[dreg:$0x4] =	wrdreg $0xC0  }
0xab: {  	_ =	task [dreg:s7], $0x5FFFF  }
0xac: {  	[dreg:$0x1] =	wrdreg $0xFFFFFFFF  }
0xad: {  	[dreg:$0x0] =	wrdreg $0x60  }
0xae: {  	[dreg:$0x2] =	wrdreg s2  }
0xaf: {  	[dreg:$0x3] =	wrdreg s24  }
0xb0: {  	[dreg:$0x4] =	wrdreg $0x29800  }
0xb1: {  	[dreg:$0x5] =	wrdreg $0x9  }
0xb2: {  	_ =	task.clear_ibuf [dreg:s7], $0x6FFFF;
	_ =	strace $0x90000046  }
0xb3: {  	s29 =	simm.s32 $0x9;
	_ =	strace $0x80000048  }
0xb4: {  	_ =	swait.ge [sflag:s29], $0x1  }
0xb5: {  	[sflag:s29] =	ssyncadd.s32 $0xFFFFFFFF  }
0xb6: {  	_ =	strace $0x90000048  }
0xb7: {  	_ =	sfence  }
0xb8: {  	s30 =	sld [smem:$0x0];
	_ =	sdelay $0x2  }
0xb9: {  	s31 =	sshll.u32 s1, $0xD;
	s1 =	sshrl.u32 s1, $0x2  }
0xba: {  	s3 =	sand.u32 $0x4000, s31;
	s1 =	sadd.s32 s1, s30  }
0xbb: {  	s0 =	sor.u32 s3, s0;
	s1 =	sshll.u32 s1, $0x11  }
0xbc: {  	s0 =	sor.u32 s1, s0  }
0xbd: {  	s0 =	sadd.s32 $0x8F2B, s0  }
0xbe: {  	[sflag:s0] =	ssyncadd.remote.s32 $0x1  }
0xbf: {  	_ =	sfence.sel $0xFFFF  }
0xc0: {  	[dreg:$0x0] =	wrdreg $0xFFFFFFFF;
	(pc) =	sbr.abs _section_cstart, $3  }
0xc1: {  	[dreg:$0x1] =	wrdreg $0xFFFFFFFF  }
0xc2: {  	_ =	task.clear_ibuf [dreg:s7], $0x2FFFF;
	_ =	strace $0x9FFFFFFF  }
0xc3: {  	(tm) =	ssettm $0x7FFFFFFF  }
tec
execute0_lowered:
.L_overlay_start_1:
0x0: {  	(tag) =	ssettag $0x1  }
0x1: {  	s1 =	rddreg [dreg:$0x0]  }
0x2: {  	s8 =	rddreg [dreg:$0x1]  }
0x3: {  	s3 =	rddreg [dreg:$0x2]  }
0x4: {  	s0 =	rddreg [dreg:$0x3];
	s4 =	simm.s32 $0x0;
	s2 =	stileid.u32  }
0x5: {  	s5 =	srdreg.scid;
	s16 =	simm.s32 $0x100;
	s17 =	simm.s32 $0x50  }
0x6: {  	s18 =	simm.s32 $0x180;
	s19 =	simm.s32 $0x1;
	[smem:$0x7FF] =	sst s4  }
0x7: {  	s9 =	smul.u32 $0x2800, s2;
	s10 =	sand.u32 $0x1, s5;
	s5 =	sadd.s32 $0xD000, s8  }
0x8: {  	s6 =	sadd.s32 $0x3200, s8;
	s7 =	sadd.s32 $0x16E00, s8;
	s13 =	smul.u32 $0x50000, s2  }
0x9: {  	s31 =	sshll.u32 s2, $0x1;
	s15 =	sshll.u32 s2, $0x6;
	_ =	strace $0x80000047  }
0xa: {  	s11 =	smul.u32 $0x28000, s10;
	s12 =	ssub.s32 $0x2, s10;
	s10 =	sor.u32 s10, s31  }
0xb: {  	s29 =	sshrl.u32 s12, $0x1;
	s30 =	sshrl.u32 s13, $0x2;
	s10 =	smul.u32 $0x2710, s10  }
0xc: {  	s11 =	sadd.s32 s9, s11;
	s9 =	sadd.s32 s9, s8;
	s12 =	ssub.s32 s12, s29  }
0xd: {  	s14 =	sadd.s32 s30, s3;
	s11 =	sadd.s32 s11, s8;
	s8 =	sadd.s32 $0x20C00, s9  }
0xe: {  	s9 =	sor.u32 $0x1C02, s15;
	s12 =	smax.u32 s12, $0x1;
	s13 =	sshrl.u32 s14, $0x3  }
0xf: {  	s14 =	simm.s32 $0x2;
	s15 =	simm.s32 $0x80;
	s11 =	sadd.s32 $0x48C00, s11  }
.LBB2_1:
0x10: {  	[spmem:s13], [sflag:s9] =	dma.local [hbm:s8], $0x2800  }
0x11: {  	_ =	swait.ge [sflag:s14], $0x2800  }
0x12: {  	[sflag:s14] =	ssyncset.done $0x0  }
0x13: {  	[sflag:s14] =	ssyncadd.s32 $0xFFFFD800  }
0x14: {  	s20 =	simm.s32 $0x0;
	[bflag:$0x0] =	sbarrier.arrive $0xFFFF  }
.LBB2_2:
0x15: {  	s21 =	smul.u32 $0x50, s20;
	_ =	sdelay $0x1  }
0x16: {  	s21 =	sadd.s32 s10, s21  }
0x17: {  	s22 =	sshrl.u32 s21, $0x3  }
0x18: {  	s21 =	simm.s32 $0x0;
	s23 =	sadd.s32 s5, s22  }
0x19: {  	[tilespmem:s21], [sflag:$0x2] =	stream.linear.gather [hbm4b:s23+s21], $0x50, $0x38;
	[tilespmem:$0x16980] =	vst v63  }
0x1a: {  	_ =	swait.ge [sflag:s14], $0x50  }
0x1b: {  	[sflag:s14] =	ssyncset.done $0x0  }
0x1c: {  	s31 =	sadd.s32 s6, s22;
	[sflag:s14] =	ssyncadd.s32 $0xFFFFFFB0  }
0x1d: {  	[tilespmem:s15], [sflag:$0x2] =	stream.linear.gather [hbm4b:s31+s21], $0x50, $0x38;
	[tilespmem:$0x16980] =	vst v63  }
0x1e: {  	_ =	swait.ge [sflag:s14], $0x50  }
0x1f: {  	[sflag:s14] =	ssyncset.done $0x0  }
0x20: {  	s22 =	sadd.s32 s7, s22;
	[sflag:s14] =	ssyncadd.s32 $0xFFFFFFB0  }
0x21: {  	[tilespmem:s16], [sflag:$0x2] =	stream.linear.gather [hbm4b:s22+s21], $0x50, $0x38;
	[tilespmem:$0x16980] =	vst v63  }
0x22: {  	_ =	swait.ge [sflag:s14], $0x50  }
0x23: {  	[sflag:s14] =	ssyncset.done $0x0  }
0x24: {  	[sflag:s14] =	ssyncadd.s32 $0xFFFFFFB0  }
0x25: {  	[tilespmem:s18], [sflag:$0x1] =	stream.indirect.gather [hbm4b:s1+s17], $0x80, s21, s17, $0xb8;
	[tilespmem:$0x16980] =	vst v63  }
0x26: {  	_ =	swait.ge [sflag:s19], $0x2800  }
0x27: {  	[sflag:s19] =	ssyncset.done $0x0  }
0x28: {  	[sflag:s19] =	ssyncadd.s32 $0xFFFFD800  }
.LBB2_3:
0x29: {  	s22 =	sshll.u32 s21, $0x4  }
0x2a: {  	s22 =	sand.u32 $0x3FFFFFF0, s22  }
0x2b: {  	s31 =	sshll.u32 s21, $0xB;
	v0 =	vld [tilespmem:s22+$0x100]  }
0x2c: {  	s22 =	sand.u32 $0x3FFFF800, s31  }
0x2d: {  	v1 =	vld [tilespmem:s22+$0x180]  }
0x2e: {  	v2 =	vld [tilespmem:s22+$0x190]  }
0x2f: {  	v3 =	vld [tilespmem:s22+$0x1A0]  }
0x30: {  	v5 =	vld [tilespmem:s22+$0x1B0];
	v4 =	vbroadcast v0, $0x0  }
0x31: {  	v6 =	vld [tilespmem:s22+$0x1C0]  }
0x32: {  	v7 =	vld [tilespmem:s22+$0x1D0];
	v1 =	vmul.f32 v4, v1  }
0x33: {  	v8 =	vld [tilespmem:s22+$0x1E0];
	v2 =	vmul.f32 v2, v4  }
0x34: {  	v14 =	vld [tilespmem:s22+$0x1F0];
	v13 =	vmul.f32 v3, v4;
	[tilespmem:s22+$0x180] =	vst v1  }
0x35: {  	v16 =	vld [tilespmem:s22+$0x200];
	v15 =	vmul.f32 v5, v4;
	[tilespmem:s22+$0x190] =	vst v2  }
0x36: {  	v18 =	vld [tilespmem:s22+$0x210];
	v17 =	vmul.f32 v6, v4;
	[tilespmem:s22+$0x1A0] =	vst v13  }
0x37: {  	v20 =	vld [tilespmem:s22+$0x220];
	v19 =	vmul.f32 v7, v4;
	[tilespmem:s22+$0x1B0] =	vst v15  }
0x38: {  	v9 =	vld [tilespmem:s22+$0x230];
	v22 =	vbroadcast v0, $0x1;
	v21 =	vmul.f32 v8, v4;
	[tilespmem:s22+$0x1C0] =	vst v17  }
0x39: {  	v24 =	vld [tilespmem:s22+$0x240];
	v23 =	vmul.f32 v14, v4;
	[tilespmem:s22+$0x1D0] =	vst v19  }
0x3a: {  	v26 =	vld [tilespmem:s22+$0x250];
	v25 =	vmul.f32 v16, v22;
	[tilespmem:s22+$0x1E0] =	vst v21  }
0x3b: {  	v28 =	vld [tilespmem:s22+$0x260];
	v27 =	vmul.f32 v18, v22;
	[tilespmem:s22+$0x1F0] =	vst v23  }
0x3c: {  	v30 =	vld [tilespmem:s22+$0x270];
	v29 =	vmul.f32 v20, v22;
	[tilespmem:s22+$0x200] =	vst v25  }
0x3d: {  	v32 =	vld [tilespmem:s22+$0x280];
	v31 =	vmul.f32 v9, v22;
	[tilespmem:s22+$0x210] =	vst v27  }
0x3e: {  	v34 =	vld [tilespmem:s22+$0x290];
	v33 =	vmul.f32 v24, v22;
	[tilespmem:s22+$0x220] =	vst v29  }
0x3f: {  	v36 =	vld [tilespmem:s22+$0x2A0];
	v35 =	vmul.f32 v26, v22;
	[tilespmem:s22+$0x230] =	vst v31  }
0x40: {  	v39 =	vld [tilespmem:s22+$0x2B0];
	v38 =	vbroadcast v0, $0x2;
	v37 =	vmul.f32 v28, v22;
	[tilespmem:s22+$0x240] =	vst v33  }
0x41: {  	v41 =	vld [tilespmem:s22+$0x2C0];
	v40 =	vmul.f32 v30, v22;
	[tilespmem:s22+$0x250] =	vst v35  }
0x42: {  	v43 =	vld [tilespmem:s22+$0x2D0];
	v42 =	vmul.f32 v32, v38;
	[tilespmem:s22+$0x260] =	vst v37  }
0x43: {  	v45 =	vld [tilespmem:s22+$0x2E0];
	v44 =	vmul.f32 v34, v38;
	[tilespmem:s22+$0x270] =	vst v40  }
0x44: {  	v47 =	vld [tilespmem:s22+$0x2F0];
	v46 =	vmul.f32 v36, v38;
	[tilespmem:s22+$0x280] =	vst v42  }
0x45: {  	v49 =	vld [tilespmem:s22+$0x300];
	v48 =	vmul.f32 v39, v38;
	[tilespmem:s22+$0x290] =	vst v44  }
0x46: {  	v51 =	vld [tilespmem:s22+$0x310];
	v50 =	vmul.f32 v41, v38;
	[tilespmem:s22+$0x2A0] =	vst v46  }
0x47: {  	v53 =	vld [tilespmem:s22+$0x320];
	v52 =	vmul.f32 v43, v38;
	[tilespmem:s22+$0x2B0] =	vst v48  }
0x48: {  	v12 =	vld [tilespmem:s22+$0x370];
	v55 =	vbroadcast v0, $0x3;
	v54 =	vmul.f32 v45, v38;
	[tilespmem:s22+$0x2C0] =	vst v50  }
0x49: {  	v56 =	vld [tilespmem:s22+$0x330];
	v57 =	vmul.f32 v47, v38;
	[tilespmem:s22+$0x2D0] =	vst v52  }
0x4a: {  	v58 =	vld [tilespmem:s22+$0x340];
	v59 =	vmul.f32 v49, v55;
	[tilespmem:s22+$0x2E0] =	vst v54  }
0x4b: {  	v60 =	vld [tilespmem:s22+$0x350];
	v61 =	vmul.f32 v51, v55;
	[tilespmem:s22+$0x2F0] =	vst v57  }
0x4c: {  	v62 =	vld [tilespmem:s22+$0x360];
	v63 =	vmul.f32 v53, v55;
	[tilespmem:s22+$0x300] =	vst v59  }
0x4d: {  	v14 =	vld [tilespmem:s22+$0x380];
	v22 =	vmul.f32 v12, v55;
	[tilespmem:s22+$0x310] =	vst v61  }
0x4e: {  	v16 =	vld [tilespmem:s22+$0x390];
	v13 =	vmul.f32 v56, v55;
	[tilespmem:s22+$0x320] =	vst v63  }
0x4f: {  	v18 =	vld [tilespmem:s22+$0x3A0];
	v15 =	vmul.f32 v58, v55;
	[tilespmem:s22+$0x370] =	vst v22  }
0x50: {  	v20 =	vbroadcast v0, $0x4;
	v38 =	vld [tilespmem:s22+$0x430];
	v17 =	vmul.f32 v60, v55;
	[tilespmem:s22+$0x330] =	vst v13  }
0x51: {  	v19 =	vmul.f32 v62, v55;
	v21 =	vld [tilespmem:s22+$0x3B0];
	[tilespmem:s22+$0x340] =	vst v15  }
0x52: {  	v23 =	vld [tilespmem:s22+$0x3C0];
	[tilespmem:s22+$0x350] =	vst v17;
	v24 =	vmul.f32 v14, v20  }
0x53: {  	v25 =	vld [tilespmem:s22+$0x3D0];
	v37 =	vbroadcast v0, $0x5;
	[tilespmem:s22+$0x360] =	vst v19;
	v26 =	vmul.f32 v16, v20  }
0x54: {  	v27 =	vld [tilespmem:s22+$0x3E0];
	v28 =	vmul.f32 v18, v20;
	[tilespmem:s22+$0x380] =	vst v24  }
0x55: {  	v29 =	vld [tilespmem:s22+$0x3F0];
	v47 =	vmul.f32 v38, v37;
	[tilespmem:s22+$0x390] =	vst v26  }
0x56: {  	v31 =	vld [tilespmem:s22+$0x400];
	v30 =	vmul.f32 v21, v20;
	[tilespmem:s22+$0x3A0] =	vst v28  }
0x57: {  	v33 =	vld [tilespmem:s22+$0x410];
	v32 =	vmul.f32 v23, v20;
	[tilespmem:s22+$0x430] =	vst v47  }
0x58: {  	v35 =	vld [tilespmem:s22+$0x420];
	v34 =	vmul.f32 v25, v20;
	[tilespmem:s22+$0x3B0] =	vst v30  }
0x59: {  	v40 =	vld [tilespmem:s22+$0x440];
	v36 =	vmul.f32 v27, v20;
	[tilespmem:s22+$0x3C0] =	vst v32  }
0x5a: {  	v42 =	vld [tilespmem:s22+$0x450];
	v39 =	vmul.f32 v29, v20;
	[tilespmem:s22+$0x3D0] =	vst v34  }
0x5b: {  	v44 =	vld [tilespmem:s22+$0x460];
	v41 =	vmul.f32 v31, v37;
	[tilespmem:s22+$0x3E0] =	vst v36  }
0x5c: {  	v46 =	vld [tilespmem:s22+$0x470];
	v43 =	vmul.f32 v33, v37;
	[tilespmem:s22+$0x3F0] =	vst v39  }
0x5d: {  	v48 =	vld [tilespmem:s22+$0x480];
	v45 =	vmul.f32 v35, v37;
	[tilespmem:s22+$0x400] =	vst v41  }
0x5e: {  	v50 =	vld [tilespmem:s22+$0x490];
	v49 =	vmul.f32 v40, v37;
	[tilespmem:s22+$0x410] =	vst v43  }
0x5f: {  	v52 =	vld [tilespmem:s22+$0x4A0];
	v51 =	vmul.f32 v42, v37;
	[tilespmem:s22+$0x420] =	vst v45  }
0x60: {  	v54 =	vbroadcast v0, $0x6;
	v55 =	vld [tilespmem:s22+$0x4B0];
	v53 =	vmul.f32 v44, v37;
	[tilespmem:s22+$0x440] =	vst v49  }
0x61: {  	v57 =	vld [tilespmem:s22+$0x4C0];
	v56 =	vmul.f32 v46, v37;
	[tilespmem:s22+$0x450] =	vst v51  }
0x62: {  	v59 =	vld [tilespmem:s22+$0x4D0];
	v58 =	vmul.f32 v48, v54;
	[tilespmem:s22+$0x460] =	vst v53  }
0x63: {  	v61 =	vld [tilespmem:s22+$0x4E0];
	v60 =	vmul.f32 v50, v54;
	[tilespmem:s22+$0x470] =	vst v56  }
0x64: {  	v63 =	vld [tilespmem:s22+$0x4F0];
	v62 =	vmul.f32 v52, v54;
	[tilespmem:s22+$0x480] =	vst v58  }
0x65: {  	v22 =	vld [tilespmem:s22+$0x540];
	v12 =	vmul.f32 v55, v54;
	[tilespmem:s22+$0x490] =	vst v60  }
0x66: {  	v13 =	vld [tilespmem:s22+$0x500];
	v14 =	vmul.f32 v57, v54;
	[tilespmem:s22+$0x4A0] =	vst v62  }
0x67: {  	v15 =	vld [tilespmem:s22+$0x510];
	v16 =	vmul.f32 v59, v54;
	[tilespmem:s22+$0x4B0] =	vst v12  }
0x68: {  	v17 =	vld [tilespmem:s22+$0x520];
	v19 =	vbroadcast v0, $0x7;
	v18 =	vmul.f32 v61, v54;
	[tilespmem:s22+$0x4C0] =	vst v14  }
0x69: {  	v20 =	vld [tilespmem:s22+$0x530];
	v21 =	vmul.f32 v63, v54;
	[tilespmem:s22+$0x4D0] =	vst v16  }
0x6a: {  	v24 =	vld [tilespmem:s22+$0x550];
	v31 =	vmul.f32 v22, v19;
	[tilespmem:s22+$0x4E0] =	vst v18  }
0x6b: {  	v26 =	vld [tilespmem:s22+$0x560];
	v23 =	vmul.f32 v13, v19;
	[tilespmem:s22+$0x4F0] =	vst v21  }
0x6c: {  	v28 =	vld [tilespmem:s22+$0x570];
	v25 =	vmul.f32 v15, v19;
	[tilespmem:s22+$0x540] =	vst v31  }
0x6d: {  	v37 =	vld [tilespmem:s22+$0x5B0];
	v27 =	vmul.f32 v17, v19;
	[tilespmem:s22+$0x500] =	vst v23  }
0x6e: {  	v47 =	vld [tilespmem:s22+$0x600];
	[tilespmem:s22+$0x510] =	vst v25;
	v29 =	vmul.f32 v20, v19  }
0x6f: {  	v54 =	vld [tilespmem:s22+$0x630];
	[tilespmem:s22+$0x520] =	vst v27;
	v33 =	vmul.f32 v24, v19  }
0x70: {  	v30 =	vld [tilespmem:s22+$0x580];
	v36 =	vbroadcast v0, $0x8;
	v35 =	vmul.f32 v26, v19;
	[tilespmem:s22+$0x530] =	vst v29  }
0x71: {  	v32 =	vld [tilespmem:s22+$0x590];
	v53 =	vbroadcast v0, $0x9;
	v38 =	vmul.f32 v28, v19;
	[tilespmem:s22+$0x550] =	vst v33  }
0x72: {  	v34 =	vld [tilespmem:s22+$0x5A0];
	v46 =	vmul.f32 v37, v36;
	[tilespmem:s22+$0x560] =	vst v35  }
0x73: {  	v39 =	vld [tilespmem:s22+$0x5C0];
	v57 =	vmul.f32 v47, v53;
	[tilespmem:s22+$0x570] =	vst v38  }
0x74: {  	v41 =	vld [tilespmem:s22+$0x5D0];
	v63 =	vmul.f32 v54, v53;
	[tilespmem:s22+$0x5B0] =	vst v46  }
0x75: {  	v43 =	vld [tilespmem:s22+$0x5E0];
	v40 =	vmul.f32 v30, v36;
	[tilespmem:s22+$0x600] =	vst v57  }
0x76: {  	v45 =	vld [tilespmem:s22+$0x5F0];
	v42 =	vmul.f32 v32, v36;
	[tilespmem:s22+$0x630] =	vst v63  }
0x77: {  	v49 =	vld [tilespmem:s22+$0x610];
	v44 =	vmul.f32 v34, v36;
	[tilespmem:s22+$0x580] =	vst v40  }
0x78: {  	v51 =	vld [tilespmem:s22+$0x620];
	v48 =	vmul.f32 v39, v36;
	[tilespmem:s22+$0x590] =	vst v42  }
0x79: {  	v56 =	vld [tilespmem:s22+$0x640];
	v50 =	vmul.f32 v41, v36;
	[tilespmem:s22+$0x5A0] =	vst v44  }
0x7a: {  	v58 =	vld [tilespmem:s22+$0x650];
	v52 =	vmul.f32 v43, v36;
	[tilespmem:s22+$0x5C0] =	vst v48  }
0x7b: {  	v60 =	vld [tilespmem:s22+$0x660];
	v55 =	vmul.f32 v45, v36;
	[tilespmem:s22+$0x5D0] =	vst v50  }
0x7c: {  	v62 =	vld [tilespmem:s22+$0x670];
	v59 =	vmul.f32 v49, v53;
	[tilespmem:s22+$0x5E0] =	vst v52  }
0x7d: {  	v12 =	vld [tilespmem:s22+$0x680];
	v61 =	vmul.f32 v51, v53;
	[tilespmem:s22+$0x5F0] =	vst v55  }
0x7e: {  	v14 =	vld [tilespmem:s22+$0x690];
	v13 =	vmul.f32 v56, v53;
	[tilespmem:s22+$0x610] =	vst v59  }
0x7f: {  	v16 =	vld [tilespmem:s22+$0x6A0];
	v15 =	vmul.f32 v58, v53;
	[tilespmem:s22+$0x620] =	vst v61  }
0x80: {  	v18 =	vbroadcast v0, $0xA;
	v21 =	vld [tilespmem:s22+$0x6C0];
	v17 =	vmul.f32 v60, v53;
	[tilespmem:s22+$0x640] =	vst v13  }
0x81: {  	v23 =	vld [tilespmem:s22+$0x6D0];
	v20 =	vmul.f32 v62, v53;
	[tilespmem:s22+$0x650] =	vst v15  }
0x82: {  	v25 =	vld [tilespmem:s22+$0x6E0];
	v22 =	vmul.f32 v12, v18;
	[tilespmem:s22+$0x660] =	vst v17  }
0x83: {  	v27 =	vld [tilespmem:s22+$0x6F0];
	v24 =	vmul.f32 v14, v18;
	[tilespmem:s22+$0x670] =	vst v20  }
0x84: {  	v31 =	vld [tilespmem:s22+$0x710];
	v26 =	vmul.f32 v16, v18;
	[tilespmem:s22+$0x680] =	vst v22  }
0x85: {  	v19 =	vld [tilespmem:s22+$0x6B0];
	v30 =	vmul.f32 v21, v18;
	[tilespmem:s22+$0x690] =	vst v24  }
0x86: {  	v29 =	vld [tilespmem:s22+$0x700];
	[tilespmem:s22+$0x6A0] =	vst v26;
	v32 =	vmul.f32 v23, v18  }
0x87: {  	v33 =	vld [tilespmem:s22+$0x720];
	v35 =	vbroadcast v0, $0xB;
	[tilespmem:s22+$0x6C0] =	vst v30;
	v34 =	vmul.f32 v25, v18  }
0x88: {  	v36 =	vld [tilespmem:s22+$0x730];
	v37 =	vmul.f32 v27, v18;
	[tilespmem:s22+$0x6D0] =	vst v32  }
0x89: {  	v38 =	vld [tilespmem:s22+$0x740];
	v41 =	vmul.f32 v31, v35;
	[tilespmem:s22+$0x6E0] =	vst v34  }
0x8a: {  	v46 =	vld [tilespmem:s22+$0x780];
	v28 =	vmul.f32 v19, v18;
	[tilespmem:s22+$0x6F0] =	vst v37  }
0x8b: {  	v53 =	vld [tilespmem:s22+$0x7B0];
	[tilespmem:s22+$0x710] =	vst v41;
	v39 =	vmul.f32 v29, v35  }
0x8c: {  	v57 =	vld [tilespmem:s22+$0x7D0];
	[tilespmem:s22+$0x6B0] =	vst v28;
	v43 =	vmul.f32 v33, v35  }
0x8d: {  	v63 =	vld [tilespmem:s22+$0x800];
	v52 =	vbroadcast v0, $0xC;
	v45 =	vmul.f32 v36, v35;
	[tilespmem:s22+$0x700] =	vst v39  }
0x8e: {  	v40 =	vld [tilespmem:s22+$0x750];
	v47 =	vmul.f32 v38, v35;
	[tilespmem:s22+$0x720] =	vst v43  }
0x8f: {  	v42 =	vld [tilespmem:s22+$0x760];
	v56 =	vmul.f32 v46, v52;
	[tilespmem:s22+$0x730] =	vst v45  }
0x90: {  	v44 =	vld [tilespmem:s22+$0x770];
	v17 =	vbroadcast v0, $0xD;
	v62 =	vmul.f32 v53, v52;
	[tilespmem:s22+$0x740] =	vst v47  }
0x91: {  	v48 =	vld [tilespmem:s22+$0x790];
	v14 =	vmul.f32 v57, v52;
	[tilespmem:s22+$0x780] =	vst v56  }
0x92: {  	v50 =	vld [tilespmem:s22+$0x7A0];
	v21 =	vmul.f32 v63, v17;
	[tilespmem:s22+$0x7B0] =	vst v62  }
0x93: {  	v55 =	vld [tilespmem:s22+$0x7C0];
	v49 =	vmul.f32 v40, v35;
	[tilespmem:s22+$0x7D0] =	vst v14  }
0x94: {  	v59 =	vld [tilespmem:s22+$0x7E0];
	v51 =	vmul.f32 v42, v35;
	[tilespmem:s22+$0x800] =	vst v21  }
0x95: {  	v61 =	vld [tilespmem:s22+$0x7F0];
	v54 =	vmul.f32 v44, v35;
	[tilespmem:s22+$0x750] =	vst v49  }
0x96: {  	v13 =	vld [tilespmem:s22+$0x810];
	v58 =	vmul.f32 v48, v52;
	[tilespmem:s22+$0x760] =	vst v51  }
0x97: {  	v15 =	vld [tilespmem:s22+$0x820];
	v60 =	vmul.f32 v50, v52;
	[tilespmem:s22+$0x770] =	vst v54  }
0x98: {  	v20 =	vld [tilespmem:s22+$0x840];
	v12 =	vmul.f32 v55, v52;
	[tilespmem:s22+$0x790] =	vst v58  }
0x99: {  	v22 =	vld [tilespmem:s22+$0x850];
	v16 =	vmul.f32 v59, v52;
	[tilespmem:s22+$0x7A0] =	vst v60  }
0x9a: {  	v24 =	vld [tilespmem:s22+$0x860];
	v19 =	vmul.f32 v61, v52;
	[tilespmem:s22+$0x7C0] =	vst v12  }
0x9b: {  	v26 =	vld [tilespmem:s22+$0x870];
	v23 =	vmul.f32 v13, v17;
	[tilespmem:s22+$0x7E0] =	vst v16  }
0x9c: {  	v30 =	vld [tilespmem:s22+$0x890];
	v25 =	vmul.f32 v15, v17;
	[tilespmem:s22+$0x7F0] =	vst v19  }
0x9d: {  	v18 =	vld [tilespmem:s22+$0x830];
	v29 =	vmul.f32 v20, v17;
	[tilespmem:s22+$0x810] =	vst v23  }
0x9e: {  	v32 =	vld [tilespmem:s22+$0x8A0];
	v31 =	vmul.f32 v22, v17;
	[tilespmem:s22+$0x820] =	vst v25  }
0x9f: {  	v34 =	vbroadcast v0, $0xE;
	v37 =	vld [tilespmem:s22+$0x8C0];
	v33 =	vmul.f32 v24, v17;
	[tilespmem:s22+$0x840] =	vst v29  }
0xa0: {  	v41 =	vld [tilespmem:s22+$0x8E0];
	v36 =	vmul.f32 v26, v17;
	[tilespmem:s22+$0x850] =	vst v31  }
0xa1: {  	v28 =	vld [tilespmem:s22+$0x880];
	v40 =	vmul.f32 v30, v34;
	[tilespmem:s22+$0x860] =	vst v33  }
0xa2: {  	v53 =	vld [tilespmem:s22+$0x940];
	v27 =	vmul.f32 v18, v17;
	[tilespmem:s22+$0x870] =	vst v36  }
0xa3: {  	v57 =	vld [tilespmem:s22+$0x960];
	v42 =	vmul.f32 v32, v34;
	[tilespmem:s22+$0x890] =	vst v40  }
0xa4: {  	v35 =	vld [tilespmem:s22+$0x8B0];
	v46 =	vmul.f32 v37, v34;
	[tilespmem:s22+$0x830] =	vst v27  }
0xa5: {  	v0 =	vbroadcast v0, $0xF;
	v39 =	vld [tilespmem:s22+$0x8D0];
	v50 =	vmul.f32 v41, v34;
	[tilespmem:s22+$0x8A0] =	vst v42  }
0xa6: {  	v43 =	vld [tilespmem:s22+$0x8F0];
	v38 =	vmul.f32 v28, v34;
	[tilespmem:s22+$0x8C0] =	vst v46  }
0xa7: {  	v45 =	vld [tilespmem:s22+$0x900];
	v61 =	vmul.f32 v53, v0;
	[tilespmem:s22+$0x8E0] =	vst v50  }
0xa8: {  	v47 =	vld [tilespmem:s22+$0x910];
	v63 =	vmul.f32 v57, v0;
	[tilespmem:s22+$0x880] =	vst v38  }
0xa9: {  	v55 =	vld [tilespmem:s22+$0x950];
	v44 =	vmul.f32 v35, v34;
	[tilespmem:s22+$0x940] =	vst v61  }
0xaa: {  	v49 =	vld [tilespmem:s22+$0x920];
	v48 =	vmul.f32 v39, v34;
	[tilespmem:s22+$0x960] =	vst v63  }
0xab: {  	v51 =	vld [tilespmem:s22+$0x930];
	v52 =	vmul.f32 v43, v34;
	[tilespmem:s22+$0x8B0] =	vst v44  }
0xac: {  	v59 =	vld [tilespmem:s22+$0x970];
	v54 =	vmul.f32 v45, v0;
	[tilespmem:s22+$0x8D0] =	vst v48  }
0xad: {  	v56 =	vmul.f32 v47, v0;
	[tilespmem:s22+$0x8F0] =	vst v52  }
0xae: {  	p0 =	sne.s32 s21, $0x4;
	v62 =	vmul.f32 v55, v0;
	[tilespmem:s22+$0x900] =	vst v54  }
.Ltmp0:
0xaf: {  	v58 =	vmul.f32 v49, v0;
	[tilespmem:s22+$0x910] =	vst v56;
	(pc) =	sbr.rel @p0 .LBB2_3-.Ltmp0, $4  }
0xb0: {  	v60 =	vmul.f32 v51, v0;
	[tilespmem:s22+$0x950] =	vst v62  }
0xb1: {  	v0 =	vmul.f32 v59, v0;
	[tilespmem:s22+$0x920] =	vst v58  }
0xb2: {  	[tilespmem:s22+$0x930] =	vst v60  }
0xb3: {  	s21 =	sadd.s32 $0x1, s21;
	[tilespmem:s22+$0x970] =	vst v0  }
0xb4: {  	s20 =	sadd.s32 $0x1, s20  }
0xb5: {  	p0 =	sne.s32 s20, $0x7D  }
.Ltmp1:
0xb6: {  	_ = 	snop;
	(pc) =	sbr.rel @p0 .LBB2_2-.Ltmp1, $4  }
0xb7: {  	[spmem:s3] =	stream.indirect.scatter.add.f32 [tilespmem:s18], [sflag:$0x2], $0x80, s15, s17, $0xb8;
	[tilespmem:$0x16980] =	vst v63  }
0xb8: {  	_ =	swait.ge [sflag:s14], $0x2800  }
0xb9: {  	[sflag:s14] =	ssyncset.done $0x0  }
0xba: {  	[sflag:s14] =	ssyncadd.s32 $0xFFFFD800  }
0xbb: {  	s4 =	sadd.s32 $0x1, s4  }
0xbc: {  	p0 =	sne.s32 s4, s12  }
.Ltmp2:
0xbd: {  	[bflag:$0x0] =	sbarrier.arrive $0xFFFF;
	(pc) =	sbr.rel @p0 .LBB2_1-.Ltmp2, $4  }
0xbe: {  	[hbm:s11], [sflag:s9] =	dma.local [spmem:s13], $0x2800  }
0xbf: {  	_ =	swait.ge [sflag:s14], $0x2800  }
0xc0: {  	[sflag:s14] =	ssyncset.done $0x0  }
0xc1: {  	[sflag:s14] =	ssyncadd.s32 $0xFFFFD800  }
0xc2: {  	_ =	sfence.sel $0x180000  }
0xc3: {  	[bflag:$0x0] =	sbarrier.arrive $0xFFFF  }
0xc4: {  	p0 =	sne.s32 s2, $0x0;
	_ =	strace $0x90000047  }
0xc5: {  	s0 =	sadd.s32 @!p0 $0x100000, s0;
	[bflag:$0x2] =	sbarrier.arrive $0xFFFF  }
0xc6: {  	[sflag:s0] =	ssyncadd.tile.s32 @!p0 $0x1;
	_ =	shalt  }
.Lfunc_end2:
_tile_overlayer_lowered:
.L_overlay_start_2:
0xc7: {  	(tag) =	ssettag $0x2  }
0xc8: {  	s0 =	rddreg [dreg:$0x0];
	s2 =	stileid.u32  }
0xc9: {  	s1 =	rddreg [dreg:$0x1];
	p0 =	sne.s32 s2, $0x0  }
0xca: {  	s3 =	rddreg [dreg:$0x2];
	[bflag:$0x3] =	sbarrier.arrive $0xFFFF;
	s2 =	simm.s32 @!p0 $0x1C02  }
0xcb: {  	[timem:s3], [sflag:s2] =	dma.local @!p0 [hbm:s0], s1  }
0xcc: {  	s0 =	simm.s32 @!p0 $0x2  }
0xcd: {  	_ =	swait.ge @!p0 [sflag:s0], s1  }
0xce: {  	s1 =	ssub.s32 @!p0 $0x0, s1;
	[sflag:s0] =	ssyncset.done @!p0 $0x0  }
0xcf: {  	[sflag:s0] =	ssyncadd.s32 @!p0 s1  }
0xd0: {  	[bflag:$0x3] =	sbarrier.arrive $0xFFFF  }
0xd1: {  	_ =	shalt  }

// kernel: kernel.9.cloned.1.call-start
scs
__scs_entry_jumppad:
0x0: {  	(pc) =	sbr.rel $0x88, $3  }
0x1: {  	(tag) =	ssettag $0x0;
	lr =	simm.s32 $0x1  }
0x2: {  	[smem:$0x3F8C] =	sst lr;
	_ =	strace $0xD0000000  }
0x3: {  	_ = 	snop  }
0x4: {  	_ = 	snop  }
0x5: {  	_ = 	snop  }
0x6: {  	_ = 	snop  }
0x7: {  	_ = 	snop  }
__scs_overlays_trampoline_lowered:
0x8: {  	[smem:$0x3F9B] =	sst s0  }
0x9: {  	[smem:$0x3F9C] =	sst s1  }
0xa: {  	[smem:$0x3F9D] =	sst s2  }
0xb: {  	[smem:$0x3F9E] =	sst s3  }
0xc: {  	[smem:$0x3F9F] =	sst s4  }
0xd: {  	[smem:$0x3FA0] =	sst s5  }
0xe: {  	[smem:$0x3FA1] =	sst s6  }
0xf: {  	[smem:$0x3FA2] =	sst s7  }
0x10: {  	[smem:$0x3FA3] =	sst s8  }
0x11: {  	[smem:$0x3FA4] =	sst s9;
	s0 =	simm.s32 @!p0 $0x0  }
0x12: {  	s1 =	sld [smem:$0x3F8A];
	s0 =	simm.s32 @p0 $0x1  }
0x13: {  	[smem:$0x3FA5] =	sst s0;
	s0 =	simm.s32 @!p1 $0x0  }
0x14: {  	s2 =	sld [smem:$0x3F89];
	s0 =	simm.s32 @p1 $0x1  }
0x15: {  	[smem:$0x3FA6] =	sst s0;
	s0 =	simm.s32 @!p2 $0x0  }
0x16: {  	s3 =	sld [smem:$0x3FDB];
	s0 =	simm.s32 @p2 $0x1  }
0x17: {  	s4 =	simm.s32 $0x1BF5;
	[smem:$0x3FA8] =	sst s0  }
0x18: {  	s0 =	sld [smem:$0x3F8B];
	_ =	swait.ge [sflag:s4], $0x0  }
0x19: {  	s7 =	sld [smem:$0x3F8C]  }
0x1a: {  	s8 =	sadd.s32 $0xFFFFE003, lr  }
0x1b: {  	s9 =	sadd.s32 $0xFFFFFEF7, lr;
	s5 =	simm.s32 $0xFFFFFFFF;
	p2 =	slt.u32 s8, $0xFFFFF086  }
0x1c: {  	p1 =	slt.u32 s9, $0xF7A;
	s5 =	simm.s32 @!p2 $0x0  }
0x1d: {  	s5 =	simm.s32 @p1 $0x1;
	p0 =	seq.s32 s7, s2  }
0x1e: {  	s7 =	smul.u32 @!p0 $0xF7A, s2;
	p2 =	seq.s32 @!p0 s5, $0x0  }
0x1f: {  	s9 =	smul.u32 $0xF7A, s1;
	s8 =	simm.s32 @!p0 $0x1BF5;
	p2 =	por !p2, p0  }
0x20: {  	[sflag:s8] =	ssyncset.s32 @!p0 $0xFFFFF086;
	s6 =	sadd.s32 @!p0 s3, s7;
	s7 =	simm.s32 @!p0 $0x108  }
0x21: {  	s3 =	sadd.s32 s3, s9;
	s6 =	sadd.s32 @!p0 $0x88, s6;
	s7 =	simm.s32 @p2 $0x1082  }
0x22: {  	[simem:s7], [sflag:s8] =	dma.local @!p0 [hbm:s6], $0xF7A  }
0x23: {  	s9 =	sor.u32 $0xD0000000, s2;
	s6 =	simm.s32 $0x108;
	_ =	swait.ge @!p0 [sflag:s8], $0x0  }
0x24: {  	s3 =	sadd.s32 $0x88, s3;
	s6 =	simm.s32 @!p1 $0x1082;
	[sflag:s4] =	ssyncset.s32 $0xFFFFF086  }
0x25: {  	[simem:s6], [sflag:s4] =	dma.local [hbm:s3], $0xF7A  }
0x26: {  	[smem:$0x3F8C] =	sst s1;
	(tag) =	ssettag s2;
	_ =	strace s9  }
0x27: {  	s1 =	sld [smem:$0x3F9C]  }
0x28: {  	s2 =	sld [smem:$0x3F9D]  }
0x29: {  	s4 =	sld [smem:$0x3F9F]  }
0x2a: {  	p0 =	seq.s32 s5, $0x0;
	s5 =	sld [smem:$0x3FA0]  }
0x2b: {  	s6 =	sld [smem:$0x3FA1]  }
0x2c: {  	s7 =	sld [smem:$0x3FA2]  }
0x2d: {  	s3 =	simm.s32 $0x108;
	s8 =	sld [smem:$0x3FA3]  }
0x2e: {  	s3 =	simm.s32 @!p0 $0x1082;
	s9 =	sld [smem:$0x3FA4]  }
0x2f: {  	lr =	sadd.s32 s0, s3;
	s0 =	sld [smem:$0x3F9B]  }
0x30: {  	s3 =	sld [smem:$0x3F9E]  }
0x31: {  	[smem:$0x3FA7] =	sst s10  }
0x32: {  	s10 =	sld [smem:$0x3FA5];
	_ =	sdelay $0x3  }
0x33: {  	p0 =	seq.s32 s10, $0x1;
	s10 =	sld [smem:$0x3FA7];
	_ =	sdelay $0x3  }
0x34: {  	[smem:$0x3FA7] =	sst s10  }
0x35: {  	s10 =	sld [smem:$0x3FA6];
	_ =	sdelay $0x3  }
0x36: {  	p1 =	seq.s32 s10, $0x1;
	s10 =	sld [smem:$0x3FA7];
	_ =	sdelay $0x3  }
0x37: {  	[smem:$0x3FA7] =	sst s10  }
0x38: {  	s10 =	sld [smem:$0x3FA8]  }
0x39: {  	_ = 	snop;
	(pc) =	sbr.ind lr, $3  }
0x3a: {  	_ = 	snop  }
0x3b: {  	_ = 	snop  }
0x3c: {  	p2 =	seq.s32 s10, $0x1;
	s10 =	sld [smem:$0x3FA7]  }
0x3d: {  	_ =	shalt  }
0x3e: {  	_ =	shalt  }
0x3f: {  	_ =	shalt  }
0x40: {  	_ =	shalt  }
0x41: {  	_ =	shalt  }
0x42: {  	_ =	shalt  }
0x43: {  	_ =	shalt  }
0x44: {  	_ =	shalt  }
0x45: {  	_ =	shalt  }
0x46: {  	_ =	shalt  }
0x47: {  	_ =	shalt  }
0x48: {  	_ =	shalt  }
0x49: {  	_ =	shalt  }
0x4a: {  	_ =	shalt  }
0x4b: {  	_ =	shalt  }
0x4c: {  	_ =	shalt  }
0x4d: {  	_ =	shalt  }
0x4e: {  	_ =	shalt  }
0x4f: {  	_ =	shalt  }
0x50: {  	_ =	shalt  }
0x51: {  	_ =	shalt  }
0x52: {  	_ =	shalt  }
0x53: {  	_ =	shalt  }
0x54: {  	_ =	shalt  }
0x55: {  	_ =	shalt  }
0x56: {  	_ =	shalt  }
0x57: {  	_ =	shalt  }
0x58: {  	_ =	shalt  }
0x59: {  	_ =	shalt  }
0x5a: {  	_ =	shalt  }
0x5b: {  	_ =	shalt  }
0x5c: {  	_ =	shalt  }
0x5d: {  	_ =	shalt  }
0x5e: {  	_ =	shalt  }
0x5f: {  	_ =	shalt  }
0x60: {  	_ =	shalt  }
0x61: {  	_ =	shalt  }
0x62: {  	_ =	shalt  }
0x63: {  	_ =	shalt  }
0x64: {  	_ =	shalt  }
0x65: {  	_ =	shalt  }
0x66: {  	_ =	shalt  }
0x67: {  	_ =	shalt  }
0x68: {  	_ =	shalt  }
0x69: {  	_ =	shalt  }
0x6a: {  	_ =	shalt  }
0x6b: {  	_ =	shalt  }
0x6c: {  	_ =	shalt  }
0x6d: {  	_ =	shalt  }
0x6e: {  	_ =	shalt  }
0x6f: {  	_ =	shalt  }
0x70: {  	_ =	shalt  }
0x71: {  	_ =	shalt  }
0x72: {  	_ =	shalt  }
0x73: {  	_ =	shalt  }
0x74: {  	_ =	shalt  }
0x75: {  	_ =	shalt  }
0x76: {  	_ =	shalt  }
0x77: {  	_ =	shalt  }
0x78: {  	_ =	shalt  }
0x79: {  	_ =	shalt  }
0x7a: {  	_ =	shalt  }
0x7b: {  	_ =	shalt  }
0x7c: {  	_ =	shalt  }
0x7d: {  	_ =	shalt  }
0x7e: {  	_ =	shalt  }
0x7f: {  	_ =	shalt  }
0x80: {  	_ =	shalt  }
0x81: {  	_ =	shalt  }
0x82: {  	_ =	shalt  }
0x83: {  	_ =	shalt  }
0x84: {  	_ =	shalt  }
0x85: {  	_ =	shalt  }
0x86: {  	_ =	shalt  }
0x87: {  	_ =	shalt  }
.Lfunc_end0:
.L_simem_size_0:
called_computation.1_lowered:
.L_overlay_start_0:
0x88: {  	s2 =	sld [smem:$0x3FD9]  }
0x89: {  	s3 =	sld [smem:$0x3FFE];
	_ =	sdelay $0x1  }
0x8a: {  	s1 =	srdreg.scid  }
0x8b: {  	s0 =	sand.u32 $0x1, s1  }
0x8c: {  	s16 =	sshll.u32 s0, $0xA;
	s2 =	sadd.s32 s3, s2  }
0x8d: {  	s2 =	sadd.s32 s2, s16  }
0x8e: {  	[smem:$0x3FB3] =	sst s2  }
0x8f: {  	_ = 	snop  }
0x90: {  	(tm) =	ssettm $0x1  }
0x91: {  	s17 =	sld [smem:$0x3FFB];
	_ =	sdelay $0x3  }
0x92: {  	_ =	strace s17  }
0x93: {  	s2 =	sld [smem:$0x3FFC];
	_ =	sdelay $0x3  }
0x94: {  	_ =	strace s2  }
0x95: {  	s2 =	sld [smem:$0x3FFD];
	_ =	sdelay $0x3  }
0x96: {  	_ =	strace s2  }
0x97: {  	_ =	strace $0x8FFFFFFF  }
0x98: {  	s18 =	sld [smem:$0x3FDB];
	_ =	sdelay $0x1  }
0x99: {  	s19 =	simm.s32 $_scs_section_size  }
0x9a: {  	s4 =	simm.s32 $_size__tile_overlayer_lowered;
	s5 =	simm.s32 $_tile_overlayer_lowered  }
0x9b: {  	s22 =	simm.s32 $0x1BFF;
	s21 =	sshll.u32 s5, $0x1;
	s2 =	sadd.s32 s19, s18  }
0x9c: {  	s6 =	simm.s32 $0x0;
	s20 =	sshll.u32 s4, $0x1;
	s4 =	sadd.s32 s21, s2  }
0x9d: {  	[timem:s6], [sflag:s22] =	dma.local [hbm:s4], s20  }
0x9e: {  	_ =	swait.ge [sflag:s22], s20  }
0x9f: {  	s3 =	ssub.s32 $0x0, s20;
	[sflag:s22] =	ssyncset.done $0x0  }
0xa0: {  	[sflag:s22] =	ssyncadd.s32 s3;
	_ =	sdelay $0x1  }
0xa1: {  	s23 =	simm.s32 $0x1B8B  }
0xa2: {  	_ =	swait.ge [sflag:s23], $0x1  }
0xa3: {  	[sflag:s23] =	ssyncset.done $0x0  }
0xa4: {  	s25 =	simm.s32 $0x1B8E;
	s24 =	sld [smem:$0x3FFE];
	[sflag:s23] =	ssyncadd.s32 $0xFFFFFFFF  }
0xa5: {  	s26 =	simm.s32 $execute0_lowered;
	[smem:$0x3FD2] =	sst s25  }
0xa6: {  	s4 =	sshll.u32 s26, $0x1;
	_ =	strace $0x80000049;
	[dreg:$0x1] =	wrdreg $0xFFFFFFFF  }
0xa7: {  	s28 =	simm.s32 $_size_execute0_lowered;
	s2 =	sadd.s32 s2, s4;
	[dreg:$0x0] =	wrdreg $0x0  }
0xa8: {  	s4 =	sshll.u32 s28, $0x1;
	[dreg:$0x2] =	wrdreg s2  }
0xa9: {  	[dreg:$0x3] =	wrdreg s4  }
0xaa: {  	[dreg:$0x4] =	wrdreg $0xC0  }
0xab: {  	_ =	task [dreg:s6], $0x5FFFF  }
0xac: {  	[dreg:$0x1] =	wrdreg $0xFFFFFFFF  }
0xad: {  	[dreg:$0x0] =	wrdreg $0x60  }
0xae: {  	[dreg:$0x2] =	wrdreg s24  }
0xaf: {  	[dreg:$0x3] =	wrdreg $0x29800  }
0xb0: {  	[dreg:$0x4] =	wrdreg $0x9  }
0xb1: {  	_ =	task.clear_ibuf [dreg:s6], $0x5FFFF;
	_ =	strace $0x90000049  }
0xb2: {  	s29 =	simm.s32 $0x9;
	_ =	strace $0x8000004B  }
0xb3: {  	_ =	swait.ge [sflag:s29], $0x1  }
0xb4: {  	[sflag:s29] =	ssyncadd.s32 $0xFFFFFFFF  }
0xb5: {  	_ =	strace $0x9000004B  }
0xb6: {  	_ =	sfence  }
0xb7: {  	s30 =	sld [smem:$0x0];
	_ =	sdelay $0x2  }
0xb8: {  	s31 =	sshll.u32 s1, $0xD;
	s1 =	sshrl.u32 s1, $0x2  }
0xb9: {  	s3 =	sand.u32 $0x4000, s31;
	s1 =	sadd.s32 s1, s30  }
0xba: {  	s0 =	sor.u32 s3, s0;
	s1 =	sshll.u32 s1, $0x11  }
0xbb: {  	s0 =	sor.u32 s1, s0  }
0xbc: {  	s0 =	sadd.s32 $0x8F2B, s0  }
0xbd: {  	[sflag:s0] =	ssyncadd.remote.s32 $0x1  }
0xbe: {  	_ =	sfence.sel $0xFFFF  }
0xbf: {  	[dreg:$0x0] =	wrdreg $0xFFFFFFFF;
	(pc) =	sbr.abs _section_cstart, $3  }
0xc0: {  	[dreg:$0x1] =	wrdreg $0xFFFFFFFF  }
0xc1: {  	_ =	task.clear_ibuf [dreg:s6], $0x2FFFF;
	_ =	strace $0x9FFFFFFF  }
0xc2: {  	(tm) =	ssettm $0x7FFFFFFF  }
0xc3: {  	_ =	shalt  }
tec
execute0_lowered:
.L_overlay_start_1:
0x0: {  	(tag) =	ssettag $0x1  }
0x1: {  	s8 =	rddreg [dreg:$0x0]  }
0x2: {  	s2 =	rddreg [dreg:$0x1]  }
0x3: {  	s0 =	rddreg [dreg:$0x2]  }
0x4: {  	s3 =	simm.s32 $0x0;
	s1 =	stileid.u32;
	s4 =	srdreg.scid  }
0x5: {  	s16 =	simm.s32 $0x100;
	s17 =	simm.s32 $0x50;
	s18 =	simm.s32 $0x180  }
0x6: {  	s19 =	simm.s32 $0x1;
	[smem:$0x7FF] =	sst s3;
	s9 =	smul.u32 $0x2800, s1  }
0x7: {  	s10 =	sand.u32 $0x1, s4;
	s4 =	sadd.s32 $0x48C00, s8;
	s5 =	sadd.s32 $0xD000, s8  }
0x8: {  	s6 =	sadd.s32 $0x3200, s8;
	s7 =	sadd.s32 $0x16E00, s8;
	s13 =	smul.u32 $0x50000, s1  }
0x9: {  	s31 =	sshll.u32 s1, $0x1;
	s15 =	sshll.u32 s1, $0x6;
	_ =	strace $0x8000004A  }
0xa: {  	s11 =	smul.u32 $0x28000, s10;
	s12 =	ssub.s32 $0x2, s10;
	s10 =	sor.u32 s10, s31  }
0xb: {  	s29 =	sshrl.u32 s12, $0x1;
	s30 =	sshrl.u32 s13, $0x2;
	s10 =	smul.u32 $0x2710, s10  }
0xc: {  	s11 =	sadd.s32 s9, s11;
	s9 =	sadd.s32 s9, s8;
	s12 =	ssub.s32 s12, s29  }
0xd: {  	s14 =	sadd.s32 s30, s2;
	s11 =	sadd.s32 s11, s8;
	s8 =	sadd.s32 $0x20C00, s9  }
0xe: {  	s9 =	sor.u32 $0x1C02, s15;
	s12 =	smax.u32 s12, $0x1;
	s13 =	sshrl.u32 s14, $0x3  }
0xf: {  	s14 =	simm.s32 $0x2;
	s15 =	simm.s32 $0x80;
	s11 =	sadd.s32 $0x6FE00, s11  }
.LBB2_1:
0x10: {  	[spmem:s13], [sflag:s9] =	dma.local [hbm:s8], $0x2800  }
0x11: {  	_ =	swait.ge [sflag:s14], $0x2800  }
0x12: {  	[sflag:s14] =	ssyncset.done $0x0  }
0x13: {  	[sflag:s14] =	ssyncadd.s32 $0xFFFFD800  }
0x14: {  	s20 =	simm.s32 $0x0;
	[bflag:$0x0] =	sbarrier.arrive $0xFFFF  }
.LBB2_2:
0x15: {  	s21 =	smul.u32 $0x50, s20;
	_ =	sdelay $0x1  }
0x16: {  	s21 =	sadd.s32 s10, s21  }
0x17: {  	s22 =	sshrl.u32 s21, $0x3  }
0x18: {  	s21 =	simm.s32 $0x0;
	s23 =	sadd.s32 s5, s22  }
0x19: {  	[tilespmem:s21], [sflag:$0x2] =	stream.linear.gather [hbm4b:s23+s21], $0x50, $0x38;
	[tilespmem:$0x16980] =	vst v63  }
0x1a: {  	_ =	swait.ge [sflag:s14], $0x50  }
0x1b: {  	[sflag:s14] =	ssyncset.done $0x0  }
0x1c: {  	s31 =	sadd.s32 s6, s22;
	[sflag:s14] =	ssyncadd.s32 $0xFFFFFFB0  }
0x1d: {  	[tilespmem:s15], [sflag:$0x2] =	stream.linear.gather [hbm4b:s31+s21], $0x50, $0x38;
	[tilespmem:$0x16980] =	vst v63  }
0x1e: {  	_ =	swait.ge [sflag:s14], $0x50  }
0x1f: {  	[sflag:s14] =	ssyncset.done $0x0  }
0x20: {  	s22 =	sadd.s32 s7, s22;
	[sflag:s14] =	ssyncadd.s32 $0xFFFFFFB0  }
0x21: {  	[tilespmem:s16], [sflag:$0x2] =	stream.linear.gather [hbm4b:s22+s21], $0x50, $0x38;
	[tilespmem:$0x16980] =	vst v63  }
0x22: {  	_ =	swait.ge [sflag:s14], $0x50  }
0x23: {  	[sflag:s14] =	ssyncset.done $0x0  }
0x24: {  	[sflag:s14] =	ssyncadd.s32 $0xFFFFFFB0  }
0x25: {  	[tilespmem:s18], [sflag:$0x1] =	stream.indirect.gather [hbm4b:s4+s17], $0x80, s21, s17, $0xb8;
	[tilespmem:$0x16980] =	vst v63  }
0x26: {  	_ =	swait.ge [sflag:s19], $0x2800  }
0x27: {  	[sflag:s19] =	ssyncset.done $0x0  }
0x28: {  	[sflag:s19] =	ssyncadd.s32 $0xFFFFD800  }
.LBB2_3:
0x29: {  	s22 =	sshll.u32 s21, $0x4  }
0x2a: {  	s22 =	sand.u32 $0x3FFFFFF0, s22  }
0x2b: {  	s31 =	sshll.u32 s21, $0xB;
	v0 =	vld [tilespmem:s22+$0x100]  }
0x2c: {  	s22 =	sand.u32 $0x3FFFF800, s31  }
0x2d: {  	v1 =	vld [tilespmem:s22+$0x180]  }
0x2e: {  	v2 =	vld [tilespmem:s22+$0x190]  }
0x2f: {  	v3 =	vld [tilespmem:s22+$0x1A0]  }
0x30: {  	v5 =	vld [tilespmem:s22+$0x1B0];
	v4 =	vbroadcast v0, $0x0  }
0x31: {  	v6 =	vld [tilespmem:s22+$0x1C0]  }
0x32: {  	v7 =	vld [tilespmem:s22+$0x1D0];
	v1 =	vmul.f32 v4, v1  }
0x33: {  	v8 =	vld [tilespmem:s22+$0x1E0];
	v2 =	vmul.f32 v2, v4  }
0x34: {  	v14 =	vld [tilespmem:s22+$0x1F0];
	v13 =	vmul.f32 v3, v4;
	[tilespmem:s22+$0x180] =	vst v1  }
0x35: {  	v16 =	vld [tilespmem:s22+$0x200];
	v15 =	vmul.f32 v5, v4;
	[tilespmem:s22+$0x190] =	vst v2  }
0x36: {  	v18 =	vld [tilespmem:s22+$0x210];
	v17 =	vmul.f32 v6, v4;
	[tilespmem:s22+$0x1A0] =	vst v13  }
0x37: {  	v20 =	vld [tilespmem:s22+$0x220];
	v19 =	vmul.f32 v7, v4;
	[tilespmem:s22+$0x1B0] =	vst v15  }
0x38: {  	v9 =	vld [tilespmem:s22+$0x230];
	v22 =	vbroadcast v0, $0x1;
	v21 =	vmul.f32 v8, v4;
	[tilespmem:s22+$0x1C0] =	vst v17  }
0x39: {  	v24 =	vld [tilespmem:s22+$0x240];
	v23 =	vmul.f32 v14, v4;
	[tilespmem:s22+$0x1D0] =	vst v19  }
0x3a: {  	v26 =	vld [tilespmem:s22+$0x250];
	v25 =	vmul.f32 v16, v22;
	[tilespmem:s22+$0x1E0] =	vst v21  }
0x3b: {  	v28 =	vld [tilespmem:s22+$0x260];
	v27 =	vmul.f32 v18, v22;
	[tilespmem:s22+$0x1F0] =	vst v23  }
0x3c: {  	v30 =	vld [tilespmem:s22+$0x270];
	v29 =	vmul.f32 v20, v22;
	[tilespmem:s22+$0x200] =	vst v25  }
0x3d: {  	v32 =	vld [tilespmem:s22+$0x280];
	v31 =	vmul.f32 v9, v22;
	[tilespmem:s22+$0x210] =	vst v27  }
0x3e: {  	v34 =	vld [tilespmem:s22+$0x290];
	v33 =	vmul.f32 v24, v22;
	[tilespmem:s22+$0x220] =	vst v29  }
0x3f: {  	v36 =	vld [tilespmem:s22+$0x2A0];
	v35 =	vmul.f32 v26, v22;
	[tilespmem:s22+$0x230] =	vst v31  }
0x40: {  	v39 =	vld [tilespmem:s22+$0x2B0];
	v38 =	vbroadcast v0, $0x2;
	v37 =	vmul.f32 v28, v22;
	[tilespmem:s22+$0x240] =	vst v33  }
0x41: {  	v41 =	vld [tilespmem:s22+$0x2C0];
	v40 =	vmul.f32 v30, v22;
	[tilespmem:s22+$0x250] =	vst v35  }
0x42: {  	v43 =	vld [tilespmem:s22+$0x2D0];
	v42 =	vmul.f32 v32, v38;
	[tilespmem:s22+$0x260] =	vst v37  }
0x43: {  	v45 =	vld [tilespmem:s22+$0x2E0];
	v44 =	vmul.f32 v34, v38;
	[tilespmem:s22+$0x270] =	vst v40  }
0x44: {  	v47 =	vld [tilespmem:s22+$0x2F0];
	v46 =	vmul.f32 v36, v38;
	[tilespmem:s22+$0x280] =	vst v42  }
0x45: {  	v49 =	vld [tilespmem:s22+$0x300];
	v48 =	vmul.f32 v39, v38;
	[tilespmem:s22+$0x290] =	vst v44  }
0x46: {  	v51 =	vld [tilespmem:s22+$0x310];
	v50 =	vmul.f32 v41, v38;
	[tilespmem:s22+$0x2A0] =	vst v46  }
0x47: {  	v53 =	vld [tilespmem:s22+$0x320];
	v52 =	vmul.f32 v43, v38;
	[tilespmem:s22+$0x2B0] =	vst v48  }
0x48: {  	v12 =	vld [tilespmem:s22+$0x370];
	v55 =	vbroadcast v0, $0x3;
	v54 =	vmul.f32 v45, v38;
	[tilespmem:s22+$0x2C0] =	vst v50  }
0x49: {  	v56 =	vld [tilespmem:s22+$0x330];
	v57 =	vmul.f32 v47, v38;
	[tilespmem:s22+$0x2D0] =	vst v52  }
0x4a: {  	v58 =	vld [tilespmem:s22+$0x340];
	v59 =	vmul.f32 v49, v55;
	[tilespmem:s22+$0x2E0] =	vst v54  }
0x4b: {  	v60 =	vld [tilespmem:s22+$0x350];
	v61 =	vmul.f32 v51, v55;
	[tilespmem:s22+$0x2F0] =	vst v57  }
0x4c: {  	v62 =	vld [tilespmem:s22+$0x360];
	v63 =	vmul.f32 v53, v55;
	[tilespmem:s22+$0x300] =	vst v59  }
0x4d: {  	v14 =	vld [tilespmem:s22+$0x380];
	v22 =	vmul.f32 v12, v55;
	[tilespmem:s22+$0x310] =	vst v61  }
0x4e: {  	v16 =	vld [tilespmem:s22+$0x390];
	v13 =	vmul.f32 v56, v55;
	[tilespmem:s22+$0x320] =	vst v63  }
0x4f: {  	v18 =	vld [tilespmem:s22+$0x3A0];
	v15 =	vmul.f32 v58, v55;
	[tilespmem:s22+$0x370] =	vst v22  }
0x50: {  	v20 =	vbroadcast v0, $0x4;
	v38 =	vld [tilespmem:s22+$0x430];
	v17 =	vmul.f32 v60, v55;
	[tilespmem:s22+$0x330] =	vst v13  }
0x51: {  	v19 =	vmul.f32 v62, v55;
	v21 =	vld [tilespmem:s22+$0x3B0];
	[tilespmem:s22+$0x340] =	vst v15  }
0x52: {  	v23 =	vld [tilespmem:s22+$0x3C0];
	[tilespmem:s22+$0x350] =	vst v17;
	v24 =	vmul.f32 v14, v20  }
0x53: {  	v25 =	vld [tilespmem:s22+$0x3D0];
	v37 =	vbroadcast v0, $0x5;
	[tilespmem:s22+$0x360] =	vst v19;
	v26 =	vmul.f32 v16, v20  }
0x54: {  	v27 =	vld [tilespmem:s22+$0x3E0];
	v28 =	vmul.f32 v18, v20;
	[tilespmem:s22+$0x380] =	vst v24  }
0x55: {  	v29 =	vld [tilespmem:s22+$0x3F0];
	v47 =	vmul.f32 v38, v37;
	[tilespmem:s22+$0x390] =	vst v26  }
0x56: {  	v31 =	vld [tilespmem:s22+$0x400];
	v30 =	vmul.f32 v21, v20;
	[tilespmem:s22+$0x3A0] =	vst v28  }
0x57: {  	v33 =	vld [tilespmem:s22+$0x410];
	v32 =	vmul.f32 v23, v20;
	[tilespmem:s22+$0x430] =	vst v47  }
0x58: {  	v35 =	vld [tilespmem:s22+$0x420];
	v34 =	vmul.f32 v25, v20;
	[tilespmem:s22+$0x3B0] =	vst v30  }
0x59: {  	v40 =	vld [tilespmem:s22+$0x440];
	v36 =	vmul.f32 v27, v20;
	[tilespmem:s22+$0x3C0] =	vst v32  }
0x5a: {  	v42 =	vld [tilespmem:s22+$0x450];
	v39 =	vmul.f32 v29, v20;
	[tilespmem:s22+$0x3D0] =	vst v34  }
0x5b: {  	v44 =	vld [tilespmem:s22+$0x460];
	v41 =	vmul.f32 v31, v37;
	[tilespmem:s22+$0x3E0] =	vst v36  }
0x5c: {  	v46 =	vld [tilespmem:s22+$0x470];
	v43 =	vmul.f32 v33, v37;
	[tilespmem:s22+$0x3F0] =	vst v39  }
0x5d: {  	v48 =	vld [tilespmem:s22+$0x480];
	v45 =	vmul.f32 v35, v37;
	[tilespmem:s22+$0x400] =	vst v41  }
0x5e: {  	v50 =	vld [tilespmem:s22+$0x490];
	v49 =	vmul.f32 v40, v37;
	[tilespmem:s22+$0x410] =	vst v43  }
0x5f: {  	v52 =	vld [tilespmem:s22+$0x4A0];
	v51 =	vmul.f32 v42, v37;
	[tilespmem:s22+$0x420] =	vst v45  }
0x60: {  	v54 =	vbroadcast v0, $0x6;
	v55 =	vld [tilespmem:s22+$0x4B0];
	v53 =	vmul.f32 v44, v37;
	[tilespmem:s22+$0x440] =	vst v49  }
0x61: {  	v57 =	vld [tilespmem:s22+$0x4C0];
	v56 =	vmul.f32 v46, v37;
	[tilespmem:s22+$0x450] =	vst v51  }
0x62: {  	v59 =	vld [tilespmem:s22+$0x4D0];
	v58 =	vmul.f32 v48, v54;
	[tilespmem:s22+$0x460] =	vst v53  }
0x63: {  	v61 =	vld [tilespmem:s22+$0x4E0];
	v60 =	vmul.f32 v50, v54;
	[tilespmem:s22+$0x470] =	vst v56  }
0x64: {  	v63 =	vld [tilespmem:s22+$0x4F0];
	v62 =	vmul.f32 v52, v54;
	[tilespmem:s22+$0x480] =	vst v58  }
0x65: {  	v22 =	vld [tilespmem:s22+$0x540];
	v12 =	vmul.f32 v55, v54;
	[tilespmem:s22+$0x490] =	vst v60  }
0x66: {  	v13 =	vld [tilespmem:s22+$0x500];
	v14 =	vmul.f32 v57, v54;
	[tilespmem:s22+$0x4A0] =	vst v62  }
0x67: {  	v15 =	vld [tilespmem:s22+$0x510];
	v16 =	vmul.f32 v59, v54;
	[tilespmem:s22+$0x4B0] =	vst v12  }
0x68: {  	v17 =	vld [tilespmem:s22+$0x520];
	v19 =	vbroadcast v0, $0x7;
	v18 =	vmul.f32 v61, v54;
	[tilespmem:s22+$0x4C0] =	vst v14  }
0x69: {  	v20 =	vld [tilespmem:s22+$0x530];
	v21 =	vmul.f32 v63, v54;
	[tilespmem:s22+$0x4D0] =	vst v16  }
0x6a: {  	v24 =	vld [tilespmem:s22+$0x550];
	v31 =	vmul.f32 v22, v19;
	[tilespmem:s22+$0x4E0] =	vst v18  }
0x6b: {  	v26 =	vld [tilespmem:s22+$0x560];
	v23 =	vmul.f32 v13, v19;
	[tilespmem:s22+$0x4F0] =	vst v21  }
0x6c: {  	v28 =	vld [tilespmem:s22+$0x570];
	v25 =	vmul.f32 v15, v19;
	[tilespmem:s22+$0x540] =	vst v31  }
0x6d: {  	v37 =	vld [tilespmem:s22+$0x5B0];
	v27 =	vmul.f32 v17, v19;
	[tilespmem:s22+$0x500] =	vst v23  }
0x6e: {  	v47 =	vld [tilespmem:s22+$0x600];
	[tilespmem:s22+$0x510] =	vst v25;
	v29 =	vmul.f32 v20, v19  }
0x6f: {  	v54 =	vld [tilespmem:s22+$0x630];
	[tilespmem:s22+$0x520] =	vst v27;
	v33 =	vmul.f32 v24, v19  }
0x70: {  	v30 =	vld [tilespmem:s22+$0x580];
	v36 =	vbroadcast v0, $0x8;
	v35 =	vmul.f32 v26, v19;
	[tilespmem:s22+$0x530] =	vst v29  }
0x71: {  	v32 =	vld [tilespmem:s22+$0x590];
	v53 =	vbroadcast v0, $0x9;
	v38 =	vmul.f32 v28, v19;
	[tilespmem:s22+$0x550] =	vst v33  }
0x72: {  	v34 =	vld [tilespmem:s22+$0x5A0];
	v46 =	vmul.f32 v37, v36;
	[tilespmem:s22+$0x560] =	vst v35  }
0x73: {  	v39 =	vld [tilespmem:s22+$0x5C0];
	v57 =	vmul.f32 v47, v53;
	[tilespmem:s22+$0x570] =	vst v38  }
0x74: {  	v41 =	vld [tilespmem:s22+$0x5D0];
	v63 =	vmul.f32 v54, v53;
	[tilespmem:s22+$0x5B0] =	vst v46  }
0x75: {  	v43 =	vld [tilespmem:s22+$0x5E0];
	v40 =	vmul.f32 v30, v36;
	[tilespmem:s22+$0x600] =	vst v57  }
0x76: {  	v45 =	vld [tilespmem:s22+$0x5F0];
	v42 =	vmul.f32 v32, v36;
	[tilespmem:s22+$0x630] =	vst v63  }
0x77: {  	v49 =	vld [tilespmem:s22+$0x610];
	v44 =	vmul.f32 v34, v36;
	[tilespmem:s22+$0x580] =	vst v40  }
0x78: {  	v51 =	vld [tilespmem:s22+$0x620];
	v48 =	vmul.f32 v39, v36;
	[tilespmem:s22+$0x590] =	vst v42  }
0x79: {  	v56 =	vld [tilespmem:s22+$0x640];
	v50 =	vmul.f32 v41, v36;
	[tilespmem:s22+$0x5A0] =	vst v44  }
0x7a: {  	v58 =	vld [tilespmem:s22+$0x650];
	v52 =	vmul.f32 v43, v36;
	[tilespmem:s22+$0x5C0] =	vst v48  }
0x7b: {  	v60 =	vld [tilespmem:s22+$0x660];
	v55 =	vmul.f32 v45, v36;
	[tilespmem:s22+$0x5D0] =	vst v50  }
0x7c: {  	v62 =	vld [tilespmem:s22+$0x670];
	v59 =	vmul.f32 v49, v53;
	[tilespmem:s22+$0x5E0] =	vst v52  }
0x7d: {  	v12 =	vld [tilespmem:s22+$0x680];
	v61 =	vmul.f32 v51, v53;
	[tilespmem:s22+$0x5F0] =	vst v55  }
0x7e: {  	v14 =	vld [tilespmem:s22+$0x690];
	v13 =	vmul.f32 v56, v53;
	[tilespmem:s22+$0x610] =	vst v59  }
0x7f: {  	v16 =	vld [tilespmem:s22+$0x6A0];
	v15 =	vmul.f32 v58, v53;
	[tilespmem:s22+$0x620] =	vst v61  }
0x80: {  	v18 =	vbroadcast v0, $0xA;
	v21 =	vld [tilespmem:s22+$0x6C0];
	v17 =	vmul.f32 v60, v53;
	[tilespmem:s22+$0x640] =	vst v13  }
0x81: {  	v23 =	vld [tilespmem:s22+$0x6D0];
	v20 =	vmul.f32 v62, v53;
	[tilespmem:s22+$0x650] =	vst v15  }
0x82: {  	v25 =	vld [tilespmem:s22+$0x6E0];
	v22 =	vmul.f32 v12, v18;
	[tilespmem:s22+$0x660] =	vst v17  }
0x83: {  	v27 =	vld [tilespmem:s22+$0x6F0];
	v24 =	vmul.f32 v14, v18;
	[tilespmem:s22+$0x670] =	vst v20  }
0x84: {  	v31 =	vld [tilespmem:s22+$0x710];
	v26 =	vmul.f32 v16, v18;
	[tilespmem:s22+$0x680] =	vst v22  }
0x85: {  	v19 =	vld [tilespmem:s22+$0x6B0];
	v30 =	vmul.f32 v21, v18;
	[tilespmem:s22+$0x690] =	vst v24  }
0x86: {  	v29 =	vld [tilespmem:s22+$0x700];
	[tilespmem:s22+$0x6A0] =	vst v26;
	v32 =	vmul.f32 v23, v18  }
0x87: {  	v33 =	vld [tilespmem:s22+$0x720];
	v35 =	vbroadcast v0, $0xB;
	[tilespmem:s22+$0x6C0] =	vst v30;
	v34 =	vmul.f32 v25, v18  }
0x88: {  	v36 =	vld [tilespmem:s22+$0x730];
	v37 =	vmul.f32 v27, v18;
	[tilespmem:s22+$0x6D0] =	vst v32  }
0x89: {  	v38 =	vld [tilespmem:s22+$0x740];
	v41 =	vmul.f32 v31, v35;
	[tilespmem:s22+$0x6E0] =	vst v34  }
0x8a: {  	v46 =	vld [tilespmem:s22+$0x780];
	v28 =	vmul.f32 v19, v18;
	[tilespmem:s22+$0x6F0] =	vst v37  }
0x8b: {  	v53 =	vld [tilespmem:s22+$0x7B0];
	[tilespmem:s22+$0x710] =	vst v41;
	v39 =	vmul.f32 v29, v35  }
0x8c: {  	v57 =	vld [tilespmem:s22+$0x7D0];
	[tilespmem:s22+$0x6B0] =	vst v28;
	v43 =	vmul.f32 v33, v35  }
0x8d: {  	v63 =	vld [tilespmem:s22+$0x800];
	v52 =	vbroadcast v0, $0xC;
	v45 =	vmul.f32 v36, v35;
	[tilespmem:s22+$0x700] =	vst v39  }
0x8e: {  	v40 =	vld [tilespmem:s22+$0x750];
	v47 =	vmul.f32 v38, v35;
	[tilespmem:s22+$0x720] =	vst v43  }
0x8f: {  	v42 =	vld [tilespmem:s22+$0x760];
	v56 =	vmul.f32 v46, v52;
	[tilespmem:s22+$0x730] =	vst v45  }
0x90: {  	v44 =	vld [tilespmem:s22+$0x770];
	v17 =	vbroadcast v0, $0xD;
	v62 =	vmul.f32 v53, v52;
	[tilespmem:s22+$0x740] =	vst v47  }
0x91: {  	v48 =	vld [tilespmem:s22+$0x790];
	v14 =	vmul.f32 v57, v52;
	[tilespmem:s22+$0x780] =	vst v56  }
0x92: {  	v50 =	vld [tilespmem:s22+$0x7A0];
	v21 =	vmul.f32 v63, v17;
	[tilespmem:s22+$0x7B0] =	vst v62  }
0x93: {  	v55 =	vld [tilespmem:s22+$0x7C0];
	v49 =	vmul.f32 v40, v35;
	[tilespmem:s22+$0x7D0] =	vst v14  }
0x94: {  	v59 =	vld [tilespmem:s22+$0x7E0];
	v51 =	vmul.f32 v42, v35;
	[tilespmem:s22+$0x800] =	vst v21  }
0x95: {  	v61 =	vld [tilespmem:s22+$0x7F0];
	v54 =	vmul.f32 v44, v35;
	[tilespmem:s22+$0x750] =	vst v49  }
0x96: {  	v13 =	vld [tilespmem:s22+$0x810];
	v58 =	vmul.f32 v48, v52;
	[tilespmem:s22+$0x760] =	vst v51  }
0x97: {  	v15 =	vld [tilespmem:s22+$0x820];
	v60 =	vmul.f32 v50, v52;
	[tilespmem:s22+$0x770] =	vst v54  }
0x98: {  	v20 =	vld [tilespmem:s22+$0x840];
	v12 =	vmul.f32 v55, v52;
	[tilespmem:s22+$0x790] =	vst v58  }
0x99: {  	v22 =	vld [tilespmem:s22+$0x850];
	v16 =	vmul.f32 v59, v52;
	[tilespmem:s22+$0x7A0] =	vst v60  }
0x9a: {  	v24 =	vld [tilespmem:s22+$0x860];
	v19 =	vmul.f32 v61, v52;
	[tilespmem:s22+$0x7C0] =	vst v12  }
0x9b: {  	v26 =	vld [tilespmem:s22+$0x870];
	v23 =	vmul.f32 v13, v17;
	[tilespmem:s22+$0x7E0] =	vst v16  }
0x9c: {  	v30 =	vld [tilespmem:s22+$0x890];
	v25 =	vmul.f32 v15, v17;
	[tilespmem:s22+$0x7F0] =	vst v19  }
0x9d: {  	v18 =	vld [tilespmem:s22+$0x830];
	v29 =	vmul.f32 v20, v17;
	[tilespmem:s22+$0x810] =	vst v23  }
0x9e: {  	v32 =	vld [tilespmem:s22+$0x8A0];
	v31 =	vmul.f32 v22, v17;
	[tilespmem:s22+$0x820] =	vst v25  }
0x9f: {  	v34 =	vbroadcast v0, $0xE;
	v37 =	vld [tilespmem:s22+$0x8C0];
	v33 =	vmul.f32 v24, v17;
	[tilespmem:s22+$0x840] =	vst v29  }
0xa0: {  	v41 =	vld [tilespmem:s22+$0x8E0];
	v36 =	vmul.f32 v26, v17;
	[tilespmem:s22+$0x850] =	vst v31  }
0xa1: {  	v28 =	vld [tilespmem:s22+$0x880];
	v40 =	vmul.f32 v30, v34;
	[tilespmem:s22+$0x860] =	vst v33  }
0xa2: {  	v53 =	vld [tilespmem:s22+$0x940];
	v27 =	vmul.f32 v18, v17;
	[tilespmem:s22+$0x870] =	vst v36  }
0xa3: {  	v57 =	vld [tilespmem:s22+$0x960];
	v42 =	vmul.f32 v32, v34;
	[tilespmem:s22+$0x890] =	vst v40  }
0xa4: {  	v35 =	vld [tilespmem:s22+$0x8B0];
	v46 =	vmul.f32 v37, v34;
	[tilespmem:s22+$0x830] =	vst v27  }
0xa5: {  	v0 =	vbroadcast v0, $0xF;
	v39 =	vld [tilespmem:s22+$0x8D0];
	v50 =	vmul.f32 v41, v34;
	[tilespmem:s22+$0x8A0] =	vst v42  }
0xa6: {  	v43 =	vld [tilespmem:s22+$0x8F0];
	v38 =	vmul.f32 v28, v34;
	[tilespmem:s22+$0x8C0] =	vst v46  }
0xa7: {  	v45 =	vld [tilespmem:s22+$0x900];
	v61 =	vmul.f32 v53, v0;
	[tilespmem:s22+$0x8E0] =	vst v50  }
0xa8: {  	v47 =	vld [tilespmem:s22+$0x910];
	v63 =	vmul.f32 v57, v0;
	[tilespmem:s22+$0x880] =	vst v38  }
0xa9: {  	v55 =	vld [tilespmem:s22+$0x950];
	v44 =	vmul.f32 v35, v34;
	[tilespmem:s22+$0x940] =	vst v61  }
0xaa: {  	v49 =	vld [tilespmem:s22+$0x920];
	v48 =	vmul.f32 v39, v34;
	[tilespmem:s22+$0x960] =	vst v63  }
0xab: {  	v51 =	vld [tilespmem:s22+$0x930];
	v52 =	vmul.f32 v43, v34;
	[tilespmem:s22+$0x8B0] =	vst v44  }
0xac: {  	v59 =	vld [tilespmem:s22+$0x970];
	v54 =	vmul.f32 v45, v0;
	[tilespmem:s22+$0x8D0] =	vst v48  }
0xad: {  	v56 =	vmul.f32 v47, v0;
	[tilespmem:s22+$0x8F0] =	vst v52  }
0xae: {  	p0 =	sne.s32 s21, $0x4;
	v62 =	vmul.f32 v55, v0;
	[tilespmem:s22+$0x900] =	vst v54  }
.Ltmp0:
0xaf: {  	v58 =	vmul.f32 v49, v0;
	[tilespmem:s22+$0x910] =	vst v56;
	(pc) =	sbr.rel @p0 .LBB2_3-.Ltmp0, $4  }
0xb0: {  	v60 =	vmul.f32 v51, v0;
	[tilespmem:s22+$0x950] =	vst v62  }
0xb1: {  	v0 =	vmul.f32 v59, v0;
	[tilespmem:s22+$0x920] =	vst v58  }
0xb2: {  	[tilespmem:s22+$0x930] =	vst v60  }
0xb3: {  	s21 =	sadd.s32 $0x1, s21;
	[tilespmem:s22+$0x970] =	vst v0  }
0xb4: {  	s20 =	sadd.s32 $0x1, s20  }
0xb5: {  	p0 =	sne.s32 s20, $0x7D  }
.Ltmp1:
0xb6: {  	_ = 	snop;
	(pc) =	sbr.rel @p0 .LBB2_2-.Ltmp1, $4  }
0xb7: {  	[spmem:s2] =	stream.indirect.scatter.add.f32 [tilespmem:s18], [sflag:$0x2], $0x80, s15, s17, $0xb8;
	[tilespmem:$0x16980] =	vst v63  }
0xb8: {  	_ =	swait.ge [sflag:s14], $0x2800  }
0xb9: {  	[sflag:s14] =	ssyncset.done $0x0  }
0xba: {  	[sflag:s14] =	ssyncadd.s32 $0xFFFFD800  }
0xbb: {  	s3 =	sadd.s32 $0x1, s3  }
0xbc: {  	p0 =	sne.s32 s3, s12  }
.Ltmp2:
0xbd: {  	[bflag:$0x0] =	sbarrier.arrive $0xFFFF;
	(pc) =	sbr.rel @p0 .LBB2_1-.Ltmp2, $4  }
0xbe: {  	[hbm:s11], [sflag:s9] =	dma.local [spmem:s13], $0x2800  }
0xbf: {  	_ =	swait.ge [sflag:s14], $0x2800  }
0xc0: {  	[sflag:s14] =	ssyncset.done $0x0  }
0xc1: {  	[sflag:s14] =	ssyncadd.s32 $0xFFFFD800  }
0xc2: {  	_ =	sfence.sel $0x180000  }
0xc3: {  	[bflag:$0x0] =	sbarrier.arrive $0xFFFF  }
0xc4: {  	p0 =	sne.s32 s1, $0x0;
	_ =	strace $0x9000004A  }
0xc5: {  	s0 =	sadd.s32 @!p0 $0x100000, s0;
	[bflag:$0x2] =	sbarrier.arrive $0xFFFF  }
0xc6: {  	[sflag:s0] =	ssyncadd.tile.s32 @!p0 $0x1;
	_ =	shalt  }
.Lfunc_end2:
_tile_overlayer_lowered:
.L_overlay_start_2:
0xc7: {  	(tag) =	ssettag $0x2  }
0xc8: {  	s0 =	rddreg [dreg:$0x0];
	s2 =	stileid.u32  }
0xc9: {  	s1 =	rddreg [dreg:$0x1];
	p0 =	sne.s32 s2, $0x0  }
0xca: {  	s3 =	rddreg [dreg:$0x2];
	[bflag:$0x3] =	sbarrier.arrive $0xFFFF;
	s2 =	simm.s32 @!p0 $0x1C02  }
0xcb: {  	[timem:s3], [sflag:s2] =	dma.local @!p0 [hbm:s0], s1  }
0xcc: {  	s0 =	simm.s32 @!p0 $0x2  }
0xcd: {  	_ =	swait.ge @!p0 [sflag:s0], s1  }
0xce: {  	s1 =	ssub.s32 @!p0 $0x0, s1;
	[sflag:s0] =	ssyncset.done @!p0 $0x0  }
0xcf: {  	[sflag:s0] =	ssyncadd.s32 @!p0 s1  }
0xd0: {  	[bflag:$0x3] =	sbarrier.arrive $0xFFFF  }
0xd1: {  	_ =	shalt  }

</sc_bundles>
